<compile_context>
chip_gen: v7x
topology: tpu7x:2x2x1
jax: 0.10.2.dev20260603
libtpu: 0.0.44.dev20260713+nightly
codegen_flags: <defaults>
</compile_context>

<pallas_src>
import dataclasses
import functools

import jax
import jax.numpy as jnp
from jax import lax
from jax.experimental import pallas as pl
from jax.experimental.pallas import tpu as pltpu
from jax.experimental.pallas import tpu_sc as plsc

N = 10000
D = 128
NC = 2
NS = 16
L = 16
NW = NC * NS
K = 128
NPAD = 10240
RPT = NPAD // NS

_mesh = plsc.VectorSubcoreMesh(core_axis_name="c", subcore_axis_name="s")

_sc_params = pltpu.CompilerParams()
if "needs_layout_passes" in pltpu.CompilerParams.__dataclass_fields__:
    _sc_params = dataclasses.replace(_sc_params, needs_layout_passes=False)


def _hist_call(idx3d, cpt):

    @functools.partial(
        pl.kernel,
        mesh=_mesh,
        out_type=jax.ShapeDtypeStruct((NC, NPAD, D), jnp.float32),
        compiler_params=_sc_params,
        scratch_types=[
            pltpu.VMEM((cpt, 2, K), jnp.int32),
            pltpu.VMEM((NPAD,), jnp.float32),
            pltpu.VMEM((NS, RPT), jnp.float32),
            pltpu.VMEM((64, D), jnp.float32),
            pltpu.VMEM_SHARED((NS, NPAD), jnp.float32),
            pltpu.SemaphoreType.DMA,
        ],
    )
    def hist(idx_hbm, deg_hbm, idxv, histv, redv, bcast, stage_sh, sem):
        cid = lax.axis_index("c")
        sid = lax.axis_index("s")
        wid = cid * NS + sid
        zero = jnp.zeros((L,), jnp.float32)
        icp = pltpu.async_copy(idx_hbm.at[pl.ds(wid * cpt, cpt)], idxv, sem)

        @pl.loop(0, NPAD // L)
        def _(i):
            histv[pl.ds(i * L, L)] = zero

        icp.wait()

        lane = lax.iota(jnp.int32, L)
        pos = lane.astype(jnp.float32)
        last_lane = lane == (L - 1)
        first_lane = lane == 0
        nxt = jnp.minimum(lane + 1, L - 1)
        prv = jnp.maximum(lane - 1, 0)

        @pl.loop(0, cpt)
        def _(c):
            for j in range(K // L):
                s = lax.sort(idxv[c, 0, pl.ds(j * L, L)])
                s_next = s.at[nxt].get(mode="promise_in_bounds")
                s_prev = s.at[prv].get(mode="promise_in_bounds")
                is_last = (s != s_next) | last_lane
                is_first = (s != s_prev) | first_lane
                plsc.addupdate_scatter(histv, [s], -pos, mask=is_first)
                plsc.addupdate_scatter(histv, [s], pos + 1.0, mask=is_last)

        pltpu.sync_copy(histv, stage_sh.at[sid])
        plsc.subcore_barrier()

        pltpu.sync_copy(stage_sh.at[:, pl.ds(sid * RPT, RPT)], redv)

        @pl.loop(0, RPT // L)
        def _(i):
            v = redv[0, pl.ds(i * L, L)]
            for r in range(1, NS):
                v = v + redv[r, pl.ds(i * L, L)]
            histv[pl.ds(i * L, L)] = v

        BR = 64
        @pl.loop(0, RPT // BR)
        def _(o):
            for g in range(BR // L):
                v = histv[pl.ds(o * BR + g * L, L)]
                for r in range(L):
                    row = zero + v[r]
                    for j in range(D // L):
                        bcast[g * L + r, pl.ds(j * L, L)] = row
            pltpu.sync_copy(
                bcast, deg_hbm.at[cid, pl.ds(sid * RPT + o * BR, BR)])

    return hist(idx3d)


def _spmm_call(idx3d, y, cpt):

    @functools.partial(
        pl.kernel,
        mesh=_mesh,
        out_type=jax.ShapeDtypeStruct((NC, NPAD, D), jnp.float32),
        compiler_params=_sc_params,
        scratch_types=[
            pltpu.VMEM((4, 2, K), jnp.int32),
            pltpu.VMEM((2, K, D), jnp.float32),
            pltpu.VMEM_SHARED((NPAD, D), jnp.float32),
            pltpu.SemaphoreType.DMA,
            pltpu.SemaphoreType.DMA,
            pltpu.SemaphoreType.DMA,
            pltpu.SemaphoreType.DMA,
            pltpu.SemaphoreType.DMA,
            pltpu.SemaphoreType.DMA,
        ],
    )
    def spmm(idx_hbm, y_hbm, acc_hbm, idxv, gbuf, acc_sh,
             gs0, gs1, is0, is1, is2, is3):
        cid = lax.axis_index("c")
        sid = lax.axis_index("s")
        wid = cid * NS + sid
        base = wid * cpt
        zero_row = jnp.zeros((L,), jnp.float32)

        @pl.loop(0, K)
        def _(i):
            @pl.loop(0, D // L)
            def _(j):
                gbuf[0, i, pl.ds(j * L, L)] = zero_row

        zcps = [
            pltpu.async_copy(
                gbuf.at[0], acc_sh.at[pl.ds(sid * RPT + i * K, K)], is0)
            for i in range(RPT // K)
        ]
        for cp in zcps:
            cp.wait()

        plsc.subcore_barrier()

        gsems = (gs0, gs1)
        isems = (is0, is1, is2, is3)

        def load_idx(c, q):
            return pltpu.async_copy(idx_hbm.at[base + c], idxv.at[q], isems[q])

        def idx_wait(q):
            pltpu.make_async_copy(
                idx_hbm.at[base], idxv.at[q], isems[q]).wait()

        def gather(q, b):
            return pltpu.async_copy(
                y_hbm.at[idxv.at[q, 0]], gbuf.at[b], gsems[b])

        def scatter(q, b):
            pltpu.sync_copy(gbuf.at[b], acc_sh.at[idxv.at[q, 1]], add=True)

        for q in range(4):
            load_idx(q, q)
        gpend = [None, None]
        for b in range(2):
            idx_wait(b)
            gpend[b] = gather(b, b)

        @pl.loop(0, cpt // 4 - 1)
        def _(p):
            c = p * 4
            for k in range(4):
                b = k & 1
                q2 = (k + 2) & 3
                gpend[b].wait()
                scatter(k, b)
                load_idx(c + k + 4, k)
                idx_wait(q2)
                gpend[b] = gather(q2, b)

        for k in range(4):
            b = k & 1
            q2 = (k + 2) & 3
            gpend[b].wait()
            scatter(k, b)
            if k < 2:
                idx_wait(q2)
                gpend[b] = gather(q2, b)

        plsc.subcore_barrier()
        pltpu.sync_copy(
            acc_sh.at[pl.ds(sid * RPT, RPT)],
            acc_hbm.at[cid].at[pl.ds(sid * RPT, RPT)],
        )

    return spmm(idx3d, y)


def _matmul_body(x_ref, wt_ref, y_ref):
    y_ref[...] = jnp.dot(
        x_ref[...], wt_ref[...],
        preferred_element_type=jnp.float32,
        precision=lax.Precision.HIGHEST,
    )


def _matmul_call(x_pad, wt):
    bm = 512
    return pl.pallas_call(
        _matmul_body,
        grid=(NPAD // bm,),
        in_specs=[
            pl.BlockSpec((bm, D), lambda i: (i, 0)),
            pl.BlockSpec((D, D), lambda i: (0, 0)),
        ],
        out_specs=pl.BlockSpec((bm, D), lambda i: (i, 0)),
        out_shape=jax.ShapeDtypeStruct((NPAD, D), jnp.float32),
    )(x_pad, wt)


def _scale_body(xh_ref, d0_ref, d1_ref, y_ref):
    deg = d0_ref[0] + d1_ref[0] + 1.0
    y_ref[...] = lax.rsqrt(deg) * xh_ref[...]


def _scale_call(xhat, degs):
    bm = 1024
    return pl.pallas_call(
        _scale_body,
        grid=(NPAD // bm,),
        in_specs=[
            pl.BlockSpec((bm, D), lambda i: (i, 0)),
            pl.BlockSpec((1, bm, D), lambda i: (0, i, 0)),
            pl.BlockSpec((1, bm, D), lambda i: (1, i, 0)),
        ],
        out_specs=pl.BlockSpec((bm, D), lambda i: (i, 0)),
        out_shape=jax.ShapeDtypeStruct((NPAD, D), jnp.float32),
    )(xhat, degs, degs)


def _finalize_body(a0_ref, a1_ref, y_ref, d0_ref, d1_ref, o_ref):
    deg = d0_ref[0] + d1_ref[0] + 1.0
    s = a0_ref[0] + a1_ref[0] + y_ref[...]
    o_ref[...] = lax.rsqrt(deg) * s


def _finalize_call(accs, y, degs):
    bm = 1000
    return pl.pallas_call(
        _finalize_body,
        grid=(N // bm,),
        in_specs=[
            pl.BlockSpec((1, bm, D), lambda i: (0, i, 0)),
            pl.BlockSpec((1, bm, D), lambda i: (1, i, 0)),
            pl.BlockSpec((bm, D), lambda i: (i, 0)),
            pl.BlockSpec((1, bm, D), lambda i: (0, i, 0)),
            pl.BlockSpec((1, bm, D), lambda i: (1, i, 0)),
        ],
        out_specs=pl.BlockSpec((bm, D), lambda i: (i, 0)),
        out_shape=jax.ShapeDtypeStruct((N, D), jnp.float32),
    )(accs, accs, y, degs, degs)


def kernel(edge_index, X, W):
    E = edge_index.shape[1]
    rows = edge_index[0].astype(jnp.int32)
    cols = edge_index[1].astype(jnp.int32)

    cpt = -(-E // (K * NW))
    cpt = (cpt + 7) // 8 * 8
    e_pad = K * NW * cpt
    npad_e = e_pad - E
    pad_idx = N + jnp.arange(npad_e, dtype=jnp.int32) % (NPAD - N)
    rows2d = jnp.concatenate([rows, pad_idx]).reshape(e_pad // K, K)
    cols2d = jnp.concatenate([cols, pad_idx]).reshape(e_pad // K, K)
    idx3d = jnp.stack([cols2d, rows2d], axis=1)

    x_pad = jnp.pad(X, ((0, NPAD - N), (0, 0)))
    wt = W.T

    xhat = _matmul_call(x_pad, wt)
    degs = _hist_call(idx3d, cpt)
    y = _scale_call(xhat, degs)
    accs = _spmm_call(idx3d, y, cpt)
    return _finalize_call(accs, y, degs)

# --- scband reference (transcript-rebuilt; emitter-appended) ---
"""Pipeline reference for scband-gcnconv-74594991997165 (READ-ONLY COPY).

The authoritative reference and input builder live on the scoring server;
editing this copy changes nothing except your own understanding.
"""

import jax, jax.numpy as jnp
import numpy as np

N = 10000
E = 320000
D_IN = 128
D_OUT = 128


def setup_inputs(seed: int = 0) -> dict:
    key = jax.random.key(seed)
    k1, k2, k3 = jax.random.split(key, 3)
    edge_index = jax.random.randint(k1, (2, E), 0, N).astype(jnp.int64)
    X = jax.random.normal(k2, (N, D_IN), dtype=jnp.float32)
    # nn.Linear(in_size, out_size, bias=False) weight: [out_size, in_size]
    W = jax.random.normal(k3, (D_OUT, D_IN), dtype=jnp.float32) * (1.0 / np.sqrt(D_IN))
    return {"edge_index": edge_index, "X": X, "W": W}


def reference(edge_index, X, W):
    # A_hat = A + I : append self-loops to COO edges (all edge values = 1)
    row = edge_index[0]
    col = edge_index[1]
    loops = jnp.arange(N, dtype=row.dtype)
    rows = jnp.concatenate([row, loops])
    cols = jnp.concatenate([col, loops])
    # D_hat = diag(A_hat.sum(0)) : column sums of A_hat
    deg = jnp.zeros((N,), dtype=X.dtype).at[cols].add(1.0)
    d_invsqrt = deg ** (-0.5)
    # H = D^{-1/2} @ A_hat @ D^{-1/2} : per-edge value scaling
    vals = d_invsqrt[rows] * d_invsqrt[cols]
    # X_hat = W(X)  (linear, no bias)
    X_hat = X @ W.T
    # spmm_sum(H, X_hat): out[i] = sum_j H[i,j] * X_hat[j]
    out = jnp.zeros((N, D_OUT), dtype=X.dtype).at[rows].add(vals[:, None] * X_hat[cols])
    return out

if __name__ == "__main__":
    import jax
    _d = setup_inputs()
    print(jax.jit(kernel)(*tuple(_d.values())))

</pallas_src>

<mosaic_0001>
#map = affine_map<(d0, d1) -> (0, 0, 0)>
module attributes {stable_mosaic.version = 14 : i64} {
  func.func @hist(%arg0: i32, %arg1: i32, %arg2: memref<2560x2x128xi32, #tpu.memory_space<hbm>>, %arg3: memref<2x10240x128xf32, #tpu.memory_space<hbm>>, %arg4: memref<80x2x128xi32, #tpu.memory_space<vmem>>, %arg5: memref<10240xf32, #tpu.memory_space<vmem>>, %arg6: memref<16x640xf32, #tpu.memory_space<vmem>>, %arg7: memref<64x128xf32, #tpu.memory_space<vmem>>, %arg8: memref<16x10240xf32, #tpu.memory_space<vmem_shared>>, %arg9: memref<!tpu.dma_semaphore, #tpu.memory_space<semaphore_mem>>) attributes {dimension_semantics = [#tpu.dimension_semantics<core_parallel>, #tpu.dimension_semantics<subcore_parallel>], iteration_bounds = array<i64: 2, 16>, scalar_prefetch = 0 : i64, scratch_operands = 6 : i64, tpu.core_type = #tpu.core_type<sc_vector_subcore>, window_params = [{transform_indices = #map}, {transform_indices = #map}]} {
    %mul3A = arith.constant 16 : i32
    %mul3A_0 = arith.muli %arg0, %mul3A : i32
    %add3A = arith.addi %mul3A_0, %arg1 : i32
    %broadcast_in_dim3A = arith.constant 0.000000e+00 : f32
    %broadcast_in_dim3A_1 = vector.broadcast %broadcast_in_dim3A : f32 to vector<16xf32>
    %mul3A_2 = arith.constant 80 : i32
    %mul3A_3 = arith.muli %add3A, %mul3A_2 : i32
    %dma_start3A = arith.constant 0 : i32
    %dma_start3A_4 = arith.constant 0 : i32
    %dma_start3A_5 = tpu.memref_slice %arg2[%mul3A_3, %dma_start3A, %dma_start3A_4] : memref<2560x2x128xi32, #tpu.memory_space<hbm>> -> memref<80x2x128xi32, #tpu.memory_space<hbm>>
    %dma_start3A_6 = arith.constant 0 : i32
    %dma_start3A_7 = arith.constant 0 : i32
    %dma_start3A_8 = tpu.memref_slice %arg2[%mul3A_3, %dma_start3A_6, %dma_start3A_7] : memref<2560x2x128xi32, #tpu.memory_space<hbm>> -> memref<80x2x128xi32, #tpu.memory_space<hbm>>
    tpu.enqueue_dma source(%dma_start3A_8 : memref<80x2x128xi32, #tpu.memory_space<hbm>>) target(%arg4 : memref<80x2x128xi32, #tpu.memory_space<vmem>>) target_semaphore(%arg9 : memref<!tpu.dma_semaphore, #tpu.memory_space<semaphore_mem>>)
    %scan3A = arith.constant 0 : i32
    %scan3A_9 = arith.constant 640 : i32
    %scan3A_10 = arith.addi %scan3A, %scan3A_9 : i32
    %scan3A_11 = arith.constant 1 : i32
    scf.for %scan3A_49 = %scan3A to %scan3A_10 step %scan3A_11  : i32 {
      %mul3A_50 = arith.constant 1 : i32
      %mul3A_51 = arith.muli %scan3A_49, %mul3A_50 : i32
      %add3A_52 = arith.constant 0 : i32
      %add3A_53 = arith.addi %add3A_52, %mul3A_51 : i32
      %mul3A_54 = arith.constant 16 : i32
      %mul3A_55 = arith.muli %add3A_53, %mul3A_54 : i32
      %swap3A = arith.index_cast %mul3A_55 : i32 to index
      %swap3A_56 = tpu.vector_load %arg5[%swap3A] {strides = array<i32>} : memref<10240xf32, #tpu.memory_space<vmem>>, vector<16xf32>,
      tpu.vector_store %arg5[%swap3A], %broadcast_in_dim3A_1 {strides = array<i32>} : memref<10240xf32, #tpu.memory_space<vmem>>, vector<16xf32>,
    }
    %scan3A_12 = arith.constant 640 : i32
    %dma_wait3A = arith.constant 0 : i32
    %dma_wait3A_13 = arith.constant 0 : i32
    %dma_wait3A_14 = tpu.memref_slice %arg2[%mul3A_3, %dma_wait3A, %dma_wait3A_13] : memref<2560x2x128xi32, #tpu.memory_space<hbm>> -> memref<80x2x128xi32, #tpu.memory_space<hbm>>
    %dma_wait3A_15 = arith.constant 0 : i32
    %dma_wait3A_16 = arith.constant 0 : i32
    %dma_wait3A_17 = tpu.memref_slice %arg2[%mul3A_3, %dma_wait3A_15, %dma_wait3A_16] : memref<2560x2x128xi32, #tpu.memory_space<hbm>> -> memref<80x2x128xi32, #tpu.memory_space<hbm>>
    tpu.wait_dma2 semaphore(%arg9 : memref<!tpu.dma_semaphore, #tpu.memory_space<semaphore_mem>>) src(%dma_wait3A_17 : memref<80x2x128xi32, #tpu.memory_space<hbm>>) dst(%arg4 : memref<80x2x128xi32, #tpu.memory_space<vmem>>)
    %iota3A = tpu.iota {dimensions = array<i32: 0>} : vector<16xi32>
    %convert_element_type3A = arith.sitofp %iota3A : vector<16xi32> to vector<16xf32>
    %eq3A = arith.constant 15 : i32
    %eq3A_18 = vector.broadcast %eq3A : i32 to vector<16xi32>
    %eq3A_19 = arith.cmpi eq, %iota3A, %eq3A_18 : vector<16xi32>
    %eq3A_20 = arith.constant 0 : i32
    %eq3A_21 = vector.broadcast %eq3A_20 : i32 to vector<16xi32>
    %eq3A_22 = arith.cmpi eq, %iota3A, %eq3A_21 : vector<16xi32>
    %add3A_23 = arith.constant 1 : i32
    %add3A_24 = vector.broadcast %add3A_23 : i32 to vector<16xi32>
    %add3A_25 = arith.addi %iota3A, %add3A_24 : vector<16xi32>
    %min3A = arith.constant 15 : i32
    %min3A_26 = vector.broadcast %min3A : i32 to vector<16xi32>
    %min3A_27 = arith.minsi %add3A_25, %min3A_26 : vector<16xi32>
    %sub3A = arith.constant 1 : i32
    %sub3A_28 = vector.broadcast %sub3A : i32 to vector<16xi32>
    %sub3A_29 = arith.subi %iota3A, %sub3A_28 : vector<16xi32>
    %max3A = arith.constant 0 : i32
    %max3A_30 = vector.broadcast %max3A : i32 to vector<16xi32>
    %max3A_31 = arith.maxsi %sub3A_29, %max3A_30 : vector<16xi32>
    %scan3A_32 = arith.constant 0 : i32
    %scan3A_33 = arith.constant 80 : i32
    %scan3A_34 = arith.addi %scan3A_32, %scan3A_33 : i32
    %scan3A_35 = arith.constant 1 : i32
    scf.for %scan3A_49 = %scan3A_32 to %scan3A_34 step %scan3A_35  : i32 {
      %mul3A_50 = arith.constant 1 : i32
      %mul3A_51 = arith.muli %scan3A_49, %mul3A_50 : i32
      %add3A_52 = arith.constant 0 : i32
      %add3A_53 = arith.addi %add3A_52, %mul3A_51 : i32
      %get3A = arith.constant 0 : i32
      %get3A_54 = arith.index_cast %add3A_53 : i32 to index
      %get3A_55 = arith.index_cast %get3A : i32 to index
      %get3A_56 = arith.constant 0 : index
      %get3A_57 = tpu.vector_load %arg4[%get3A_54, %get3A_55, %get3A_56] {strides = array<i32>} : memref<80x2x128xi32, #tpu.memory_space<vmem>>, vector<16xi32>,
      %sort3A = arith.constant dense<true> : vector<16xi1>
      %sort3A_58, %sort3A_59, %sort3A_60 = tpu.sort %get3A_57, %get3A_57 masked %sort3A : (vector<16xi32>, vector<16xi32>, vector<16xi1>) -> (vector<16xi1>, vector<16xi32>, vector<16xi32>)
      %lt3A = arith.constant 0 : i32
      %lt3A_61 = vector.broadcast %lt3A : i32 to vector<16xi32>
      %lt3A_62 = arith.cmpi slt, %min3A_27, %lt3A_61 : vector<16xi32>
      %add3A_63 = arith.constant 16 : i32
      %add3A_64 = vector.broadcast %add3A_63 : i32 to vector<16xi32>
      %add3A_65 = arith.addi %min3A_27, %add3A_64 : vector<16xi32>
      %select_n3A = arith.select %lt3A_62, %add3A_65, %min3A_27 : vector<16xi1>, vector<16xi32>
      %broadcast_in_dim3A_66 = vector.shape_cast %select_n3A : vector<16xi32> to vector<16x1xi32>
      %gather3A = vector.shape_cast %broadcast_in_dim3A_66 : vector<16x1xi32> to vector<16xi32>
      %gather3A_67 = tpu.dynamic_gather %sort3A_59[%gather3A] in [0] : vector<16xi32>, vector<16xi32> -> vector<16xi32>
      %lt3A_68 = arith.constant 0 : i32
      %lt3A_69 = vector.broadcast %lt3A_68 : i32 to vector<16xi32>
      %lt3A_70 = arith.cmpi slt, %max3A_31, %lt3A_69 : vector<16xi32>
      %add3A_71 = arith.constant 16 : i32
      %add3A_72 = vector.broadcast %add3A_71 : i32 to vector<16xi32>
      %add3A_73 = arith.addi %max3A_31, %add3A_72 : vector<16xi32>
      %select_n3A_74 = arith.select %lt3A_70, %add3A_73, %max3A_31 : vector<16xi1>, vector<16xi32>
      %broadcast_in_dim3A_75 = vector.shape_cast %select_n3A_74 : vector<16xi32> to vector<16x1xi32>
      %gather3A_76 = vector.shape_cast %broadcast_in_dim3A_75 : vector<16x1xi32> to vector<16xi32>
      %gather3A_77 = tpu.dynamic_gather %sort3A_59[%gather3A_76] in [0] : vector<16xi32>, vector<16xi32> -> vector<16xi32>
      %ne3A = arith.cmpi ne, %sort3A_59, %gather3A_67 : vector<16xi32>
      %or3A = arith.ori %ne3A, %eq3A_19 : vector<16xi1>
      %ne3A_78 = arith.cmpi ne, %sort3A_59, %gather3A_77 : vector<16xi32>
      %or3A_79 = arith.ori %ne3A_78, %eq3A_22 : vector<16xi1>
      %neg3A = arith.constant 0.000000e+00 : f32
      %neg3A_80 = vector.broadcast %neg3A : f32 to vector<16xf32>
      %neg3A_81 = arith.subf %neg3A_80, %convert_element_type3A : vector<16xf32>
      tpu.vector_store_idx %arg5[%sort3A_59], %neg3A_81 masked %or3A_79 {add = true} : memref<10240xf32, #tpu.memory_space<vmem>>[vector<16xi32>], vector<16xf32>, vector<16xi1>
      %add3A_82 = arith.constant 1.000000e+00 : f32
      %add3A_83 = vector.broadcast %add3A_82 : f32 to vector<16xf32>
      %add3A_84 = arith.addf %convert_element_type3A, %add3A_83 : vector<16xf32>
      tpu.vector_store_idx %arg5[%sort3A_59], %add3A_84 masked %or3A {add = true} : memref<10240xf32, #tpu.memory_space<vmem>>[vector<16xi32>], vector<16xf32>, vector<16xi1>
      %get3A_85 = arith.constant 0 : i32
      %get3A_86 = arith.index_cast %add3A_53 : i32 to index
      %get3A_87 = arith.index_cast %get3A_85 : i32 to index
      %get3A_88 = arith.constant 16 : index
      %get3A_89 = tpu.vector_load %arg4[%get3A_86, %get3A_87, %get3A_88] {strides = array<i32>} : memref<80x2x128xi32, #tpu.memory_space<vmem>>, vector<16xi32>,
      %sort3A_90 = arith.constant dense<true> : vector<16xi1>
      %sort3A_91, %sort3A_92, %sort3A_93 = tpu.sort %get3A_89, %get3A_89 masked %sort3A_90 : (vector<16xi32>, vector<16xi32>, vector<16xi1>) -> (vector<16xi1>, vector<16xi32>, vector<16xi32>)
      %lt3A_94 = arith.constant 0 : i32
      %lt3A_95 = vector.broadcast %lt3A_94 : i32 to vector<16xi32>
      %lt3A_96 = arith.cmpi slt, %min3A_27, %lt3A_95 : vector<16xi32>
      %add3A_97 = arith.constant 16 : i32
      %add3A_98 = vector.broadcast %add3A_97 : i32 to vector<16xi32>
      %add3A_99 = arith.addi %min3A_27, %add3A_98 : vector<16xi32>
      %select_n3A_100 = arith.select %lt3A_96, %add3A_99, %min3A_27 : vector<16xi1>, vector<16xi32>
      %broadcast_in_dim3A_101 = vector.shape_cast %select_n3A_100 : vector<16xi32> to vector<16x1xi32>
      %gather3A_102 = vector.shape_cast %broadcast_in_dim3A_101 : vector<16x1xi32> to vector<16xi32>
      %gather3A_103 = tpu.dynamic_gather %sort3A_92[%gather3A_102] in [0] : vector<16xi32>, vector<16xi32> -> vector<16xi32>
      %lt3A_104 = arith.constant 0 : i32
      %lt3A_105 = vector.broadcast %lt3A_104 : i32 to vector<16xi32>
      %lt3A_106 = arith.cmpi slt, %max3A_31, %lt3A_105 : vector<16xi32>
      %add3A_107 = arith.constant 16 : i32
      %add3A_108 = vector.broadcast %add3A_107 : i32 to vector<16xi32>
      %add3A_109 = arith.addi %max3A_31, %add3A_108 : vector<16xi32>
      %select_n3A_110 = arith.select %lt3A_106, %add3A_109, %max3A_31 : vector<16xi1>, vector<16xi32>
      %broadcast_in_dim3A_111 = vector.shape_cast %select_n3A_110 : vector<16xi32> to vector<16x1xi32>
      %gather3A_112 = vector.shape_cast %broadcast_in_dim3A_111 : vector<16x1xi32> to vector<16xi32>
      %gather3A_113 = tpu.dynamic_gather %sort3A_92[%gather3A_112] in [0] : vector<16xi32>, vector<16xi32> -> vector<16xi32>
      %ne3A_114 = arith.cmpi ne, %sort3A_92, %gather3A_103 : vector<16xi32>
      %or3A_115 = arith.ori %ne3A_114, %eq3A_19 : vector<16xi1>
      %ne3A_116 = arith.cmpi ne, %sort3A_92, %gather3A_113 : vector<16xi32>
      %or3A_117 = arith.ori %ne3A_116, %eq3A_22 : vector<16xi1>
      %neg3A_118 = arith.constant 0.000000e+00 : f32
      %neg3A_119 = vector.broadcast %neg3A_118 : f32 to vector<16xf32>
      %neg3A_120 = arith.subf %neg3A_119, %convert_element_type3A : vector<16xf32>
      tpu.vector_store_idx %arg5[%sort3A_92], %neg3A_120 masked %or3A_117 {add = true} : memref<10240xf32, #tpu.memory_space<vmem>>[vector<16xi32>], vector<16xf32>, vector<16xi1>
      %add3A_121 = arith.constant 1.000000e+00 : f32
      %add3A_122 = vector.broadcast %add3A_121 : f32 to vector<16xf32>
      %add3A_123 = arith.addf %convert_element_type3A, %add3A_122 : vector<16xf32>
      tpu.vector_store_idx %arg5[%sort3A_92], %add3A_123 masked %or3A_115 {add = true} : memref<10240xf32, #tpu.memory_space<vmem>>[vector<16xi32>], vector<16xf32>, vector<16xi1>
      %get3A_124 = arith.constant 0 : i32
      %get3A_125 = arith.index_cast %add3A_53 : i32 to index
      %get3A_126 = arith.index_cast %get3A_124 : i32 to index
      %get3A_127 = arith.constant 32 : index
      %get3A_128 = tpu.vector_load %arg4[%get3A_125, %get3A_126, %get3A_127] {strides = array<i32>} : memref<80x2x128xi32, #tpu.memory_space<vmem>>, vector<16xi32>,
      %sort3A_129 = arith.constant dense<true> : vector<16xi1>
      %sort3A_130, %sort3A_131, %sort3A_132 = tpu.sort %get3A_128, %get3A_128 masked %sort3A_129 : (vector<16xi32>, vector<16xi32>, vector<16xi1>) -> (vector<16xi1>, vector<16xi32>, vector<16xi32>)
      %lt3A_133 = arith.constant 0 : i32
      %lt3A_134 = vector.broadcast %lt3A_133 : i32 to vector<16xi32>
      %lt3A_135 = arith.cmpi slt, %min3A_27, %lt3A_134 : vector<16xi32>
      %add3A_136 = arith.constant 16 : i32
      %add3A_137 = vector.broadcast %add3A_136 : i32 to vector<16xi32>
      %add3A_138 = arith.addi %min3A_27, %add3A_137 : vector<16xi32>
      %select_n3A_139 = arith.select %lt3A_135, %add3A_138, %min3A_27 : vector<16xi1>, vector<16xi32>
      %broadcast_in_dim3A_140 = vector.shape_cast %select_n3A_139 : vector<16xi32> to vector<16x1xi32>
      %gather3A_141 = vector.shape_cast %broadcast_in_dim3A_140 : vector<16x1xi32> to vector<16xi32>
      %gather3A_142 = tpu.dynamic_gather %sort3A_131[%gather3A_141] in [0] : vector<16xi32>, vector<16xi32> -> vector<16xi32>
      %lt3A_143 = arith.constant 0 : i32
      %lt3A_144 = vector.broadcast %lt3A_143 : i32 to vector<16xi32>
      %lt3A_145 = arith.cmpi slt, %max3A_31, %lt3A_144 : vector<16xi32>
      %add3A_146 = arith.constant 16 : i32
      %add3A_147 = vector.broadcast %add3A_146 : i32 to vector<16xi32>
      %add3A_148 = arith.addi %max3A_31, %add3A_147 : vector<16xi32>
      %select_n3A_149 = arith.select %lt3A_145, %add3A_148, %max3A_31 : vector<16xi1>, vector<16xi32>
      %broadcast_in_dim3A_150 = vector.shape_cast %select_n3A_149 : vector<16xi32> to vector<16x1xi32>
      %gather3A_151 = vector.shape_cast %broadcast_in_dim3A_150 : vector<16x1xi32> to vector<16xi32>
      %gather3A_152 = tpu.dynamic_gather %sort3A_131[%gather3A_151] in [0] : vector<16xi32>, vector<16xi32> -> vector<16xi32>
      %ne3A_153 = arith.cmpi ne, %sort3A_131, %gather3A_142 : vector<16xi32>
      %or3A_154 = arith.ori %ne3A_153, %eq3A_19 : vector<16xi1>
      %ne3A_155 = arith.cmpi ne, %sort3A_131, %gather3A_152 : vector<16xi32>
      %or3A_156 = arith.ori %ne3A_155, %eq3A_22 : vector<16xi1>
      %neg3A_157 = arith.constant 0.000000e+00 : f32
      %neg3A_158 = vector.broadcast %neg3A_157 : f32 to vector<16xf32>
      %neg3A_159 = arith.subf %neg3A_158, %convert_element_type3A : vector<16xf32>
      tpu.vector_store_idx %arg5[%sort3A_131], %neg3A_159 masked %or3A_156 {add = true} : memref<10240xf32, #tpu.memory_space<vmem>>[vector<16xi32>], vector<16xf32>, vector<16xi1>
      %add3A_160 = arith.constant 1.000000e+00 : f32
      %add3A_161 = vector.broadcast %add3A_160 : f32 to vector<16xf32>
      %add3A_162 = arith.addf %convert_element_type3A, %add3A_161 : vector<16xf32>
      tpu.vector_store_idx %arg5[%sort3A_131], %add3A_162 masked %or3A_154 {add = true} : memref<10240xf32, #tpu.memory_space<vmem>>[vector<16xi32>], vector<16xf32>, vector<16xi1>
      %get3A_163 = arith.constant 0 : i32
      %get3A_164 = arith.index_cast %add3A_53 : i32 to index
      %get3A_165 = arith.index_cast %get3A_163 : i32 to index
      %get3A_166 = arith.constant 48 : index
      %get3A_167 = tpu.vector_load %arg4[%get3A_164, %get3A_165, %get3A_166] {strides = array<i32>} : memref<80x2x128xi32, #tpu.memory_space<vmem>>, vector<16xi32>,
      %sort3A_168 = arith.constant dense<true> : vector<16xi1>
      %sort3A_169, %sort3A_170, %sort3A_171 = tpu.sort %get3A_167, %get3A_167 masked %sort3A_168 : (vector<16xi32>, vector<16xi32>, vector<16xi1>) -> (vector<16xi1>, vector<16xi32>, vector<16xi32>)
      %lt3A_172 = arith.constant 0 : i32
      %lt3A_173 = vector.broadcast %lt3A_172 : i32 to vector<16xi32>
      %lt3A_174 = arith.cmpi slt, %min3A_27, %lt3A_173 : vector<16xi32>
      %add3A_175 = arith.constant 16 : i32
      %add3A_176 = vector.broadcast %add3A_175 : i32 to vector<16xi32>
      %add3A_177 = arith.addi %min3A_27, %add3A_176 : vector<16xi32>
      %select_n3A_178 = arith.select %lt3A_174, %add3A_177, %min3A_27 : vector<16xi1>, vector<16xi32>
      %broadcast_in_dim3A_179 = vector.shape_cast %select_n3A_178 : vector<16xi32> to vector<16x1xi32>
      %gather3A_180 = vector.shape_cast %broadcast_in_dim3A_179 : vector<16x1xi32> to vector<16xi32>
      %gather3A_181 = tpu.dynamic_gather %sort3A_170[%gather3A_180] in [0] : vector<16xi32>, vector<16xi32> -> vector<16xi32>
      %lt3A_182 = arith.constant 0 : i32
      %lt3A_183 = vector.broadcast %lt3A_182 : i32 to vector<16xi32>
      %lt3A_184 = arith.cmpi slt, %max3A_31, %lt3A_183 : vector<16xi32>
      %add3A_185 = arith.constant 16 : i32
      %add3A_186 = vector.broadcast %add3A_185 : i32 to vector<16xi32>
      %add3A_187 = arith.addi %max3A_31, %add3A_186 : vector<16xi32>
      %select_n3A_188 = arith.select %lt3A_184, %add3A_187, %max3A_31 : vector<16xi1>, vector<16xi32>
      %broadcast_in_dim3A_189 = vector.shape_cast %select_n3A_188 : vector<16xi32> to vector<16x1xi32>
      %gather3A_190 = vector.shape_cast %broadcast_in_dim3A_189 : vector<16x1xi32> to vector<16xi32>
      %gather3A_191 = tpu.dynamic_gather %sort3A_170[%gather3A_190] in [0] : vector<16xi32>, vector<16xi32> -> vector<16xi32>
      %ne3A_192 = arith.cmpi ne, %sort3A_170, %gather3A_181 : vector<16xi32>
      %or3A_193 = arith.ori %ne3A_192, %eq3A_19 : vector<16xi1>
      %ne3A_194 = arith.cmpi ne, %sort3A_170, %gather3A_191 : vector<16xi32>
      %or3A_195 = arith.ori %ne3A_194, %eq3A_22 : vector<16xi1>
      %neg3A_196 = arith.constant 0.000000e+00 : f32
      %neg3A_197 = vector.broadcast %neg3A_196 : f32 to vector<16xf32>
      %neg3A_198 = arith.subf %neg3A_197, %convert_element_type3A : vector<16xf32>
      tpu.vector_store_idx %arg5[%sort3A_170], %neg3A_198 masked %or3A_195 {add = true} : memref<10240xf32, #tpu.memory_space<vmem>>[vector<16xi32>], vector<16xf32>, vector<16xi1>
      %add3A_199 = arith.constant 1.000000e+00 : f32
      %add3A_200 = vector.broadcast %add3A_199 : f32 to vector<16xf32>
      %add3A_201 = arith.addf %convert_element_type3A, %add3A_200 : vector<16xf32>
      tpu.vector_store_idx %arg5[%sort3A_170], %add3A_201 masked %or3A_193 {add = true} : memref<10240xf32, #tpu.memory_space<vmem>>[vector<16xi32>], vector<16xf32>, vector<16xi1>
      %get3A_202 = arith.constant 0 : i32
      %get3A_203 = arith.index_cast %add3A_53 : i32 to index
      %get3A_204 = arith.index_cast %get3A_202 : i32 to index
      %get3A_205 = arith.constant 64 : index
      %get3A_206 = tpu.vector_load %arg4[%get3A_203, %get3A_204, %get3A_205] {strides = array<i32>} : memref<80x2x128xi32, #tpu.memory_space<vmem>>, vector<16xi32>,
      %sort3A_207 = arith.constant dense<true> : vector<16xi1>
      %sort3A_208, %sort3A_209, %sort3A_210 = tpu.sort %get3A_206, %get3A_206 masked %sort3A_207 : (vector<16xi32>, vector<16xi32>, vector<16xi1>) -> (vector<16xi1>, vector<16xi32>, vector<16xi32>)
      %lt3A_211 = arith.constant 0 : i32
      %lt3A_212 = vector.broadcast %lt3A_211 : i32 to vector<16xi32>
      %lt3A_213 = arith.cmpi slt, %min3A_27, %lt3A_212 : vector<16xi32>
      %add3A_214 = arith.constant 16 : i32
      %add3A_215 = vector.broadcast %add3A_214 : i32 to vector<16xi32>
      %add3A_216 = arith.addi %min3A_27, %add3A_215 : vector<16xi32>
      %select_n3A_217 = arith.select %lt3A_213, %add3A_216, %min3A_27 : vector<16xi1>, vector<16xi32>
      %broadcast_in_dim3A_218 = vector.shape_cast %select_n3A_217 : vector<16xi32> to vector<16x1xi32>
      %gather3A_219 = vector.shape_cast %broadcast_in_dim3A_218 : vector<16x1xi32> to vector<16xi32>
      %gather3A_220 = tpu.dynamic_gather %sort3A_209[%gather3A_219] in [0] : vector<16xi32>, vector<16xi32> -> vector<16xi32>
      %lt3A_221 = arith.constant 0 : i32
      %lt3A_222 = vector.broadcast %lt3A_221 : i32 to vector<16xi32>
      %lt3A_223 = arith.cmpi slt, %max3A_31, %lt3A_222 : vector<16xi32>
      %add3A_224 = arith.constant 16 : i32
      %add3A_225 = vector.broadcast %add3A_224 : i32 to vector<16xi32>
      %add3A_226 = arith.addi %max3A_31, %add3A_225 : vector<16xi32>
      %select_n3A_227 = arith.select %lt3A_223, %add3A_226, %max3A_31 : vector<16xi1>, vector<16xi32>
      %broadcast_in_dim3A_228 = vector.shape_cast %select_n3A_227 : vector<16xi32> to vector<16x1xi32>
      %gather3A_229 = vector.shape_cast %broadcast_in_dim3A_228 : vector<16x1xi32> to vector<16xi32>
      %gather3A_230 = tpu.dynamic_gather %sort3A_209[%gather3A_229] in [0] : vector<16xi32>, vector<16xi32> -> vector<16xi32>
      %ne3A_231 = arith.cmpi ne, %sort3A_209, %gather3A_220 : vector<16xi32>
      %or3A_232 = arith.ori %ne3A_231, %eq3A_19 : vector<16xi1>
      %ne3A_233 = arith.cmpi ne, %sort3A_209, %gather3A_230 : vector<16xi32>
      %or3A_234 = arith.ori %ne3A_233, %eq3A_22 : vector<16xi1>
      %neg3A_235 = arith.constant 0.000000e+00 : f32
      %neg3A_236 = vector.broadcast %neg3A_235 : f32 to vector<16xf32>
      %neg3A_237 = arith.subf %neg3A_236, %convert_element_type3A : vector<16xf32>
      tpu.vector_store_idx %arg5[%sort3A_209], %neg3A_237 masked %or3A_234 {add = true} : memref<10240xf32, #tpu.memory_space<vmem>>[vector<16xi32>], vector<16xf32>, vector<16xi1>
      %add3A_238 = arith.constant 1.000000e+00 : f32
      %add3A_239 = vector.broadcast %add3A_238 : f32 to vector<16xf32>
      %add3A_240 = arith.addf %convert_element_type3A, %add3A_239 : vector<16xf32>
      tpu.vector_store_idx %arg5[%sort3A_209], %add3A_240 masked %or3A_232 {add = true} : memref<10240xf32, #tpu.memory_space<vmem>>[vector<16xi32>], vector<16xf32>, vector<16xi1>
      %get3A_241 = arith.constant 0 : i32
      %get3A_242 = arith.index_cast %add3A_53 : i32 to index
      %get3A_243 = arith.index_cast %get3A_241 : i32 to index
      %get3A_244 = arith.constant 80 : index
      %get3A_245 = tpu.vector_load %arg4[%get3A_242, %get3A_243, %get3A_244] {strides = array<i32>} : memref<80x2x128xi32, #tpu.memory_space<vmem>>, vector<16xi32>,
      %sort3A_246 = arith.constant dense<true> : vector<16xi1>
      %sort3A_247, %sort3A_248, %sort3A_249 = tpu.sort %get3A_245, %get3A_245 masked %sort3A_246 : (vector<16xi32>, vector<16xi32>, vector<16xi1>) -> (vector<16xi1>, vector<16xi32>, vector<16xi32>)
      %lt3A_250 = arith.constant 0 : i32
      %lt3A_251 = vector.broadcast %lt3A_250 : i32 to vector<16xi32>
      %lt3A_252 = arith.cmpi slt, %min3A_27, %lt3A_251 : vector<16xi32>
      %add3A_253 = arith.constant 16 : i32
      %add3A_254 = vector.broadcast %add3A_253 : i32 to vector<16xi32>
      %add3A_255 = arith.addi %min3A_27, %add3A_254 : vector<16xi32>
      %select_n3A_256 = arith.select %lt3A_252, %add3A_255, %min3A_27 : vector<16xi1>, vector<16xi32>
      %broadcast_in_dim3A_257 = vector.shape_cast %select_n3A_256 : vector<16xi32> to vector<16x1xi32>
      %gather3A_258 = vector.shape_cast %broadcast_in_dim3A_257 : vector<16x1xi32> to vector<16xi32>
      %gather3A_259 = tpu.dynamic_gather %sort3A_248[%gather3A_258] in [0] : vector<16xi32>, vector<16xi32> -> vector<16xi32>
      %lt3A_260 = arith.constant 0 : i32
      %lt3A_261 = vector.broadcast %lt3A_260 : i32 to vector<16xi32>
      %lt3A_262 = arith.cmpi slt, %max3A_31, %lt3A_261 : vector<16xi32>
      %add3A_263 = arith.constant 16 : i32
      %add3A_264 = vector.broadcast %add3A_263 : i32 to vector<16xi32>
      %add3A_265 = arith.addi %max3A_31, %add3A_264 : vector<16xi32>
      %select_n3A_266 = arith.select %lt3A_262, %add3A_265, %max3A_31 : vector<16xi1>, vector<16xi32>
      %broadcast_in_dim3A_267 = vector.shape_cast %select_n3A_266 : vector<16xi32> to vector<16x1xi32>
      %gather3A_268 = vector.shape_cast %broadcast_in_dim3A_267 : vector<16x1xi32> to vector<16xi32>
      %gather3A_269 = tpu.dynamic_gather %sort3A_248[%gather3A_268] in [0] : vector<16xi32>, vector<16xi32> -> vector<16xi32>
      %ne3A_270 = arith.cmpi ne, %sort3A_248, %gather3A_259 : vector<16xi32>
      %or3A_271 = arith.ori %ne3A_270, %eq3A_19 : vector<16xi1>
      %ne3A_272 = arith.cmpi ne, %sort3A_248, %gather3A_269 : vector<16xi32>
      %or3A_273 = arith.ori %ne3A_272, %eq3A_22 : vector<16xi1>
      %neg3A_274 = arith.constant 0.000000e+00 : f32
      %neg3A_275 = vector.broadcast %neg3A_274 : f32 to vector<16xf32>
      %neg3A_276 = arith.subf %neg3A_275, %convert_element_type3A : vector<16xf32>
      tpu.vector_store_idx %arg5[%sort3A_248], %neg3A_276 masked %or3A_273 {add = true} : memref<10240xf32, #tpu.memory_space<vmem>>[vector<16xi32>], vector<16xf32>, vector<16xi1>
      %add3A_277 = arith.constant 1.000000e+00 : f32
      %add3A_278 = vector.broadcast %add3A_277 : f32 to vector<16xf32>
      %add3A_279 = arith.addf %convert_element_type3A, %add3A_278 : vector<16xf32>
      tpu.vector_store_idx %arg5[%sort3A_248], %add3A_279 masked %or3A_271 {add = true} : memref<10240xf32, #tpu.memory_space<vmem>>[vector<16xi32>], vector<16xf32>, vector<16xi1>
      %get3A_280 = arith.constant 0 : i32
      %get3A_281 = arith.index_cast %add3A_53 : i32 to index
      %get3A_282 = arith.index_cast %get3A_280 : i32 to index
      %get3A_283 = arith.constant 96 : index
      %get3A_284 = tpu.vector_load %arg4[%get3A_281, %get3A_282, %get3A_283] {strides = array<i32>} : memref<80x2x128xi32, #tpu.memory_space<vmem>>, vector<16xi32>,
      %sort3A_285 = arith.constant dense<true> : vector<16xi1>
      %sort3A_286, %sort3A_287, %sort3A_288 = tpu.sort %get3A_284, %get3A_284 masked %sort3A_285 : (vector<16xi32>, vector<16xi32>, vector<16xi1>) -> (vector<16xi1>, vector<16xi32>, vector<16xi32>)
      %lt3A_289 = arith.constant 0 : i32
      %lt3A_290 = vector.broadcast %lt3A_289 : i32 to vector<16xi32>
      %lt3A_291 = arith.cmpi slt, %min3A_27, %lt3A_290 : vector<16xi32>
      %add3A_292 = arith.constant 16 : i32
      %add3A_293 = vector.broadcast %add3A_292 : i32 to vector<16xi32>
      %add3A_294 = arith.addi %min3A_27, %add3A_293 : vector<16xi32>
      %select_n3A_295 = arith.select %lt3A_291, %add3A_294, %min3A_27 : vector<16xi1>, vector<16xi32>
      %broadcast_in_dim3A_296 = vector.shape_cast %select_n3A_295 : vector<16xi32> to vector<16x1xi32>
      %gather3A_297 = vector.shape_cast %broadcast_in_dim3A_296 : vector<16x1xi32> to vector<16xi32>
      %gather3A_298 = tpu.dynamic_gather %sort3A_287[%gather3A_297] in [0] : vector<16xi32>, vector<16xi32> -> vector<16xi32>
      %lt3A_299 = arith.constant 0 : i32
      %lt3A_300 = vector.broadcast %lt3A_299 : i32 to vector<16xi32>
      %lt3A_301 = arith.cmpi slt, %max3A_31, %lt3A_300 : vector<16xi32>
      %add3A_302 = arith.constant 16 : i32
      %add3A_303 = vector.broadcast %add3A_302 : i32 to vector<16xi32>
      %add3A_304 = arith.addi %max3A_31, %add3A_303 : vector<16xi32>
      %select_n3A_305 = arith.select %lt3A_301, %add3A_304, %max3A_31 : vector<16xi1>, vector<16xi32>
      %broadcast_in_dim3A_306 = vector.shape_cast %select_n3A_305 : vector<16xi32> to vector<16x1xi32>
      %gather3A_307 = vector.shape_cast %broadcast_in_dim3A_306 : vector<16x1xi32> to vector<16xi32>
      %gather3A_308 = tpu.dynamic_gather %sort3A_287[%gather3A_307] in [0] : vector<16xi32>, vector<16xi32> -> vector<16xi32>
      %ne3A_309 = arith.cmpi ne, %sort3A_287, %gather3A_298 : vector<16xi32>
      %or3A_310 = arith.ori %ne3A_309, %eq3A_19 : vector<16xi1>
      %ne3A_311 = arith.cmpi ne, %sort3A_287, %gather3A_308 : vector<16xi32>
      %or3A_312 = arith.ori %ne3A_311, %eq3A_22 : vector<16xi1>
      %neg3A_313 = arith.constant 0.000000e+00 : f32
      %neg3A_314 = vector.broadcast %neg3A_313 : f32 to vector<16xf32>
      %neg3A_315 = arith.subf %neg3A_314, %convert_element_type3A : vector<16xf32>
      tpu.vector_store_idx %arg5[%sort3A_287], %neg3A_315 masked %or3A_312 {add = true} : memref<10240xf32, #tpu.memory_space<vmem>>[vector<16xi32>], vector<16xf32>, vector<16xi1>
      %add3A_316 = arith.constant 1.000000e+00 : f32
      %add3A_317 = vector.broadcast %add3A_316 : f32 to vector<16xf32>
      %add3A_318 = arith.addf %convert_element_type3A, %add3A_317 : vector<16xf32>
      tpu.vector_store_idx %arg5[%sort3A_287], %add3A_318 masked %or3A_310 {add = true} : memref<10240xf32, #tpu.memory_space<vmem>>[vector<16xi32>], vector<16xf32>, vector<16xi1>
      %get3A_319 = arith.constant 0 : i32
      %get3A_320 = arith.index_cast %add3A_53 : i32 to index
      %get3A_321 = arith.index_cast %get3A_319 : i32 to index
      %get3A_322 = arith.constant 112 : index
      %get3A_323 = tpu.vector_load %arg4[%get3A_320, %get3A_321, %get3A_322] {strides = array<i32>} : memref<80x2x128xi32, #tpu.memory_space<vmem>>, vector<16xi32>,
      %sort3A_324 = arith.constant dense<true> : vector<16xi1>
      %sort3A_325, %sort3A_326, %sort3A_327 = tpu.sort %get3A_323, %get3A_323 masked %sort3A_324 : (vector<16xi32>, vector<16xi32>, vector<16xi1>) -> (vector<16xi1>, vector<16xi32>, vector<16xi32>)
      %lt3A_328 = arith.constant 0 : i32
      %lt3A_329 = vector.broadcast %lt3A_328 : i32 to vector<16xi32>
      %lt3A_330 = arith.cmpi slt, %min3A_27, %lt3A_329 : vector<16xi32>
      %add3A_331 = arith.constant 16 : i32
      %add3A_332 = vector.broadcast %add3A_331 : i32 to vector<16xi32>
      %add3A_333 = arith.addi %min3A_27, %add3A_332 : vector<16xi32>
      %select_n3A_334 = arith.select %lt3A_330, %add3A_333, %min3A_27 : vector<16xi1>, vector<16xi32>
      %broadcast_in_dim3A_335 = vector.shape_cast %select_n3A_334 : vector<16xi32> to vector<16x1xi32>
      %gather3A_336 = vector.shape_cast %broadcast_in_dim3A_335 : vector<16x1xi32> to vector<16xi32>
      %gather3A_337 = tpu.dynamic_gather %sort3A_326[%gather3A_336] in [0] : vector<16xi32>, vector<16xi32> -> vector<16xi32>
      %lt3A_338 = arith.constant 0 : i32
      %lt3A_339 = vector.broadcast %lt3A_338 : i32 to vector<16xi32>
      %lt3A_340 = arith.cmpi slt, %max3A_31, %lt3A_339 : vector<16xi32>
      %add3A_341 = arith.constant 16 : i32
      %add3A_342 = vector.broadcast %add3A_341 : i32 to vector<16xi32>
      %add3A_343 = arith.addi %max3A_31, %add3A_342 : vector<16xi32>
      %select_n3A_344 = arith.select %lt3A_340, %add3A_343, %max3A_31 : vector<16xi1>, vector<16xi32>
      %broadcast_in_dim3A_345 = vector.shape_cast %select_n3A_344 : vector<16xi32> to vector<16x1xi32>
      %gather3A_346 = vector.shape_cast %broadcast_in_dim3A_345 : vector<16x1xi32> to vector<16xi32>
      %gather3A_347 = tpu.dynamic_gather %sort3A_326[%gather3A_346] in [0] : vector<16xi32>, vector<16xi32> -> vector<16xi32>
      %ne3A_348 = arith.cmpi ne, %sort3A_326, %gather3A_337 : vector<16xi32>
      %or3A_349 = arith.ori %ne3A_348, %eq3A_19 : vector<16xi1>
      %ne3A_350 = arith.cmpi ne, %sort3A_326, %gather3A_347 : vector<16xi32>
      %or3A_351 = arith.ori %ne3A_350, %eq3A_22 : vector<16xi1>
      %neg3A_352 = arith.constant 0.000000e+00 : f32
      %neg3A_353 = vector.broadcast %neg3A_352 : f32 to vector<16xf32>
      %neg3A_354 = arith.subf %neg3A_353, %convert_element_type3A : vector<16xf32>
      tpu.vector_store_idx %arg5[%sort3A_326], %neg3A_354 masked %or3A_351 {add = true} : memref<10240xf32, #tpu.memory_space<vmem>>[vector<16xi32>], vector<16xf32>, vector<16xi1>
      %add3A_355 = arith.constant 1.000000e+00 : f32
      %add3A_356 = vector.broadcast %add3A_355 : f32 to vector<16xf32>
      %add3A_357 = arith.addf %convert_element_type3A, %add3A_356 : vector<16xf32>
      tpu.vector_store_idx %arg5[%sort3A_326], %add3A_357 masked %or3A_349 {add = true} : memref<10240xf32, #tpu.memory_space<vmem>>[vector<16xi32>], vector<16xf32>, vector<16xi1>
    }
    %scan3A_36 = arith.constant 80 : i32
    "tpu.region"() ({
      %run_scoped3A = tpu.sem_alloc : memref<!tpu.dma_semaphore, #tpu.memory_space<semaphore_mem>>
      %dma_start3A_49 = arith.constant 0 : i32
      %dma_start3A_50 = tpu.memref_slice %arg8[%arg1, %dma_start3A_49] : memref<16x10240xf32, #tpu.memory_space<vmem_shared>> -> memref<1x10240xf32, #tpu.memory_space<vmem_shared>>
      %dma_start3A_51 = tpu.memref_squeeze %dma_start3A_50 : memref<1x10240xf32, #tpu.memory_space<vmem_shared>> -> memref<10240xf32, #tpu.memory_space<vmem_shared>>
      %dma_start3A_52 = arith.constant 0 : i32
      %dma_start3A_53 = tpu.memref_slice %arg8[%arg1, %dma_start3A_52] : memref<16x10240xf32, #tpu.memory_space<vmem_shared>> -> memref<1x10240xf32, #tpu.memory_space<vmem_shared>>
      %dma_start3A_54 = tpu.memref_squeeze %dma_start3A_53 : memref<1x10240xf32, #tpu.memory_space<vmem_shared>> -> memref<10240xf32, #tpu.memory_space<vmem_shared>>
      tpu.enqueue_dma source(%arg5 : memref<10240xf32, #tpu.memory_space<vmem>>) target(%dma_start3A_54 : memref<10240xf32, #tpu.memory_space<vmem_shared>>) target_semaphore(%run_scoped3A : memref<!tpu.dma_semaphore, #tpu.memory_space<semaphore_mem>>)
      %dma_wait3A_55 = arith.constant 0 : i32
      %dma_wait3A_56 = tpu.memref_slice %arg8[%arg1, %dma_wait3A_55] : memref<16x10240xf32, #tpu.memory_space<vmem_shared>> -> memref<1x10240xf32, #tpu.memory_space<vmem_shared>>
      %dma_wait3A_57 = tpu.memref_squeeze %dma_wait3A_56 : memref<1x10240xf32, #tpu.memory_space<vmem_shared>> -> memref<10240xf32, #tpu.memory_space<vmem_shared>>
      %dma_wait3A_58 = arith.constant 0 : i32
      %dma_wait3A_59 = tpu.memref_slice %arg8[%arg1, %dma_wait3A_58] : memref<16x10240xf32, #tpu.memory_space<vmem_shared>> -> memref<1x10240xf32, #tpu.memory_space<vmem_shared>>
      %dma_wait3A_60 = tpu.memref_squeeze %dma_wait3A_59 : memref<1x10240xf32, #tpu.memory_space<vmem_shared>> -> memref<10240xf32, #tpu.memory_space<vmem_shared>>
      tpu.wait_dma2 semaphore(%run_scoped3A : memref<!tpu.dma_semaphore, #tpu.memory_space<semaphore_mem>>) src(%arg5 : memref<10240xf32, #tpu.memory_space<vmem>>) dst(%dma_wait3A_60 : memref<10240xf32, #tpu.memory_space<vmem_shared>>)
      tpu.yield
    }) : () -> ()
    %barrier3A = arith.constant 0 : index
    tpu.barrier barrier_id(%barrier3A)
    %mul3A_37 = arith.constant 640 : i32
    %mul3A_38 = arith.muli %arg1, %mul3A_37 : i32
    "tpu.region"() ({
      %run_scoped3A = tpu.sem_alloc : memref<!tpu.dma_semaphore, #tpu.memory_space<semaphore_mem>>
      %dma_start3A_49 = arith.constant 0 : i32
      %dma_start3A_50 = tpu.memref_slice %arg8[%dma_start3A_49, %mul3A_38] : memref<16x10240xf32, #tpu.memory_space<vmem_shared>> -> memref<16x640xf32, #tpu.memory_space<vmem_shared>>
      %dma_start3A_51 = arith.constant 0 : i32
      %dma_start3A_52 = tpu.memref_slice %arg8[%dma_start3A_51, %mul3A_38] : memref<16x10240xf32, #tpu.memory_space<vmem_shared>> -> memref<16x640xf32, #tpu.memory_space<vmem_shared>>
      tpu.enqueue_dma source(%dma_start3A_52 : memref<16x640xf32, #tpu.memory_space<vmem_shared>>) target(%arg6 : memref<16x640xf32, #tpu.memory_space<vmem>>) target_semaphore(%run_scoped3A : memref<!tpu.dma_semaphore, #tpu.memory_space<semaphore_mem>>)
      %dma_wait3A_53 = arith.constant 0 : i32
      %dma_wait3A_54 = tpu.memref_slice %arg8[%dma_wait3A_53, %mul3A_38] : memref<16x10240xf32, #tpu.memory_space<vmem_shared>> -> memref<16x640xf32, #tpu.memory_space<vmem_shared>>
      %dma_wait3A_55 = arith.constant 0 : i32
      %dma_wait3A_56 = tpu.memref_slice %arg8[%dma_wait3A_55, %mul3A_38] : memref<16x10240xf32, #tpu.memory_space<vmem_shared>> -> memref<16x640xf32, #tpu.memory_space<vmem_shared>>
      tpu.wait_dma2 semaphore(%run_scoped3A : memref<!tpu.dma_semaphore, #tpu.memory_space<semaphore_mem>>) src(%dma_wait3A_56 : memref<16x640xf32, #tpu.memory_space<vmem_shared>>) dst(%arg6 : memref<16x640xf32, #tpu.memory_space<vmem>>)
      tpu.yield
    }) : () -> ()
    %scan3A_39 = arith.constant 0 : i32
    %scan3A_40 = arith.constant 40 : i32
    %scan3A_41 = arith.addi %scan3A_39, %scan3A_40 : i32
    %scan3A_42 = arith.constant 1 : i32
    scf.for %scan3A_49 = %scan3A_39 to %scan3A_41 step %scan3A_42  : i32 {
      %mul3A_50 = arith.constant 1 : i32
      %mul3A_51 = arith.muli %scan3A_49, %mul3A_50 : i32
      %add3A_52 = arith.constant 0 : i32
      %add3A_53 = arith.addi %add3A_52, %mul3A_51 : i32
      %mul3A_54 = arith.constant 16 : i32
      %mul3A_55 = arith.muli %add3A_53, %mul3A_54 : i32
      %get3A = arith.constant 0 : i32
      %get3A_56 = arith.index_cast %get3A : i32 to index
      %get3A_57 = arith.index_cast %mul3A_55 : i32 to index
      %get3A_58 = tpu.vector_load %arg6[%get3A_56, %get3A_57] {strides = array<i32>} : memref<16x640xf32, #tpu.memory_space<vmem>>, vector<16xf32>,
      %mul3A_59 = arith.constant 16 : i32
      %mul3A_60 = arith.muli %add3A_53, %mul3A_59 : i32
      %get3A_61 = arith.constant 1 : i32
      %get3A_62 = arith.index_cast %get3A_61 : i32 to index
      %get3A_63 = arith.index_cast %mul3A_60 : i32 to index
      %get3A_64 = tpu.vector_load %arg6[%get3A_62, %get3A_63] {strides = array<i32>} : memref<16x640xf32, #tpu.memory_space<vmem>>, vector<16xf32>,
      %add3A_65 = arith.addf %get3A_58, %get3A_64 : vector<16xf32>
      %mul3A_66 = arith.constant 16 : i32
      %mul3A_67 = arith.muli %add3A_53, %mul3A_66 : i32
      %get3A_68 = arith.constant 2 : i32
      %get3A_69 = arith.index_cast %get3A_68 : i32 to index
      %get3A_70 = arith.index_cast %mul3A_67 : i32 to index
      %get3A_71 = tpu.vector_load %arg6[%get3A_69, %get3A_70] {strides = array<i32>} : memref<16x640xf32, #tpu.memory_space<vmem>>, vector<16xf32>,
      %add3A_72 = arith.addf %add3A_65, %get3A_71 : vector<16xf32>
      %mul3A_73 = arith.constant 16 : i32
      %mul3A_74 = arith.muli %add3A_53, %mul3A_73 : i32
      %get3A_75 = arith.constant 3 : i32
      %get3A_76 = arith.index_cast %get3A_75 : i32 to index
      %get3A_77 = arith.index_cast %mul3A_74 : i32 to index
      %get3A_78 = tpu.vector_load %arg6[%get3A_76, %get3A_77] {strides = array<i32>} : memref<16x640xf32, #tpu.memory_space<vmem>>, vector<16xf32>,
      %add3A_79 = arith.addf %add3A_72, %get3A_78 : vector<16xf32>
      %mul3A_80 = arith.constant 16 : i32
      %mul3A_81 = arith.muli %add3A_53, %mul3A_80 : i32
      %get3A_82 = arith.constant 4 : i32
      %get3A_83 = arith.index_cast %get3A_82 : i32 to index
      %get3A_84 = arith.index_cast %mul3A_81 : i32 to index
      %get3A_85 = tpu.vector_load %arg6[%get3A_83, %get3A_84] {strides = array<i32>} : memref<16x640xf32, #tpu.memory_space<vmem>>, vector<16xf32>,
      %add3A_86 = arith.addf %add3A_79, %get3A_85 : vector<16xf32>
      %mul3A_87 = arith.constant 16 : i32
      %mul3A_88 = arith.muli %add3A_53, %mul3A_87 : i32
      %get3A_89 = arith.constant 5 : i32
      %get3A_90 = arith.index_cast %get3A_89 : i32 to index
      %get3A_91 = arith.index_cast %mul3A_88 : i32 to index
      %get3A_92 = tpu.vector_load %arg6[%get3A_90, %get3A_91] {strides = array<i32>} : memref<16x640xf32, #tpu.memory_space<vmem>>, vector<16xf32>,
      %add3A_93 = arith.addf %add3A_86, %get3A_92 : vector<16xf32>
      %mul3A_94 = arith.constant 16 : i32
      %mul3A_95 = arith.muli %add3A_53, %mul3A_94 : i32
      %get3A_96 = arith.constant 6 : i32
      %get3A_97 = arith.index_cast %get3A_96 : i32 to index
      %get3A_98 = arith.index_cast %mul3A_95 : i32 to index
      %get3A_99 = tpu.vector_load %arg6[%get3A_97, %get3A_98] {strides = array<i32>} : memref<16x640xf32, #tpu.memory_space<vmem>>, vector<16xf32>,
      %add3A_100 = arith.addf %add3A_93, %get3A_99 : vector<16xf32>
      %mul3A_101 = arith.constant 16 : i32
      %mul3A_102 = arith.muli %add3A_53, %mul3A_101 : i32
      %get3A_103 = arith.constant 7 : i32
      %get3A_104 = arith.index_cast %get3A_103 : i32 to index
      %get3A_105 = arith.index_cast %mul3A_102 : i32 to index
      %get3A_106 = tpu.vector_load %arg6[%get3A_104, %get3A_105] {strides = array<i32>} : memref<16x640xf32, #tpu.memory_space<vmem>>, vector<16xf32>,
      %add3A_107 = arith.addf %add3A_100, %get3A_106 : vector<16xf32>
      %mul3A_108 = arith.constant 16 : i32
      %mul3A_109 = arith.muli %add3A_53, %mul3A_108 : i32
      %get3A_110 = arith.constant 8 : i32
      %get3A_111 = arith.index_cast %get3A_110 : i32 to index
      %get3A_112 = arith.index_cast %mul3A_109 : i32 to index
      %get3A_113 = tpu.vector_load %arg6[%get3A_111, %get3A_112] {strides = array<i32>} : memref<16x640xf32, #tpu.memory_space<vmem>>, vector<16xf32>,
      %add3A_114 = arith.addf %add3A_107, %get3A_113 : vector<16xf32>
      %mul3A_115 = arith.constant 16 : i32
      %mul3A_116 = arith.muli %add3A_53, %mul3A_115 : i32
      %get3A_117 = arith.constant 9 : i32
      %get3A_118 = arith.index_cast %get3A_117 : i32 to index
      %get3A_119 = arith.index_cast %mul3A_116 : i32 to index
      %get3A_120 = tpu.vector_load %arg6[%get3A_118, %get3A_119] {strides = array<i32>} : memref<16x640xf32, #tpu.memory_space<vmem>>, vector<16xf32>,
      %add3A_121 = arith.addf %add3A_114, %get3A_120 : vector<16xf32>
      %mul3A_122 = arith.constant 16 : i32
      %mul3A_123 = arith.muli %add3A_53, %mul3A_122 : i32
      %get3A_124 = arith.constant 10 : i32
      %get3A_125 = arith.index_cast %get3A_124 : i32 to index
      %get3A_126 = arith.index_cast %mul3A_123 : i32 to index
      %get3A_127 = tpu.vector_load %arg6[%get3A_125, %get3A_126] {strides = array<i32>} : memref<16x640xf32, #tpu.memory_space<vmem>>, vector<16xf32>,
      %add3A_128 = arith.addf %add3A_121, %get3A_127 : vector<16xf32>
      %mul3A_129 = arith.constant 16 : i32
      %mul3A_130 = arith.muli %add3A_53, %mul3A_129 : i32
      %get3A_131 = arith.constant 11 : i32
      %get3A_132 = arith.index_cast %get3A_131 : i32 to index
      %get3A_133 = arith.index_cast %mul3A_130 : i32 to index
      %get3A_134 = tpu.vector_load %arg6[%get3A_132, %get3A_133] {strides = array<i32>} : memref<16x640xf32, #tpu.memory_space<vmem>>, vector<16xf32>,
      %add3A_135 = arith.addf %add3A_128, %get3A_134 : vector<16xf32>
      %mul3A_136 = arith.constant 16 : i32
      %mul3A_137 = arith.muli %add3A_53, %mul3A_136 : i32
      %get3A_138 = arith.constant 12 : i32
      %get3A_139 = arith.index_cast %get3A_138 : i32 to index
      %get3A_140 = arith.index_cast %mul3A_137 : i32 to index
      %get3A_141 = tpu.vector_load %arg6[%get3A_139, %get3A_140] {strides = array<i32>} : memref<16x640xf32, #tpu.memory_space<vmem>>, vector<16xf32>,
      %add3A_142 = arith.addf %add3A_135, %get3A_141 : vector<16xf32>
      %mul3A_143 = arith.constant 16 : i32
      %mul3A_144 = arith.muli %add3A_53, %mul3A_143 : i32
      %get3A_145 = arith.constant 13 : i32
      %get3A_146 = arith.index_cast %get3A_145 : i32 to index
      %get3A_147 = arith.index_cast %mul3A_144 : i32 to index
      %get3A_148 = tpu.vector_load %arg6[%get3A_146, %get3A_147] {strides = array<i32>} : memref<16x640xf32, #tpu.memory_space<vmem>>, vector<16xf32>,
      %add3A_149 = arith.addf %add3A_142, %get3A_148 : vector<16xf32>
      %mul3A_150 = arith.constant 16 : i32
      %mul3A_151 = arith.muli %add3A_53, %mul3A_150 : i32
      %get3A_152 = arith.constant 14 : i32
      %get3A_153 = arith.index_cast %get3A_152 : i32 to index
      %get3A_154 = arith.index_cast %mul3A_151 : i32 to index
      %get3A_155 = tpu.vector_load %arg6[%get3A_153, %get3A_154] {strides = array<i32>} : memref<16x640xf32, #tpu.memory_space<vmem>>, vector<16xf32>,
      %add3A_156 = arith.addf %add3A_149, %get3A_155 : vector<16xf32>
      %mul3A_157 = arith.constant 16 : i32
      %mul3A_158 = arith.muli %add3A_53, %mul3A_157 : i32
      %get3A_159 = arith.constant 15 : i32
      %get3A_160 = arith.index_cast %get3A_159 : i32 to index
      %get3A_161 = arith.index_cast %mul3A_158 : i32 to index
      %get3A_162 = tpu.vector_load %arg6[%get3A_160, %get3A_161] {strides = array<i32>} : memref<16x640xf32, #tpu.memory_space<vmem>>, vector<16xf32>,
      %add3A_163 = arith.addf %add3A_156, %get3A_162 : vector<16xf32>
      %mul3A_164 = arith.constant 16 : i32
      %mul3A_165 = arith.muli %add3A_53, %mul3A_164 : i32
      %swap3A = arith.index_cast %mul3A_165 : i32 to index
      %swap3A_166 = tpu.vector_load %arg5[%swap3A] {strides = array<i32>} : memref<10240xf32, #tpu.memory_space<vmem>>, vector<16xf32>,
      tpu.vector_store %arg5[%swap3A], %add3A_163 {strides = array<i32>} : memref<10240xf32, #tpu.memory_space<vmem>>, vector<16xf32>,
    }
    %scan3A_43 = arith.constant 40 : i32
    %scan3A_44 = arith.constant 0 : i32
    %scan3A_45 = arith.constant 10 : i32
    %scan3A_46 = arith.addi %scan3A_44, %scan3A_45 : i32
    %scan3A_47 = arith.constant 1 : i32
    scf.for %scan3A_49 = %scan3A_44 to %scan3A_46 step %scan3A_47  : i32 {
      %mul3A_50 = arith.constant 1 : i32
      %mul3A_51 = arith.muli %scan3A_49, %mul3A_50 : i32
      %add3A_52 = arith.constant 0 : i32
      %add3A_53 = arith.addi %add3A_52, %mul3A_51 : i32
      %mul3A_54 = arith.constant 64 : i32
      %mul3A_55 = arith.muli %add3A_53, %mul3A_54 : i32
      %add3A_56 = arith.constant 0 : i32
      %add3A_57 = arith.addi %mul3A_55, %add3A_56 : i32
      %get3A = arith.index_cast %add3A_57 : i32 to index
      %get3A_58 = tpu.vector_load %arg5[%get3A] {strides = array<i32>} : memref<10240xf32, #tpu.memory_space<vmem>>, vector<16xf32>,
      %slice3A = vector.extract_strided_slice %get3A_58 {offsets = [0], sizes = [1], strides = [1]} : vector<16xf32> to vector<1xf32>
      %squeeze3A = vector.extract %slice3A[0] : f32 from vector<1xf32>
      %add3A_59 = vector.broadcast %squeeze3A : f32 to vector<16xf32>
      %add3A_60 = arith.addf %broadcast_in_dim3A_1, %add3A_59 : vector<16xf32>
      %swap3A = arith.constant 0 : i32
      %swap3A_61 = arith.index_cast %swap3A : i32 to index
      %swap3A_62 = arith.constant 0 : index
      %swap3A_63 = tpu.vector_load %arg7[%swap3A_61, %swap3A_62] {strides = array<i32>} : memref<64x128xf32, #tpu.memory_space<vmem>>, vector<16xf32>,
      tpu.vector_store %arg7[%swap3A_61, %swap3A_62], %add3A_60 {strides = array<i32>} : memref<64x128xf32, #tpu.memory_space<vmem>>, vector<16xf32>,
      %swap3A_64 = arith.constant 0 : i32
      %swap3A_65 = arith.index_cast %swap3A_64 : i32 to index
      %swap3A_66 = arith.constant 16 : index
      %swap3A_67 = tpu.vector_load %arg7[%swap3A_65, %swap3A_66] {strides = array<i32>} : memref<64x128xf32, #tpu.memory_space<vmem>>, vector<16xf32>,
      tpu.vector_store %arg7[%swap3A_65, %swap3A_66], %add3A_60 {strides = array<i32>} : memref<64x128xf32, #tpu.memory_space<vmem>>, vector<16xf32>,
      %swap3A_68 = arith.constant 0 : i32
      %swap3A_69 = arith.index_cast %swap3A_68 : i32 to index
      %swap3A_70 = arith.constant 32 : index
      %swap3A_71 = tpu.vector_load %arg7[%swap3A_69, %swap3A_70] {strides = array<i32>} : memref<64x128xf32, #tpu.memory_space<vmem>>, vector<16xf32>,
      tpu.vector_store %arg7[%swap3A_69, %swap3A_70], %add3A_60 {strides = array<i32>} : memref<64x128xf32, #tpu.memory_space<vmem>>, vector<16xf32>,
      %swap3A_72 = arith.constant 0 : i32
      %swap3A_73 = arith.index_cast %swap3A_72 : i32 to index
      %swap3A_74 = arith.constant 48 : index
      %swap3A_75 = tpu.vector_load %arg7[%swap3A_73, %swap3A_74] {strides = array<i32>} : memref<64x128xf32, #tpu.memory_space<vmem>>, vector<16xf32>,
      tpu.vector_store %arg7[%swap3A_73, %swap3A_74], %add3A_60 {strides = array<i32>} : memref<64x128xf32, #tpu.memory_space<vmem>>, vector<16xf32>,
      %swap3A_76 = arith.constant 0 : i32
      %swap3A_77 = arith.index_cast %swap3A_76 : i32 to index
      %swap3A_78 = arith.constant 64 : index
      %swap3A_79 = tpu.vector_load %arg7[%swap3A_77, %swap3A_78] {strides = array<i32>} : memref<64x128xf32, #tpu.memory_space<vmem>>, vector<16xf32>,
      tpu.vector_store %arg7[%swap3A_77, %swap3A_78], %add3A_60 {strides = array<i32>} : memref<64x128xf32, #tpu.memory_space<vmem>>, vector<16xf32>,
      %swap3A_80 = arith.constant 0 : i32
      %swap3A_81 = arith.index_cast %swap3A_80 : i32 to index
      %swap3A_82 = arith.constant 80 : index
      %swap3A_83 = tpu.vector_load %arg7[%swap3A_81, %swap3A_82] {strides = array<i32>} : memref<64x128xf32, #tpu.memory_space<vmem>>, vector<16xf32>,
      tpu.vector_store %arg7[%swap3A_81, %swap3A_82], %add3A_60 {strides = array<i32>} : memref<64x128xf32, #tpu.memory_space<vmem>>, vector<16xf32>,
      %swap3A_84 = arith.constant 0 : i32
      %swap3A_85 = arith.index_cast %swap3A_84 : i32 to index
      %swap3A_86 = arith.constant 96 : index
      %swap3A_87 = tpu.vector_load %arg7[%swap3A_85, %swap3A_86] {strides = array<i32>} : memref<64x128xf32, #tpu.memory_space<vmem>>, vector<16xf32>,
      tpu.vector_store %arg7[%swap3A_85, %swap3A_86], %add3A_60 {strides = array<i32>} : memref<64x128xf32, #tpu.memory_space<vmem>>, vector<16xf32>,
      %swap3A_88 = arith.constant 0 : i32
      %swap3A_89 = arith.index_cast %swap3A_88 : i32 to index
      %swap3A_90 = arith.constant 112 : index
      %swap3A_91 = tpu.vector_load %arg7[%swap3A_89, %swap3A_90] {strides = array<i32>} : memref<64x128xf32, #tpu.memory_space<vmem>>, vector<16xf32>,
      tpu.vector_store %arg7[%swap3A_89, %swap3A_90], %add3A_60 {strides = array<i32>} : memref<64x128xf32, #tpu.memory_space<vmem>>, vector<16xf32>,
      %slice3A_92 = vector.extract_strided_slice %get3A_58 {offsets = [1], sizes = [1], strides = [1]} : vector<16xf32> to vector<1xf32>
      %squeeze3A_93 = vector.extract %slice3A_92[0] : f32 from vector<1xf32>
      %add3A_94 = vector.broadcast %squeeze3A_93 : f32 to vector<16xf32>
      %add3A_95 = arith.addf %broadcast_in_dim3A_1, %add3A_94 : vector<16xf32>
      %swap3A_96 = arith.constant 1 : i32
      %swap3A_97 = arith.index_cast %swap3A_96 : i32 to index
      %swap3A_98 = arith.constant 0 : index
      %swap3A_99 = tpu.vector_load %arg7[%swap3A_97, %swap3A_98] {strides = array<i32>} : memref<64x128xf32, #tpu.memory_space<vmem>>, vector<16xf32>,
      tpu.vector_store %arg7[%swap3A_97, %swap3A_98], %add3A_95 {strides = array<i32>} : memref<64x128xf32, #tpu.memory_space<vmem>>, vector<16xf32>,
      %swap3A_100 = arith.constant 1 : i32
      %swap3A_101 = arith.index_cast %swap3A_100 : i32 to index
      %swap3A_102 = arith.constant 16 : index
      %swap3A_103 = tpu.vector_load %arg7[%swap3A_101, %swap3A_102] {strides = array<i32>} : memref<64x128xf32, #tpu.memory_space<vmem>>, vector<16xf32>,
      tpu.vector_store %arg7[%swap3A_101, %swap3A_102], %add3A_95 {strides = array<i32>} : memref<64x128xf32, #tpu.memory_space<vmem>>, vector<16xf32>,
      %swap3A_104 = arith.constant 1 : i32
      %swap3A_105 = arith.index_cast %swap3A_104 : i32 to index
      %swap3A_106 = arith.constant 32 : index
      %swap3A_107 = tpu.vector_load %arg7[%swap3A_105, %swap3A_106] {strides = array<i32>} : memref<64x128xf32, #tpu.memory_space<vmem>>, vector<16xf32>,
      tpu.vector_store %arg7[%swap3A_105, %swap3A_106], %add3A_95 {strides = array<i32>} : memref<64x128xf32, #tpu.memory_space<vmem>>, vector<16xf32>,
      %swap3A_108 = arith.constant 1 : i32
      %swap3A_109 = arith.index_cast %swap3A_108 : i32 to index
      %swap3A_110 = arith.constant 48 : index
      %swap3A_111 = tpu.vector_load %arg7[%swap3A_109, %swap3A_110] {strides = array<i32>} : memref<64x128xf32, #tpu.memory_space<vmem>>, vector<16xf32>,
      tpu.vector_store %arg7[%swap3A_109, %swap3A_110], %add3A_95 {strides = array<i32>} : memref<64x128xf32, #tpu.memory_space<vmem>>, vector<16xf32>,
      %swap3A_112 = arith.constant 1 : i32
      %swap3A_113 = arith.index_cast %swap3A_112 : i32 to index
      %swap3A_114 = arith.constant 64 : index
      %swap3A_115 = tpu.vector_load %arg7[%swap3A_113, %swap3A_114] {strides = array<i32>} : memref<64x128xf32, #tpu.memory_space<vmem>>, vector<16xf32>,
      tpu.vector_store %arg7[%swap3A_113, %swap3A_114], %add3A_95 {strides = array<i32>} : memref<64x128xf32, #tpu.memory_space<vmem>>, vector<16xf32>,
      %swap3A_116 = arith.constant 1 : i32
      %swap3A_117 = arith.index_cast %swap3A_116 : i32 to index
      %swap3A_118 = arith.constant 80 : index
      %swap3A_119 = tpu.vector_load %arg7[%swap3A_117, %swap3A_118] {strides = array<i32>} : memref<64x128xf32, #tpu.memory_space<vmem>>, vector<16xf32>,
      tpu.vector_store %arg7[%swap3A_117, %swap3A_118], %add3A_95 {strides = array<i32>} : memref<64x128xf32, #tpu.memory_space<vmem>>, vector<16xf32>,
      %swap3A_120 = arith.constant 1 : i32
      %swap3A_121 = arith.index_cast %swap3A_120 : i32 to index
      %swap3A_122 = arith.constant 96 : index
      %swap3A_123 = tpu.vector_load %arg7[%swap3A_121, %swap3A_122] {strides = array<i32>} : memref<64x128xf32, #tpu.memory_space<vmem>>, vector<16xf32>,
      tpu.vector_store %arg7[%swap3A_121, %swap3A_122], %add3A_95 {strides = array<i32>} : memref<64x128xf32, #tpu.memory_space<vmem>>, vector<16xf32>,
      %swap3A_124 = arith.constant 1 : i32
      %swap3A_125 = arith.index_cast %swap3A_124 : i32 to index
      %swap3A_126 = arith.constant 112 : index
      %swap3A_127 = tpu.vector_load %arg7[%swap3A_125, %swap3A_126] {strides = array<i32>} : memref<64x128xf32, #tpu.memory_space<vmem>>, vector<16xf32>,
      tpu.vector_store %arg7[%swap3A_125, %swap3A_126], %add3A_95 {strides = array<i32>} : memref<64x128xf32, #tpu.memory_space<vmem>>, vector<16xf32>,
      %slice3A_128 = vector.extract_strided_slice %get3A_58 {offsets = [2], sizes = [1], strides = [1]} : vector<16xf32> to vector<1xf32>
      %squeeze3A_129 = vector.extract %slice3A_128[0] : f32 from vector<1xf32>
      %add3A_130 = vector.broadcast %squeeze3A_129 : f32 to vector<16xf32>
      %add3A_131 = arith.addf %broadcast_in_dim3A_1, %add3A_130 : vector<16xf32>
      %swap3A_132 = arith.constant 2 : i32
      %swap3A_133 = arith.index_cast %swap3A_132 : i32 to index
      %swap3A_134 = arith.constant 0 : index
      %swap3A_135 = tpu.vector_load %arg7[%swap3A_133, %swap3A_134] {strides = array<i32>} : memref<64x128xf32, #tpu.memory_space<vmem>>, vector<16xf32>,
      tpu.vector_store %arg7[%swap3A_133, %swap3A_134], %add3A_131 {strides = array<i32>} : memref<64x128xf32, #tpu.memory_space<vmem>>, vector<16xf32>,
      %swap3A_136 = arith.constant 2 : i32
      %swap3A_137 = arith.index_cast %swap3A_136 : i32 to index
      %swap3A_138 = arith.constant 16 : index
      %swap3A_139 = tpu.vector_load %arg7[%swap3A_137, %swap3A_138] {strides = array<i32>} : memref<64x128xf32, #tpu.memory_space<vmem>>, vector<16xf32>,
      tpu.vector_store %arg7[%swap3A_137, %swap3A_138], %add3A_131 {strides = array<i32>} : memref<64x128xf32, #tpu.memory_space<vmem>>, vector<16xf32>,
      %swap3A_140 = arith.constant 2 : i32
      %swap3A_141 = arith.index_cast %swap3A_140 : i32 to index
      %swap3A_142 = arith.constant 32 : index
      %swap3A_143 = tpu.vector_load %arg7[%swap3A_141, %swap3A_142] {strides = array<i32>} : memref<64x128xf32, #tpu.memory_space<vmem>>, vector<16xf32>,
      tpu.vector_store %arg7[%swap3A_141, %swap3A_142], %add3A_131 {strides = array<i32>} : memref<64x128xf32, #tpu.memory_space<vmem>>, vector<16xf32>,
      %swap3A_144 = arith.constant 2 : i32
      %swap3A_145 = arith.index_cast %swap3A_144 : i32 to index
      %swap3A_146 = arith.constant 48 : index
      %swap3A_147 = tpu.vector_load %arg7[%swap3A_145, %swap3A_146] {strides = array<i32>} : memref<64x128xf32, #tpu.memory_space<vmem>>, vector<16xf32>,
      tpu.vector_store %arg7[%swap3A_145, %swap3A_146], %add3A_131 {strides = array<i32>} : memref<64x128xf32, #tpu.memory_space<vmem>>, vector<16xf32>,
      %swap3A_148 = arith.constant 2 : i32
      %swap3A_149 = arith.index_cast %swap3A_148 : i32 to index
      %swap3A_150 = arith.constant 64 : index
      %swap3A_151 = tpu.vector_load %arg7[%swap3A_149, %swap3A_150] {strides = array<i32>} : memref<64x128xf32, #tpu.memory_space<vmem>>, vector<16xf32>,
      tpu.vector_store %arg7[%swap3A_149, %swap3A_150], %add3A_131 {strides = array<i32>} : memref<64x128xf32, #tpu.memory_space<vmem>>, vector<16xf32>,
      %swap3A_152 = arith.constant 2 : i32
      %swap3A_153 = arith.index_cast %swap3A_152 : i32 to index
      %swap3A_154 = arith.constant 80 : index
      %swap3A_155 = tpu.vector_load %arg7[%swap3A_153, %swap3A_154] {strides = array<i32>} : memref<64x128xf32, #tpu.memory_space<vmem>>, vector<16xf32>,
      tpu.vector_store %arg7[%swap3A_153, %swap3A_154], %add3A_131 {strides = array<i32>} : memref<64x128xf32, #tpu.memory_space<vmem>>, vector<16xf32>,
      %swap3A_156 = arith.constant 2 : i32
      %swap3A_157 = arith.index_cast %swap3A_156 : i32 to index
      %swap3A_158 = arith.constant 96 : index
      %swap3A_159 = tpu.vector_load %arg7[%swap3A_157, %swap3A_158] {strides = array<i32>} : memref<64x128xf32, #tpu.memory_space<vmem>>, vector<16xf32>,
      tpu.vector_store %arg7[%swap3A_157, %swap3A_158], %add3A_131 {strides = array<i32>} : memref<64x128xf32, #tpu.memory_space<vmem>>, vector<16xf32>,
      %swap3A_160 = arith.constant 2 : i32
      %swap3A_161 = arith.index_cast %swap3A_160 : i32 to index
      %swap3A_162 = arith.constant 112 : index
      %swap3A_163 = tpu.vector_load %arg7[%swap3A_161, %swap3A_162] {strides = array<i32>} : memref<64x128xf32, #tpu.memory_space<vmem>>, vector<16xf32>,
      tpu.vector_store %arg7[%swap3A_161, %swap3A_162], %add3A_131 {strides = array<i32>} : memref<64x128xf32, #tpu.memory_space<vmem>>, vector<16xf32>,
      %slice3A_164 = vector.extract_strided_slice %get3A_58 {offsets = [3], sizes = [1], strides = [1]} : vector<16xf32> to vector<1xf32>
      %squeeze3A_165 = vector.extract %slice3A_164[0] : f32 from vector<1xf32>
      %add3A_166 = vector.broadcast %squeeze3A_165 : f32 to vector<16xf32>
      %add3A_167 = arith.addf %broadcast_in_dim3A_1, %add3A_166 : vector<16xf32>
      %swap3A_168 = arith.constant 3 : i32
      %swap3A_169 = arith.index_cast %swap3A_168 : i32 to index
      %swap3A_170 = arith.constant 0 : index
      %swap3A_171 = tpu.vector_load %arg7[%swap3A_169, %swap3A_170] {strides = array<i32>} : memref<64x128xf32, #tpu.memory_space<vmem>>, vector<16xf32>,
      tpu.vector_store %arg7[%swap3A_169, %swap3A_170], %add3A_167 {strides = array<i32>} : memref<64x128xf32, #tpu.memory_space<vmem>>, vector<16xf32>,
      %swap3A_172 = arith.constant 3 : i32
      %swap3A_173 = arith.index_cast %swap3A_172 : i32 to index
      %swap3A_174 = arith.constant 16 : index
      %swap3A_175 = tpu.vector_load %arg7[%swap3A_173, %swap3A_174] {strides = array<i32>} : memref<64x128xf32, #tpu.memory_space<vmem>>, vector<16xf32>,
      tpu.vector_store %arg7[%swap3A_173, %swap3A_174], %add3A_167 {strides = array<i32>} : memref<64x128xf32, #tpu.memory_space<vmem>>, vector<16xf32>,
      %swap3A_176 = arith.constant 3 : i32
      %swap3A_177 = arith.index_cast %swap3A_176 : i32 to index
      %swap3A_178 = arith.constant 32 : index
      %swap3A_179 = tpu.vector_load %arg7[%swap3A_177, %swap3A_178] {strides = array<i32>} : memref<64x128xf32, #tpu.memory_space<vmem>>, vector<16xf32>,
      tpu.vector_store %arg7[%swap3A_177, %swap3A_178], %add3A_167 {strides = array<i32>} : memref<64x128xf32, #tpu.memory_space<vmem>>, vector<16xf32>,
      %swap3A_180 = arith.constant 3 : i32
      %swap3A_181 = arith.index_cast %swap3A_180 : i32 to index
      %swap3A_182 = arith.constant 48 : index
      %swap3A_183 = tpu.vector_load %arg7[%swap3A_181, %swap3A_182] {strides = array<i32>} : memref<64x128xf32, #tpu.memory_space<vmem>>, vector<16xf32>,
      tpu.vector_store %arg7[%swap3A_181, %swap3A_182], %add3A_167 {strides = array<i32>} : memref<64x128xf32, #tpu.memory_space<vmem>>, vector<16xf32>,
      %swap3A_184 = arith.constant 3 : i32
      %swap3A_185 = arith.index_cast %swap3A_184 : i32 to index
      %swap3A_186 = arith.constant 64 : index
      %swap3A_187 = tpu.vector_load %arg7[%swap3A_185, %swap3A_186] {strides = array<i32>} : memref<64x128xf32, #tpu.memory_space<vmem>>, vector<16xf32>,
      tpu.vector_store %arg7[%swap3A_185, %swap3A_186], %add3A_167 {strides = array<i32>} : memref<64x128xf32, #tpu.memory_space<vmem>>, vector<16xf32>,
      %swap3A_188 = arith.constant 3 : i32
      %swap3A_189 = arith.index_cast %swap3A_188 : i32 to index
      %swap3A_190 = arith.constant 80 : index
      %swap3A_191 = tpu.vector_load %arg7[%swap3A_189, %swap3A_190] {strides = array<i32>} : memref<64x128xf32, #tpu.memory_space<vmem>>, vector<16xf32>,
      tpu.vector_store %arg7[%swap3A_189, %swap3A_190], %add3A_167 {strides = array<i32>} : memref<64x128xf32, #tpu.memory_space<vmem>>, vector<16xf32>,
      %swap3A_192 = arith.constant 3 : i32
      %swap3A_193 = arith.index_cast %swap3A_192 : i32 to index
      %swap3A_194 = arith.constant 96 : index
      %swap3A_195 = tpu.vector_load %arg7[%swap3A_193, %swap3A_194] {strides = array<i32>} : memref<64x128xf32, #tpu.memory_space<vmem>>, vector<16xf32>,
      tpu.vector_store %arg7[%swap3A_193, %swap3A_194], %add3A_167 {strides = array<i32>} : memref<64x128xf32, #tpu.memory_space<vmem>>, vector<16xf32>,
      %swap3A_196 = arith.constant 3 : i32
      %swap3A_197 = arith.index_cast %swap3A_196 : i32 to index
      %swap3A_198 = arith.constant 112 : index
      %swap3A_199 = tpu.vector_load %arg7[%swap3A_197, %swap3A_198] {strides = array<i32>} : memref<64x128xf32, #tpu.memory_space<vmem>>, vector<16xf32>,
      tpu.vector_store %arg7[%swap3A_197, %swap3A_198], %add3A_167 {strides = array<i32>} : memref<64x128xf32, #tpu.memory_space<vmem>>, vector<16xf32>,
      %slice3A_200 = vector.extract_strided_slice %get3A_58 {offsets = [4], sizes = [1], strides = [1]} : vector<16xf32> to vector<1xf32>
      %squeeze3A_201 = vector.extract %slice3A_200[0] : f32 from vector<1xf32>
      %add3A_202 = vector.broadcast %squeeze3A_201 : f32 to vector<16xf32>
      %add3A_203 = arith.addf %broadcast_in_dim3A_1, %add3A_202 : vector<16xf32>
      %swap3A_204 = arith.constant 4 : i32
      %swap3A_205 = arith.index_cast %swap3A_204 : i32 to index
      %swap3A_206 = arith.constant 0 : index
      %swap3A_207 = tpu.vector_load %arg7[%swap3A_205, %swap3A_206] {strides = array<i32>} : memref<64x128xf32, #tpu.memory_space<vmem>>, vector<16xf32>,
      tpu.vector_store %arg7[%swap3A_205, %swap3A_206], %add3A_203 {strides = array<i32>} : memref<64x128xf32, #tpu.memory_space<vmem>>, vector<16xf32>,
      %swap3A_208 = arith.constant 4 : i32
      %swap3A_209 = arith.index_cast %swap3A_208 : i32 to index
      %swap3A_210 = arith.constant 16 : index
      %swap3A_211 = tpu.vector_load %arg7[%swap3A_209, %swap3A_210] {strides = array<i32>} : memref<64x128xf32, #tpu.memory_space<vmem>>, vector<16xf32>,
      tpu.vector_store %arg7[%swap3A_209, %swap3A_210], %add3A_203 {strides = array<i32>} : memref<64x128xf32, #tpu.memory_space<vmem>>, vector<16xf32>,
      %swap3A_212 = arith.constant 4 : i32
      %swap3A_213 = arith.index_cast %swap3A_212 : i32 to index
      %swap3A_214 = arith.constant 32 : index
      %swap3A_215 = tpu.vector_load %arg7[%swap3A_213, %swap3A_214] {strides = array<i32>} : memref<64x128xf32, #tpu.memory_space<vmem>>, vector<16xf32>,
      tpu.vector_store %arg7[%swap3A_213, %swap3A_214], %add3A_203 {strides = array<i32>} : memref<64x128xf32, #tpu.memory_space<vmem>>, vector<16xf32>,
      %swap3A_216 = arith.constant 4 : i32
      %swap3A_217 = arith.index_cast %swap3A_216 : i32 to index
      %swap3A_218 = arith.constant 48 : index
      %swap3A_219 = tpu.vector_load %arg7[%swap3A_217, %swap3A_218] {strides = array<i32>} : memref<64x128xf32, #tpu.memory_space<vmem>>, vector<16xf32>,
      tpu.vector_store %arg7[%swap3A_217, %swap3A_218], %add3A_203 {strides = array<i32>} : memref<64x128xf32, #tpu.memory_space<vmem>>, vector<16xf32>,
      %swap3A_220 = arith.constant 4 : i32
      %swap3A_221 = arith.index_cast %swap3A_220 : i32 to index
      %swap3A_222 = arith.constant 64 : index
      %swap3A_223 = tpu.vector_load %arg7[%swap3A_221, %swap3A_222] {strides = array<i32>} : memref<64x128xf32, #tpu.memory_space<vmem>>, vector<16xf32>,
      tpu.vector_store %arg7[%swap3A_221, %swap3A_222], %add3A_203 {strides = array<i32>} : memref<64x128xf32, #tpu.memory_space<vmem>>, vector<16xf32>,
      %swap3A_224 = arith.constant 4 : i32
      %swap3A_225 = arith.index_cast %swap3A_224 : i32 to index
      %swap3A_226 = arith.constant 80 : index
      %swap3A_227 = tpu.vector_load %arg7[%swap3A_225, %swap3A_226] {strides = array<i32>} : memref<64x128xf32, #tpu.memory_space<vmem>>, vector<16xf32>,
      tpu.vector_store %arg7[%swap3A_225, %swap3A_226], %add3A_203 {strides = array<i32>} : memref<64x128xf32, #tpu.memory_space<vmem>>, vector<16xf32>,
      %swap3A_228 = arith.constant 4 : i32
      %swap3A_229 = arith.index_cast %swap3A_228 : i32 to index
      %swap3A_230 = arith.constant 96 : index
      %swap3A_231 = tpu.vector_load %arg7[%swap3A_229, %swap3A_230] {strides = array<i32>} : memref<64x128xf32, #tpu.memory_space<vmem>>, vector<16xf32>,
      tpu.vector_store %arg7[%swap3A_229, %swap3A_230], %add3A_203 {strides = array<i32>} : memref<64x128xf32, #tpu.memory_space<vmem>>, vector<16xf32>,
      %swap3A_232 = arith.constant 4 : i32
      %swap3A_233 = arith.index_cast %swap3A_232 : i32 to index
      %swap3A_234 = arith.constant 112 : index
      %swap3A_235 = tpu.vector_load %arg7[%swap3A_233, %swap3A_234] {strides = array<i32>} : memref<64x128xf32, #tpu.memory_space<vmem>>, vector<16xf32>,
      tpu.vector_store %arg7[%swap3A_233, %swap3A_234], %add3A_203 {strides = array<i32>} : memref<64x128xf32, #tpu.memory_space<vmem>>, vector<16xf32>,
      %slice3A_236 = vector.extract_strided_slice %get3A_58 {offsets = [5], sizes = [1], strides = [1]} : vector<16xf32> to vector<1xf32>
      %squeeze3A_237 = vector.extract %slice3A_236[0] : f32 from vector<1xf32>
      %add3A_238 = vector.broadcast %squeeze3A_237 : f32 to vector<16xf32>
      %add3A_239 = arith.addf %broadcast_in_dim3A_1, %add3A_238 : vector<16xf32>
      %swap3A_240 = arith.constant 5 : i32
      %swap3A_241 = arith.index_cast %swap3A_240 : i32 to index
      %swap3A_242 = arith.constant 0 : index
      %swap3A_243 = tpu.vector_load %arg7[%swap3A_241, %swap3A_242] {strides = array<i32>} : memref<64x128xf32, #tpu.memory_space<vmem>>, vector<16xf32>,
      tpu.vector_store %arg7[%swap3A_241, %swap3A_242], %add3A_239 {strides = array<i32>} : memref<64x128xf32, #tpu.memory_space<vmem>>, vector<16xf32>,
      %swap3A_244 = arith.constant 5 : i32
      %swap3A_245 = arith.index_cast %swap3A_244 : i32 to index
      %swap3A_246 = arith.constant 16 : index
      %swap3A_247 = tpu.vector_load %arg7[%swap3A_245, %swap3A_246] {strides = array<i32>} : memref<64x128xf32, #tpu.memory_space<vmem>>, vector<16xf32>,
      tpu.vector_store %arg7[%swap3A_245, %swap3A_246], %add3A_239 {strides = array<i32>} : memref<64x128xf32, #tpu.memory_space<vmem>>, vector<16xf32>,
      %swap3A_248 = arith.constant 5 : i32
      %swap3A_249 = arith.index_cast %swap3A_248 : i32 to index
      %swap3A_250 = arith.constant 32 : index
      %swap3A_251 = tpu.vector_load %arg7[%swap3A_249, %swap3A_250] {strides = array<i32>} : memref<64x128xf32, #tpu.memory_space<vmem>>, vector<16xf32>,
      tpu.vector_store %arg7[%swap3A_249, %swap3A_250], %add3A_239 {strides = array<i32>} : memref<64x128xf32, #tpu.memory_space<vmem>>, vector<16xf32>,
      %swap3A_252 = arith.constant 5 : i32
      %swap3A_253 = arith.index_cast %swap3A_252 : i32 to index
      %swap3A_254 = arith.constant 48 : index
      %swap3A_255 = tpu.vector_load %arg7[%swap3A_253, %swap3A_254] {strides = array<i32>} : memref<64x128xf32, #tpu.memory_space<vmem>>, vector<16xf32>,
      tpu.vector_store %arg7[%swap3A_253, %swap3A_254], %add3A_239 {strides = array<i32>} : memref<64x128xf32, #tpu.memory_space<vmem>>, vector<16xf32>,
      %swap3A_256 = arith.constant 5 : i32
      %swap3A_257 = arith.index_cast %swap3A_256 : i32 to index
      %swap3A_258 = arith.constant 64 : index
      %swap3A_259 = tpu.vector_load %arg7[%swap3A_257, %swap3A_258] {strides = array<i32>} : memref<64x128xf32, #tpu.memory_space<vmem>>, vector<16xf32>,
      tpu.vector_store %arg7[%swap3A_257, %swap3A_258], %add3A_239 {strides = array<i32>} : memref<64x128xf32, #tpu.memory_space<vmem>>, vector<16xf32>,
      %swap3A_260 = arith.constant 5 : i32
      %swap3A_261 = arith.index_cast %swap3A_260 : i32 to index
      %swap3A_262 = arith.constant 80 : index
      %swap3A_263 = tpu.vector_load %arg7[%swap3A_261, %swap3A_262] {strides = array<i32>} : memref<64x128xf32, #tpu.memory_space<vmem>>, vector<16xf32>,
      tpu.vector_store %arg7[%swap3A_261, %swap3A_262], %add3A_239 {strides = array<i32>} : memref<64x128xf32, #tpu.memory_space<vmem>>, vector<16xf32>,
      %swap3A_264 = arith.constant 5 : i32
      %swap3A_265 = arith.index_cast %swap3A_264 : i32 to index
      %swap3A_266 = arith.constant 96 : index
      %swap3A_267 = tpu.vector_load %arg7[%swap3A_265, %swap3A_266] {strides = array<i32>} : memref<64x128xf32, #tpu.memory_space<vmem>>, vector<16xf32>,
      tpu.vector_store %arg7[%swap3A_265, %swap3A_266], %add3A_239 {strides = array<i32>} : memref<64x128xf32, #tpu.memory_space<vmem>>, vector<16xf32>,
      %swap3A_268 = arith.constant 5 : i32
      %swap3A_269 = arith.index_cast %swap3A_268 : i32 to index
      %swap3A_270 = arith.constant 112 : index
      %swap3A_271 = tpu.vector_load %arg7[%swap3A_269, %swap3A_270] {strides = array<i32>} : memref<64x128xf32, #tpu.memory_space<vmem>>, vector<16xf32>,
      tpu.vector_store %arg7[%swap3A_269, %swap3A_270], %add3A_239 {strides = array<i32>} : memref<64x128xf32, #tpu.memory_space<vmem>>, vector<16xf32>,
      %slice3A_272 = vector.extract_strided_slice %get3A_58 {offsets = [6], sizes = [1], strides = [1]} : vector<16xf32> to vector<1xf32>
      %squeeze3A_273 = vector.extract %slice3A_272[0] : f32 from vector<1xf32>
      %add3A_274 = vector.broadcast %squeeze3A_273 : f32 to vector<16xf32>
      %add3A_275 = arith.addf %broadcast_in_dim3A_1, %add3A_274 : vector<16xf32>
      %swap3A_276 = arith.constant 6 : i32
      %swap3A_277 = arith.index_cast %swap3A_276 : i32 to index
      %swap3A_278 = arith.constant 0 : index
      %swap3A_279 = tpu.vector_load %arg7[%swap3A_277, %swap3A_278] {strides = array<i32>} : memref<64x128xf32, #tpu.memory_space<vmem>>, vector<16xf32>,
      tpu.vector_store %arg7[%swap3A_277, %swap3A_278], %add3A_275 {strides = array<i32>} : memref<64x128xf32, #tpu.memory_space<vmem>>, vector<16xf32>,
      %swap3A_280 = arith.constant 6 : i32
      %swap3A_281 = arith.index_cast %swap3A_280 : i32 to index
      %swap3A_282 = arith.constant 16 : index
      %swap3A_283 = tpu.vector_load %arg7[%swap3A_281, %swap3A_282] {strides = array<i32>} : memref<64x128xf32, #tpu.memory_space<vmem>>, vector<16xf32>,
      tpu.vector_store %arg7[%swap3A_281, %swap3A_282], %add3A_275 {strides = array<i32>} : memref<64x128xf32, #tpu.memory_space<vmem>>, vector<16xf32>,
      %swap3A_284 = arith.constant 6 : i32
      %swap3A_285 = arith.index_cast %swap3A_284 : i32 to index
      %swap3A_286 = arith.constant 32 : index
      %swap3A_287 = tpu.vector_load %arg7[%swap3A_285, %swap3A_286] {strides = array<i32>} : memref<64x128xf32, #tpu.memory_space<vmem>>, vector<16xf32>,
      tpu.vector_store %arg7[%swap3A_285, %swap3A_286], %add3A_275 {strides = array<i32>} : memref<64x128xf32, #tpu.memory_space<vmem>>, vector<16xf32>,
      %swap3A_288 = arith.constant 6 : i32
      %swap3A_289 = arith.index_cast %swap3A_288 : i32 to index
      %swap3A_290 = arith.constant 48 : index
      %swap3A_291 = tpu.vector_load %arg7[%swap3A_289, %swap3A_290] {strides = array<i32>} : memref<64x128xf32, #tpu.memory_space<vmem>>, vector<16xf32>,
      tpu.vector_store %arg7[%swap3A_289, %swap3A_290], %add3A_275 {strides = array<i32>} : memref<64x128xf32, #tpu.memory_space<vmem>>, vector<16xf32>,
      %swap3A_292 = arith.constant 6 : i32
      %swap3A_293 = arith.index_cast %swap3A_292 : i32 to index
      %swap3A_294 = arith.constant 64 : index
      %swap3A_295 = tpu.vector_load %arg7[%swap3A_293, %swap3A_294] {strides = array<i32>} : memref<64x128xf32, #tpu.memory_space<vmem>>, vector<16xf32>,
      tpu.vector_store %arg7[%swap3A_293, %swap3A_294], %add3A_275 {strides = array<i32>} : memref<64x128xf32, #tpu.memory_space<vmem>>, vector<16xf32>,
      %swap3A_296 = arith.constant 6 : i32
      %swap3A_297 = arith.index_cast %swap3A_296 : i32 to index
      %swap3A_298 = arith.constant 80 : index
      %swap3A_299 = tpu.vector_load %arg7[%swap3A_297, %swap3A_298] {strides = array<i32>} : memref<64x128xf32, #tpu.memory_space<vmem>>, vector<16xf32>,
      tpu.vector_store %arg7[%swap3A_297, %swap3A_298], %add3A_275 {strides = array<i32>} : memref<64x128xf32, #tpu.memory_space<vmem>>, vector<16xf32>,
      %swap3A_300 = arith.constant 6 : i32
      %swap3A_301 = arith.index_cast %swap3A_300 : i32 to index
      %swap3A_302 = arith.constant 96 : index
      %swap3A_303 = tpu.vector_load %arg7[%swap3A_301, %swap3A_302] {strides = array<i32>} : memref<64x128xf32, #tpu.memory_space<vmem>>, vector<16xf32>,
      tpu.vector_store %arg7[%swap3A_301, %swap3A_302], %add3A_275 {strides = array<i32>} : memref<64x128xf32, #tpu.memory_space<vmem>>, vector<16xf32>,
      %swap3A_304 = arith.constant 6 : i32
      %swap3A_305 = arith.index_cast %swap3A_304 : i32 to index
      %swap3A_306 = arith.constant 112 : index
      %swap3A_307 = tpu.vector_load %arg7[%swap3A_305, %swap3A_306] {strides = array<i32>} : memref<64x128xf32, #tpu.memory_space<vmem>>, vector<16xf32>,
      tpu.vector_store %arg7[%swap3A_305, %swap3A_306], %add3A_275 {strides = array<i32>} : memref<64x128xf32, #tpu.memory_space<vmem>>, vector<16xf32>,
      %slice3A_308 = vector.extract_strided_slice %get3A_58 {offsets = [7], sizes = [1], strides = [1]} : vector<16xf32> to vector<1xf32>
      %squeeze3A_309 = vector.extract %slice3A_308[0] : f32 from vector<1xf32>
      %add3A_310 = vector.broadcast %squeeze3A_309 : f32 to vector<16xf32>
      %add3A_311 = arith.addf %broadcast_in_dim3A_1, %add3A_310 : vector<16xf32>
      %swap3A_312 = arith.constant 7 : i32
      %swap3A_313 = arith.index_cast %swap3A_312 : i32 to index
      %swap3A_314 = arith.constant 0 : index
      %swap3A_315 = tpu.vector_load %arg7[%swap3A_313, %swap3A_314] {strides = array<i32>} : memref<64x128xf32, #tpu.memory_space<vmem>>, vector<16xf32>,
      tpu.vector_store %arg7[%swap3A_313, %swap3A_314], %add3A_311 {strides = array<i32>} : memref<64x128xf32, #tpu.memory_space<vmem>>, vector<16xf32>,
      %swap3A_316 = arith.constant 7 : i32
      %swap3A_317 = arith.index_cast %swap3A_316 : i32 to index
      %swap3A_318 = arith.constant 16 : index
      %swap3A_319 = tpu.vector_load %arg7[%swap3A_317, %swap3A_318] {strides = array<i32>} : memref<64x128xf32, #tpu.memory_space<vmem>>, vector<16xf32>,
      tpu.vector_store %arg7[%swap3A_317, %swap3A_318], %add3A_311 {strides = array<i32>} : memref<64x128xf32, #tpu.memory_space<vmem>>, vector<16xf32>,
      %swap3A_320 = arith.constant 7 : i32
      %swap3A_321 = arith.index_cast %swap3A_320 : i32 to index
      %swap3A_322 = arith.constant 32 : index
      %swap3A_323 = tpu.vector_load %arg7[%swap3A_321, %swap3A_322] {strides = array<i32>} : memref<64x128xf32, #tpu.memory_space<vmem>>, vector<16xf32>,
      tpu.vector_store %arg7[%swap3A_321, %swap3A_322], %add3A_311 {strides = array<i32>} : memref<64x128xf32, #tpu.memory_space<vmem>>, vector<16xf32>,
      %swap3A_324 = arith.constant 7 : i32
      %swap3A_325 = arith.index_cast %swap3A_324 : i32 to index
      %swap3A_326 = arith.constant 48 : index
      %swap3A_327 = tpu.vector_load %arg7[%swap3A_325, %swap3A_326] {strides = array<i32>} : memref<64x128xf32, #tpu.memory_space<vmem>>, vector<16xf32>,
      tpu.vector_store %arg7[%swap3A_325, %swap3A_326], %add3A_311 {strides = array<i32>} : memref<64x128xf32, #tpu.memory_space<vmem>>, vector<16xf32>,
      %swap3A_328 = arith.constant 7 : i32
      %swap3A_329 = arith.index_cast %swap3A_328 : i32 to index
      %swap3A_330 = arith.constant 64 : index
      %swap3A_331 = tpu.vector_load %arg7[%swap3A_329, %swap3A_330] {strides = array<i32>} : memref<64x128xf32, #tpu.memory_space<vmem>>, vector<16xf32>,
      tpu.vector_store %arg7[%swap3A_329, %swap3A_330], %add3A_311 {strides = array<i32>} : memref<64x128xf32, #tpu.memory_space<vmem>>, vector<16xf32>,
      %swap3A_332 = arith.constant 7 : i32
      %swap3A_333 = arith.index_cast %swap3A_332 : i32 to index
      %swap3A_334 = arith.constant 80 : index
      %swap3A_335 = tpu.vector_load %arg7[%swap3A_333, %swap3A_334] {strides = array<i32>} : memref<64x128xf32, #tpu.memory_space<vmem>>, vector<16xf32>,
      tpu.vector_store %arg7[%swap3A_333, %swap3A_334], %add3A_311 {strides = array<i32>} : memref<64x128xf32, #tpu.memory_space<vmem>>, vector<16xf32>,
      %swap3A_336 = arith.constant 7 : i32
      %swap3A_337 = arith.index_cast %swap3A_336 : i32 to index
      %swap3A_338 = arith.constant 96 : index
      %swap3A_339 = tpu.vector_load %arg7[%swap3A_337, %swap3A_338] {strides = array<i32>} : memref<64x128xf32, #tpu.memory_space<vmem>>, vector<16xf32>,
      tpu.vector_store %arg7[%swap3A_337, %swap3A_338], %add3A_311 {strides = array<i32>} : memref<64x128xf32, #tpu.memory_space<vmem>>, vector<16xf32>,
      %swap3A_340 = arith.constant 7 : i32
      %swap3A_341 = arith.index_cast %swap3A_340 : i32 to index
      %swap3A_342 = arith.constant 112 : index
      %swap3A_343 = tpu.vector_load %arg7[%swap3A_341, %swap3A_342] {strides = array<i32>} : memref<64x128xf32, #tpu.memory_space<vmem>>, vector<16xf32>,
      tpu.vector_store %arg7[%swap3A_341, %swap3A_342], %add3A_311 {strides = array<i32>} : memref<64x128xf32, #tpu.memory_space<vmem>>, vector<16xf32>,
      %slice3A_344 = vector.extract_strided_slice %get3A_58 {offsets = [8], sizes = [1], strides = [1]} : vector<16xf32> to vector<1xf32>
      %squeeze3A_345 = vector.extract %slice3A_344[0] : f32 from vector<1xf32>
      %add3A_346 = vector.broadcast %squeeze3A_345 : f32 to vector<16xf32>
      %add3A_347 = arith.addf %broadcast_in_dim3A_1, %add3A_346 : vector<16xf32>
      %swap3A_348 = arith.constant 8 : i32
      %swap3A_349 = arith.index_cast %swap3A_348 : i32 to index
      %swap3A_350 = arith.constant 0 : index
      %swap3A_351 = tpu.vector_load %arg7[%swap3A_349, %swap3A_350] {strides = array<i32>} : memref<64x128xf32, #tpu.memory_space<vmem>>, vector<16xf32>,
      tpu.vector_store %arg7[%swap3A_349, %swap3A_350], %add3A_347 {strides = array<i32>} : memref<64x128xf32, #tpu.memory_space<vmem>>, vector<16xf32>,
      %swap3A_352 = arith.constant 8 : i32
      %swap3A_353 = arith.index_cast %swap3A_352 : i32 to index
      %swap3A_354 = arith.constant 16 : index
      %swap3A_355 = tpu.vector_load %arg7[%swap3A_353, %swap3A_354] {strides = array<i32>} : memref<64x128xf32, #tpu.memory_space<vmem>>, vector<16xf32>,
      tpu.vector_store %arg7[%swap3A_353, %swap3A_354], %add3A_347 {strides = array<i32>} : memref<64x128xf32, #tpu.memory_space<vmem>>, vector<16xf32>,
      %swap3A_356 = arith.constant 8 : i32
      %swap3A_357 = arith.index_cast %swap3A_356 : i32 to index
      %swap3A_358 = arith.constant 32 : index
      %swap3A_359 = tpu.vector_load %arg7[%swap3A_357, %swap3A_358] {strides = array<i32>} : memref<64x128xf32, #tpu.memory_space<vmem>>, vector<16xf32>,
      tpu.vector_store %arg7[%swap3A_357, %swap3A_358], %add3A_347 {strides = array<i32>} : memref<64x128xf32, #tpu.memory_space<vmem>>, vector<16xf32>,
      %swap3A_360 = arith.constant 8 : i32
      %swap3A_361 = arith.index_cast %swap3A_360 : i32 to index
      %swap3A_362 = arith.constant 48 : index
      %swap3A_363 = tpu.vector_load %arg7[%swap3A_361, %swap3A_362] {strides = array<i32>} : memref<64x128xf32, #tpu.memory_space<vmem>>, vector<16xf32>,
      tpu.vector_store %arg7[%swap3A_361, %swap3A_362], %add3A_347 {strides = array<i32>} : memref<64x128xf32, #tpu.memory_space<vmem>>, vector<16xf32>,
      %swap3A_364 = arith.constant 8 : i32
      %swap3A_365 = arith.index_cast %swap3A_364 : i32 to index
      %swap3A_366 = arith.constant 64 : index
      %swap3A_367 = tpu.vector_load %arg7[%swap3A_365, %swap3A_366] {strides = array<i32>} : memref<64x128xf32, #tpu.memory_space<vmem>>, vector<16xf32>,
      tpu.vector_store %arg7[%swap3A_365, %swap3A_366], %add3A_347 {strides = array<i32>} : memref<64x128xf32, #tpu.memory_space<vmem>>, vector<16xf32>,
      %swap3A_368 = arith.constant 8 : i32
      %swap3A_369 = arith.index_cast %swap3A_368 : i32 to index
      %swap3A_370 = arith.constant 80 : index
      %swap3A_371 = tpu.vector_load %arg7[%swap3A_369, %swap3A_370] {strides = array<i32>} : memref<64x128xf32, #tpu.memory_space<vmem>>, vector<16xf32>,
      tpu.vector_store %arg7[%swap3A_369, %swap3A_370], %add3A_347 {strides = array<i32>} : memref<64x128xf32, #tpu.memory_space<vmem>>, vector<16xf32>,
      %swap3A_372 = arith.constant 8 : i32
      %swap3A_373 = arith.index_cast %swap3A_372 : i32 to index
      %swap3A_374 = arith.constant 96 : index
      %swap3A_375 = tpu.vector_load %arg7[%swap3A_373, %swap3A_374] {strides = array<i32>} : memref<64x128xf32, #tpu.memory_space<vmem>>, vector<16xf32>,
      tpu.vector_store %arg7[%swap3A_373, %swap3A_374], %add3A_347 {strides = array<i32>} : memref<64x128xf32, #tpu.memory_space<vmem>>, vector<16xf32>,
      %swap3A_376 = arith.constant 8 : i32
      %swap3A_377 = arith.index_cast %swap3A_376 : i32 to index
      %swap3A_378 = arith.constant 112 : index
      %swap3A_379 = tpu.vector_load %arg7[%swap3A_377, %swap3A_378] {strides = array<i32>} : memref<64x128xf32, #tpu.memory_space<vmem>>, vector<16xf32>,
      tpu.vector_store %arg7[%swap3A_377, %swap3A_378], %add3A_347 {strides = array<i32>} : memref<64x128xf32, #tpu.memory_space<vmem>>, vector<16xf32>,
      %slice3A_380 = vector.extract_strided_slice %get3A_58 {offsets = [9], sizes = [1], strides = [1]} : vector<16xf32> to vector<1xf32>
      %squeeze3A_381 = vector.extract %slice3A_380[0] : f32 from vector<1xf32>
      %add3A_382 = vector.broadcast %squeeze3A_381 : f32 to vector<16xf32>
      %add3A_383 = arith.addf %broadcast_in_dim3A_1, %add3A_382 : vector<16xf32>
      %swap3A_384 = arith.constant 9 : i32
      %swap3A_385 = arith.index_cast %swap3A_384 : i32 to index
      %swap3A_386 = arith.constant 0 : index
      %swap3A_387 = tpu.vector_load %arg7[%swap3A_385, %swap3A_386] {strides = array<i32>} : memref<64x128xf32, #tpu.memory_space<vmem>>, vector<16xf32>,
      tpu.vector_store %arg7[%swap3A_385, %swap3A_386], %add3A_383 {strides = array<i32>} : memref<64x128xf32, #tpu.memory_space<vmem>>, vector<16xf32>,
      %swap3A_388 = arith.constant 9 : i32
      %swap3A_389 = arith.index_cast %swap3A_388 : i32 to index
      %swap3A_390 = arith.constant 16 : index
      %swap3A_391 = tpu.vector_load %arg7[%swap3A_389, %swap3A_390] {strides = array<i32>} : memref<64x128xf32, #tpu.memory_space<vmem>>, vector<16xf32>,
      tpu.vector_store %arg7[%swap3A_389, %swap3A_390], %add3A_383 {strides = array<i32>} : memref<64x128xf32, #tpu.memory_space<vmem>>, vector<16xf32>,
      %swap3A_392 = arith.constant 9 : i32
      %swap3A_393 = arith.index_cast %swap3A_392 : i32 to index
      %swap3A_394 = arith.constant 32 : index
      %swap3A_395 = tpu.vector_load %arg7[%swap3A_393, %swap3A_394] {strides = array<i32>} : memref<64x128xf32, #tpu.memory_space<vmem>>, vector<16xf32>,
      tpu.vector_store %arg7[%swap3A_393, %swap3A_394], %add3A_383 {strides = array<i32>} : memref<64x128xf32, #tpu.memory_space<vmem>>, vector<16xf32>,
      %swap3A_396 = arith.constant 9 : i32
      %swap3A_397 = arith.index_cast %swap3A_396 : i32 to index
      %swap3A_398 = arith.constant 48 : index
      %swap3A_399 = tpu.vector_load %arg7[%swap3A_397, %swap3A_398] {strides = array<i32>} : memref<64x128xf32, #tpu.memory_space<vmem>>, vector<16xf32>,
      tpu.vector_store %arg7[%swap3A_397, %swap3A_398], %add3A_383 {strides = array<i32>} : memref<64x128xf32, #tpu.memory_space<vmem>>, vector<16xf32>,
      %swap3A_400 = arith.constant 9 : i32
      %swap3A_401 = arith.index_cast %swap3A_400 : i32 to index
      %swap3A_402 = arith.constant 64 : index
      %swap3A_403 = tpu.vector_load %arg7[%swap3A_401, %swap3A_402] {strides = array<i32>} : memref<64x128xf32, #tpu.memory_space<vmem>>, vector<16xf32>,
      tpu.vector_store %arg7[%swap3A_401, %swap3A_402], %add3A_383 {strides = array<i32>} : memref<64x128xf32, #tpu.memory_space<vmem>>, vector<16xf32>,
      %swap3A_404 = arith.constant 9 : i32
      %swap3A_405 = arith.index_cast %swap3A_404 : i32 to index
      %swap3A_406 = arith.constant 80 : index
      %swap3A_407 = tpu.vector_load %arg7[%swap3A_405, %swap3A_406] {strides = array<i32>} : memref<64x128xf32, #tpu.memory_space<vmem>>, vector<16xf32>,
      tpu.vector_store %arg7[%swap3A_405, %swap3A_406], %add3A_383 {strides = array<i32>} : memref<64x128xf32, #tpu.memory_space<vmem>>, vector<16xf32>,
      %swap3A_408 = arith.constant 9 : i32
      %swap3A_409 = arith.index_cast %swap3A_408 : i32 to index
      %swap3A_410 = arith.constant 96 : index
      %swap3A_411 = tpu.vector_load %arg7[%swap3A_409, %swap3A_410] {strides = array<i32>} : memref<64x128xf32, #tpu.memory_space<vmem>>, vector<16xf32>,
      tpu.vector_store %arg7[%swap3A_409, %swap3A_410], %add3A_383 {strides = array<i32>} : memref<64x128xf32, #tpu.memory_space<vmem>>, vector<16xf32>,
      %swap3A_412 = arith.constant 9 : i32
      %swap3A_413 = arith.index_cast %swap3A_412 : i32 to index
      %swap3A_414 = arith.constant 112 : index
      %swap3A_415 = tpu.vector_load %arg7[%swap3A_413, %swap3A_414] {strides = array<i32>} : memref<64x128xf32, #tpu.memory_space<vmem>>, vector<16xf32>,
      tpu.vector_store %arg7[%swap3A_413, %swap3A_414], %add3A_383 {strides = array<i32>} : memref<64x128xf32, #tpu.memory_space<vmem>>, vector<16xf32>,
      %slice3A_416 = vector.extract_strided_slice %get3A_58 {offsets = [10], sizes = [1], strides = [1]} : vector<16xf32> to vector<1xf32>
      %squeeze3A_417 = vector.extract %slice3A_416[0] : f32 from vector<1xf32>
      %add3A_418 = vector.broadcast %squeeze3A_417 : f32 to vector<16xf32>
      %add3A_419 = arith.addf %broadcast_in_dim3A_1, %add3A_418 : vector<16xf32>
      %swap3A_420 = arith.constant 10 : i32
      %swap3A_421 = arith.index_cast %swap3A_420 : i32 to index
      %swap3A_422 = arith.constant 0 : index
      %swap3A_423 = tpu.vector_load %arg7[%swap3A_421, %swap3A_422] {strides = array<i32>} : memref<64x128xf32, #tpu.memory_space<vmem>>, vector<16xf32>,
      tpu.vector_store %arg7[%swap3A_421, %swap3A_422], %add3A_419 {strides = array<i32>} : memref<64x128xf32, #tpu.memory_space<vmem>>, vector<16xf32>,
      %swap3A_424 = arith.constant 10 : i32
      %swap3A_425 = arith.index_cast %swap3A_424 : i32 to index
      %swap3A_426 = arith.constant 16 : index
      %swap3A_427 = tpu.vector_load %arg7[%swap3A_425, %swap3A_426] {strides = array<i32>} : memref<64x128xf32, #tpu.memory_space<vmem>>, vector<16xf32>,
      tpu.vector_store %arg7[%swap3A_425, %swap3A_426], %add3A_419 {strides = array<i32>} : memref<64x128xf32, #tpu.memory_space<vmem>>, vector<16xf32>,
      %swap3A_428 = arith.constant 10 : i32
      %swap3A_429 = arith.index_cast %swap3A_428 : i32 to index
      %swap3A_430 = arith.constant 32 : index
      %swap3A_431 = tpu.vector_load %arg7[%swap3A_429, %swap3A_430] {strides = array<i32>} : memref<64x128xf32, #tpu.memory_space<vmem>>, vector<16xf32>,
      tpu.vector_store %arg7[%swap3A_429, %swap3A_430], %add3A_419 {strides = array<i32>} : memref<64x128xf32, #tpu.memory_space<vmem>>, vector<16xf32>,
      %swap3A_432 = arith.constant 10 : i32
      %swap3A_433 = arith.index_cast %swap3A_432 : i32 to index
      %swap3A_434 = arith.constant 48 : index
      %swap3A_435 = tpu.vector_load %arg7[%swap3A_433, %swap3A_434] {strides = array<i32>} : memref<64x128xf32, #tpu.memory_space<vmem>>, vector<16xf32>,
      tpu.vector_store %arg7[%swap3A_433, %swap3A_434], %add3A_419 {strides = array<i32>} : memref<64x128xf32, #tpu.memory_space<vmem>>, vector<16xf32>,
      %swap3A_436 = arith.constant 10 : i32
      %swap3A_437 = arith.index_cast %swap3A_436 : i32 to index
      %swap3A_438 = arith.constant 64 : index
      %swap3A_439 = tpu.vector_load %arg7[%swap3A_437, %swap3A_438] {strides = array<i32>} : memref<64x128xf32, #tpu.memory_space<vmem>>, vector<16xf32>,
      tpu.vector_store %arg7[%swap3A_437, %swap3A_438], %add3A_419 {strides = array<i32>} : memref<64x128xf32, #tpu.memory_space<vmem>>, vector<16xf32>,
      %swap3A_440 = arith.constant 10 : i32
      %swap3A_441 = arith.index_cast %swap3A_440 : i32 to index
      %swap3A_442 = arith.constant 80 : index
      %swap3A_443 = tpu.vector_load %arg7[%swap3A_441, %swap3A_442] {strides = array<i32>} : memref<64x128xf32, #tpu.memory_space<vmem>>, vector<16xf32>,
      tpu.vector_store %arg7[%swap3A_441, %swap3A_442], %add3A_419 {strides = array<i32>} : memref<64x128xf32, #tpu.memory_space<vmem>>, vector<16xf32>,
      %swap3A_444 = arith.constant 10 : i32
      %swap3A_445 = arith.index_cast %swap3A_444 : i32 to index
      %swap3A_446 = arith.constant 96 : index
      %swap3A_447 = tpu.vector_load %arg7[%swap3A_445, %swap3A_446] {strides = array<i32>} : memref<64x128xf32, #tpu.memory_space<vmem>>, vector<16xf32>,
      tpu.vector_store %arg7[%swap3A_445, %swap3A_446], %add3A_419 {strides = array<i32>} : memref<64x128xf32, #tpu.memory_space<vmem>>, vector<16xf32>,
      %swap3A_448 = arith.constant 10 : i32
      %swap3A_449 = arith.index_cast %swap3A_448 : i32 to index
      %swap3A_450 = arith.constant 112 : index
      %swap3A_451 = tpu.vector_load %arg7[%swap3A_449, %swap3A_450] {strides = array<i32>} : memref<64x128xf32, #tpu.memory_space<vmem>>, vector<16xf32>,
      tpu.vector_store %arg7[%swap3A_449, %swap3A_450], %add3A_419 {strides = array<i32>} : memref<64x128xf32, #tpu.memory_space<vmem>>, vector<16xf32>,
      %slice3A_452 = vector.extract_strided_slice %get3A_58 {offsets = [11], sizes = [1], strides = [1]} : vector<16xf32> to vector<1xf32>
      %squeeze3A_453 = vector.extract %slice3A_452[0] : f32 from vector<1xf32>
      %add3A_454 = vector.broadcast %squeeze3A_453 : f32 to vector<16xf32>
      %add3A_455 = arith.addf %broadcast_in_dim3A_1, %add3A_454 : vector<16xf32>
      %swap3A_456 = arith.constant 11 : i32
      %swap3A_457 = arith.index_cast %swap3A_456 : i32 to index
      %swap3A_458 = arith.constant 0 : index
      %swap3A_459 = tpu.vector_load %arg7[%swap3A_457, %swap3A_458] {strides = array<i32>} : memref<64x128xf32, #tpu.memory_space<vmem>>, vector<16xf32>,
      tpu.vector_store %arg7[%swap3A_457, %swap3A_458], %add3A_455 {strides = array<i32>} : memref<64x128xf32, #tpu.memory_space<vmem>>, vector<16xf32>,
      %swap3A_460 = arith.constant 11 : i32
      %swap3A_461 = arith.index_cast %swap3A_460 : i32 to index
      %swap3A_462 = arith.constant 16 : index
      %swap3A_463 = tpu.vector_load %arg7[%swap3A_461, %swap3A_462] {strides = array<i32>} : memref<64x128xf32, #tpu.memory_space<vmem>>, vector<16xf32>,
      tpu.vector_store %arg7[%swap3A_461, %swap3A_462], %add3A_455 {strides = array<i32>} : memref<64x128xf32, #tpu.memory_space<vmem>>, vector<16xf32>,
      %swap3A_464 = arith.constant 11 : i32
      %swap3A_465 = arith.index_cast %swap3A_464 : i32 to index
      %swap3A_466 = arith.constant 32 : index
      %swap3A_467 = tpu.vector_load %arg7[%swap3A_465, %swap3A_466] {strides = array<i32>} : memref<64x128xf32, #tpu.memory_space<vmem>>, vector<16xf32>,
      tpu.vector_store %arg7[%swap3A_465, %swap3A_466], %add3A_455 {strides = array<i32>} : memref<64x128xf32, #tpu.memory_space<vmem>>, vector<16xf32>,
      %swap3A_468 = arith.constant 11 : i32
      %swap3A_469 = arith.index_cast %swap3A_468 : i32 to index
      %swap3A_470 = arith.constant 48 : index
      %swap3A_471 = tpu.vector_load %arg7[%swap3A_469, %swap3A_470] {strides = array<i32>} : memref<64x128xf32, #tpu.memory_space<vmem>>, vector<16xf32>,
      tpu.vector_store %arg7[%swap3A_469, %swap3A_470], %add3A_455 {strides = array<i32>} : memref<64x128xf32, #tpu.memory_space<vmem>>, vector<16xf32>,
      %swap3A_472 = arith.constant 11 : i32
      %swap3A_473 = arith.index_cast %swap3A_472 : i32 to index
      %swap3A_474 = arith.constant 64 : index
      %swap3A_475 = tpu.vector_load %arg7[%swap3A_473, %swap3A_474] {strides = array<i32>} : memref<64x128xf32, #tpu.memory_space<vmem>>, vector<16xf32>,
      tpu.vector_store %arg7[%swap3A_473, %swap3A_474], %add3A_455 {strides = array<i32>} : memref<64x128xf32, #tpu.memory_space<vmem>>, vector<16xf32>,
      %swap3A_476 = arith.constant 11 : i32
      %swap3A_477 = arith.index_cast %swap3A_476 : i32 to index
      %swap3A_478 = arith.constant 80 : index
      %swap3A_479 = tpu.vector_load %arg7[%swap3A_477, %swap3A_478] {strides = array<i32>} : memref<64x128xf32, #tpu.memory_space<vmem>>, vector<16xf32>,
      tpu.vector_store %arg7[%swap3A_477, %swap3A_478], %add3A_455 {strides = array<i32>} : memref<64x128xf32, #tpu.memory_space<vmem>>, vector<16xf32>,
      %swap3A_480 = arith.constant 11 : i32
      %swap3A_481 = arith.index_cast %swap3A_480 : i32 to index
      %swap3A_482 = arith.constant 96 : index
      %swap3A_483 = tpu.vector_load %arg7[%swap3A_481, %swap3A_482] {strides = array<i32>} : memref<64x128xf32, #tpu.memory_space<vmem>>, vector<16xf32>,
      tpu.vector_store %arg7[%swap3A_481, %swap3A_482], %add3A_455 {strides = array<i32>} : memref<64x128xf32, #tpu.memory_space<vmem>>, vector<16xf32>,
      %swap3A_484 = arith.constant 11 : i32
      %swap3A_485 = arith.index_cast %swap3A_484 : i32 to index
      %swap3A_486 = arith.constant 112 : index
      %swap3A_487 = tpu.vector_load %arg7[%swap3A_485, %swap3A_486] {strides = array<i32>} : memref<64x128xf32, #tpu.memory_space<vmem>>, vector<16xf32>,
      tpu.vector_store %arg7[%swap3A_485, %swap3A_486], %add3A_455 {strides = array<i32>} : memref<64x128xf32, #tpu.memory_space<vmem>>, vector<16xf32>,
      %slice3A_488 = vector.extract_strided_slice %get3A_58 {offsets = [12], sizes = [1], strides = [1]} : vector<16xf32> to vector<1xf32>
      %squeeze3A_489 = vector.extract %slice3A_488[0] : f32 from vector<1xf32>
      %add3A_490 = vector.broadcast %squeeze3A_489 : f32 to vector<16xf32>
      %add3A_491 = arith.addf %broadcast_in_dim3A_1, %add3A_490 : vector<16xf32>
      %swap3A_492 = arith.constant 12 : i32
      %swap3A_493 = arith.index_cast %swap3A_492 : i32 to index
      %swap3A_494 = arith.constant 0 : index
      %swap3A_495 = tpu.vector_load %arg7[%swap3A_493, %swap3A_494] {strides = array<i32>} : memref<64x128xf32, #tpu.memory_space<vmem>>, vector<16xf32>,
      tpu.vector_store %arg7[%swap3A_493, %swap3A_494], %add3A_491 {strides = array<i32>} : memref<64x128xf32, #tpu.memory_space<vmem>>, vector<16xf32>,
      %swap3A_496 = arith.constant 12 : i32
      %swap3A_497 = arith.index_cast %swap3A_496 : i32 to index
      %swap3A_498 = arith.constant 16 : index
      %swap3A_499 = tpu.vector_load %arg7[%swap3A_497, %swap3A_498] {strides = array<i32>} : memref<64x128xf32, #tpu.memory_space<vmem>>, vector<16xf32>,
      tpu.vector_store %arg7[%swap3A_497, %swap3A_498], %add3A_491 {strides = array<i32>} : memref<64x128xf32, #tpu.memory_space<vmem>>, vector<16xf32>,
      %swap3A_500 = arith.constant 12 : i32
      %swap3A_501 = arith.index_cast %swap3A_500 : i32 to index
      %swap3A_502 = arith.constant 32 : index
      %swap3A_503 = tpu.vector_load %arg7[%swap3A_501, %swap3A_502] {strides = array<i32>} : memref<64x128xf32, #tpu.memory_space<vmem>>, vector<16xf32>,
      tpu.vector_store %arg7[%swap3A_501, %swap3A_502], %add3A_491 {strides = array<i32>} : memref<64x128xf32, #tpu.memory_space<vmem>>, vector<16xf32>,
      %swap3A_504 = arith.constant 12 : i32
      %swap3A_505 = arith.index_cast %swap3A_504 : i32 to index
      %swap3A_506 = arith.constant 48 : index
      %swap3A_507 = tpu.vector_load %arg7[%swap3A_505, %swap3A_506] {strides = array<i32>} : memref<64x128xf32, #tpu.memory_space<vmem>>, vector<16xf32>,
      tpu.vector_store %arg7[%swap3A_505, %swap3A_506], %add3A_491 {strides = array<i32>} : memref<64x128xf32, #tpu.memory_space<vmem>>, vector<16xf32>,
      %swap3A_508 = arith.constant 12 : i32
      %swap3A_509 = arith.index_cast %swap3A_508 : i32 to index
      %swap3A_510 = arith.constant 64 : index
      %swap3A_511 = tpu.vector_load %arg7[%swap3A_509, %swap3A_510] {strides = array<i32>} : memref<64x128xf32, #tpu.memory_space<vmem>>, vector<16xf32>,
      tpu.vector_store %arg7[%swap3A_509, %swap3A_510], %add3A_491 {strides = array<i32>} : memref<64x128xf32, #tpu.memory_space<vmem>>, vector<16xf32>,
      %swap3A_512 = arith.constant 12 : i32
      %swap3A_513 = arith.index_cast %swap3A_512 : i32 to index
      %swap3A_514 = arith.constant 80 : index
      %swap3A_515 = tpu.vector_load %arg7[%swap3A_513, %swap3A_514] {strides = array<i32>} : memref<64x128xf32, #tpu.memory_space<vmem>>, vector<16xf32>,
      tpu.vector_store %arg7[%swap3A_513, %swap3A_514], %add3A_491 {strides = array<i32>} : memref<64x128xf32, #tpu.memory_space<vmem>>, vector<16xf32>,
      %swap3A_516 = arith.constant 12 : i32
      %swap3A_517 = arith.index_cast %swap3A_516 : i32 to index
      %swap3A_518 = arith.constant 96 : index
      %swap3A_519 = tpu.vector_load %arg7[%swap3A_517, %swap3A_518] {strides = array<i32>} : memref<64x128xf32, #tpu.memory_space<vmem>>, vector<16xf32>,
      tpu.vector_store %arg7[%swap3A_517, %swap3A_518], %add3A_491 {strides = array<i32>} : memref<64x128xf32, #tpu.memory_space<vmem>>, vector<16xf32>,
      %swap3A_520 = arith.constant 12 : i32
      %swap3A_521 = arith.index_cast %swap3A_520 : i32 to index
      %swap3A_522 = arith.constant 112 : index
      %swap3A_523 = tpu.vector_load %arg7[%swap3A_521, %swap3A_522] {strides = array<i32>} : memref<64x128xf32, #tpu.memory_space<vmem>>, vector<16xf32>,
      tpu.vector_store %arg7[%swap3A_521, %swap3A_522], %add3A_491 {strides = array<i32>} : memref<64x128xf32, #tpu.memory_space<vmem>>, vector<16xf32>,
      %slice3A_524 = vector.extract_strided_slice %get3A_58 {offsets = [13], sizes = [1], strides = [1]} : vector<16xf32> to vector<1xf32>
      %squeeze3A_525 = vector.extract %slice3A_524[0] : f32 from vector<1xf32>
      %add3A_526 = vector.broadcast %squeeze3A_525 : f32 to vector<16xf32>
      %add3A_527 = arith.addf %broadcast_in_dim3A_1, %add3A_526 : vector<16xf32>
      %swap3A_528 = arith.constant 13 : i32
      %swap3A_529 = arith.index_cast %swap3A_528 : i32 to index
      %swap3A_530 = arith.constant 0 : index
      %swap3A_531 = tpu.vector_load %arg7[%swap3A_529, %swap3A_530] {strides = array<i32>} : memref<64x128xf32, #tpu.memory_space<vmem>>, vector<16xf32>,
      tpu.vector_store %arg7[%swap3A_529, %swap3A_530], %add3A_527 {strides = array<i32>} : memref<64x128xf32, #tpu.memory_space<vmem>>, vector<16xf32>,
      %swap3A_532 = arith.constant 13 : i32
      %swap3A_533 = arith.index_cast %swap3A_532 : i32 to index
      %swap3A_534 = arith.constant 16 : index
      %swap3A_535 = tpu.vector_load %arg7[%swap3A_533, %swap3A_534] {strides = array<i32>} : memref<64x128xf32, #tpu.memory_space<vmem>>, vector<16xf32>,
      tpu.vector_store %arg7[%swap3A_533, %swap3A_534], %add3A_527 {strides = array<i32>} : memref<64x128xf32, #tpu.memory_space<vmem>>, vector<16xf32>,
      %swap3A_536 = arith.constant 13 : i32
      %swap3A_537 = arith.index_cast %swap3A_536 : i32 to index
      %swap3A_538 = arith.constant 32 : index
      %swap3A_539 = tpu.vector_load %arg7[%swap3A_537, %swap3A_538] {strides = array<i32>} : memref<64x128xf32, #tpu.memory_space<vmem>>, vector<16xf32>,
      tpu.vector_store %arg7[%swap3A_537, %swap3A_538], %add3A_527 {strides = array<i32>} : memref<64x128xf32, #tpu.memory_space<vmem>>, vector<16xf32>,
      %swap3A_540 = arith.constant 13 : i32
      %swap3A_541 = arith.index_cast %swap3A_540 : i32 to index
      %swap3A_542 = arith.constant 48 : index
      %swap3A_543 = tpu.vector_load %arg7[%swap3A_541, %swap3A_542] {strides = array<i32>} : memref<64x128xf32, #tpu.memory_space<vmem>>, vector<16xf32>,
      tpu.vector_store %arg7[%swap3A_541, %swap3A_542], %add3A_527 {strides = array<i32>} : memref<64x128xf32, #tpu.memory_space<vmem>>, vector<16xf32>,
      %swap3A_544 = arith.constant 13 : i32
      %swap3A_545 = arith.index_cast %swap3A_544 : i32 to index
      %swap3A_546 = arith.constant 64 : index
      %swap3A_547 = tpu.vector_load %arg7[%swap3A_545, %swap3A_546] {strides = array<i32>} : memref<64x128xf32, #tpu.memory_space<vmem>>, vector<16xf32>,
      tpu.vector_store %arg7[%swap3A_545, %swap3A_546], %add3A_527 {strides = array<i32>} : memref<64x128xf32, #tpu.memory_space<vmem>>, vector<16xf32>,
      %swap3A_548 = arith.constant 13 : i32
      %swap3A_549 = arith.index_cast %swap3A_548 : i32 to index
      %swap3A_550 = arith.constant 80 : index
      %swap3A_551 = tpu.vector_load %arg7[%swap3A_549, %swap3A_550] {strides = array<i32>} : memref<64x128xf32, #tpu.memory_space<vmem>>, vector<16xf32>,
      tpu.vector_store %arg7[%swap3A_549, %swap3A_550], %add3A_527 {strides = array<i32>} : memref<64x128xf32, #tpu.memory_space<vmem>>, vector<16xf32>,
      %swap3A_552 = arith.constant 13 : i32
      %swap3A_553 = arith.index_cast %swap3A_552 : i32 to index
      %swap3A_554 = arith.constant 96 : index
      %swap3A_555 = tpu.vector_load %arg7[%swap3A_553, %swap3A_554] {strides = array<i32>} : memref<64x128xf32, #tpu.memory_space<vmem>>, vector<16xf32>,
      tpu.vector_store %arg7[%swap3A_553, %swap3A_554], %add3A_527 {strides = array<i32>} : memref<64x128xf32, #tpu.memory_space<vmem>>, vector<16xf32>,
      %swap3A_556 = arith.constant 13 : i32
      %swap3A_557 = arith.index_cast %swap3A_556 : i32 to index
      %swap3A_558 = arith.constant 112 : index
      %swap3A_559 = tpu.vector_load %arg7[%swap3A_557, %swap3A_558] {strides = array<i32>} : memref<64x128xf32, #tpu.memory_space<vmem>>, vector<16xf32>,
      tpu.vector_store %arg7[%swap3A_557, %swap3A_558], %add3A_527 {strides = array<i32>} : memref<64x128xf32, #tpu.memory_space<vmem>>, vector<16xf32>,
      %slice3A_560 = vector.extract_strided_slice %get3A_58 {offsets = [14], sizes = [1], strides = [1]} : vector<16xf32> to vector<1xf32>
      %squeeze3A_561 = vector.extract %slice3A_560[0] : f32 from vector<1xf32>
      %add3A_562 = vector.broadcast %squeeze3A_561 : f32 to vector<16xf32>
      %add3A_563 = arith.addf %broadcast_in_dim3A_1, %add3A_562 : vector<16xf32>
      %swap3A_564 = arith.constant 14 : i32
      %swap3A_565 = arith.index_cast %swap3A_564 : i32 to index
      %swap3A_566 = arith.constant 0 : index
      %swap3A_567 = tpu.vector_load %arg7[%swap3A_565, %swap3A_566] {strides = array<i32>} : memref<64x128xf32, #tpu.memory_space<vmem>>, vector<16xf32>,
      tpu.vector_store %arg7[%swap3A_565, %swap3A_566], %add3A_563 {strides = array<i32>} : memref<64x128xf32, #tpu.memory_space<vmem>>, vector<16xf32>,
      %swap3A_568 = arith.constant 14 : i32
      %swap3A_569 = arith.index_cast %swap3A_568 : i32 to index
      %swap3A_570 = arith.constant 16 : index
      %swap3A_571 = tpu.vector_load %arg7[%swap3A_569, %swap3A_570] {strides = array<i32>} : memref<64x128xf32, #tpu.memory_space<vmem>>, vector<16xf32>,
      tpu.vector_store %arg7[%swap3A_569, %swap3A_570], %add3A_563 {strides = array<i32>} : memref<64x128xf32, #tpu.memory_space<vmem>>, vector<16xf32>,
      %swap3A_572 = arith.constant 14 : i32
      %swap3A_573 = arith.index_cast %swap3A_572 : i32 to index
      %swap3A_574 = arith.constant 32 : index
      %swap3A_575 = tpu.vector_load %arg7[%swap3A_573, %swap3A_574] {strides = array<i32>} : memref<64x128xf32, #tpu.memory_space<vmem>>, vector<16xf32>,
      tpu.vector_store %arg7[%swap3A_573, %swap3A_574], %add3A_563 {strides = array<i32>} : memref<64x128xf32, #tpu.memory_space<vmem>>, vector<16xf32>,
      %swap3A_576 = arith.constant 14 : i32
      %swap3A_577 = arith.index_cast %swap3A_576 : i32 to index
      %swap3A_578 = arith.constant 48 : index
      %swap3A_579 = tpu.vector_load %arg7[%swap3A_577, %swap3A_578] {strides = array<i32>} : memref<64x128xf32, #tpu.memory_space<vmem>>, vector<16xf32>,
      tpu.vector_store %arg7[%swap3A_577, %swap3A_578], %add3A_563 {strides = array<i32>} : memref<64x128xf32, #tpu.memory_space<vmem>>, vector<16xf32>,
      %swap3A_580 = arith.constant 14 : i32
      %swap3A_581 = arith.index_cast %swap3A_580 : i32 to index
      %swap3A_582 = arith.constant 64 : index
      %swap3A_583 = tpu.vector_load %arg7[%swap3A_581, %swap3A_582] {strides = array<i32>} : memref<64x128xf32, #tpu.memory_space<vmem>>, vector<16xf32>,
      tpu.vector_store %arg7[%swap3A_581, %swap3A_582], %add3A_563 {strides = array<i32>} : memref<64x128xf32, #tpu.memory_space<vmem>>, vector<16xf32>,
      %swap3A_584 = arith.constant 14 : i32
      %swap3A_585 = arith.index_cast %swap3A_584 : i32 to index
      %swap3A_586 = arith.constant 80 : index
      %swap3A_587 = tpu.vector_load %arg7[%swap3A_585, %swap3A_586] {strides = array<i32>} : memref<64x128xf32, #tpu.memory_space<vmem>>, vector<16xf32>,
      tpu.vector_store %arg7[%swap3A_585, %swap3A_586], %add3A_563 {strides = array<i32>} : memref<64x128xf32, #tpu.memory_space<vmem>>, vector<16xf32>,
      %swap3A_588 = arith.constant 14 : i32
      %swap3A_589 = arith.index_cast %swap3A_588 : i32 to index
      %swap3A_590 = arith.constant 96 : index
      %swap3A_591 = tpu.vector_load %arg7[%swap3A_589, %swap3A_590] {strides = array<i32>} : memref<64x128xf32, #tpu.memory_space<vmem>>, vector<16xf32>,
      tpu.vector_store %arg7[%swap3A_589, %swap3A_590], %add3A_563 {strides = array<i32>} : memref<64x128xf32, #tpu.memory_space<vmem>>, vector<16xf32>,
      %swap3A_592 = arith.constant 14 : i32
      %swap3A_593 = arith.index_cast %swap3A_592 : i32 to index
      %swap3A_594 = arith.constant 112 : index
      %swap3A_595 = tpu.vector_load %arg7[%swap3A_593, %swap3A_594] {strides = array<i32>} : memref<64x128xf32, #tpu.memory_space<vmem>>, vector<16xf32>,
      tpu.vector_store %arg7[%swap3A_593, %swap3A_594], %add3A_563 {strides = array<i32>} : memref<64x128xf32, #tpu.memory_space<vmem>>, vector<16xf32>,
      %slice3A_596 = vector.extract_strided_slice %get3A_58 {offsets = [15], sizes = [1], strides = [1]} : vector<16xf32> to vector<1xf32>
      %squeeze3A_597 = vector.extract %slice3A_596[0] : f32 from vector<1xf32>
      %add3A_598 = vector.broadcast %squeeze3A_597 : f32 to vector<16xf32>
      %add3A_599 = arith.addf %broadcast_in_dim3A_1, %add3A_598 : vector<16xf32>
      %swap3A_600 = arith.constant 15 : i32
      %swap3A_601 = arith.index_cast %swap3A_600 : i32 to index
      %swap3A_602 = arith.constant 0 : index
      %swap3A_603 = tpu.vector_load %arg7[%swap3A_601, %swap3A_602] {strides = array<i32>} : memref<64x128xf32, #tpu.memory_space<vmem>>, vector<16xf32>,
      tpu.vector_store %arg7[%swap3A_601, %swap3A_602], %add3A_599 {strides = array<i32>} : memref<64x128xf32, #tpu.memory_space<vmem>>, vector<16xf32>,
      %swap3A_604 = arith.constant 15 : i32
      %swap3A_605 = arith.index_cast %swap3A_604 : i32 to index
      %swap3A_606 = arith.constant 16 : index
      %swap3A_607 = tpu.vector_load %arg7[%swap3A_605, %swap3A_606] {strides = array<i32>} : memref<64x128xf32, #tpu.memory_space<vmem>>, vector<16xf32>,
      tpu.vector_store %arg7[%swap3A_605, %swap3A_606], %add3A_599 {strides = array<i32>} : memref<64x128xf32, #tpu.memory_space<vmem>>, vector<16xf32>,
      %swap3A_608 = arith.constant 15 : i32
      %swap3A_609 = arith.index_cast %swap3A_608 : i32 to index
      %swap3A_610 = arith.constant 32 : index
      %swap3A_611 = tpu.vector_load %arg7[%swap3A_609, %swap3A_610] {strides = array<i32>} : memref<64x128xf32, #tpu.memory_space<vmem>>, vector<16xf32>,
      tpu.vector_store %arg7[%swap3A_609, %swap3A_610], %add3A_599 {strides = array<i32>} : memref<64x128xf32, #tpu.memory_space<vmem>>, vector<16xf32>,
      %swap3A_612 = arith.constant 15 : i32
      %swap3A_613 = arith.index_cast %swap3A_612 : i32 to index
      %swap3A_614 = arith.constant 48 : index
      %swap3A_615 = tpu.vector_load %arg7[%swap3A_613, %swap3A_614] {strides = array<i32>} : memref<64x128xf32, #tpu.memory_space<vmem>>, vector<16xf32>,
      tpu.vector_store %arg7[%swap3A_613, %swap3A_614], %add3A_599 {strides = array<i32>} : memref<64x128xf32, #tpu.memory_space<vmem>>, vector<16xf32>,
      %swap3A_616 = arith.constant 15 : i32
      %swap3A_617 = arith.index_cast %swap3A_616 : i32 to index
      %swap3A_618 = arith.constant 64 : index
      %swap3A_619 = tpu.vector_load %arg7[%swap3A_617, %swap3A_618] {strides = array<i32>} : memref<64x128xf32, #tpu.memory_space<vmem>>, vector<16xf32>,
      tpu.vector_store %arg7[%swap3A_617, %swap3A_618], %add3A_599 {strides = array<i32>} : memref<64x128xf32, #tpu.memory_space<vmem>>, vector<16xf32>,
      %swap3A_620 = arith.constant 15 : i32
      %swap3A_621 = arith.index_cast %swap3A_620 : i32 to index
      %swap3A_622 = arith.constant 80 : index
      %swap3A_623 = tpu.vector_load %arg7[%swap3A_621, %swap3A_622] {strides = array<i32>} : memref<64x128xf32, #tpu.memory_space<vmem>>, vector<16xf32>,
      tpu.vector_store %arg7[%swap3A_621, %swap3A_622], %add3A_599 {strides = array<i32>} : memref<64x128xf32, #tpu.memory_space<vmem>>, vector<16xf32>,
      %swap3A_624 = arith.constant 15 : i32
      %swap3A_625 = arith.index_cast %swap3A_624 : i32 to index
      %swap3A_626 = arith.constant 96 : index
      %swap3A_627 = tpu.vector_load %arg7[%swap3A_625, %swap3A_626] {strides = array<i32>} : memref<64x128xf32, #tpu.memory_space<vmem>>, vector<16xf32>,
      tpu.vector_store %arg7[%swap3A_625, %swap3A_626], %add3A_599 {strides = array<i32>} : memref<64x128xf32, #tpu.memory_space<vmem>>, vector<16xf32>,
      %swap3A_628 = arith.constant 15 : i32
      %swap3A_629 = arith.index_cast %swap3A_628 : i32 to index
      %swap3A_630 = arith.constant 112 : index
      %swap3A_631 = tpu.vector_load %arg7[%swap3A_629, %swap3A_630] {strides = array<i32>} : memref<64x128xf32, #tpu.memory_space<vmem>>, vector<16xf32>,
      tpu.vector_store %arg7[%swap3A_629, %swap3A_630], %add3A_599 {strides = array<i32>} : memref<64x128xf32, #tpu.memory_space<vmem>>, vector<16xf32>,
      %mul3A_632 = arith.constant 64 : i32
      %mul3A_633 = arith.muli %add3A_53, %mul3A_632 : i32
      %add3A_634 = arith.constant 16 : i32
      %add3A_635 = arith.addi %mul3A_633, %add3A_634 : i32
      %get3A_636 = arith.index_cast %add3A_635 : i32 to index
      %get3A_637 = tpu.vector_load %arg5[%get3A_636] {strides = array<i32>} : memref<10240xf32, #tpu.memory_space<vmem>>, vector<16xf32>,
      %slice3A_638 = vector.extract_strided_slice %get3A_637 {offsets = [0], sizes = [1], strides = [1]} : vector<16xf32> to vector<1xf32>
      %squeeze3A_639 = vector.extract %slice3A_638[0] : f32 from vector<1xf32>
      %add3A_640 = vector.broadcast %squeeze3A_639 : f32 to vector<16xf32>
      %add3A_641 = arith.addf %broadcast_in_dim3A_1, %add3A_640 : vector<16xf32>
      %swap3A_642 = arith.constant 16 : i32
      %swap3A_643 = arith.index_cast %swap3A_642 : i32 to index
      %swap3A_644 = arith.constant 0 : index
      %swap3A_645 = tpu.vector_load %arg7[%swap3A_643, %swap3A_644] {strides = array<i32>} : memref<64x128xf32, #tpu.memory_space<vmem>>, vector<16xf32>,
      tpu.vector_store %arg7[%swap3A_643, %swap3A_644], %add3A_641 {strides = array<i32>} : memref<64x128xf32, #tpu.memory_space<vmem>>, vector<16xf32>,
      %swap3A_646 = arith.constant 16 : i32
      %swap3A_647 = arith.index_cast %swap3A_646 : i32 to index
      %swap3A_648 = arith.constant 16 : index
      %swap3A_649 = tpu.vector_load %arg7[%swap3A_647, %swap3A_648] {strides = array<i32>} : memref<64x128xf32, #tpu.memory_space<vmem>>, vector<16xf32>,
      tpu.vector_store %arg7[%swap3A_647, %swap3A_648], %add3A_641 {strides = array<i32>} : memref<64x128xf32, #tpu.memory_space<vmem>>, vector<16xf32>,
      %swap3A_650 = arith.constant 16 : i32
      %swap3A_651 = arith.index_cast %swap3A_650 : i32 to index
      %swap3A_652 = arith.constant 32 : index
      %swap3A_653 = tpu.vector_load %arg7[%swap3A_651, %swap3A_652] {strides = array<i32>} : memref<64x128xf32, #tpu.memory_space<vmem>>, vector<16xf32>,
      tpu.vector_store %arg7[%swap3A_651, %swap3A_652], %add3A_641 {strides = array<i32>} : memref<64x128xf32, #tpu.memory_space<vmem>>, vector<16xf32>,
      %swap3A_654 = arith.constant 16 : i32
      %swap3A_655 = arith.index_cast %swap3A_654 : i32 to index
      %swap3A_656 = arith.constant 48 : index
      %swap3A_657 = tpu.vector_load %arg7[%swap3A_655, %swap3A_656] {strides = array<i32>} : memref<64x128xf32, #tpu.memory_space<vmem>>, vector<16xf32>,
      tpu.vector_store %arg7[%swap3A_655, %swap3A_656], %add3A_641 {strides = array<i32>} : memref<64x128xf32, #tpu.memory_space<vmem>>, vector<16xf32>,
      %swap3A_658 = arith.constant 16 : i32
      %swap3A_659 = arith.index_cast %swap3A_658 : i32 to index
      %swap3A_660 = arith.constant 64 : index
      %swap3A_661 = tpu.vector_load %arg7[%swap3A_659, %swap3A_660] {strides = array<i32>} : memref<64x128xf32, #tpu.memory_space<vmem>>, vector<16xf32>,
      tpu.vector_store %arg7[%swap3A_659, %swap3A_660], %add3A_641 {strides = array<i32>} : memref<64x128xf32, #tpu.memory_space<vmem>>, vector<16xf32>,
      %swap3A_662 = arith.constant 16 : i32
      %swap3A_663 = arith.index_cast %swap3A_662 : i32 to index
      %swap3A_664 = arith.constant 80 : index
      %swap3A_665 = tpu.vector_load %arg7[%swap3A_663, %swap3A_664] {strides = array<i32>} : memref<64x128xf32, #tpu.memory_space<vmem>>, vector<16xf32>,
      tpu.vector_store %arg7[%swap3A_663, %swap3A_664], %add3A_641 {strides = array<i32>} : memref<64x128xf32, #tpu.memory_space<vmem>>, vector<16xf32>,
      %swap3A_666 = arith.constant 16 : i32
      %swap3A_667 = arith.index_cast %swap3A_666 : i32 to index
      %swap3A_668 = arith.constant 96 : index
      %swap3A_669 = tpu.vector_load %arg7[%swap3A_667, %swap3A_668] {strides = array<i32>} : memref<64x128xf32, #tpu.memory_space<vmem>>, vector<16xf32>,
      tpu.vector_store %arg7[%swap3A_667, %swap3A_668], %add3A_641 {strides = array<i32>} : memref<64x128xf32, #tpu.memory_space<vmem>>, vector<16xf32>,
      %swap3A_670 = arith.constant 16 : i32
      %swap3A_671 = arith.index_cast %swap3A_670 : i32 to index
      %swap3A_672 = arith.constant 112 : index
      %swap3A_673 = tpu.vector_load %arg7[%swap3A_671, %swap3A_672] {strides = array<i32>} : memref<64x128xf32, #tpu.memory_space<vmem>>, vector<16xf32>,
      tpu.vector_store %arg7[%swap3A_671, %swap3A_672], %add3A_641 {strides = array<i32>} : memref<64x128xf32, #tpu.memory_space<vmem>>, vector<16xf32>,
      %slice3A_674 = vector.extract_strided_slice %get3A_637 {offsets = [1], sizes = [1], strides = [1]} : vector<16xf32> to vector<1xf32>
      %squeeze3A_675 = vector.extract %slice3A_674[0] : f32 from vector<1xf32>
      %add3A_676 = vector.broadcast %squeeze3A_675 : f32 to vector<16xf32>
      %add3A_677 = arith.addf %broadcast_in_dim3A_1, %add3A_676 : vector<16xf32>
      %swap3A_678 = arith.constant 17 : i32
      %swap3A_679 = arith.index_cast %swap3A_678 : i32 to index
      %swap3A_680 = arith.constant 0 : index
      %swap3A_681 = tpu.vector_load %arg7[%swap3A_679, %swap3A_680] {strides = array<i32>} : memref<64x128xf32, #tpu.memory_space<vmem>>, vector<16xf32>,
      tpu.vector_store %arg7[%swap3A_679, %swap3A_680], %add3A_677 {strides = array<i32>} : memref<64x128xf32, #tpu.memory_space<vmem>>, vector<16xf32>,
      %swap3A_682 = arith.constant 17 : i32
      %swap3A_683 = arith.index_cast %swap3A_682 : i32 to index
      %swap3A_684 = arith.constant 16 : index
      %swap3A_685 = tpu.vector_load %arg7[%swap3A_683, %swap3A_684] {strides = array<i32>} : memref<64x128xf32, #tpu.memory_space<vmem>>, vector<16xf32>,
      tpu.vector_store %arg7[%swap3A_683, %swap3A_684], %add3A_677 {strides = array<i32>} : memref<64x128xf32, #tpu.memory_space<vmem>>, vector<16xf32>,
      %swap3A_686 = arith.constant 17 : i32
      %swap3A_687 = arith.index_cast %swap3A_686 : i32 to index
      %swap3A_688 = arith.constant 32 : index
      %swap3A_689 = tpu.vector_load %arg7[%swap3A_687, %swap3A_688] {strides = array<i32>} : memref<64x128xf32, #tpu.memory_space<vmem>>, vector<16xf32>,
      tpu.vector_store %arg7[%swap3A_687, %swap3A_688], %add3A_677 {strides = array<i32>} : memref<64x128xf32, #tpu.memory_space<vmem>>, vector<16xf32>,
      %swap3A_690 = arith.constant 17 : i32
      %swap3A_691 = arith.index_cast %swap3A_690 : i32 to index
      %swap3A_692 = arith.constant 48 : index
      %swap3A_693 = tpu.vector_load %arg7[%swap3A_691, %swap3A_692] {strides = array<i32>} : memref<64x128xf32, #tpu.memory_space<vmem>>, vector<16xf32>,
      tpu.vector_store %arg7[%swap3A_691, %swap3A_692], %add3A_677 {strides = array<i32>} : memref<64x128xf32, #tpu.memory_space<vmem>>, vector<16xf32>,
      %swap3A_694 = arith.constant 17 : i32
      %swap3A_695 = arith.index_cast %swap3A_694 : i32 to index
      %swap3A_696 = arith.constant 64 : index
      %swap3A_697 = tpu.vector_load %arg7[%swap3A_695, %swap3A_696] {strides = array<i32>} : memref<64x128xf32, #tpu.memory_space<vmem>>, vector<16xf32>,
      tpu.vector_store %arg7[%swap3A_695, %swap3A_696], %add3A_677 {strides = array<i32>} : memref<64x128xf32, #tpu.memory_space<vmem>>, vector<16xf32>,
      %swap3A_698 = arith.constant 17 : i32
      %swap3A_699 = arith.index_cast %swap3A_698 : i32 to index
      %swap3A_700 = arith.constant 80 : index
      %swap3A_701 = tpu.vector_load %arg7[%swap3A_699, %swap3A_700] {strides = array<i32>} : memref<64x128xf32, #tpu.memory_space<vmem>>, vector<16xf32>,
      tpu.vector_store %arg7[%swap3A_699, %swap3A_700], %add3A_677 {strides = array<i32>} : memref<64x128xf32, #tpu.memory_space<vmem>>, vector<16xf32>,
      %swap3A_702 = arith.constant 17 : i32
      %swap3A_703 = arith.index_cast %swap3A_702 : i32 to index
      %swap3A_704 = arith.constant 96 : index
      %swap3A_705 = tpu.vector_load %arg7[%swap3A_703, %swap3A_704] {strides = array<i32>} : memref<64x128xf32, #tpu.memory_space<vmem>>, vector<16xf32>,
      tpu.vector_store %arg7[%swap3A_703, %swap3A_704], %add3A_677 {strides = array<i32>} : memref<64x128xf32, #tpu.memory_space<vmem>>, vector<16xf32>,
      %swap3A_706 = arith.constant 17 : i32
      %swap3A_707 = arith.index_cast %swap3A_706 : i32 to index
      %swap3A_708 = arith.constant 112 : index
      %swap3A_709 = tpu.vector_load %arg7[%swap3A_707, %swap3A_708] {strides = array<i32>} : memref<64x128xf32, #tpu.memory_space<vmem>>, vector<16xf32>,
      tpu.vector_store %arg7[%swap3A_707, %swap3A_708], %add3A_677 {strides = array<i32>} : memref<64x128xf32, #tpu.memory_space<vmem>>, vector<16xf32>,
      %slice3A_710 = vector.extract_strided_slice %get3A_637 {offsets = [2], sizes = [1], strides = [1]} : vector<16xf32> to vector<1xf32>
      %squeeze3A_711 = vector.extract %slice3A_710[0] : f32 from vector<1xf32>
      %add3A_712 = vector.broadcast %squeeze3A_711 : f32 to vector<16xf32>
      %add3A_713 = arith.addf %broadcast_in_dim3A_1, %add3A_712 : vector<16xf32>
      %swap3A_714 = arith.constant 18 : i32
      %swap3A_715 = arith.index_cast %swap3A_714 : i32 to index
      %swap3A_716 = arith.constant 0 : index
      %swap3A_717 = tpu.vector_load %arg7[%swap3A_715, %swap3A_716] {strides = array<i32>} : memref<64x128xf32, #tpu.memory_space<vmem>>, vector<16xf32>,
      tpu.vector_store %arg7[%swap3A_715, %swap3A_716], %add3A_713 {strides = array<i32>} : memref<64x128xf32, #tpu.memory_space<vmem>>, vector<16xf32>,
      %swap3A_718 = arith.constant 18 : i32
      %swap3A_719 = arith.index_cast %swap3A_718 : i32 to index
      %swap3A_720 = arith.constant 16 : index
      %swap3A_721 = tpu.vector_load %arg7[%swap3A_719, %swap3A_720] {strides = array<i32>} : memref<64x128xf32, #tpu.memory_space<vmem>>, vector<16xf32>,
      tpu.vector_store %arg7[%swap3A_719, %swap3A_720], %add3A_713 {strides = array<i32>} : memref<64x128xf32, #tpu.memory_space<vmem>>, vector<16xf32>,
      %swap3A_722 = arith.constant 18 : i32
      %swap3A_723 = arith.index_cast %swap3A_722 : i32 to index
      %swap3A_724 = arith.constant 32 : index
      %swap3A_725 = tpu.vector_load %arg7[%swap3A_723, %swap3A_724] {strides = array<i32>} : memref<64x128xf32, #tpu.memory_space<vmem>>, vector<16xf32>,
      tpu.vector_store %arg7[%swap3A_723, %swap3A_724], %add3A_713 {strides = array<i32>} : memref<64x128xf32, #tpu.memory_space<vmem>>, vector<16xf32>,
      %swap3A_726 = arith.constant 18 : i32
      %swap3A_727 = arith.index_cast %swap3A_726 : i32 to index
      %swap3A_728 = arith.constant 48 : index
      %swap3A_729 = tpu.vector_load %arg7[%swap3A_727, %swap3A_728] {strides = array<i32>} : memref<64x128xf32, #tpu.memory_space<vmem>>, vector<16xf32>,
      tpu.vector_store %arg7[%swap3A_727, %swap3A_728], %add3A_713 {strides = array<i32>} : memref<64x128xf32, #tpu.memory_space<vmem>>, vector<16xf32>,
      %swap3A_730 = arith.constant 18 : i32
      %swap3A_731 = arith.index_cast %swap3A_730 : i32 to index
      %swap3A_732 = arith.constant 64 : index
      %swap3A_733 = tpu.vector_load %arg7[%swap3A_731, %swap3A_732] {strides = array<i32>} : memref<64x128xf32, #tpu.memory_space<vmem>>, vector<16xf32>,
      tpu.vector_store %arg7[%swap3A_731, %swap3A_732], %add3A_713 {strides = array<i32>} : memref<64x128xf32, #tpu.memory_space<vmem>>, vector<16xf32>,
      %swap3A_734 = arith.constant 18 : i32
      %swap3A_735 = arith.index_cast %swap3A_734 : i32 to index
      %swap3A_736 = arith.constant 80 : index
      %swap3A_737 = tpu.vector_load %arg7[%swap3A_735, %swap3A_736] {strides = array<i32>} : memref<64x128xf32, #tpu.memory_space<vmem>>, vector<16xf32>,
      tpu.vector_store %arg7[%swap3A_735, %swap3A_736], %add3A_713 {strides = array<i32>} : memref<64x128xf32, #tpu.memory_space<vmem>>, vector<16xf32>,
      %swap3A_738 = arith.constant 18 : i32
      %swap3A_739 = arith.index_cast %swap3A_738 : i32 to index
      %swap3A_740 = arith.constant 96 : index
      %swap3A_741 = tpu.vector_load %arg7[%swap3A_739, %swap3A_740] {strides = array<i32>} : memref<64x128xf32, #tpu.memory_space<vmem>>, vector<16xf32>,
      tpu.vector_store %arg7[%swap3A_739, %swap3A_740], %add3A_713 {strides = array<i32>} : memref<64x128xf32, #tpu.memory_space<vmem>>, vector<16xf32>,
      %swap3A_742 = arith.constant 18 : i32
      %swap3A_743 = arith.index_cast %swap3A_742 : i32 to index
      %swap3A_744 = arith.constant 112 : index
      %swap3A_745 = tpu.vector_load %arg7[%swap3A_743, %swap3A_744] {strides = array<i32>} : memref<64x128xf32, #tpu.memory_space<vmem>>, vector<16xf32>,
      tpu.vector_store %arg7[%swap3A_743, %swap3A_744], %add3A_713 {strides = array<i32>} : memref<64x128xf32, #tpu.memory_space<vmem>>, vector<16xf32>,
      %slice3A_746 = vector.extract_strided_slice %get3A_637 {offsets = [3], sizes = [1], strides = [1]} : vector<16xf32> to vector<1xf32>
      %squeeze3A_747 = vector.extract %slice3A_746[0] : f32 from vector<1xf32>
      %add3A_748 = vector.broadcast %squeeze3A_747 : f32 to vector<16xf32>
      %add3A_749 = arith.addf %broadcast_in_dim3A_1, %add3A_748 : vector<16xf32>
      %swap3A_750 = arith.constant 19 : i32
      %swap3A_751 = arith.index_cast %swap3A_750 : i32 to index
      %swap3A_752 = arith.constant 0 : index
      %swap3A_753 = tpu.vector_load %arg7[%swap3A_751, %swap3A_752] {strides = array<i32>} : memref<64x128xf32, #tpu.memory_space<vmem>>, vector<16xf32>,
      tpu.vector_store %arg7[%swap3A_751, %swap3A_752], %add3A_749 {strides = array<i32>} : memref<64x128xf32, #tpu.memory_space<vmem>>, vector<16xf32>,
      %swap3A_754 = arith.constant 19 : i32
      %swap3A_755 = arith.index_cast %swap3A_754 : i32 to index
      %swap3A_756 = arith.constant 16 : index
      %swap3A_757 = tpu.vector_load %arg7[%swap3A_755, %swap3A_756] {strides = array<i32>} : memref<64x128xf32, #tpu.memory_space<vmem>>, vector<16xf32>,
      tpu.vector_store %arg7[%swap3A_755, %swap3A_756], %add3A_749 {strides = array<i32>} : memref<64x128xf32, #tpu.memory_space<vmem>>, vector<16xf32>,
      %swap3A_758 = arith.constant 19 : i32
      %swap3A_759 = arith.index_cast %swap3A_758 : i32 to index
      %swap3A_760 = arith.constant 32 : index
      %swap3A_761 = tpu.vector_load %arg7[%swap3A_759, %swap3A_760] {strides = array<i32>} : memref<64x128xf32, #tpu.memory_space<vmem>>, vector<16xf32>,
      tpu.vector_store %arg7[%swap3A_759, %swap3A_760], %add3A_749 {strides = array<i32>} : memref<64x128xf32, #tpu.memory_space<vmem>>, vector<16xf32>,
      %swap3A_762 = arith.constant 19 : i32
      %swap3A_763 = arith.index_cast %swap3A_762 : i32 to index
      %swap3A_764 = arith.constant 48 : index
      %swap3A_765 = tpu.vector_load %arg7[%swap3A_763, %swap3A_764] {strides = array<i32>} : memref<64x128xf32, #tpu.memory_space<vmem>>, vector<16xf32>,
      tpu.vector_store %arg7[%swap3A_763, %swap3A_764], %add3A_749 {strides = array<i32>} : memref<64x128xf32, #tpu.memory_space<vmem>>, vector<16xf32>,
      %swap3A_766 = arith.constant 19 : i32
      %swap3A_767 = arith.index_cast %swap3A_766 : i32 to index
      %swap3A_768 = arith.constant 64 : index
      %swap3A_769 = tpu.vector_load %arg7[%swap3A_767, %swap3A_768] {strides = array<i32>} : memref<64x128xf32, #tpu.memory_space<vmem>>, vector<16xf32>,
      tpu.vector_store %arg7[%swap3A_767, %swap3A_768], %add3A_749 {strides = array<i32>} : memref<64x128xf32, #tpu.memory_space<vmem>>, vector<16xf32>,
      %swap3A_770 = arith.constant 19 : i32
      %swap3A_771 = arith.index_cast %swap3A_770 : i32 to index
      %swap3A_772 = arith.constant 80 : index
      %swap3A_773 = tpu.vector_load %arg7[%swap3A_771, %swap3A_772] {strides = array<i32>} : memref<64x128xf32, #tpu.memory_space<vmem>>, vector<16xf32>,
      tpu.vector_store %arg7[%swap3A_771, %swap3A_772], %add3A_749 {strides = array<i32>} : memref<64x128xf32, #tpu.memory_space<vmem>>, vector<16xf32>,
      %swap3A_774 = arith.constant 19 : i32
      %swap3A_775 = arith.index_cast %swap3A_774 : i32 to index
      %swap3A_776 = arith.constant 96 : index
      %swap3A_777 = tpu.vector_load %arg7[%swap3A_775, %swap3A_776] {strides = array<i32>} : memref<64x128xf32, #tpu.memory_space<vmem>>, vector<16xf32>,
      tpu.vector_store %arg7[%swap3A_775, %swap3A_776], %add3A_749 {strides = array<i32>} : memref<64x128xf32, #tpu.memory_space<vmem>>, vector<16xf32>,
      %swap3A_778 = arith.constant 19 : i32
      %swap3A_779 = arith.index_cast %swap3A_778 : i32 to index
      %swap3A_780 = arith.constant 112 : index
      %swap3A_781 = tpu.vector_load %arg7[%swap3A_779, %swap3A_780] {strides = array<i32>} : memref<64x128xf32, #tpu.memory_space<vmem>>, vector<16xf32>,
      tpu.vector_store %arg7[%swap3A_779, %swap3A_780], %add3A_749 {strides = array<i32>} : memref<64x128xf32, #tpu.memory_space<vmem>>, vector<16xf32>,
      %slice3A_782 = vector.extract_strided_slice %get3A_637 {offsets = [4], sizes = [1], strides = [1]} : vector<16xf32> to vector<1xf32>
      %squeeze3A_783 = vector.extract %slice3A_782[0] : f32 from vector<1xf32>
      %add3A_784 = vector.broadcast %squeeze3A_783 : f32 to vector<16xf32>
      %add3A_785 = arith.addf %broadcast_in_dim3A_1, %add3A_784 : vector<16xf32>
      %swap3A_786 = arith.constant 20 : i32
      %swap3A_787 = arith.index_cast %swap3A_786 : i32 to index
      %swap3A_788 = arith.constant 0 : index
      %swap3A_789 = tpu.vector_load %arg7[%swap3A_787, %swap3A_788] {strides = array<i32>} : memref<64x128xf32, #tpu.memory_space<vmem>>, vector<16xf32>,
      tpu.vector_store %arg7[%swap3A_787, %swap3A_788], %add3A_785 {strides = array<i32>} : memref<64x128xf32, #tpu.memory_space<vmem>>, vector<16xf32>,
      %swap3A_790 = arith.constant 20 : i32
      %swap3A_791 = arith.index_cast %swap3A_790 : i32 to index
      %swap3A_792 = arith.constant 16 : index
      %swap3A_793 = tpu.vector_load %arg7[%swap3A_791, %swap3A_792] {strides = array<i32>} : memref<64x128xf32, #tpu.memory_space<vmem>>, vector<16xf32>,
      tpu.vector_store %arg7[%swap3A_791, %swap3A_792], %add3A_785 {strides = array<i32>} : memref<64x128xf32, #tpu.memory_space<vmem>>, vector<16xf32>,
      %swap3A_794 = arith.constant 20 : i32
      %swap3A_795 = arith.index_cast %swap3A_794 : i32 to index
      %swap3A_796 = arith.constant 32 : index
      %swap3A_797 = tpu.vector_load %arg7[%swap3A_795, %swap3A_796] {strides = array<i32>} : memref<64x128xf32, #tpu.memory_space<vmem>>, vector<16xf32>,
      tpu.vector_store %arg7[%swap3A_795, %swap3A_796], %add3A_785 {strides = array<i32>} : memref<64x128xf32, #tpu.memory_space<vmem>>, vector<16xf32>,
      %swap3A_798 = arith.constant 20 : i32
      %swap3A_799 = arith.index_cast %swap3A_798 : i32 to index
      %swap3A_800 = arith.constant 48 : index
      %swap3A_801 = tpu.vector_load %arg7[%swap3A_799, %swap3A_800] {strides = array<i32>} : memref<64x128xf32, #tpu.memory_space<vmem>>, vector<16xf32>,
      tpu.vector_store %arg7[%swap3A_799, %swap3A_800], %add3A_785 {strides = array<i32>} : memref<64x128xf32, #tpu.memory_space<vmem>>, vector<16xf32>,
      %swap3A_802 = arith.constant 20 : i32
      %swap3A_803 = arith.index_cast %swap3A_802 : i32 to index
      %swap3A_804 = arith.constant 64 : index
      %swap3A_805 = tpu.vector_load %arg7[%swap3A_803, %swap3A_804] {strides = array<i32>} : memref<64x128xf32, #tpu.memory_space<vmem>>, vector<16xf32>,
      tpu.vector_store %arg7[%swap3A_803, %swap3A_804], %add3A_785 {strides = array<i32>} : memref<64x128xf32, #tpu.memory_space<vmem>>, vector<16xf32>,
      %swap3A_806 = arith.constant 20 : i32
      %swap3A_807 = arith.index_cast %swap3A_806 : i32 to index
      %swap3A_808 = arith.constant 80 : index
      %swap3A_809 = tpu.vector_load %arg7[%swap3A_807, %swap3A_808] {strides = array<i32>} : memref<64x128xf32, #tpu.memory_space<vmem>>, vector<16xf32>,
      tpu.vector_store %arg7[%swap3A_807, %swap3A_808], %add3A_785 {strides = array<i32>} : memref<64x128xf32, #tpu.memory_space<vmem>>, vector<16xf32>,
      %swap3A_810 = arith.constant 20 : i32
      %swap3A_811 = arith.index_cast %swap3A_810 : i32 to index
      %swap3A_812 = arith.constant 96 : index
      %swap3A_813 = tpu.vector_load %arg7[%swap3A_811, %swap3A_812] {strides = array<i32>} : memref<64x128xf32, #tpu.memory_space<vmem>>, vector<16xf32>,
      tpu.vector_store %arg7[%swap3A_811, %swap3A_812], %add3A_785 {strides = array<i32>} : memref<64x128xf32, #tpu.memory_space<vmem>>, vector<16xf32>,
      %swap3A_814 = arith.constant 20 : i32
      %swap3A_815 = arith.index_cast %swap3A_814 : i32 to index
      %swap3A_816 = arith.constant 112 : index
      %swap3A_817 = tpu.vector_load %arg7[%swap3A_815, %swap3A_816] {strides = array<i32>} : memref<64x128xf32, #tpu.memory_space<vmem>>, vector<16xf32>,
      tpu.vector_store %arg7[%swap3A_815, %swap3A_816], %add3A_785 {strides = array<i32>} : memref<64x128xf32, #tpu.memory_space<vmem>>, vector<16xf32>,
      %slice3A_818 = vector.extract_strided_slice %get3A_637 {offsets = [5], sizes = [1], strides = [1]} : vector<16xf32> to vector<1xf32>
      %squeeze3A_819 = vector.extract %slice3A_818[0] : f32 from vector<1xf32>
      %add3A_820 = vector.broadcast %squeeze3A_819 : f32 to vector<16xf32>
      %add3A_821 = arith.addf %broadcast_in_dim3A_1, %add3A_820 : vector<16xf32>
      %swap3A_822 = arith.constant 21 : i32
      %swap3A_823 = arith.index_cast %swap3A_822 : i32 to index
      %swap3A_824 = arith.constant 0 : index
      %swap3A_825 = tpu.vector_load %arg7[%swap3A_823, %swap3A_824] {strides = array<i32>} : memref<64x128xf32, #tpu.memory_space<vmem>>, vector<16xf32>,
      tpu.vector_store %arg7[%swap3A_823, %swap3A_824], %add3A_821 {strides = array<i32>} : memref<64x128xf32, #tpu.memory_space<vmem>>, vector<16xf32>,
      %swap3A_826 = arith.constant 21 : i32
      %swap3A_827 = arith.index_cast %swap3A_826 : i32 to index
      %swap3A_828 = arith.constant 16 : index
      %swap3A_829 = tpu.vector_load %arg7[%swap3A_827, %swap3A_828] {strides = array<i32>} : memref<64x128xf32, #tpu.memory_space<vmem>>, vector<16xf32>,
      tpu.vector_store %arg7[%swap3A_827, %swap3A_828], %add3A_821 {strides = array<i32>} : memref<64x128xf32, #tpu.memory_space<vmem>>, vector<16xf32>,
      %swap3A_830 = arith.constant 21 : i32
      %swap3A_831 = arith.index_cast %swap3A_830 : i32 to index
      %swap3A_832 = arith.constant 32 : index
      %swap3A_833 = tpu.vector_load %arg7[%swap3A_831, %swap3A_832] {strides = array<i32>} : memref<64x128xf32, #tpu.memory_space<vmem>>, vector<16xf32>,
      tpu.vector_store %arg7[%swap3A_831, %swap3A_832], %add3A_821 {strides = array<i32>} : memref<64x128xf32, #tpu.memory_space<vmem>>, vector<16xf32>,
      %swap3A_834 = arith.constant 21 : i32
      %swap3A_835 = arith.index_cast %swap3A_834 : i32 to index
      %swap3A_836 = arith.constant 48 : index
      %swap3A_837 = tpu.vector_load %arg7[%swap3A_835, %swap3A_836] {strides = array<i32>} : memref<64x128xf32, #tpu.memory_space<vmem>>, vector<16xf32>,
      tpu.vector_store %arg7[%swap3A_835, %swap3A_836], %add3A_821 {strides = array<i32>} : memref<64x128xf32, #tpu.memory_space<vmem>>, vector<16xf32>,
      %swap3A_838 = arith.constant 21 : i32
      %swap3A_839 = arith.index_cast %swap3A_838 : i32 to index
      %swap3A_840 = arith.constant 64 : index
      %swap3A_841 = tpu.vector_load %arg7[%swap3A_839, %swap3A_840] {strides = array<i32>} : memref<64x128xf32, #tpu.memory_space<vmem>>, vector<16xf32>,
      tpu.vector_store %arg7[%swap3A_839, %swap3A_840], %add3A_821 {strides = array<i32>} : memref<64x128xf32, #tpu.memory_space<vmem>>, vector<16xf32>,
      %swap3A_842 = arith.constant 21 : i32
      %swap3A_843 = arith.index_cast %swap3A_842 : i32 to index
      %swap3A_844 = arith.constant 80 : index
      %swap3A_845 = tpu.vector_load %arg7[%swap3A_843, %swap3A_844] {strides = array<i32>} : memref<64x128xf32, #tpu.memory_space<vmem>>, vector<16xf32>,
      tpu.vector_store %arg7[%swap3A_843, %swap3A_844], %add3A_821 {strides = array<i32>} : memref<64x128xf32, #tpu.memory_space<vmem>>, vector<16xf32>,
      %swap3A_846 = arith.constant 21 : i32
      %swap3A_847 = arith.index_cast %swap3A_846 : i32 to index
      %swap3A_848 = arith.constant 96 : index
      %swap3A_849 = tpu.vector_load %arg7[%swap3A_847, %swap3A_848] {strides = array<i32>} : memref<64x128xf32, #tpu.memory_space<vmem>>, vector<16xf32>,
      tpu.vector_store %arg7[%swap3A_847, %swap3A_848], %add3A_821 {strides = array<i32>} : memref<64x128xf32, #tpu.memory_space<vmem>>, vector<16xf32>,
      %swap3A_850 = arith.constant 21 : i32
      %swap3A_851 = arith.index_cast %swap3A_850 : i32 to index
      %swap3A_852 = arith.constant 112 : index
      %swap3A_853 = tpu.vector_load %arg7[%swap3A_851, %swap3A_852] {strides = array<i32>} : memref<64x128xf32, #tpu.memory_space<vmem>>, vector<16xf32>,
      tpu.vector_store %arg7[%swap3A_851, %swap3A_852], %add3A_821 {strides = array<i32>} : memref<64x128xf32, #tpu.memory_space<vmem>>, vector<16xf32>,
      %slice3A_854 = vector.extract_strided_slice %get3A_637 {offsets = [6], sizes = [1], strides = [1]} : vector<16xf32> to vector<1xf32>
      %squeeze3A_855 = vector.extract %slice3A_854[0] : f32 from vector<1xf32>
      %add3A_856 = vector.broadcast %squeeze3A_855 : f32 to vector<16xf32>
      %add3A_857 = arith.addf %broadcast_in_dim3A_1, %add3A_856 : vector<16xf32>
      %swap3A_858 = arith.constant 22 : i32
      %swap3A_859 = arith.index_cast %swap3A_858 : i32 to index
      %swap3A_860 = arith.constant 0 : index
      %swap3A_861 = tpu.vector_load %arg7[%swap3A_859, %swap3A_860] {strides = array<i32>} : memref<64x128xf32, #tpu.memory_space<vmem>>, vector<16xf32>,
      tpu.vector_store %arg7[%swap3A_859, %swap3A_860], %add3A_857 {strides = array<i32>} : memref<64x128xf32, #tpu.memory_space<vmem>>, vector<16xf32>,
      %swap3A_862 = arith.constant 22 : i32
      %swap3A_863 = arith.index_cast %swap3A_862 : i32 to index
      %swap3A_864 = arith.constant 16 : index
      %swap3A_865 = tpu.vector_load %arg7[%swap3A_863, %swap3A_864] {strides = array<i32>} : memref<64x128xf32, #tpu.memory_space<vmem>>, vector<16xf32>,
      tpu.vector_store %arg7[%swap3A_863, %swap3A_864], %add3A_857 {strides = array<i32>} : memref<64x128xf32, #tpu.memory_space<vmem>>, vector<16xf32>,
      %swap3A_866 = arith.constant 22 : i32
      %swap3A_867 = arith.index_cast %swap3A_866 : i32 to index
      %swap3A_868 = arith.constant 32 : index
      %swap3A_869 = tpu.vector_load %arg7[%swap3A_867, %swap3A_868] {strides = array<i32>} : memref<64x128xf32, #tpu.memory_space<vmem>>, vector<16xf32>,
      tpu.vector_store %arg7[%swap3A_867, %swap3A_868], %add3A_857 {strides = array<i32>} : memref<64x128xf32, #tpu.memory_space<vmem>>, vector<16xf32>,
      %swap3A_870 = arith.constant 22 : i32
      %swap3A_871 = arith.index_cast %swap3A_870 : i32 to index
      %swap3A_872 = arith.constant 48 : index
      %swap3A_873 = tpu.vector_load %arg7[%swap3A_871, %swap3A_872] {strides = array<i32>} : memref<64x128xf32, #tpu.memory_space<vmem>>, vector<16xf32>,
      tpu.vector_store %arg7[%swap3A_871, %swap3A_872], %add3A_857 {strides = array<i32>} : memref<64x128xf32, #tpu.memory_space<vmem>>, vector<16xf32>,
      %swap3A_874 = arith.constant 22 : i32
      %swap3A_875 = arith.index_cast %swap3A_874 : i32 to index
      %swap3A_876 = arith.constant 64 : index
      %swap3A_877 = tpu.vector_load %arg7[%swap3A_875, %swap3A_876] {strides = array<i32>} : memref<64x128xf32, #tpu.memory_space<vmem>>, vector<16xf32>,
      tpu.vector_store %arg7[%swap3A_875, %swap3A_876], %add3A_857 {strides = array<i32>} : memref<64x128xf32, #tpu.memory_space<vmem>>, vector<16xf32>,
      %swap3A_878 = arith.constant 22 : i32
      %swap3A_879 = arith.index_cast %swap3A_878 : i32 to index
      %swap3A_880 = arith.constant 80 : index
      %swap3A_881 = tpu.vector_load %arg7[%swap3A_879, %swap3A_880] {strides = array<i32>} : memref<64x128xf32, #tpu.memory_space<vmem>>, vector<16xf32>,
      tpu.vector_store %arg7[%swap3A_879, %swap3A_880], %add3A_857 {strides = array<i32>} : memref<64x128xf32, #tpu.memory_space<vmem>>, vector<16xf32>,
      %swap3A_882 = arith.constant 22 : i32
      %swap3A_883 = arith.index_cast %swap3A_882 : i32 to index
      %swap3A_884 = arith.constant 96 : index
      %swap3A_885 = tpu.vector_load %arg7[%swap3A_883, %swap3A_884] {strides = array<i32>} : memref<64x128xf32, #tpu.memory_space<vmem>>, vector<16xf32>,
      tpu.vector_store %arg7[%swap3A_883, %swap3A_884], %add3A_857 {strides = array<i32>} : memref<64x128xf32, #tpu.memory_space<vmem>>, vector<16xf32>,
      %swap3A_886 = arith.constant 22 : i32
      %swap3A_887 = arith.index_cast %swap3A_886 : i32 to index
      %swap3A_888 = arith.constant 112 : index
      %swap3A_889 = tpu.vector_load %arg7[%swap3A_887, %swap3A_888] {strides = array<i32>} : memref<64x128xf32, #tpu.memory_space<vmem>>, vector<16xf32>,
      tpu.vector_store %arg7[%swap3A_887, %swap3A_888], %add3A_857 {strides = array<i32>} : memref<64x128xf32, #tpu.memory_space<vmem>>, vector<16xf32>,
      %slice3A_890 = vector.extract_strided_slice %get3A_637 {offsets = [7], sizes = [1], strides = [1]} : vector<16xf32> to vector<1xf32>
      %squeeze3A_891 = vector.extract %slice3A_890[0] : f32 from vector<1xf32>
      %add3A_892 = vector.broadcast %squeeze3A_891 : f32 to vector<16xf32>
      %add3A_893 = arith.addf %broadcast_in_dim3A_1, %add3A_892 : vector<16xf32>
      %swap3A_894 = arith.constant 23 : i32
      %swap3A_895 = arith.index_cast %swap3A_894 : i32 to index
      %swap3A_896 = arith.constant 0 : index
      %swap3A_897 = tpu.vector_load %arg7[%swap3A_895, %swap3A_896] {strides = array<i32>} : memref<64x128xf32, #tpu.memory_space<vmem>>, vector<16xf32>,
      tpu.vector_store %arg7[%swap3A_895, %swap3A_896], %add3A_893 {strides = array<i32>} : memref<64x128xf32, #tpu.memory_space<vmem>>, vector<16xf32>,
      %swap3A_898 = arith.constant 23 : i32
      %swap3A_899 = arith.index_cast %swap3A_898 : i32 to index
      %swap3A_900 = arith.constant 16 : index
      %swap3A_901 = tpu.vector_load %arg7[%swap3A_899, %swap3A_900] {strides = array<i32>} : memref<64x128xf32, #tpu.memory_space<vmem>>, vector<16xf32>,
      tpu.vector_store %arg7[%swap3A_899, %swap3A_900], %add3A_893 {strides = array<i32>} : memref<64x128xf32, #tpu.memory_space<vmem>>, vector<16xf32>,
      %swap3A_902 = arith.constant 23 : i32
      %swap3A_903 = arith.index_cast %swap3A_902 : i32 to index
      %swap3A_904 = arith.constant 32 : index
      %swap3A_905 = tpu.vector_load %arg7[%swap3A_903, %swap3A_904] {strides = array<i32>} : memref<64x128xf32, #tpu.memory_space<vmem>>, vector<16xf32>,
      tpu.vector_store %arg7[%swap3A_903, %swap3A_904], %add3A_893 {strides = array<i32>} : memref<64x128xf32, #tpu.memory_space<vmem>>, vector<16xf32>,
      %swap3A_906 = arith.constant 23 : i32
      %swap3A_907 = arith.index_cast %swap3A_906 : i32 to index
      %swap3A_908 = arith.constant 48 : index
      %swap3A_909 = tpu.vector_load %arg7[%swap3A_907, %swap3A_908] {strides = array<i32>} : memref<64x128xf32, #tpu.memory_space<vmem>>, vector<16xf32>,
      tpu.vector_store %arg7[%swap3A_907, %swap3A_908], %add3A_893 {strides = array<i32>} : memref<64x128xf32, #tpu.memory_space<vmem>>, vector<16xf32>,
      %swap3A_910 = arith.constant 23 : i32
      %swap3A_911 = arith.index_cast %swap3A_910 : i32 to index
      %swap3A_912 = arith.constant 64 : index
      %swap3A_913 = tpu.vector_load %arg7[%swap3A_911, %swap3A_912] {strides = array<i32>} : memref<64x128xf32, #tpu.memory_space<vmem>>, vector<16xf32>,
      tpu.vector_store %arg7[%swap3A_911, %swap3A_912], %add3A_893 {strides = array<i32>} : memref<64x128xf32, #tpu.memory_space<vmem>>, vector<16xf32>,
      %swap3A_914 = arith.constant 23 : i32
      %swap3A_915 = arith.index_cast %swap3A_914 : i32 to index
      %swap3A_916 = arith.constant 80 : index
      %swap3A_917 = tpu.vector_load %arg7[%swap3A_915, %swap3A_916] {strides = array<i32>} : memref<64x128xf32, #tpu.memory_space<vmem>>, vector<16xf32>,
      tpu.vector_store %arg7[%swap3A_915, %swap3A_916], %add3A_893 {strides = array<i32>} : memref<64x128xf32, #tpu.memory_space<vmem>>, vector<16xf32>,
      %swap3A_918 = arith.constant 23 : i32
      %swap3A_919 = arith.index_cast %swap3A_918 : i32 to index
      %swap3A_920 = arith.constant 96 : index
      %swap3A_921 = tpu.vector_load %arg7[%swap3A_919, %swap3A_920] {strides = array<i32>} : memref<64x128xf32, #tpu.memory_space<vmem>>, vector<16xf32>,
      tpu.vector_store %arg7[%swap3A_919, %swap3A_920], %add3A_893 {strides = array<i32>} : memref<64x128xf32, #tpu.memory_space<vmem>>, vector<16xf32>,
      %swap3A_922 = arith.constant 23 : i32
      %swap3A_923 = arith.index_cast %swap3A_922 : i32 to index
      %swap3A_924 = arith.constant 112 : index
      %swap3A_925 = tpu.vector_load %arg7[%swap3A_923, %swap3A_924] {strides = array<i32>} : memref<64x128xf32, #tpu.memory_space<vmem>>, vector<16xf32>,
      tpu.vector_store %arg7[%swap3A_923, %swap3A_924], %add3A_893 {strides = array<i32>} : memref<64x128xf32, #tpu.memory_space<vmem>>, vector<16xf32>,
      %slice3A_926 = vector.extract_strided_slice %get3A_637 {offsets = [8], sizes = [1], strides = [1]} : vector<16xf32> to vector<1xf32>
      %squeeze3A_927 = vector.extract %slice3A_926[0] : f32 from vector<1xf32>
      %add3A_928 = vector.broadcast %squeeze3A_927 : f32 to vector<16xf32>
      %add3A_929 = arith.addf %broadcast_in_dim3A_1, %add3A_928 : vector<16xf32>
      %swap3A_930 = arith.constant 24 : i32
      %swap3A_931 = arith.index_cast %swap3A_930 : i32 to index
      %swap3A_932 = arith.constant 0 : index
      %swap3A_933 = tpu.vector_load %arg7[%swap3A_931, %swap3A_932] {strides = array<i32>} : memref<64x128xf32, #tpu.memory_space<vmem>>, vector<16xf32>,
      tpu.vector_store %arg7[%swap3A_931, %swap3A_932], %add3A_929 {strides = array<i32>} : memref<64x128xf32, #tpu.memory_space<vmem>>, vector<16xf32>,
      %swap3A_934 = arith.constant 24 : i32
      %swap3A_935 = arith.index_cast %swap3A_934 : i32 to index
      %swap3A_936 = arith.constant 16 : index
      %swap3A_937 = tpu.vector_load %arg7[%swap3A_935, %swap3A_936] {strides = array<i32>} : memref<64x128xf32, #tpu.memory_space<vmem>>, vector<16xf32>,
      tpu.vector_store %arg7[%swap3A_935, %swap3A_936], %add3A_929 {strides = array<i32>} : memref<64x128xf32, #tpu.memory_space<vmem>>, vector<16xf32>,
      %swap3A_938 = arith.constant 24 : i32
      %swap3A_939 = arith.index_cast %swap3A_938 : i32 to index
      %swap3A_940 = arith.constant 32 : index
      %swap3A_941 = tpu.vector_load %arg7[%swap3A_939, %swap3A_940] {strides = array<i32>} : memref<64x128xf32, #tpu.memory_space<vmem>>, vector<16xf32>,
      tpu.vector_store %arg7[%swap3A_939, %swap3A_940], %add3A_929 {strides = array<i32>} : memref<64x128xf32, #tpu.memory_space<vmem>>, vector<16xf32>,
      %swap3A_942 = arith.constant 24 : i32
      %swap3A_943 = arith.index_cast %swap3A_942 : i32 to index
      %swap3A_944 = arith.constant 48 : index
      %swap3A_945 = tpu.vector_load %arg7[%swap3A_943, %swap3A_944] {strides = array<i32>} : memref<64x128xf32, #tpu.memory_space<vmem>>, vector<16xf32>,
      tpu.vector_store %arg7[%swap3A_943, %swap3A_944], %add3A_929 {strides = array<i32>} : memref<64x128xf32, #tpu.memory_space<vmem>>, vector<16xf32>,
      %swap3A_946 = arith.constant 24 : i32
      %swap3A_947 = arith.index_cast %swap3A_946 : i32 to index
      %swap3A_948 = arith.constant 64 : index
      %swap3A_949 = tpu.vector_load %arg7[%swap3A_947, %swap3A_948] {strides = array<i32>} : memref<64x128xf32, #tpu.memory_space<vmem>>, vector<16xf32>,
      tpu.vector_store %arg7[%swap3A_947, %swap3A_948], %add3A_929 {strides = array<i32>} : memref<64x128xf32, #tpu.memory_space<vmem>>, vector<16xf32>,
      %swap3A_950 = arith.constant 24 : i32
      %swap3A_951 = arith.index_cast %swap3A_950 : i32 to index
      %swap3A_952 = arith.constant 80 : index
      %swap3A_953 = tpu.vector_load %arg7[%swap3A_951, %swap3A_952] {strides = array<i32>} : memref<64x128xf32, #tpu.memory_space<vmem>>, vector<16xf32>,
      tpu.vector_store %arg7[%swap3A_951, %swap3A_952], %add3A_929 {strides = array<i32>} : memref<64x128xf32, #tpu.memory_space<vmem>>, vector<16xf32>,
      %swap3A_954 = arith.constant 24 : i32
      %swap3A_955 = arith.index_cast %swap3A_954 : i32 to index
      %swap3A_956 = arith.constant 96 : index
      %swap3A_957 = tpu.vector_load %arg7[%swap3A_955, %swap3A_956] {strides = array<i32>} : memref<64x128xf32, #tpu.memory_space<vmem>>, vector<16xf32>,
      tpu.vector_store %arg7[%swap3A_955, %swap3A_956], %add3A_929 {strides = array<i32>} : memref<64x128xf32, #tpu.memory_space<vmem>>, vector<16xf32>,
      %swap3A_958 = arith.constant 24 : i32
      %swap3A_959 = arith.index_cast %swap3A_958 : i32 to index
      %swap3A_960 = arith.constant 112 : index
      %swap3A_961 = tpu.vector_load %arg7[%swap3A_959, %swap3A_960] {strides = array<i32>} : memref<64x128xf32, #tpu.memory_space<vmem>>, vector<16xf32>,
      tpu.vector_store %arg7[%swap3A_959, %swap3A_960], %add3A_929 {strides = array<i32>} : memref<64x128xf32, #tpu.memory_space<vmem>>, vector<16xf32>,
      %slice3A_962 = vector.extract_strided_slice %get3A_637 {offsets = [9], sizes = [1], strides = [1]} : vector<16xf32> to vector<1xf32>
      %squeeze3A_963 = vector.extract %slice3A_962[0] : f32 from vector<1xf32>
      %add3A_964 = vector.broadcast %squeeze3A_963 : f32 to vector<16xf32>
      %add3A_965 = arith.addf %broadcast_in_dim3A_1, %add3A_964 : vector<16xf32>
      %swap3A_966 = arith.constant 25 : i32
      %swap3A_967 = arith.index_cast %swap3A_966 : i32 to index
      %swap3A_968 = arith.constant 0 : index
      %swap3A_969 = tpu.vector_load %arg7[%swap3A_967, %swap3A_968] {strides = array<i32>} : memref<64x128xf32, #tpu.memory_space<vmem>>, vector<16xf32>,
      tpu.vector_store %arg7[%swap3A_967, %swap3A_968], %add3A_965 {strides = array<i32>} : memref<64x128xf32, #tpu.memory_space<vmem>>, vector<16xf32>,
      %swap3A_970 = arith.constant 25 : i32
      %swap3A_971 = arith.index_cast %swap3A_970 : i32 to index
      %swap3A_972 = arith.constant 16 : index
      %swap3A_973 = tpu.vector_load %arg7[%swap3A_971, %swap3A_972] {strides = array<i32>} : memref<64x128xf32, #tpu.memory_space<vmem>>, vector<16xf32>,
      tpu.vector_store %arg7[%swap3A_971, %swap3A_972], %add3A_965 {strides = array<i32>} : memref<64x128xf32, #tpu.memory_space<vmem>>, vector<16xf32>,
      %swap3A_974 = arith.constant 25 : i32
      %swap3A_975 = arith.index_cast %swap3A_974 : i32 to index
      %swap3A_976 = arith.constant 32 : index
      %swap3A_977 = tpu.vector_load %arg7[%swap3A_975, %swap3A_976] {strides = array<i32>} : memref<64x128xf32, #tpu.memory_space<vmem>>, vector<16xf32>,
      tpu.vector_store %arg7[%swap3A_975, %swap3A_976], %add3A_965 {strides = array<i32>} : memref<64x128xf32, #tpu.memory_space<vmem>>, vector<16xf32>,
      %swap3A_978 = arith.constant 25 : i32
      %swap3A_979 = arith.index_cast %swap3A_978 : i32 to index
      %swap3A_980 = arith.constant 48 : index
      %swap3A_981 = tpu.vector_load %arg7[%swap3A_979, %swap3A_980] {strides = array<i32>} : memref<64x128xf32, #tpu.memory_space<vmem>>, vector<16xf32>,
      tpu.vector_store %arg7[%swap3A_979, %swap3A_980], %add3A_965 {strides = array<i32>} : memref<64x128xf32, #tpu.memory_space<vmem>>, vector<16xf32>,
      %swap3A_982 = arith.constant 25 : i32
      %swap3A_983 = arith.index_cast %swap3A_982 : i32 to index
      %swap3A_984 = arith.constant 64 : index
      %swap3A_985 = tpu.vector_load %arg7[%swap3A_983, %swap3A_984] {strides = array<i32>} : memref<64x128xf32, #tpu.memory_space<vmem>>, vector<16xf32>,
      tpu.vector_store %arg7[%swap3A_983, %swap3A_984], %add3A_965 {strides = array<i32>} : memref<64x128xf32, #tpu.memory_space<vmem>>, vector<16xf32>,
      %swap3A_986 = arith.constant 25 : i32
      %swap3A_987 = arith.index_cast %swap3A_986 : i32 to index
      %swap3A_988 = arith.constant 80 : index
      %swap3A_989 = tpu.vector_load %arg7[%swap3A_987, %swap3A_988] {strides = array<i32>} : memref<64x128xf32, #tpu.memory_space<vmem>>, vector<16xf32>,
      tpu.vector_store %arg7[%swap3A_987, %swap3A_988], %add3A_965 {strides = array<i32>} : memref<64x128xf32, #tpu.memory_space<vmem>>, vector<16xf32>,
      %swap3A_990 = arith.constant 25 : i32
      %swap3A_991 = arith.index_cast %swap3A_990 : i32 to index
      %swap3A_992 = arith.constant 96 : index
      %swap3A_993 = tpu.vector_load %arg7[%swap3A_991, %swap3A_992] {strides = array<i32>} : memref<64x128xf32, #tpu.memory_space<vmem>>, vector<16xf32>,
      tpu.vector_store %arg7[%swap3A_991, %swap3A_992], %add3A_965 {strides = array<i32>} : memref<64x128xf32, #tpu.memory_space<vmem>>, vector<16xf32>,
      %swap3A_994 = arith.constant 25 : i32
      %swap3A_995 = arith.index_cast %swap3A_994 : i32 to index
      %swap3A_996 = arith.constant 112 : index
      %swap3A_997 = tpu.vector_load %arg7[%swap3A_995, %swap3A_996] {strides = array<i32>} : memref<64x128xf32, #tpu.memory_space<vmem>>, vector<16xf32>,
      tpu.vector_store %arg7[%swap3A_995, %swap3A_996], %add3A_965 {strides = array<i32>} : memref<64x128xf32, #tpu.memory_space<vmem>>, vector<16xf32>,
      %slice3A_998 = vector.extract_strided_slice %get3A_637 {offsets = [10], sizes = [1], strides = [1]} : vector<16xf32> to vector<1xf32>
      %squeeze3A_999 = vector.extract %slice3A_998[0] : f32 from vector<1xf32>
      %add3A_1000 = vector.broadcast %squeeze3A_999 : f32 to vector<16xf32>
      %add3A_1001 = arith.addf %broadcast_in_dim3A_1, %add3A_1000 : vector<16xf32>
      %swap3A_1002 = arith.constant 26 : i32
      %swap3A_1003 = arith.index_cast %swap3A_1002 : i32 to index
      %swap3A_1004 = arith.constant 0 : index
      %swap3A_1005 = tpu.vector_load %arg7[%swap3A_1003, %swap3A_1004] {strides = array<i32>} : memref<64x128xf32, #tpu.memory_space<vmem>>, vector<16xf32>,
      tpu.vector_store %arg7[%swap3A_1003, %swap3A_1004], %add3A_1001 {strides = array<i32>} : memref<64x128xf32, #tpu.memory_space<vmem>>, vector<16xf32>,
      %swap3A_1006 = arith.constant 26 : i32
      %swap3A_1007 = arith.index_cast %swap3A_1006 : i32 to index
      %swap3A_1008 = arith.constant 16 : index
      %swap3A_1009 = tpu.vector_load %arg7[%swap3A_1007, %swap3A_1008] {strides = array<i32>} : memref<64x128xf32, #tpu.memory_space<vmem>>, vector<16xf32>,
      tpu.vector_store %arg7[%swap3A_1007, %swap3A_1008], %add3A_1001 {strides = array<i32>} : memref<64x128xf32, #tpu.memory_space<vmem>>, vector<16xf32>,
      %swap3A_1010 = arith.constant 26 : i32
      %swap3A_1011 = arith.index_cast %swap3A_1010 : i32 to index
      %swap3A_1012 = arith.constant 32 : index
      %swap3A_1013 = tpu.vector_load %arg7[%swap3A_1011, %swap3A_1012] {strides = array<i32>} : memref<64x128xf32, #tpu.memory_space<vmem>>, vector<16xf32>,
      tpu.vector_store %arg7[%swap3A_1011, %swap3A_1012], %add3A_1001 {strides = array<i32>} : memref<64x128xf32, #tpu.memory_space<vmem>>, vector<16xf32>,
      %swap3A_1014 = arith.constant 26 : i32
      %swap3A_1015 = arith.index_cast %swap3A_1014 : i32 to index
      %swap3A_1016 = arith.constant 48 : index
      %swap3A_1017 = tpu.vector_load %arg7[%swap3A_1015, %swap3A_1016] {strides = array<i32>} : memref<64x128xf32, #tpu.memory_space<vmem>>, vector<16xf32>,
      tpu.vector_store %arg7[%swap3A_1015, %swap3A_1016], %add3A_1001 {strides = array<i32>} : memref<64x128xf32, #tpu.memory_space<vmem>>, vector<16xf32>,
      %swap3A_1018 = arith.constant 26 : i32
      %swap3A_1019 = arith.index_cast %swap3A_1018 : i32 to index
      %swap3A_1020 = arith.constant 64 : index
      %swap3A_1021 = tpu.vector_load %arg7[%swap3A_1019, %swap3A_1020] {strides = array<i32>} : memref<64x128xf32, #tpu.memory_space<vmem>>, vector<16xf32>,
      tpu.vector_store %arg7[%swap3A_1019, %swap3A_1020], %add3A_1001 {strides = array<i32>} : memref<64x128xf32, #tpu.memory_space<vmem>>, vector<16xf32>,
      %swap3A_1022 = arith.constant 26 : i32
      %swap3A_1023 = arith.index_cast %swap3A_1022 : i32 to index
      %swap3A_1024 = arith.constant 80 : index
      %swap3A_1025 = tpu.vector_load %arg7[%swap3A_1023, %swap3A_1024] {strides = array<i32>} : memref<64x128xf32, #tpu.memory_space<vmem>>, vector<16xf32>,
      tpu.vector_store %arg7[%swap3A_1023, %swap3A_1024], %add3A_1001 {strides = array<i32>} : memref<64x128xf32, #tpu.memory_space<vmem>>, vector<16xf32>,
      %swap3A_1026 = arith.constant 26 : i32
      %swap3A_1027 = arith.index_cast %swap3A_1026 : i32 to index
      %swap3A_1028 = arith.constant 96 : index
      %swap3A_1029 = tpu.vector_load %arg7[%swap3A_1027, %swap3A_1028] {strides = array<i32>} : memref<64x128xf32, #tpu.memory_space<vmem>>, vector<16xf32>,
      tpu.vector_store %arg7[%swap3A_1027, %swap3A_1028], %add3A_1001 {strides = array<i32>} : memref<64x128xf32, #tpu.memory_space<vmem>>, vector<16xf32>,
      %swap3A_1030 = arith.constant 26 : i32
      %swap3A_1031 = arith.index_cast %swap3A_1030 : i32 to index
      %swap3A_1032 = arith.constant 112 : index
      %swap3A_1033 = tpu.vector_load %arg7[%swap3A_1031, %swap3A_1032] {strides = array<i32>} : memref<64x128xf32, #tpu.memory_space<vmem>>, vector<16xf32>,
      tpu.vector_store %arg7[%swap3A_1031, %swap3A_1032], %add3A_1001 {strides = array<i32>} : memref<64x128xf32, #tpu.memory_space<vmem>>, vector<16xf32>,
      %slice3A_1034 = vector.extract_strided_slice %get3A_637 {offsets = [11], sizes = [1], strides = [1]} : vector<16xf32> to vector<1xf32>
      %squeeze3A_1035 = vector.extract %slice3A_1034[0] : f32 from vector<1xf32>
      %add3A_1036 = vector.broadcast %squeeze3A_1035 : f32 to vector<16xf32>
      %add3A_1037 = arith.addf %broadcast_in_dim3A_1, %add3A_1036 : vector<16xf32>
      %swap3A_1038 = arith.constant 27 : i32
      %swap3A_1039 = arith.index_cast %swap3A_1038 : i32 to index
      %swap3A_1040 = arith.constant 0 : index
      %swap3A_1041 = tpu.vector_load %arg7[%swap3A_1039, %swap3A_1040] {strides = array<i32>} : memref<64x128xf32, #tpu.memory_space<vmem>>, vector<16xf32>,
      tpu.vector_store %arg7[%swap3A_1039, %swap3A_1040], %add3A_1037 {strides = array<i32>} : memref<64x128xf32, #tpu.memory_space<vmem>>, vector<16xf32>,
      %swap3A_1042 = arith.constant 27 : i32
      %swap3A_1043 = arith.index_cast %swap3A_1042 : i32 to index
      %swap3A_1044 = arith.constant 16 : index
      %swap3A_1045 = tpu.vector_load %arg7[%swap3A_1043, %swap3A_1044] {strides = array<i32>} : memref<64x128xf32, #tpu.memory_space<vmem>>, vector<16xf32>,
      tpu.vector_store %arg7[%swap3A_1043, %swap3A_1044], %add3A_1037 {strides = array<i32>} : memref<64x128xf32, #tpu.memory_space<vmem>>, vector<16xf32>,
      %swap3A_1046 = arith.constant 27 : i32
      %swap3A_1047 = arith.index_cast %swap3A_1046 : i32 to index
      %swap3A_1048 = arith.constant 32 : index
      %swap3A_1049 = tpu.vector_load %arg7[%swap3A_1047, %swap3A_1048] {strides = array<i32>} : memref<64x128xf32, #tpu.memory_space<vmem>>, vector<16xf32>,
      tpu.vector_store %arg7[%swap3A_1047, %swap3A_1048], %add3A_1037 {strides = array<i32>} : memref<64x128xf32, #tpu.memory_space<vmem>>, vector<16xf32>,
      %swap3A_1050 = arith.constant 27 : i32
      %swap3A_1051 = arith.index_cast %swap3A_1050 : i32 to index
      %swap3A_1052 = arith.constant 48 : index
      %swap3A_1053 = tpu.vector_load %arg7[%swap3A_1051, %swap3A_1052] {strides = array<i32>} : memref<64x128xf32, #tpu.memory_space<vmem>>, vector<16xf32>,
      tpu.vector_store %arg7[%swap3A_1051, %swap3A_1052], %add3A_1037 {strides = array<i32>} : memref<64x128xf32, #tpu.memory_space<vmem>>, vector<16xf32>,
      %swap3A_1054 = arith.constant 27 : i32
      %swap3A_1055 = arith.index_cast %swap3A_1054 : i32 to index
      %swap3A_1056 = arith.constant 64 : index
      %swap3A_1057 = tpu.vector_load %arg7[%swap3A_1055, %swap3A_1056] {strides = array<i32>} : memref<64x128xf32, #tpu.memory_space<vmem>>, vector<16xf32>,
      tpu.vector_store %arg7[%swap3A_1055, %swap3A_1056], %add3A_1037 {strides = array<i32>} : memref<64x128xf32, #tpu.memory_space<vmem>>, vector<16xf32>,
      %swap3A_1058 = arith.constant 27 : i32
      %swap3A_1059 = arith.index_cast %swap3A_1058 : i32 to index
      %swap3A_1060 = arith.constant 80 : index
      %swap3A_1061 = tpu.vector_load %arg7[%swap3A_1059, %swap3A_1060] {strides = array<i32>} : memref<64x128xf32, #tpu.memory_space<vmem>>, vector<16xf32>,
      tpu.vector_store %arg7[%swap3A_1059, %swap3A_1060], %add3A_1037 {strides = array<i32>} : memref<64x128xf32, #tpu.memory_space<vmem>>, vector<16xf32>,
      %swap3A_1062 = arith.constant 27 : i32
      %swap3A_1063 = arith.index_cast %swap3A_1062 : i32 to index
      %swap3A_1064 = arith.constant 96 : index
      %swap3A_1065 = tpu.vector_load %arg7[%swap3A_1063, %swap3A_1064] {strides = array<i32>} : memref<64x128xf32, #tpu.memory_space<vmem>>, vector<16xf32>,
      tpu.vector_store %arg7[%swap3A_1063, %swap3A_1064], %add3A_1037 {strides = array<i32>} : memref<64x128xf32, #tpu.memory_space<vmem>>, vector<16xf32>,
      %swap3A_1066 = arith.constant 27 : i32
      %swap3A_1067 = arith.index_cast %swap3A_1066 : i32 to index
      %swap3A_1068 = arith.constant 112 : index
      %swap3A_1069 = tpu.vector_load %arg7[%swap3A_1067, %swap3A_1068] {strides = array<i32>} : memref<64x128xf32, #tpu.memory_space<vmem>>, vector<16xf32>,
      tpu.vector_store %arg7[%swap3A_1067, %swap3A_1068], %add3A_1037 {strides = array<i32>} : memref<64x128xf32, #tpu.memory_space<vmem>>, vector<16xf32>,
      %slice3A_1070 = vector.extract_strided_slice %get3A_637 {offsets = [12], sizes = [1], strides = [1]} : vector<16xf32> to vector<1xf32>
      %squeeze3A_1071 = vector.extract %slice3A_1070[0] : f32 from vector<1xf32>
      %add3A_1072 = vector.broadcast %squeeze3A_1071 : f32 to vector<16xf32>
      %add3A_1073 = arith.addf %broadcast_in_dim3A_1, %add3A_1072 : vector<16xf32>
      %swap3A_1074 = arith.constant 28 : i32
      %swap3A_1075 = arith.index_cast %swap3A_1074 : i32 to index
      %swap3A_1076 = arith.constant 0 : index
      %swap3A_1077 = tpu.vector_load %arg7[%swap3A_1075, %swap3A_1076] {strides = array<i32>} : memref<64x128xf32, #tpu.memory_space<vmem>>, vector<16xf32>,
      tpu.vector_store %arg7[%swap3A_1075, %swap3A_1076], %add3A_1073 {strides = array<i32>} : memref<64x128xf32, #tpu.memory_space<vmem>>, vector<16xf32>,
      %swap3A_1078 = arith.constant 28 : i32
      %swap3A_1079 = arith.index_cast %swap3A_1078 : i32 to index
      %swap3A_1080 = arith.constant 16 : index
      %swap3A_1081 = tpu.vector_load %arg7[%swap3A_1079, %swap3A_1080] {strides = array<i32>} : memref<64x128xf32, #tpu.memory_space<vmem>>, vector<16xf32>,
      tpu.vector_store %arg7[%swap3A_1079, %swap3A_1080], %add3A_1073 {strides = array<i32>} : memref<64x128xf32, #tpu.memory_space<vmem>>, vector<16xf32>,
      %swap3A_1082 = arith.constant 28 : i32
      %swap3A_1083 = arith.index_cast %swap3A_1082 : i32 to index
      %swap3A_1084 = arith.constant 32 : index
      %swap3A_1085 = tpu.vector_load %arg7[%swap3A_1083, %swap3A_1084] {strides = array<i32>} : memref<64x128xf32, #tpu.memory_space<vmem>>, vector<16xf32>,
      tpu.vector_store %arg7[%swap3A_1083, %swap3A_1084], %add3A_1073 {strides = array<i32>} : memref<64x128xf32, #tpu.memory_space<vmem>>, vector<16xf32>,
      %swap3A_1086 = arith.constant 28 : i32
      %swap3A_1087 = arith.index_cast %swap3A_1086 : i32 to index
      %swap3A_1088 = arith.constant 48 : index
      %swap3A_1089 = tpu.vector_load %arg7[%swap3A_1087, %swap3A_1088] {strides = array<i32>} : memref<64x128xf32, #tpu.memory_space<vmem>>, vector<16xf32>,
      tpu.vector_store %arg7[%swap3A_1087, %swap3A_1088], %add3A_1073 {strides = array<i32>} : memref<64x128xf32, #tpu.memory_space<vmem>>, vector<16xf32>,
      %swap3A_1090 = arith.constant 28 : i32
      %swap3A_1091 = arith.index_cast %swap3A_1090 : i32 to index
      %swap3A_1092 = arith.constant 64 : index
      %swap3A_1093 = tpu.vector_load %arg7[%swap3A_1091, %swap3A_1092] {strides = array<i32>} : memref<64x128xf32, #tpu.memory_space<vmem>>, vector<16xf32>,
      tpu.vector_store %arg7[%swap3A_1091, %swap3A_1092], %add3A_1073 {strides = array<i32>} : memref<64x128xf32, #tpu.memory_space<vmem>>, vector<16xf32>,
      %swap3A_1094 = arith.constant 28 : i32
      %swap3A_1095 = arith.index_cast %swap3A_1094 : i32 to index
      %swap3A_1096 = arith.constant 80 : index
      %swap3A_1097 = tpu.vector_load %arg7[%swap3A_1095, %swap3A_1096] {strides = array<i32>} : memref<64x128xf32, #tpu.memory_space<vmem>>, vector<16xf32>,
      tpu.vector_store %arg7[%swap3A_1095, %swap3A_1096], %add3A_1073 {strides = array<i32>} : memref<64x128xf32, #tpu.memory_space<vmem>>, vector<16xf32>,
      %swap3A_1098 = arith.constant 28 : i32
      %swap3A_1099 = arith.index_cast %swap3A_1098 : i32 to index
      %swap3A_1100 = arith.constant 96 : index
      %swap3A_1101 = tpu.vector_load %arg7[%swap3A_1099, %swap3A_1100] {strides = array<i32>} : memref<64x128xf32, #tpu.memory_space<vmem>>, vector<16xf32>,
      tpu.vector_store %arg7[%swap3A_1099, %swap3A_1100], %add3A_1073 {strides = array<i32>} : memref<64x128xf32, #tpu.memory_space<vmem>>, vector<16xf32>,
      %swap3A_1102 = arith.constant 28 : i32
      %swap3A_1103 = arith.index_cast %swap3A_1102 : i32 to index
      %swap3A_1104 = arith.constant 112 : index
      %swap3A_1105 = tpu.vector_load %arg7[%swap3A_1103, %swap3A_1104] {strides = array<i32>} : memref<64x128xf32, #tpu.memory_space<vmem>>, vector<16xf32>,
      tpu.vector_store %arg7[%swap3A_1103, %swap3A_1104], %add3A_1073 {strides = array<i32>} : memref<64x128xf32, #tpu.memory_space<vmem>>, vector<16xf32>,
      %slice3A_1106 = vector.extract_strided_slice %get3A_637 {offsets = [13], sizes = [1], strides = [1]} : vector<16xf32> to vector<1xf32>
      %squeeze3A_1107 = vector.extract %slice3A_1106[0] : f32 from vector<1xf32>
      %add3A_1108 = vector.broadcast %squeeze3A_1107 : f32 to vector<16xf32>
      %add3A_1109 = arith.addf %broadcast_in_dim3A_1, %add3A_1108 : vector<16xf32>
      %swap3A_1110 = arith.constant 29 : i32
      %swap3A_1111 = arith.index_cast %swap3A_1110 : i32 to index
      %swap3A_1112 = arith.constant 0 : index
      %swap3A_1113 = tpu.vector_load %arg7[%swap3A_1111, %swap3A_1112] {strides = array<i32>} : memref<64x128xf32, #tpu.memory_space<vmem>>, vector<16xf32>,
      tpu.vector_store %arg7[%swap3A_1111, %swap3A_1112], %add3A_1109 {strides = array<i32>} : memref<64x128xf32, #tpu.memory_space<vmem>>, vector<16xf32>,
      %swap3A_1114 = arith.constant 29 : i32
      %swap3A_1115 = arith.index_cast %swap3A_1114 : i32 to index
      %swap3A_1116 = arith.constant 16 : index
      %swap3A_1117 = tpu.vector_load %arg7[%swap3A_1115, %swap3A_1116] {strides = array<i32>} : memref<64x128xf32, #tpu.memory_space<vmem>>, vector<16xf32>,
      tpu.vector_store %arg7[%swap3A_1115, %swap3A_1116], %add3A_1109 {strides = array<i32>} : memref<64x128xf32, #tpu.memory_space<vmem>>, vector<16xf32>,
      %swap3A_1118 = arith.constant 29 : i32
      %swap3A_1119 = arith.index_cast %swap3A_1118 : i32 to index
      %swap3A_1120 = arith.constant 32 : index
      %swap3A_1121 = tpu.vector_load %arg7[%swap3A_1119, %swap3A_1120] {strides = array<i32>} : memref<64x128xf32, #tpu.memory_space<vmem>>, vector<16xf32>,
      tpu.vector_store %arg7[%swap3A_1119, %swap3A_1120], %add3A_1109 {strides = array<i32>} : memref<64x128xf32, #tpu.memory_space<vmem>>, vector<16xf32>,
      %swap3A_1122 = arith.constant 29 : i32
      %swap3A_1123 = arith.index_cast %swap3A_1122 : i32 to index
      %swap3A_1124 = arith.constant 48 : index
      %swap3A_1125 = tpu.vector_load %arg7[%swap3A_1123, %swap3A_1124] {strides = array<i32>} : memref<64x128xf32, #tpu.memory_space<vmem>>, vector<16xf32>,
      tpu.vector_store %arg7[%swap3A_1123, %swap3A_1124], %add3A_1109 {strides = array<i32>} : memref<64x128xf32, #tpu.memory_space<vmem>>, vector<16xf32>,
      %swap3A_1126 = arith.constant 29 : i32
      %swap3A_1127 = arith.index_cast %swap3A_1126 : i32 to index
      %swap3A_1128 = arith.constant 64 : index
      %swap3A_1129 = tpu.vector_load %arg7[%swap3A_1127, %swap3A_1128] {strides = array<i32>} : memref<64x128xf32, #tpu.memory_space<vmem>>, vector<16xf32>,
      tpu.vector_store %arg7[%swap3A_1127, %swap3A_1128], %add3A_1109 {strides = array<i32>} : memref<64x128xf32, #tpu.memory_space<vmem>>, vector<16xf32>,
      %swap3A_1130 = arith.constant 29 : i32
      %swap3A_1131 = arith.index_cast %swap3A_1130 : i32 to index
      %swap3A_1132 = arith.constant 80 : index
      %swap3A_1133 = tpu.vector_load %arg7[%swap3A_1131, %swap3A_1132] {strides = array<i32>} : memref<64x128xf32, #tpu.memory_space<vmem>>, vector<16xf32>,
      tpu.vector_store %arg7[%swap3A_1131, %swap3A_1132], %add3A_1109 {strides = array<i32>} : memref<64x128xf32, #tpu.memory_space<vmem>>, vector<16xf32>,
      %swap3A_1134 = arith.constant 29 : i32
      %swap3A_1135 = arith.index_cast %swap3A_1134 : i32 to index
      %swap3A_1136 = arith.constant 96 : index
      %swap3A_1137 = tpu.vector_load %arg7[%swap3A_1135, %swap3A_1136] {strides = array<i32>} : memref<64x128xf32, #tpu.memory_space<vmem>>, vector<16xf32>,
      tpu.vector_store %arg7[%swap3A_1135, %swap3A_1136], %add3A_1109 {strides = array<i32>} : memref<64x128xf32, #tpu.memory_space<vmem>>, vector<16xf32>,
      %swap3A_1138 = arith.constant 29 : i32
      %swap3A_1139 = arith.index_cast %swap3A_1138 : i32 to index
      %swap3A_1140 = arith.constant 112 : index
      %swap3A_1141 = tpu.vector_load %arg7[%swap3A_1139, %swap3A_1140] {strides = array<i32>} : memref<64x128xf32, #tpu.memory_space<vmem>>, vector<16xf32>,
      tpu.vector_store %arg7[%swap3A_1139, %swap3A_1140], %add3A_1109 {strides = array<i32>} : memref<64x128xf32, #tpu.memory_space<vmem>>, vector<16xf32>,
      %slice3A_1142 = vector.extract_strided_slice %get3A_637 {offsets = [14], sizes = [1], strides = [1]} : vector<16xf32> to vector<1xf32>
      %squeeze3A_1143 = vector.extract %slice3A_1142[0] : f32 from vector<1xf32>
      %add3A_1144 = vector.broadcast %squeeze3A_1143 : f32 to vector<16xf32>
      %add3A_1145 = arith.addf %broadcast_in_dim3A_1, %add3A_1144 : vector<16xf32>
      %swap3A_1146 = arith.constant 30 : i32
      %swap3A_1147 = arith.index_cast %swap3A_1146 : i32 to index
      %swap3A_1148 = arith.constant 0 : index
      %swap3A_1149 = tpu.vector_load %arg7[%swap3A_1147, %swap3A_1148] {strides = array<i32>} : memref<64x128xf32, #tpu.memory_space<vmem>>, vector<16xf32>,
      tpu.vector_store %arg7[%swap3A_1147, %swap3A_1148], %add3A_1145 {strides = array<i32>} : memref<64x128xf32, #tpu.memory_space<vmem>>, vector<16xf32>,
      %swap3A_1150 = arith.constant 30 : i32
      %swap3A_1151 = arith.index_cast %swap3A_1150 : i32 to index
      %swap3A_1152 = arith.constant 16 : index
      %swap3A_1153 = tpu.vector_load %arg7[%swap3A_1151, %swap3A_1152] {strides = array<i32>} : memref<64x128xf32, #tpu.memory_space<vmem>>, vector<16xf32>,
      tpu.vector_store %arg7[%swap3A_1151, %swap3A_1152], %add3A_1145 {strides = array<i32>} : memref<64x128xf32, #tpu.memory_space<vmem>>, vector<16xf32>,
      %swap3A_1154 = arith.constant 30 : i32
      %swap3A_1155 = arith.index_cast %swap3A_1154 : i32 to index
      %swap3A_1156 = arith.constant 32 : index
      %swap3A_1157 = tpu.vector_load %arg7[%swap3A_1155, %swap3A_1156] {strides = array<i32>} : memref<64x128xf32, #tpu.memory_space<vmem>>, vector<16xf32>,
      tpu.vector_store %arg7[%swap3A_1155, %swap3A_1156], %add3A_1145 {strides = array<i32>} : memref<64x128xf32, #tpu.memory_space<vmem>>, vector<16xf32>,
      %swap3A_1158 = arith.constant 30 : i32
      %swap3A_1159 = arith.index_cast %swap3A_1158 : i32 to index
      %swap3A_1160 = arith.constant 48 : index
      %swap3A_1161 = tpu.vector_load %arg7[%swap3A_1159, %swap3A_1160] {strides = array<i32>} : memref<64x128xf32, #tpu.memory_space<vmem>>, vector<16xf32>,
      tpu.vector_store %arg7[%swap3A_1159, %swap3A_1160], %add3A_1145 {strides = array<i32>} : memref<64x128xf32, #tpu.memory_space<vmem>>, vector<16xf32>,
      %swap3A_1162 = arith.constant 30 : i32
      %swap3A_1163 = arith.index_cast %swap3A_1162 : i32 to index
      %swap3A_1164 = arith.constant 64 : index
      %swap3A_1165 = tpu.vector_load %arg7[%swap3A_1163, %swap3A_1164] {strides = array<i32>} : memref<64x128xf32, #tpu.memory_space<vmem>>, vector<16xf32>,
      tpu.vector_store %arg7[%swap3A_1163, %swap3A_1164], %add3A_1145 {strides = array<i32>} : memref<64x128xf32, #tpu.memory_space<vmem>>, vector<16xf32>,
      %swap3A_1166 = arith.constant 30 : i32
      %swap3A_1167 = arith.index_cast %swap3A_1166 : i32 to index
      %swap3A_1168 = arith.constant 80 : index
      %swap3A_1169 = tpu.vector_load %arg7[%swap3A_1167, %swap3A_1168] {strides = array<i32>} : memref<64x128xf32, #tpu.memory_space<vmem>>, vector<16xf32>,
      tpu.vector_store %arg7[%swap3A_1167, %swap3A_1168], %add3A_1145 {strides = array<i32>} : memref<64x128xf32, #tpu.memory_space<vmem>>, vector<16xf32>,
      %swap3A_1170 = arith.constant 30 : i32
      %swap3A_1171 = arith.index_cast %swap3A_1170 : i32 to index
      %swap3A_1172 = arith.constant 96 : index
      %swap3A_1173 = tpu.vector_load %arg7[%swap3A_1171, %swap3A_1172] {strides = array<i32>} : memref<64x128xf32, #tpu.memory_space<vmem>>, vector<16xf32>,
      tpu.vector_store %arg7[%swap3A_1171, %swap3A_1172], %add3A_1145 {strides = array<i32>} : memref<64x128xf32, #tpu.memory_space<vmem>>, vector<16xf32>,
      %swap3A_1174 = arith.constant 30 : i32
      %swap3A_1175 = arith.index_cast %swap3A_1174 : i32 to index
      %swap3A_1176 = arith.constant 112 : index
      %swap3A_1177 = tpu.vector_load %arg7[%swap3A_1175, %swap3A_1176] {strides = array<i32>} : memref<64x128xf32, #tpu.memory_space<vmem>>, vector<16xf32>,
      tpu.vector_store %arg7[%swap3A_1175, %swap3A_1176], %add3A_1145 {strides = array<i32>} : memref<64x128xf32, #tpu.memory_space<vmem>>, vector<16xf32>,
      %slice3A_1178 = vector.extract_strided_slice %get3A_637 {offsets = [15], sizes = [1], strides = [1]} : vector<16xf32> to vector<1xf32>
      %squeeze3A_1179 = vector.extract %slice3A_1178[0] : f32 from vector<1xf32>
      %add3A_1180 = vector.broadcast %squeeze3A_1179 : f32 to vector<16xf32>
      %add3A_1181 = arith.addf %broadcast_in_dim3A_1, %add3A_1180 : vector<16xf32>
      %swap3A_1182 = arith.constant 31 : i32
      %swap3A_1183 = arith.index_cast %swap3A_1182 : i32 to index
      %swap3A_1184 = arith.constant 0 : index
      %swap3A_1185 = tpu.vector_load %arg7[%swap3A_1183, %swap3A_1184] {strides = array<i32>} : memref<64x128xf32, #tpu.memory_space<vmem>>, vector<16xf32>,
      tpu.vector_store %arg7[%swap3A_1183, %swap3A_1184], %add3A_1181 {strides = array<i32>} : memref<64x128xf32, #tpu.memory_space<vmem>>, vector<16xf32>,
      %swap3A_1186 = arith.constant 31 : i32
      %swap3A_1187 = arith.index_cast %swap3A_1186 : i32 to index
      %swap3A_1188 = arith.constant 16 : index
      %swap3A_1189 = tpu.vector_load %arg7[%swap3A_1187, %swap3A_1188] {strides = array<i32>} : memref<64x128xf32, #tpu.memory_space<vmem>>, vector<16xf32>,
      tpu.vector_store %arg7[%swap3A_1187, %swap3A_1188], %add3A_1181 {strides = array<i32>} : memref<64x128xf32, #tpu.memory_space<vmem>>, vector<16xf32>,
      %swap3A_1190 = arith.constant 31 : i32
      %swap3A_1191 = arith.index_cast %swap3A_1190 : i32 to index
      %swap3A_1192 = arith.constant 32 : index
      %swap3A_1193 = tpu.vector_load %arg7[%swap3A_1191, %swap3A_1192] {strides = array<i32>} : memref<64x128xf32, #tpu.memory_space<vmem>>, vector<16xf32>,
      tpu.vector_store %arg7[%swap3A_1191, %swap3A_1192], %add3A_1181 {strides = array<i32>} : memref<64x128xf32, #tpu.memory_space<vmem>>, vector<16xf32>,
      %swap3A_1194 = arith.constant 31 : i32
      %swap3A_1195 = arith.index_cast %swap3A_1194 : i32 to index
      %swap3A_1196 = arith.constant 48 : index
      %swap3A_1197 = tpu.vector_load %arg7[%swap3A_1195, %swap3A_1196] {strides = array<i32>} : memref<64x128xf32, #tpu.memory_space<vmem>>, vector<16xf32>,
      tpu.vector_store %arg7[%swap3A_1195, %swap3A_1196], %add3A_1181 {strides = array<i32>} : memref<64x128xf32, #tpu.memory_space<vmem>>, vector<16xf32>,
      %swap3A_1198 = arith.constant 31 : i32
      %swap3A_1199 = arith.index_cast %swap3A_1198 : i32 to index
      %swap3A_1200 = arith.constant 64 : index
      %swap3A_1201 = tpu.vector_load %arg7[%swap3A_1199, %swap3A_1200] {strides = array<i32>} : memref<64x128xf32, #tpu.memory_space<vmem>>, vector<16xf32>,
      tpu.vector_store %arg7[%swap3A_1199, %swap3A_1200], %add3A_1181 {strides = array<i32>} : memref<64x128xf32, #tpu.memory_space<vmem>>, vector<16xf32>,
      %swap3A_1202 = arith.constant 31 : i32
      %swap3A_1203 = arith.index_cast %swap3A_1202 : i32 to index
      %swap3A_1204 = arith.constant 80 : index
      %swap3A_1205 = tpu.vector_load %arg7[%swap3A_1203, %swap3A_1204] {strides = array<i32>} : memref<64x128xf32, #tpu.memory_space<vmem>>, vector<16xf32>,
      tpu.vector_store %arg7[%swap3A_1203, %swap3A_1204], %add3A_1181 {strides = array<i32>} : memref<64x128xf32, #tpu.memory_space<vmem>>, vector<16xf32>,
      %swap3A_1206 = arith.constant 31 : i32
      %swap3A_1207 = arith.index_cast %swap3A_1206 : i32 to index
      %swap3A_1208 = arith.constant 96 : index
      %swap3A_1209 = tpu.vector_load %arg7[%swap3A_1207, %swap3A_1208] {strides = array<i32>} : memref<64x128xf32, #tpu.memory_space<vmem>>, vector<16xf32>,
      tpu.vector_store %arg7[%swap3A_1207, %swap3A_1208], %add3A_1181 {strides = array<i32>} : memref<64x128xf32, #tpu.memory_space<vmem>>, vector<16xf32>,
      %swap3A_1210 = arith.constant 31 : i32
      %swap3A_1211 = arith.index_cast %swap3A_1210 : i32 to index
      %swap3A_1212 = arith.constant 112 : index
      %swap3A_1213 = tpu.vector_load %arg7[%swap3A_1211, %swap3A_1212] {strides = array<i32>} : memref<64x128xf32, #tpu.memory_space<vmem>>, vector<16xf32>,
      tpu.vector_store %arg7[%swap3A_1211, %swap3A_1212], %add3A_1181 {strides = array<i32>} : memref<64x128xf32, #tpu.memory_space<vmem>>, vector<16xf32>,
      %mul3A_1214 = arith.constant 64 : i32
      %mul3A_1215 = arith.muli %add3A_53, %mul3A_1214 : i32
      %add3A_1216 = arith.constant 32 : i32
      %add3A_1217 = arith.addi %mul3A_1215, %add3A_1216 : i32
      %get3A_1218 = arith.index_cast %add3A_1217 : i32 to index
      %get3A_1219 = tpu.vector_load %arg5[%get3A_1218] {strides = array<i32>} : memref<10240xf32, #tpu.memory_space<vmem>>, vector<16xf32>,
      %slice3A_1220 = vector.extract_strided_slice %get3A_1219 {offsets = [0], sizes = [1], strides = [1]} : vector<16xf32> to vector<1xf32>
      %squeeze3A_1221 = vector.extract %slice3A_1220[0] : f32 from vector<1xf32>
      %add3A_1222 = vector.broadcast %squeeze3A_1221 : f32 to vector<16xf32>
      %add3A_1223 = arith.addf %broadcast_in_dim3A_1, %add3A_1222 : vector<16xf32>
      %swap3A_1224 = arith.constant 32 : i32
      %swap3A_1225 = arith.index_cast %swap3A_1224 : i32 to index
      %swap3A_1226 = arith.constant 0 : index
      %swap3A_1227 = tpu.vector_load %arg7[%swap3A_1225, %swap3A_1226] {strides = array<i32>} : memref<64x128xf32, #tpu.memory_space<vmem>>, vector<16xf32>,
      tpu.vector_store %arg7[%swap3A_1225, %swap3A_1226], %add3A_1223 {strides = array<i32>} : memref<64x128xf32, #tpu.memory_space<vmem>>, vector<16xf32>,
      %swap3A_1228 = arith.constant 32 : i32
      %swap3A_1229 = arith.index_cast %swap3A_1228 : i32 to index
      %swap3A_1230 = arith.constant 16 : index
      %swap3A_1231 = tpu.vector_load %arg7[%swap3A_1229, %swap3A_1230] {strides = array<i32>} : memref<64x128xf32, #tpu.memory_space<vmem>>, vector<16xf32>,
      tpu.vector_store %arg7[%swap3A_1229, %swap3A_1230], %add3A_1223 {strides = array<i32>} : memref<64x128xf32, #tpu.memory_space<vmem>>, vector<16xf32>,
      %swap3A_1232 = arith.constant 32 : i32
      %swap3A_1233 = arith.index_cast %swap3A_1232 : i32 to index
      %swap3A_1234 = arith.constant 32 : index
      %swap3A_1235 = tpu.vector_load %arg7[%swap3A_1233, %swap3A_1234] {strides = array<i32>} : memref<64x128xf32, #tpu.memory_space<vmem>>, vector<16xf32>,
      tpu.vector_store %arg7[%swap3A_1233, %swap3A_1234], %add3A_1223 {strides = array<i32>} : memref<64x128xf32, #tpu.memory_space<vmem>>, vector<16xf32>,
      %swap3A_1236 = arith.constant 32 : i32
      %swap3A_1237 = arith.index_cast %swap3A_1236 : i32 to index
      %swap3A_1238 = arith.constant 48 : index
      %swap3A_1239 = tpu.vector_load %arg7[%swap3A_1237, %swap3A_1238] {strides = array<i32>} : memref<64x128xf32, #tpu.memory_space<vmem>>, vector<16xf32>,
      tpu.vector_store %arg7[%swap3A_1237, %swap3A_1238], %add3A_1223 {strides = array<i32>} : memref<64x128xf32, #tpu.memory_space<vmem>>, vector<16xf32>,
      %swap3A_1240 = arith.constant 32 : i32
      %swap3A_1241 = arith.index_cast %swap3A_1240 : i32 to index
      %swap3A_1242 = arith.constant 64 : index
      %swap3A_1243 = tpu.vector_load %arg7[%swap3A_1241, %swap3A_1242] {strides = array<i32>} : memref<64x128xf32, #tpu.memory_space<vmem>>, vector<16xf32>,
      tpu.vector_store %arg7[%swap3A_1241, %swap3A_1242], %add3A_1223 {strides = array<i32>} : memref<64x128xf32, #tpu.memory_space<vmem>>, vector<16xf32>,
      %swap3A_1244 = arith.constant 32 : i32
      %swap3A_1245 = arith.index_cast %swap3A_1244 : i32 to index
      %swap3A_1246 = arith.constant 80 : index
      %swap3A_1247 = tpu.vector_load %arg7[%swap3A_1245, %swap3A_1246] {strides = array<i32>} : memref<64x128xf32, #tpu.memory_space<vmem>>, vector<16xf32>,
      tpu.vector_store %arg7[%swap3A_1245, %swap3A_1246], %add3A_1223 {strides = array<i32>} : memref<64x128xf32, #tpu.memory_space<vmem>>, vector<16xf32>,
      %swap3A_1248 = arith.constant 32 : i32
      %swap3A_1249 = arith.index_cast %swap3A_1248 : i32 to index
      %swap3A_1250 = arith.constant 96 : index
      %swap3A_1251 = tpu.vector_load %arg7[%swap3A_1249, %swap3A_1250] {strides = array<i32>} : memref<64x128xf32, #tpu.memory_space<vmem>>, vector<16xf32>,
      tpu.vector_store %arg7[%swap3A_1249, %swap3A_1250], %add3A_1223 {strides = array<i32>} : memref<64x128xf32, #tpu.memory_space<vmem>>, vector<16xf32>,
      %swap3A_1252 = arith.constant 32 : i32
      %swap3A_1253 = arith.index_cast %swap3A_1252 : i32 to index
      %swap3A_1254 = arith.constant 112 : index
      %swap3A_1255 = tpu.vector_load %arg7[%swap3A_1253, %swap3A_1254] {strides = array<i32>} : memref<64x128xf32, #tpu.memory_space<vmem>>, vector<16xf32>,
      tpu.vector_store %arg7[%swap3A_1253, %swap3A_1254], %add3A_1223 {strides = array<i32>} : memref<64x128xf32, #tpu.memory_space<vmem>>, vector<16xf32>,
      %slice3A_1256 = vector.extract_strided_slice %get3A_1219 {offsets = [1], sizes = [1], strides = [1]} : vector<16xf32> to vector<1xf32>
      %squeeze3A_1257 = vector.extract %slice3A_1256[0] : f32 from vector<1xf32>
      %add3A_1258 = vector.broadcast %squeeze3A_1257 : f32 to vector<16xf32>
      %add3A_1259 = arith.addf %broadcast_in_dim3A_1, %add3A_1258 : vector<16xf32>
      %swap3A_1260 = arith.constant 33 : i32
      %swap3A_1261 = arith.index_cast %swap3A_1260 : i32 to index
      %swap3A_1262 = arith.constant 0 : index
      %swap3A_1263 = tpu.vector_load %arg7[%swap3A_1261, %swap3A_1262] {strides = array<i32>} : memref<64x128xf32, #tpu.memory_space<vmem>>, vector<16xf32>,
      tpu.vector_store %arg7[%swap3A_1261, %swap3A_1262], %add3A_1259 {strides = array<i32>} : memref<64x128xf32, #tpu.memory_space<vmem>>, vector<16xf32>,
      %swap3A_1264 = arith.constant 33 : i32
      %swap3A_1265 = arith.index_cast %swap3A_1264 : i32 to index
      %swap3A_1266 = arith.constant 16 : index
      %swap3A_1267 = tpu.vector_load %arg7[%swap3A_1265, %swap3A_1266] {strides = array<i32>} : memref<64x128xf32, #tpu.memory_space<vmem>>, vector<16xf32>,
      tpu.vector_store %arg7[%swap3A_1265, %swap3A_1266], %add3A_1259 {strides = array<i32>} : memref<64x128xf32, #tpu.memory_space<vmem>>, vector<16xf32>,
      %swap3A_1268 = arith.constant 33 : i32
      %swap3A_1269 = arith.index_cast %swap3A_1268 : i32 to index
      %swap3A_1270 = arith.constant 32 : index
      %swap3A_1271 = tpu.vector_load %arg7[%swap3A_1269, %swap3A_1270] {strides = array<i32>} : memref<64x128xf32, #tpu.memory_space<vmem>>, vector<16xf32>,
      tpu.vector_store %arg7[%swap3A_1269, %swap3A_1270], %add3A_1259 {strides = array<i32>} : memref<64x128xf32, #tpu.memory_space<vmem>>, vector<16xf32>,
      %swap3A_1272 = arith.constant 33 : i32
      %swap3A_1273 = arith.index_cast %swap3A_1272 : i32 to index
      %swap3A_1274 = arith.constant 48 : index
      %swap3A_1275 = tpu.vector_load %arg7[%swap3A_1273, %swap3A_1274] {strides = array<i32>} : memref<64x128xf32, #tpu.memory_space<vmem>>, vector<16xf32>,
      tpu.vector_store %arg7[%swap3A_1273, %swap3A_1274], %add3A_1259 {strides = array<i32>} : memref<64x128xf32, #tpu.memory_space<vmem>>, vector<16xf32>,
      %swap3A_1276 = arith.constant 33 : i32
      %swap3A_1277 = arith.index_cast %swap3A_1276 : i32 to index
      %swap3A_1278 = arith.constant 64 : index
      %swap3A_1279 = tpu.vector_load %arg7[%swap3A_1277, %swap3A_1278] {strides = array<i32>} : memref<64x128xf32, #tpu.memory_space<vmem>>, vector<16xf32>,
      tpu.vector_store %arg7[%swap3A_1277, %swap3A_1278], %add3A_1259 {strides = array<i32>} : memref<64x128xf32, #tpu.memory_space<vmem>>, vector<16xf32>,
      %swap3A_1280 = arith.constant 33 : i32
      %swap3A_1281 = arith.index_cast %swap3A_1280 : i32 to index
      %swap3A_1282 = arith.constant 80 : index
      %swap3A_1283 = tpu.vector_load %arg7[%swap3A_1281, %swap3A_1282] {strides = array<i32>} : memref<64x128xf32, #tpu.memory_space<vmem>>, vector<16xf32>,
      tpu.vector_store %arg7[%swap3A_1281, %swap3A_1282], %add3A_1259 {strides = array<i32>} : memref<64x128xf32, #tpu.memory_space<vmem>>, vector<16xf32>,
      %swap3A_1284 = arith.constant 33 : i32
      %swap3A_1285 = arith.index_cast %swap3A_1284 : i32 to index
      %swap3A_1286 = arith.constant 96 : index
      %swap3A_1287 = tpu.vector_load %arg7[%swap3A_1285, %swap3A_1286] {strides = array<i32>} : memref<64x128xf32, #tpu.memory_space<vmem>>, vector<16xf32>,
      tpu.vector_store %arg7[%swap3A_1285, %swap3A_1286], %add3A_1259 {strides = array<i32>} : memref<64x128xf32, #tpu.memory_space<vmem>>, vector<16xf32>,
      %swap3A_1288 = arith.constant 33 : i32
      %swap3A_1289 = arith.index_cast %swap3A_1288 : i32 to index
      %swap3A_1290 = arith.constant 112 : index
      %swap3A_1291 = tpu.vector_load %arg7[%swap3A_1289, %swap3A_1290] {strides = array<i32>} : memref<64x128xf32, #tpu.memory_space<vmem>>, vector<16xf32>,
      tpu.vector_store %arg7[%swap3A_1289, %swap3A_1290], %add3A_1259 {strides = array<i32>} : memref<64x128xf32, #tpu.memory_space<vmem>>, vector<16xf32>,
      %slice3A_1292 = vector.extract_strided_slice %get3A_1219 {offsets = [2], sizes = [1], strides = [1]} : vector<16xf32> to vector<1xf32>
      %squeeze3A_1293 = vector.extract %slice3A_1292[0] : f32 from vector<1xf32>
      %add3A_1294 = vector.broadcast %squeeze3A_1293 : f32 to vector<16xf32>
      %add3A_1295 = arith.addf %broadcast_in_dim3A_1, %add3A_1294 : vector<16xf32>
      %swap3A_1296 = arith.constant 34 : i32
      %swap3A_1297 = arith.index_cast %swap3A_1296 : i32 to index
      %swap3A_1298 = arith.constant 0 : index
      %swap3A_1299 = tpu.vector_load %arg7[%swap3A_1297, %swap3A_1298] {strides = array<i32>} : memref<64x128xf32, #tpu.memory_space<vmem>>, vector<16xf32>,
      tpu.vector_store %arg7[%swap3A_1297, %swap3A_1298], %add3A_1295 {strides = array<i32>} : memref<64x128xf32, #tpu.memory_space<vmem>>, vector<16xf32>,
      %swap3A_1300 = arith.constant 34 : i32
      %swap3A_1301 = arith.index_cast %swap3A_1300 : i32 to index
      %swap3A_1302 = arith.constant 16 : index
      %swap3A_1303 = tpu.vector_load %arg7[%swap3A_1301, %swap3A_1302] {strides = array<i32>} : memref<64x128xf32, #tpu.memory_space<vmem>>, vector<16xf32>,
      tpu.vector_store %arg7[%swap3A_1301, %swap3A_1302], %add3A_1295 {strides = array<i32>} : memref<64x128xf32, #tpu.memory_space<vmem>>, vector<16xf32>,
      %swap3A_1304 = arith.constant 34 : i32
      %swap3A_1305 = arith.index_cast %swap3A_1304 : i32 to index
      %swap3A_1306 = arith.constant 32 : index
      %swap3A_1307 = tpu.vector_load %arg7[%swap3A_1305, %swap3A_1306] {strides = array<i32>} : memref<64x128xf32, #tpu.memory_space<vmem>>, vector<16xf32>,
      tpu.vector_store %arg7[%swap3A_1305, %swap3A_1306], %add3A_1295 {strides = array<i32>} : memref<64x128xf32, #tpu.memory_space<vmem>>, vector<16xf32>,
      %swap3A_1308 = arith.constant 34 : i32
      %swap3A_1309 = arith.index_cast %swap3A_1308 : i32 to index
      %swap3A_1310 = arith.constant 48 : index
      %swap3A_1311 = tpu.vector_load %arg7[%swap3A_1309, %swap3A_1310] {strides = array<i32>} : memref<64x128xf32, #tpu.memory_space<vmem>>, vector<16xf32>,
      tpu.vector_store %arg7[%swap3A_1309, %swap3A_1310], %add3A_1295 {strides = array<i32>} : memref<64x128xf32, #tpu.memory_space<vmem>>, vector<16xf32>,
      %swap3A_1312 = arith.constant 34 : i32
      %swap3A_1313 = arith.index_cast %swap3A_1312 : i32 to index
      %swap3A_1314 = arith.constant 64 : index
      %swap3A_1315 = tpu.vector_load %arg7[%swap3A_1313, %swap3A_1314] {strides = array<i32>} : memref<64x128xf32, #tpu.memory_space<vmem>>, vector<16xf32>,
      tpu.vector_store %arg7[%swap3A_1313, %swap3A_1314], %add3A_1295 {strides = array<i32>} : memref<64x128xf32, #tpu.memory_space<vmem>>, vector<16xf32>,
      %swap3A_1316 = arith.constant 34 : i32
      %swap3A_1317 = arith.index_cast %swap3A_1316 : i32 to index
      %swap3A_1318 = arith.constant 80 : index
      %swap3A_1319 = tpu.vector_load %arg7[%swap3A_1317, %swap3A_1318] {strides = array<i32>} : memref<64x128xf32, #tpu.memory_space<vmem>>, vector<16xf32>,
      tpu.vector_store %arg7[%swap3A_1317, %swap3A_1318], %add3A_1295 {strides = array<i32>} : memref<64x128xf32, #tpu.memory_space<vmem>>, vector<16xf32>,
      %swap3A_1320 = arith.constant 34 : i32
      %swap3A_1321 = arith.index_cast %swap3A_1320 : i32 to index
      %swap3A_1322 = arith.constant 96 : index
      %swap3A_1323 = tpu.vector_load %arg7[%swap3A_1321, %swap3A_1322] {strides = array<i32>} : memref<64x128xf32, #tpu.memory_space<vmem>>, vector<16xf32>,
      tpu.vector_store %arg7[%swap3A_1321, %swap3A_1322], %add3A_1295 {strides = array<i32>} : memref<64x128xf32, #tpu.memory_space<vmem>>, vector<16xf32>,
      %swap3A_1324 = arith.constant 34 : i32
      %swap3A_1325 = arith.index_cast %swap3A_1324 : i32 to index
      %swap3A_1326 = arith.constant 112 : index
      %swap3A_1327 = tpu.vector_load %arg7[%swap3A_1325, %swap3A_1326] {strides = array<i32>} : memref<64x128xf32, #tpu.memory_space<vmem>>, vector<16xf32>,
      tpu.vector_store %arg7[%swap3A_1325, %swap3A_1326], %add3A_1295 {strides = array<i32>} : memref<64x128xf32, #tpu.memory_space<vmem>>, vector<16xf32>,
      %slice3A_1328 = vector.extract_strided_slice %get3A_1219 {offsets = [3], sizes = [1], strides = [1]} : vector<16xf32> to vector<1xf32>
      %squeeze3A_1329 = vector.extract %slice3A_1328[0] : f32 from vector<1xf32>
      %add3A_1330 = vector.broadcast %squeeze3A_1329 : f32 to vector<16xf32>
      %add3A_1331 = arith.addf %broadcast_in_dim3A_1, %add3A_1330 : vector<16xf32>
      %swap3A_1332 = arith.constant 35 : i32
      %swap3A_1333 = arith.index_cast %swap3A_1332 : i32 to index
      %swap3A_1334 = arith.constant 0 : index
      %swap3A_1335 = tpu.vector_load %arg7[%swap3A_1333, %swap3A_1334] {strides = array<i32>} : memref<64x128xf32, #tpu.memory_space<vmem>>, vector<16xf32>,
      tpu.vector_store %arg7[%swap3A_1333, %swap3A_1334], %add3A_1331 {strides = array<i32>} : memref<64x128xf32, #tpu.memory_space<vmem>>, vector<16xf32>,
      %swap3A_1336 = arith.constant 35 : i32
      %swap3A_1337 = arith.index_cast %swap3A_1336 : i32 to index
      %swap3A_1338 = arith.constant 16 : index
      %swap3A_1339 = tpu.vector_load %arg7[%swap3A_1337, %swap3A_1338] {strides = array<i32>} : memref<64x128xf32, #tpu.memory_space<vmem>>, vector<16xf32>,
      tpu.vector_store %arg7[%swap3A_1337, %swap3A_1338], %add3A_1331 {strides = array<i32>} : memref<64x128xf32, #tpu.memory_space<vmem>>, vector<16xf32>,
      %swap3A_1340 = arith.constant 35 : i32
      %swap3A_1341 = arith.index_cast %swap3A_1340 : i32 to index
      %swap3A_1342 = arith.constant 32 : index
      %swap3A_1343 = tpu.vector_load %arg7[%swap3A_1341, %swap3A_1342] {strides = array<i32>} : memref<64x128xf32, #tpu.memory_space<vmem>>, vector<16xf32>,
      tpu.vector_store %arg7[%swap3A_1341, %swap3A_1342], %add3A_1331 {strides = array<i32>} : memref<64x128xf32, #tpu.memory_space<vmem>>, vector<16xf32>,
      %swap3A_1344 = arith.constant 35 : i32
      %swap3A_1345 = arith.index_cast %swap3A_1344 : i32 to index
      %swap3A_1346 = arith.constant 48 : index
      %swap3A_1347 = tpu.vector_load %arg7[%swap3A_1345, %swap3A_1346] {strides = array<i32>} : memref<64x128xf32, #tpu.memory_space<vmem>>, vector<16xf32>,
      tpu.vector_store %arg7[%swap3A_1345, %swap3A_1346], %add3A_1331 {strides = array<i32>} : memref<64x128xf32, #tpu.memory_space<vmem>>, vector<16xf32>,
      %swap3A_1348 = arith.constant 35 : i32
      %swap3A_1349 = arith.index_cast %swap3A_1348 : i32 to index
      %swap3A_1350 = arith.constant 64 : index
      %swap3A_1351 = tpu.vector_load %arg7[%swap3A_1349, %swap3A_1350] {strides = array<i32>} : memref<64x128xf32, #tpu.memory_space<vmem>>, vector<16xf32>,
      tpu.vector_store %arg7[%swap3A_1349, %swap3A_1350], %add3A_1331 {strides = array<i32>} : memref<64x128xf32, #tpu.memory_space<vmem>>, vector<16xf32>,
      %swap3A_1352 = arith.constant 35 : i32
      %swap3A_1353 = arith.index_cast %swap3A_1352 : i32 to index
      %swap3A_1354 = arith.constant 80 : index
      %swap3A_1355 = tpu.vector_load %arg7[%swap3A_1353, %swap3A_1354] {strides = array<i32>} : memref<64x128xf32, #tpu.memory_space<vmem>>, vector<16xf32>,
      tpu.vector_store %arg7[%swap3A_1353, %swap3A_1354], %add3A_1331 {strides = array<i32>} : memref<64x128xf32, #tpu.memory_space<vmem>>, vector<16xf32>,
      %swap3A_1356 = arith.constant 35 : i32
      %swap3A_1357 = arith.index_cast %swap3A_1356 : i32 to index
      %swap3A_1358 = arith.constant 96 : index
      %swap3A_1359 = tpu.vector_load %arg7[%swap3A_1357, %swap3A_1358] {strides = array<i32>} : memref<64x128xf32, #tpu.memory_space<vmem>>, vector<16xf32>,
      tpu.vector_store %arg7[%swap3A_1357, %swap3A_1358], %add3A_1331 {strides = array<i32>} : memref<64x128xf32, #tpu.memory_space<vmem>>, vector<16xf32>,
      %swap3A_1360 = arith.constant 35 : i32
      %swap3A_1361 = arith.index_cast %swap3A_1360 : i32 to index
      %swap3A_1362 = arith.constant 112 : index
      %swap3A_1363 = tpu.vector_load %arg7[%swap3A_1361, %swap3A_1362] {strides = array<i32>} : memref<64x128xf32, #tpu.memory_space<vmem>>, vector<16xf32>,
      tpu.vector_store %arg7[%swap3A_1361, %swap3A_1362], %add3A_1331 {strides = array<i32>} : memref<64x128xf32, #tpu.memory_space<vmem>>, vector<16xf32>,
      %slice3A_1364 = vector.extract_strided_slice %get3A_1219 {offsets = [4], sizes = [1], strides = [1]} : vector<16xf32> to vector<1xf32>
      %squeeze3A_1365 = vector.extract %slice3A_1364[0] : f32 from vector<1xf32>
      %add3A_1366 = vector.broadcast %squeeze3A_1365 : f32 to vector<16xf32>
      %add3A_1367 = arith.addf %broadcast_in_dim3A_1, %add3A_1366 : vector<16xf32>
      %swap3A_1368 = arith.constant 36 : i32
      %swap3A_1369 = arith.index_cast %swap3A_1368 : i32 to index
      %swap3A_1370 = arith.constant 0 : index
      %swap3A_1371 = tpu.vector_load %arg7[%swap3A_1369, %swap3A_1370] {strides = array<i32>} : memref<64x128xf32, #tpu.memory_space<vmem>>, vector<16xf32>,
      tpu.vector_store %arg7[%swap3A_1369, %swap3A_1370], %add3A_1367 {strides = array<i32>} : memref<64x128xf32, #tpu.memory_space<vmem>>, vector<16xf32>,
      %swap3A_1372 = arith.constant 36 : i32
      %swap3A_1373 = arith.index_cast %swap3A_1372 : i32 to index
      %swap3A_1374 = arith.constant 16 : index
      %swap3A_1375 = tpu.vector_load %arg7[%swap3A_1373, %swap3A_1374] {strides = array<i32>} : memref<64x128xf32, #tpu.memory_space<vmem>>, vector<16xf32>,
      tpu.vector_store %arg7[%swap3A_1373, %swap3A_1374], %add3A_1367 {strides = array<i32>} : memref<64x128xf32, #tpu.memory_space<vmem>>, vector<16xf32>,
      %swap3A_1376 = arith.constant 36 : i32
      %swap3A_1377 = arith.index_cast %swap3A_1376 : i32 to index
      %swap3A_1378 = arith.constant 32 : index
      %swap3A_1379 = tpu.vector_load %arg7[%swap3A_1377, %swap3A_1378] {strides = array<i32>} : memref<64x128xf32, #tpu.memory_space<vmem>>, vector<16xf32>,
      tpu.vector_store %arg7[%swap3A_1377, %swap3A_1378], %add3A_1367 {strides = array<i32>} : memref<64x128xf32, #tpu.memory_space<vmem>>, vector<16xf32>,
      %swap3A_1380 = arith.constant 36 : i32
      %swap3A_1381 = arith.index_cast %swap3A_1380 : i32 to index
      %swap3A_1382 = arith.constant 48 : index
      %swap3A_1383 = tpu.vector_load %arg7[%swap3A_1381, %swap3A_1382] {strides = array<i32>} : memref<64x128xf32, #tpu.memory_space<vmem>>, vector<16xf32>,
      tpu.vector_store %arg7[%swap3A_1381, %swap3A_1382], %add3A_1367 {strides = array<i32>} : memref<64x128xf32, #tpu.memory_space<vmem>>, vector<16xf32>,
      %swap3A_1384 = arith.constant 36 : i32
      %swap3A_1385 = arith.index_cast %swap3A_1384 : i32 to index
      %swap3A_1386 = arith.constant 64 : index
      %swap3A_1387 = tpu.vector_load %arg7[%swap3A_1385, %swap3A_1386] {strides = array<i32>} : memref<64x128xf32, #tpu.memory_space<vmem>>, vector<16xf32>,
      tpu.vector_store %arg7[%swap3A_1385, %swap3A_1386], %add3A_1367 {strides = array<i32>} : memref<64x128xf32, #tpu.memory_space<vmem>>, vector<16xf32>,
      %swap3A_1388 = arith.constant 36 : i32
      %swap3A_1389 = arith.index_cast %swap3A_1388 : i32 to index
      %swap3A_1390 = arith.constant 80 : index
      %swap3A_1391 = tpu.vector_load %arg7[%swap3A_1389, %swap3A_1390] {strides = array<i32>} : memref<64x128xf32, #tpu.memory_space<vmem>>, vector<16xf32>,
      tpu.vector_store %arg7[%swap3A_1389, %swap3A_1390], %add3A_1367 {strides = array<i32>} : memref<64x128xf32, #tpu.memory_space<vmem>>, vector<16xf32>,
      %swap3A_1392 = arith.constant 36 : i32
      %swap3A_1393 = arith.index_cast %swap3A_1392 : i32 to index
      %swap3A_1394 = arith.constant 96 : index
      %swap3A_1395 = tpu.vector_load %arg7[%swap3A_1393, %swap3A_1394] {strides = array<i32>} : memref<64x128xf32, #tpu.memory_space<vmem>>, vector<16xf32>,
      tpu.vector_store %arg7[%swap3A_1393, %swap3A_1394], %add3A_1367 {strides = array<i32>} : memref<64x128xf32, #tpu.memory_space<vmem>>, vector<16xf32>,
      %swap3A_1396 = arith.constant 36 : i32
      %swap3A_1397 = arith.index_cast %swap3A_1396 : i32 to index
      %swap3A_1398 = arith.constant 112 : index
      %swap3A_1399 = tpu.vector_load %arg7[%swap3A_1397, %swap3A_1398] {strides = array<i32>} : memref<64x128xf32, #tpu.memory_space<vmem>>, vector<16xf32>,
      tpu.vector_store %arg7[%swap3A_1397, %swap3A_1398], %add3A_1367 {strides = array<i32>} : memref<64x128xf32, #tpu.memory_space<vmem>>, vector<16xf32>,
      %slice3A_1400 = vector.extract_strided_slice %get3A_1219 {offsets = [5], sizes = [1], strides = [1]} : vector<16xf32> to vector<1xf32>
      %squeeze3A_1401 = vector.extract %slice3A_1400[0] : f32 from vector<1xf32>
      %add3A_1402 = vector.broadcast %squeeze3A_1401 : f32 to vector<16xf32>
      %add3A_1403 = arith.addf %broadcast_in_dim3A_1, %add3A_1402 : vector<16xf32>
      %swap3A_1404 = arith.constant 37 : i32
      %swap3A_1405 = arith.index_cast %swap3A_1404 : i32 to index
      %swap3A_1406 = arith.constant 0 : index
      %swap3A_1407 = tpu.vector_load %arg7[%swap3A_1405, %swap3A_1406] {strides = array<i32>} : memref<64x128xf32, #tpu.memory_space<vmem>>, vector<16xf32>,
      tpu.vector_store %arg7[%swap3A_1405, %swap3A_1406], %add3A_1403 {strides = array<i32>} : memref<64x128xf32, #tpu.memory_space<vmem>>, vector<16xf32>,
      %swap3A_1408 = arith.constant 37 : i32
      %swap3A_1409 = arith.index_cast %swap3A_1408 : i32 to index
      %swap3A_1410 = arith.constant 16 : index
      %swap3A_1411 = tpu.vector_load %arg7[%swap3A_1409, %swap3A_1410] {strides = array<i32>} : memref<64x128xf32, #tpu.memory_space<vmem>>, vector<16xf32>,
      tpu.vector_store %arg7[%swap3A_1409, %swap3A_1410], %add3A_1403 {strides = array<i32>} : memref<64x128xf32, #tpu.memory_space<vmem>>, vector<16xf32>,
      %swap3A_1412 = arith.constant 37 : i32
      %swap3A_1413 = arith.index_cast %swap3A_1412 : i32 to index
      %swap3A_1414 = arith.constant 32 : index
      %swap3A_1415 = tpu.vector_load %arg7[%swap3A_1413, %swap3A_1414] {strides = array<i32>} : memref<64x128xf32, #tpu.memory_space<vmem>>, vector<16xf32>,
      tpu.vector_store %arg7[%swap3A_1413, %swap3A_1414], %add3A_1403 {strides = array<i32>} : memref<64x128xf32, #tpu.memory_space<vmem>>, vector<16xf32>,
      %swap3A_1416 = arith.constant 37 : i32
      %swap3A_1417 = arith.index_cast %swap3A_1416 : i32 to index
      %swap3A_1418 = arith.constant 48 : index
      %swap3A_1419 = tpu.vector_load %arg7[%swap3A_1417, %swap3A_1418] {strides = array<i32>} : memref<64x128xf32, #tpu.memory_space<vmem>>, vector<16xf32>,
      tpu.vector_store %arg7[%swap3A_1417, %swap3A_1418], %add3A_1403 {strides = array<i32>} : memref<64x128xf32, #tpu.memory_space<vmem>>, vector<16xf32>,
      %swap3A_1420 = arith.constant 37 : i32
      %swap3A_1421 = arith.index_cast %swap3A_1420 : i32 to index
      %swap3A_1422 = arith.constant 64 : index
      %swap3A_1423 = tpu.vector_load %arg7[%swap3A_1421, %swap3A_1422] {strides = array<i32>} : memref<64x128xf32, #tpu.memory_space<vmem>>, vector<16xf32>,
      tpu.vector_store %arg7[%swap3A_1421, %swap3A_1422], %add3A_1403 {strides = array<i32>} : memref<64x128xf32, #tpu.memory_space<vmem>>, vector<16xf32>,
      %swap3A_1424 = arith.constant 37 : i32
      %swap3A_1425 = arith.index_cast %swap3A_1424 : i32 to index
      %swap3A_1426 = arith.constant 80 : index
      %swap3A_1427 = tpu.vector_load %arg7[%swap3A_1425, %swap3A_1426] {strides = array<i32>} : memref<64x128xf32, #tpu.memory_space<vmem>>, vector<16xf32>,
      tpu.vector_store %arg7[%swap3A_1425, %swap3A_1426], %add3A_1403 {strides = array<i32>} : memref<64x128xf32, #tpu.memory_space<vmem>>, vector<16xf32>,
      %swap3A_1428 = arith.constant 37 : i32
      %swap3A_1429 = arith.index_cast %swap3A_1428 : i32 to index
      %swap3A_1430 = arith.constant 96 : index
      %swap3A_1431 = tpu.vector_load %arg7[%swap3A_1429, %swap3A_1430] {strides = array<i32>} : memref<64x128xf32, #tpu.memory_space<vmem>>, vector<16xf32>,
      tpu.vector_store %arg7[%swap3A_1429, %swap3A_1430], %add3A_1403 {strides = array<i32>} : memref<64x128xf32, #tpu.memory_space<vmem>>, vector<16xf32>,
      %swap3A_1432 = arith.constant 37 : i32
      %swap3A_1433 = arith.index_cast %swap3A_1432 : i32 to index
      %swap3A_1434 = arith.constant 112 : index
      %swap3A_1435 = tpu.vector_load %arg7[%swap3A_1433, %swap3A_1434] {strides = array<i32>} : memref<64x128xf32, #tpu.memory_space<vmem>>, vector<16xf32>,
      tpu.vector_store %arg7[%swap3A_1433, %swap3A_1434], %add3A_1403 {strides = array<i32>} : memref<64x128xf32, #tpu.memory_space<vmem>>, vector<16xf32>,
      %slice3A_1436 = vector.extract_strided_slice %get3A_1219 {offsets = [6], sizes = [1], strides = [1]} : vector<16xf32> to vector<1xf32>
      %squeeze3A_1437 = vector.extract %slice3A_1436[0] : f32 from vector<1xf32>
      %add3A_1438 = vector.broadcast %squeeze3A_1437 : f32 to vector<16xf32>
      %add3A_1439 = arith.addf %broadcast_in_dim3A_1, %add3A_1438 : vector<16xf32>
      %swap3A_1440 = arith.constant 38 : i32
      %swap3A_1441 = arith.index_cast %swap3A_1440 : i32 to index
      %swap3A_1442 = arith.constant 0 : index
      %swap3A_1443 = tpu.vector_load %arg7[%swap3A_1441, %swap3A_1442] {strides = array<i32>} : memref<64x128xf32, #tpu.memory_space<vmem>>, vector<16xf32>,
      tpu.vector_store %arg7[%swap3A_1441, %swap3A_1442], %add3A_1439 {strides = array<i32>} : memref<64x128xf32, #tpu.memory_space<vmem>>, vector<16xf32>,
      %swap3A_1444 = arith.constant 38 : i32
      %swap3A_1445 = arith.index_cast %swap3A_1444 : i32 to index
      %swap3A_1446 = arith.constant 16 : index
      %swap3A_1447 = tpu.vector_load %arg7[%swap3A_1445, %swap3A_1446] {strides = array<i32>} : memref<64x128xf32, #tpu.memory_space<vmem>>, vector<16xf32>,
      tpu.vector_store %arg7[%swap3A_1445, %swap3A_1446], %add3A_1439 {strides = array<i32>} : memref<64x128xf32, #tpu.memory_space<vmem>>, vector<16xf32>,
      %swap3A_1448 = arith.constant 38 : i32
      %swap3A_1449 = arith.index_cast %swap3A_1448 : i32 to index
      %swap3A_1450 = arith.constant 32 : index
      %swap3A_1451 = tpu.vector_load %arg7[%swap3A_1449, %swap3A_1450] {strides = array<i32>} : memref<64x128xf32, #tpu.memory_space<vmem>>, vector<16xf32>,
      tpu.vector_store %arg7[%swap3A_1449, %swap3A_1450], %add3A_1439 {strides = array<i32>} : memref<64x128xf32, #tpu.memory_space<vmem>>, vector<16xf32>,
      %swap3A_1452 = arith.constant 38 : i32
      %swap3A_1453 = arith.index_cast %swap3A_1452 : i32 to index
      %swap3A_1454 = arith.constant 48 : index
      %swap3A_1455 = tpu.vector_load %arg7[%swap3A_1453, %swap3A_1454] {strides = array<i32>} : memref<64x128xf32, #tpu.memory_space<vmem>>, vector<16xf32>,
      tpu.vector_store %arg7[%swap3A_1453, %swap3A_1454], %add3A_1439 {strides = array<i32>} : memref<64x128xf32, #tpu.memory_space<vmem>>, vector<16xf32>,
      %swap3A_1456 = arith.constant 38 : i32
      %swap3A_1457 = arith.index_cast %swap3A_1456 : i32 to index
      %swap3A_1458 = arith.constant 64 : index
      %swap3A_1459 = tpu.vector_load %arg7[%swap3A_1457, %swap3A_1458] {strides = array<i32>} : memref<64x128xf32, #tpu.memory_space<vmem>>, vector<16xf32>,
      tpu.vector_store %arg7[%swap3A_1457, %swap3A_1458], %add3A_1439 {strides = array<i32>} : memref<64x128xf32, #tpu.memory_space<vmem>>, vector<16xf32>,
      %swap3A_1460 = arith.constant 38 : i32
      %swap3A_1461 = arith.index_cast %swap3A_1460 : i32 to index
      %swap3A_1462 = arith.constant 80 : index
      %swap3A_1463 = tpu.vector_load %arg7[%swap3A_1461, %swap3A_1462] {strides = array<i32>} : memref<64x128xf32, #tpu.memory_space<vmem>>, vector<16xf32>,
      tpu.vector_store %arg7[%swap3A_1461, %swap3A_1462], %add3A_1439 {strides = array<i32>} : memref<64x128xf32, #tpu.memory_space<vmem>>, vector<16xf32>,
      %swap3A_1464 = arith.constant 38 : i32
      %swap3A_1465 = arith.index_cast %swap3A_1464 : i32 to index
      %swap3A_1466 = arith.constant 96 : index
      %swap3A_1467 = tpu.vector_load %arg7[%swap3A_1465, %swap3A_1466] {strides = array<i32>} : memref<64x128xf32, #tpu.memory_space<vmem>>, vector<16xf32>,
      tpu.vector_store %arg7[%swap3A_1465, %swap3A_1466], %add3A_1439 {strides = array<i32>} : memref<64x128xf32, #tpu.memory_space<vmem>>, vector<16xf32>,
      %swap3A_1468 = arith.constant 38 : i32
      %swap3A_1469 = arith.index_cast %swap3A_1468 : i32 to index
      %swap3A_1470 = arith.constant 112 : index
      %swap3A_1471 = tpu.vector_load %arg7[%swap3A_1469, %swap3A_1470] {strides = array<i32>} : memref<64x128xf32, #tpu.memory_space<vmem>>, vector<16xf32>,
      tpu.vector_store %arg7[%swap3A_1469, %swap3A_1470], %add3A_1439 {strides = array<i32>} : memref<64x128xf32, #tpu.memory_space<vmem>>, vector<16xf32>,
      %slice3A_1472 = vector.extract_strided_slice %get3A_1219 {offsets = [7], sizes = [1], strides = [1]} : vector<16xf32> to vector<1xf32>
      %squeeze3A_1473 = vector.extract %slice3A_1472[0] : f32 from vector<1xf32>
      %add3A_1474 = vector.broadcast %squeeze3A_1473 : f32 to vector<16xf32>
      %add3A_1475 = arith.addf %broadcast_in_dim3A_1, %add3A_1474 : vector<16xf32>
      %swap3A_1476 = arith.constant 39 : i32
      %swap3A_1477 = arith.index_cast %swap3A_1476 : i32 to index
      %swap3A_1478 = arith.constant 0 : index
      %swap3A_1479 = tpu.vector_load %arg7[%swap3A_1477, %swap3A_1478] {strides = array<i32>} : memref<64x128xf32, #tpu.memory_space<vmem>>, vector<16xf32>,
      tpu.vector_store %arg7[%swap3A_1477, %swap3A_1478], %add3A_1475 {strides = array<i32>} : memref<64x128xf32, #tpu.memory_space<vmem>>, vector<16xf32>,
      %swap3A_1480 = arith.constant 39 : i32
      %swap3A_1481 = arith.index_cast %swap3A_1480 : i32 to index
      %swap3A_1482 = arith.constant 16 : index
      %swap3A_1483 = tpu.vector_load %arg7[%swap3A_1481, %swap3A_1482] {strides = array<i32>} : memref<64x128xf32, #tpu.memory_space<vmem>>, vector<16xf32>,
      tpu.vector_store %arg7[%swap3A_1481, %swap3A_1482], %add3A_1475 {strides = array<i32>} : memref<64x128xf32, #tpu.memory_space<vmem>>, vector<16xf32>,
      %swap3A_1484 = arith.constant 39 : i32
      %swap3A_1485 = arith.index_cast %swap3A_1484 : i32 to index
      %swap3A_1486 = arith.constant 32 : index
      %swap3A_1487 = tpu.vector_load %arg7[%swap3A_1485, %swap3A_1486] {strides = array<i32>} : memref<64x128xf32, #tpu.memory_space<vmem>>, vector<16xf32>,
      tpu.vector_store %arg7[%swap3A_1485, %swap3A_1486], %add3A_1475 {strides = array<i32>} : memref<64x128xf32, #tpu.memory_space<vmem>>, vector<16xf32>,
      %swap3A_1488 = arith.constant 39 : i32
      %swap3A_1489 = arith.index_cast %swap3A_1488 : i32 to index
      %swap3A_1490 = arith.constant 48 : index
      %swap3A_1491 = tpu.vector_load %arg7[%swap3A_1489, %swap3A_1490] {strides = array<i32>} : memref<64x128xf32, #tpu.memory_space<vmem>>, vector<16xf32>,
      tpu.vector_store %arg7[%swap3A_1489, %swap3A_1490], %add3A_1475 {strides = array<i32>} : memref<64x128xf32, #tpu.memory_space<vmem>>, vector<16xf32>,
      %swap3A_1492 = arith.constant 39 : i32
      %swap3A_1493 = arith.index_cast %swap3A_1492 : i32 to index
      %swap3A_1494 = arith.constant 64 : index
      %swap3A_1495 = tpu.vector_load %arg7[%swap3A_1493, %swap3A_1494] {strides = array<i32>} : memref<64x128xf32, #tpu.memory_space<vmem>>, vector<16xf32>,
      tpu.vector_store %arg7[%swap3A_1493, %swap3A_1494], %add3A_1475 {strides = array<i32>} : memref<64x128xf32, #tpu.memory_space<vmem>>, vector<16xf32>,
      %swap3A_1496 = arith.constant 39 : i32
      %swap3A_1497 = arith.index_cast %swap3A_1496 : i32 to index
      %swap3A_1498 = arith.constant 80 : index
      %swap3A_1499 = tpu.vector_load %arg7[%swap3A_1497, %swap3A_1498] {strides = array<i32>} : memref<64x128xf32, #tpu.memory_space<vmem>>, vector<16xf32>,
      tpu.vector_store %arg7[%swap3A_1497, %swap3A_1498], %add3A_1475 {strides = array<i32>} : memref<64x128xf32, #tpu.memory_space<vmem>>, vector<16xf32>,
      %swap3A_1500 = arith.constant 39 : i32
      %swap3A_1501 = arith.index_cast %swap3A_1500 : i32 to index
      %swap3A_1502 = arith.constant 96 : index
      %swap3A_1503 = tpu.vector_load %arg7[%swap3A_1501, %swap3A_1502] {strides = array<i32>} : memref<64x128xf32, #tpu.memory_space<vmem>>, vector<16xf32>,
      tpu.vector_store %arg7[%swap3A_1501, %swap3A_1502], %add3A_1475 {strides = array<i32>} : memref<64x128xf32, #tpu.memory_space<vmem>>, vector<16xf32>,
      %swap3A_1504 = arith.constant 39 : i32
      %swap3A_1505 = arith.index_cast %swap3A_1504 : i32 to index
      %swap3A_1506 = arith.constant 112 : index
      %swap3A_1507 = tpu.vector_load %arg7[%swap3A_1505, %swap3A_1506] {strides = array<i32>} : memref<64x128xf32, #tpu.memory_space<vmem>>, vector<16xf32>,
      tpu.vector_store %arg7[%swap3A_1505, %swap3A_1506], %add3A_1475 {strides = array<i32>} : memref<64x128xf32, #tpu.memory_space<vmem>>, vector<16xf32>,
      %slice3A_1508 = vector.extract_strided_slice %get3A_1219 {offsets = [8], sizes = [1], strides = [1]} : vector<16xf32> to vector<1xf32>
      %squeeze3A_1509 = vector.extract %slice3A_1508[0] : f32 from vector<1xf32>
      %add3A_1510 = vector.broadcast %squeeze3A_1509 : f32 to vector<16xf32>
      %add3A_1511 = arith.addf %broadcast_in_dim3A_1, %add3A_1510 : vector<16xf32>
      %swap3A_1512 = arith.constant 40 : i32
      %swap3A_1513 = arith.index_cast %swap3A_1512 : i32 to index
      %swap3A_1514 = arith.constant 0 : index
      %swap3A_1515 = tpu.vector_load %arg7[%swap3A_1513, %swap3A_1514] {strides = array<i32>} : memref<64x128xf32, #tpu.memory_space<vmem>>, vector<16xf32>,
      tpu.vector_store %arg7[%swap3A_1513, %swap3A_1514], %add3A_1511 {strides = array<i32>} : memref<64x128xf32, #tpu.memory_space<vmem>>, vector<16xf32>,
      %swap3A_1516 = arith.constant 40 : i32
      %swap3A_1517 = arith.index_cast %swap3A_1516 : i32 to index
      %swap3A_1518 = arith.constant 16 : index
      %swap3A_1519 = tpu.vector_load %arg7[%swap3A_1517, %swap3A_1518] {strides = array<i32>} : memref<64x128xf32, #tpu.memory_space<vmem>>, vector<16xf32>,
      tpu.vector_store %arg7[%swap3A_1517, %swap3A_1518], %add3A_1511 {strides = array<i32>} : memref<64x128xf32, #tpu.memory_space<vmem>>, vector<16xf32>,
      %swap3A_1520 = arith.constant 40 : i32
      %swap3A_1521 = arith.index_cast %swap3A_1520 : i32 to index
      %swap3A_1522 = arith.constant 32 : index
      %swap3A_1523 = tpu.vector_load %arg7[%swap3A_1521, %swap3A_1522] {strides = array<i32>} : memref<64x128xf32, #tpu.memory_space<vmem>>, vector<16xf32>,
      tpu.vector_store %arg7[%swap3A_1521, %swap3A_1522], %add3A_1511 {strides = array<i32>} : memref<64x128xf32, #tpu.memory_space<vmem>>, vector<16xf32>,
      %swap3A_1524 = arith.constant 40 : i32
      %swap3A_1525 = arith.index_cast %swap3A_1524 : i32 to index
      %swap3A_1526 = arith.constant 48 : index
      %swap3A_1527 = tpu.vector_load %arg7[%swap3A_1525, %swap3A_1526] {strides = array<i32>} : memref<64x128xf32, #tpu.memory_space<vmem>>, vector<16xf32>,
      tpu.vector_store %arg7[%swap3A_1525, %swap3A_1526], %add3A_1511 {strides = array<i32>} : memref<64x128xf32, #tpu.memory_space<vmem>>, vector<16xf32>,
      %swap3A_1528 = arith.constant 40 : i32
      %swap3A_1529 = arith.index_cast %swap3A_1528 : i32 to index
      %swap3A_1530 = arith.constant 64 : index
      %swap3A_1531 = tpu.vector_load %arg7[%swap3A_1529, %swap3A_1530] {strides = array<i32>} : memref<64x128xf32, #tpu.memory_space<vmem>>, vector<16xf32>,
      tpu.vector_store %arg7[%swap3A_1529, %swap3A_1530], %add3A_1511 {strides = array<i32>} : memref<64x128xf32, #tpu.memory_space<vmem>>, vector<16xf32>,
      %swap3A_1532 = arith.constant 40 : i32
      %swap3A_1533 = arith.index_cast %swap3A_1532 : i32 to index
      %swap3A_1534 = arith.constant 80 : index
      %swap3A_1535 = tpu.vector_load %arg7[%swap3A_1533, %swap3A_1534] {strides = array<i32>} : memref<64x128xf32, #tpu.memory_space<vmem>>, vector<16xf32>,
      tpu.vector_store %arg7[%swap3A_1533, %swap3A_1534], %add3A_1511 {strides = array<i32>} : memref<64x128xf32, #tpu.memory_space<vmem>>, vector<16xf32>,
      %swap3A_1536 = arith.constant 40 : i32
      %swap3A_1537 = arith.index_cast %swap3A_1536 : i32 to index
      %swap3A_1538 = arith.constant 96 : index
      %swap3A_1539 = tpu.vector_load %arg7[%swap3A_1537, %swap3A_1538] {strides = array<i32>} : memref<64x128xf32, #tpu.memory_space<vmem>>, vector<16xf32>,
      tpu.vector_store %arg7[%swap3A_1537, %swap3A_1538], %add3A_1511 {strides = array<i32>} : memref<64x128xf32, #tpu.memory_space<vmem>>, vector<16xf32>,
      %swap3A_1540 = arith.constant 40 : i32
      %swap3A_1541 = arith.index_cast %swap3A_1540 : i32 to index
      %swap3A_1542 = arith.constant 112 : index
      %swap3A_1543 = tpu.vector_load %arg7[%swap3A_1541, %swap3A_1542] {strides = array<i32>} : memref<64x128xf32, #tpu.memory_space<vmem>>, vector<16xf32>,
      tpu.vector_store %arg7[%swap3A_1541, %swap3A_1542], %add3A_1511 {strides = array<i32>} : memref<64x128xf32, #tpu.memory_space<vmem>>, vector<16xf32>,
      %slice3A_1544 = vector.extract_strided_slice %get3A_1219 {offsets = [9], sizes = [1], strides = [1]} : vector<16xf32> to vector<1xf32>
      %squeeze3A_1545 = vector.extract %slice3A_1544[0] : f32 from vector<1xf32>
      %add3A_1546 = vector.broadcast %squeeze3A_1545 : f32 to vector<16xf32>
      %add3A_1547 = arith.addf %broadcast_in_dim3A_1, %add3A_1546 : vector<16xf32>
      %swap3A_1548 = arith.constant 41 : i32
      %swap3A_1549 = arith.index_cast %swap3A_1548 : i32 to index
      %swap3A_1550 = arith.constant 0 : index
      %swap3A_1551 = tpu.vector_load %arg7[%swap3A_1549, %swap3A_1550] {strides = array<i32>} : memref<64x128xf32, #tpu.memory_space<vmem>>, vector<16xf32>,
      tpu.vector_store %arg7[%swap3A_1549, %swap3A_1550], %add3A_1547 {strides = array<i32>} : memref<64x128xf32, #tpu.memory_space<vmem>>, vector<16xf32>,
      %swap3A_1552 = arith.constant 41 : i32
      %swap3A_1553 = arith.index_cast %swap3A_1552 : i32 to index
      %swap3A_1554 = arith.constant 16 : index
      %swap3A_1555 = tpu.vector_load %arg7[%swap3A_1553, %swap3A_1554] {strides = array<i32>} : memref<64x128xf32, #tpu.memory_space<vmem>>, vector<16xf32>,
      tpu.vector_store %arg7[%swap3A_1553, %swap3A_1554], %add3A_1547 {strides = array<i32>} : memref<64x128xf32, #tpu.memory_space<vmem>>, vector<16xf32>,
      %swap3A_1556 = arith.constant 41 : i32
      %swap3A_1557 = arith.index_cast %swap3A_1556 : i32 to index
      %swap3A_1558 = arith.constant 32 : index
      %swap3A_1559 = tpu.vector_load %arg7[%swap3A_1557, %swap3A_1558] {strides = array<i32>} : memref<64x128xf32, #tpu.memory_space<vmem>>, vector<16xf32>,
      tpu.vector_store %arg7[%swap3A_1557, %swap3A_1558], %add3A_1547 {strides = array<i32>} : memref<64x128xf32, #tpu.memory_space<vmem>>, vector<16xf32>,
      %swap3A_1560 = arith.constant 41 : i32
      %swap3A_1561 = arith.index_cast %swap3A_1560 : i32 to index
      %swap3A_1562 = arith.constant 48 : index
      %swap3A_1563 = tpu.vector_load %arg7[%swap3A_1561, %swap3A_1562] {strides = array<i32>} : memref<64x128xf32, #tpu.memory_space<vmem>>, vector<16xf32>,
      tpu.vector_store %arg7[%swap3A_1561, %swap3A_1562], %add3A_1547 {strides = array<i32>} : memref<64x128xf32, #tpu.memory_space<vmem>>, vector<16xf32>,
      %swap3A_1564 = arith.constant 41 : i32
      %swap3A_1565 = arith.index_cast %swap3A_1564 : i32 to index
      %swap3A_1566 = arith.constant 64 : index
      %swap3A_1567 = tpu.vector_load %arg7[%swap3A_1565, %swap3A_1566] {strides = array<i32>} : memref<64x128xf32, #tpu.memory_space<vmem>>, vector<16xf32>,
      tpu.vector_store %arg7[%swap3A_1565, %swap3A_1566], %add3A_1547 {strides = array<i32>} : memref<64x128xf32, #tpu.memory_space<vmem>>, vector<16xf32>,
      %swap3A_1568 = arith.constant 41 : i32
      %swap3A_1569 = arith.index_cast %swap3A_1568 : i32 to index
      %swap3A_1570 = arith.constant 80 : index
      %swap3A_1571 = tpu.vector_load %arg7[%swap3A_1569, %swap3A_1570] {strides = array<i32>} : memref<64x128xf32, #tpu.memory_space<vmem>>, vector<16xf32>,
      tpu.vector_store %arg7[%swap3A_1569, %swap3A_1570], %add3A_1547 {strides = array<i32>} : memref<64x128xf32, #tpu.memory_space<vmem>>, vector<16xf32>,
      %swap3A_1572 = arith.constant 41 : i32
      %swap3A_1573 = arith.index_cast %swap3A_1572 : i32 to index
      %swap3A_1574 = arith.constant 96 : index
      %swap3A_1575 = tpu.vector_load %arg7[%swap3A_1573, %swap3A_1574] {strides = array<i32>} : memref<64x128xf32, #tpu.memory_space<vmem>>, vector<16xf32>,
      tpu.vector_store %arg7[%swap3A_1573, %swap3A_1574], %add3A_1547 {strides = array<i32>} : memref<64x128xf32, #tpu.memory_space<vmem>>, vector<16xf32>,
      %swap3A_1576 = arith.constant 41 : i32
      %swap3A_1577 = arith.index_cast %swap3A_1576 : i32 to index
      %swap3A_1578 = arith.constant 112 : index
      %swap3A_1579 = tpu.vector_load %arg7[%swap3A_1577, %swap3A_1578] {strides = array<i32>} : memref<64x128xf32, #tpu.memory_space<vmem>>, vector<16xf32>,
      tpu.vector_store %arg7[%swap3A_1577, %swap3A_1578], %add3A_1547 {strides = array<i32>} : memref<64x128xf32, #tpu.memory_space<vmem>>, vector<16xf32>,
      %slice3A_1580 = vector.extract_strided_slice %get3A_1219 {offsets = [10], sizes = [1], strides = [1]} : vector<16xf32> to vector<1xf32>
      %squeeze3A_1581 = vector.extract %slice3A_1580[0] : f32 from vector<1xf32>
      %add3A_1582 = vector.broadcast %squeeze3A_1581 : f32 to vector<16xf32>
      %add3A_1583 = arith.addf %broadcast_in_dim3A_1, %add3A_1582 : vector<16xf32>
      %swap3A_1584 = arith.constant 42 : i32
      %swap3A_1585 = arith.index_cast %swap3A_1584 : i32 to index
      %swap3A_1586 = arith.constant 0 : index
      %swap3A_1587 = tpu.vector_load %arg7[%swap3A_1585, %swap3A_1586] {strides = array<i32>} : memref<64x128xf32, #tpu.memory_space<vmem>>, vector<16xf32>,
      tpu.vector_store %arg7[%swap3A_1585, %swap3A_1586], %add3A_1583 {strides = array<i32>} : memref<64x128xf32, #tpu.memory_space<vmem>>, vector<16xf32>,
      %swap3A_1588 = arith.constant 42 : i32
      %swap3A_1589 = arith.index_cast %swap3A_1588 : i32 to index
      %swap3A_1590 = arith.constant 16 : index
      %swap3A_1591 = tpu.vector_load %arg7[%swap3A_1589, %swap3A_1590] {strides = array<i32>} : memref<64x128xf32, #tpu.memory_space<vmem>>, vector<16xf32>,
      tpu.vector_store %arg7[%swap3A_1589, %swap3A_1590], %add3A_1583 {strides = array<i32>} : memref<64x128xf32, #tpu.memory_space<vmem>>, vector<16xf32>,
      %swap3A_1592 = arith.constant 42 : i32
      %swap3A_1593 = arith.index_cast %swap3A_1592 : i32 to index
      %swap3A_1594 = arith.constant 32 : index
      %swap3A_1595 = tpu.vector_load %arg7[%swap3A_1593, %swap3A_1594] {strides = array<i32>} : memref<64x128xf32, #tpu.memory_space<vmem>>, vector<16xf32>,
      tpu.vector_store %arg7[%swap3A_1593, %swap3A_1594], %add3A_1583 {strides = array<i32>} : memref<64x128xf32, #tpu.memory_space<vmem>>, vector<16xf32>,
      %swap3A_1596 = arith.constant 42 : i32
      %swap3A_1597 = arith.index_cast %swap3A_1596 : i32 to index
      %swap3A_1598 = arith.constant 48 : index
      %swap3A_1599 = tpu.vector_load %arg7[%swap3A_1597, %swap3A_1598] {strides = array<i32>} : memref<64x128xf32, #tpu.memory_space<vmem>>, vector<16xf32>,
      tpu.vector_store %arg7[%swap3A_1597, %swap3A_1598], %add3A_1583 {strides = array<i32>} : memref<64x128xf32, #tpu.memory_space<vmem>>, vector<16xf32>,
      %swap3A_1600 = arith.constant 42 : i32
      %swap3A_1601 = arith.index_cast %swap3A_1600 : i32 to index
      %swap3A_1602 = arith.constant 64 : index
      %swap3A_1603 = tpu.vector_load %arg7[%swap3A_1601, %swap3A_1602] {strides = array<i32>} : memref<64x128xf32, #tpu.memory_space<vmem>>, vector<16xf32>,
      tpu.vector_store %arg7[%swap3A_1601, %swap3A_1602], %add3A_1583 {strides = array<i32>} : memref<64x128xf32, #tpu.memory_space<vmem>>, vector<16xf32>,
      %swap3A_1604 = arith.constant 42 : i32
      %swap3A_1605 = arith.index_cast %swap3A_1604 : i32 to index
      %swap3A_1606 = arith.constant 80 : index
      %swap3A_1607 = tpu.vector_load %arg7[%swap3A_1605, %swap3A_1606] {strides = array<i32>} : memref<64x128xf32, #tpu.memory_space<vmem>>, vector<16xf32>,
      tpu.vector_store %arg7[%swap3A_1605, %swap3A_1606], %add3A_1583 {strides = array<i32>} : memref<64x128xf32, #tpu.memory_space<vmem>>, vector<16xf32>,
      %swap3A_1608 = arith.constant 42 : i32
      %swap3A_1609 = arith.index_cast %swap3A_1608 : i32 to index
      %swap3A_1610 = arith.constant 96 : index
      %swap3A_1611 = tpu.vector_load %arg7[%swap3A_1609, %swap3A_1610] {strides = array<i32>} : memref<64x128xf32, #tpu.memory_space<vmem>>, vector<16xf32>,
      tpu.vector_store %arg7[%swap3A_1609, %swap3A_1610], %add3A_1583 {strides = array<i32>} : memref<64x128xf32, #tpu.memory_space<vmem>>, vector<16xf32>,
      %swap3A_1612 = arith.constant 42 : i32
      %swap3A_1613 = arith.index_cast %swap3A_1612 : i32 to index
      %swap3A_1614 = arith.constant 112 : index
      %swap3A_1615 = tpu.vector_load %arg7[%swap3A_1613, %swap3A_1614] {strides = array<i32>} : memref<64x128xf32, #tpu.memory_space<vmem>>, vector<16xf32>,
      tpu.vector_store %arg7[%swap3A_1613, %swap3A_1614], %add3A_1583 {strides = array<i32>} : memref<64x128xf32, #tpu.memory_space<vmem>>, vector<16xf32>,
      %slice3A_1616 = vector.extract_strided_slice %get3A_1219 {offsets = [11], sizes = [1], strides = [1]} : vector<16xf32> to vector<1xf32>
      %squeeze3A_1617 = vector.extract %slice3A_1616[0] : f32 from vector<1xf32>
      %add3A_1618 = vector.broadcast %squeeze3A_1617 : f32 to vector<16xf32>
      %add3A_1619 = arith.addf %broadcast_in_dim3A_1, %add3A_1618 : vector<16xf32>
      %swap3A_1620 = arith.constant 43 : i32
      %swap3A_1621 = arith.index_cast %swap3A_1620 : i32 to index
      %swap3A_1622 = arith.constant 0 : index
      %swap3A_1623 = tpu.vector_load %arg7[%swap3A_1621, %swap3A_1622] {strides = array<i32>} : memref<64x128xf32, #tpu.memory_space<vmem>>, vector<16xf32>,
      tpu.vector_store %arg7[%swap3A_1621, %swap3A_1622], %add3A_1619 {strides = array<i32>} : memref<64x128xf32, #tpu.memory_space<vmem>>, vector<16xf32>,
      %swap3A_1624 = arith.constant 43 : i32
      %swap3A_1625 = arith.index_cast %swap3A_1624 : i32 to index
      %swap3A_1626 = arith.constant 16 : index
      %swap3A_1627 = tpu.vector_load %arg7[%swap3A_1625, %swap3A_1626] {strides = array<i32>} : memref<64x128xf32, #tpu.memory_space<vmem>>, vector<16xf32>,
      tpu.vector_store %arg7[%swap3A_1625, %swap3A_1626], %add3A_1619 {strides = array<i32>} : memref<64x128xf32, #tpu.memory_space<vmem>>, vector<16xf32>,
      %swap3A_1628 = arith.constant 43 : i32
      %swap3A_1629 = arith.index_cast %swap3A_1628 : i32 to index
      %swap3A_1630 = arith.constant 32 : index
      %swap3A_1631 = tpu.vector_load %arg7[%swap3A_1629, %swap3A_1630] {strides = array<i32>} : memref<64x128xf32, #tpu.memory_space<vmem>>, vector<16xf32>,
      tpu.vector_store %arg7[%swap3A_1629, %swap3A_1630], %add3A_1619 {strides = array<i32>} : memref<64x128xf32, #tpu.memory_space<vmem>>, vector<16xf32>,
      %swap3A_1632 = arith.constant 43 : i32
      %swap3A_1633 = arith.index_cast %swap3A_1632 : i32 to index
      %swap3A_1634 = arith.constant 48 : index
      %swap3A_1635 = tpu.vector_load %arg7[%swap3A_1633, %swap3A_1634] {strides = array<i32>} : memref<64x128xf32, #tpu.memory_space<vmem>>, vector<16xf32>,
      tpu.vector_store %arg7[%swap3A_1633, %swap3A_1634], %add3A_1619 {strides = array<i32>} : memref<64x128xf32, #tpu.memory_space<vmem>>, vector<16xf32>,
      %swap3A_1636 = arith.constant 43 : i32
      %swap3A_1637 = arith.index_cast %swap3A_1636 : i32 to index
      %swap3A_1638 = arith.constant 64 : index
      %swap3A_1639 = tpu.vector_load %arg7[%swap3A_1637, %swap3A_1638] {strides = array<i32>} : memref<64x128xf32, #tpu.memory_space<vmem>>, vector<16xf32>,
      tpu.vector_store %arg7[%swap3A_1637, %swap3A_1638], %add3A_1619 {strides = array<i32>} : memref<64x128xf32, #tpu.memory_space<vmem>>, vector<16xf32>,
      %swap3A_1640 = arith.constant 43 : i32
      %swap3A_1641 = arith.index_cast %swap3A_1640 : i32 to index
      %swap3A_1642 = arith.constant 80 : index
      %swap3A_1643 = tpu.vector_load %arg7[%swap3A_1641, %swap3A_1642] {strides = array<i32>} : memref<64x128xf32, #tpu.memory_space<vmem>>, vector<16xf32>,
      tpu.vector_store %arg7[%swap3A_1641, %swap3A_1642], %add3A_1619 {strides = array<i32>} : memref<64x128xf32, #tpu.memory_space<vmem>>, vector<16xf32>,
      %swap3A_1644 = arith.constant 43 : i32
      %swap3A_1645 = arith.index_cast %swap3A_1644 : i32 to index
      %swap3A_1646 = arith.constant 96 : index
      %swap3A_1647 = tpu.vector_load %arg7[%swap3A_1645, %swap3A_1646] {strides = array<i32>} : memref<64x128xf32, #tpu.memory_space<vmem>>, vector<16xf32>,
      tpu.vector_store %arg7[%swap3A_1645, %swap3A_1646], %add3A_1619 {strides = array<i32>} : memref<64x128xf32, #tpu.memory_space<vmem>>, vector<16xf32>,
      %swap3A_1648 = arith.constant 43 : i32
      %swap3A_1649 = arith.index_cast %swap3A_1648 : i32 to index
      %swap3A_1650 = arith.constant 112 : index
      %swap3A_1651 = tpu.vector_load %arg7[%swap3A_1649, %swap3A_1650] {strides = array<i32>} : memref<64x128xf32, #tpu.memory_space<vmem>>, vector<16xf32>,
      tpu.vector_store %arg7[%swap3A_1649, %swap3A_1650], %add3A_1619 {strides = array<i32>} : memref<64x128xf32, #tpu.memory_space<vmem>>, vector<16xf32>,
      %slice3A_1652 = vector.extract_strided_slice %get3A_1219 {offsets = [12], sizes = [1], strides = [1]} : vector<16xf32> to vector<1xf32>
      %squeeze3A_1653 = vector.extract %slice3A_1652[0] : f32 from vector<1xf32>
      %add3A_1654 = vector.broadcast %squeeze3A_1653 : f32 to vector<16xf32>
      %add3A_1655 = arith.addf %broadcast_in_dim3A_1, %add3A_1654 : vector<16xf32>
      %swap3A_1656 = arith.constant 44 : i32
      %swap3A_1657 = arith.index_cast %swap3A_1656 : i32 to index
      %swap3A_1658 = arith.constant 0 : index
      %swap3A_1659 = tpu.vector_load %arg7[%swap3A_1657, %swap3A_1658] {strides = array<i32>} : memref<64x128xf32, #tpu.memory_space<vmem>>, vector<16xf32>,
      tpu.vector_store %arg7[%swap3A_1657, %swap3A_1658], %add3A_1655 {strides = array<i32>} : memref<64x128xf32, #tpu.memory_space<vmem>>, vector<16xf32>,
      %swap3A_1660 = arith.constant 44 : i32
      %swap3A_1661 = arith.index_cast %swap3A_1660 : i32 to index
      %swap3A_1662 = arith.constant 16 : index
      %swap3A_1663 = tpu.vector_load %arg7[%swap3A_1661, %swap3A_1662] {strides = array<i32>} : memref<64x128xf32, #tpu.memory_space<vmem>>, vector<16xf32>,
      tpu.vector_store %arg7[%swap3A_1661, %swap3A_1662], %add3A_1655 {strides = array<i32>} : memref<64x128xf32, #tpu.memory_space<vmem>>, vector<16xf32>,
      %swap3A_1664 = arith.constant 44 : i32
      %swap3A_1665 = arith.index_cast %swap3A_1664 : i32 to index
      %swap3A_1666 = arith.constant 32 : index
      %swap3A_1667 = tpu.vector_load %arg7[%swap3A_1665, %swap3A_1666] {strides = array<i32>} : memref<64x128xf32, #tpu.memory_space<vmem>>, vector<16xf32>,
      tpu.vector_store %arg7[%swap3A_1665, %swap3A_1666], %add3A_1655 {strides = array<i32>} : memref<64x128xf32, #tpu.memory_space<vmem>>, vector<16xf32>,
      %swap3A_1668 = arith.constant 44 : i32
      %swap3A_1669 = arith.index_cast %swap3A_1668 : i32 to index
      %swap3A_1670 = arith.constant 48 : index
      %swap3A_1671 = tpu.vector_load %arg7[%swap3A_1669, %swap3A_1670] {strides = array<i32>} : memref<64x128xf32, #tpu.memory_space<vmem>>, vector<16xf32>,
      tpu.vector_store %arg7[%swap3A_1669, %swap3A_1670], %add3A_1655 {strides = array<i32>} : memref<64x128xf32, #tpu.memory_space<vmem>>, vector<16xf32>,
      %swap3A_1672 = arith.constant 44 : i32
      %swap3A_1673 = arith.index_cast %swap3A_1672 : i32 to index
      %swap3A_1674 = arith.constant 64 : index
      %swap3A_1675 = tpu.vector_load %arg7[%swap3A_1673, %swap3A_1674] {strides = array<i32>} : memref<64x128xf32, #tpu.memory_space<vmem>>, vector<16xf32>,
      tpu.vector_store %arg7[%swap3A_1673, %swap3A_1674], %add3A_1655 {strides = array<i32>} : memref<64x128xf32, #tpu.memory_space<vmem>>, vector<16xf32>,
      %swap3A_1676 = arith.constant 44 : i32
      %swap3A_1677 = arith.index_cast %swap3A_1676 : i32 to index
      %swap3A_1678 = arith.constant 80 : index
      %swap3A_1679 = tpu.vector_load %arg7[%swap3A_1677, %swap3A_1678] {strides = array<i32>} : memref<64x128xf32, #tpu.memory_space<vmem>>, vector<16xf32>,
      tpu.vector_store %arg7[%swap3A_1677, %swap3A_1678], %add3A_1655 {strides = array<i32>} : memref<64x128xf32, #tpu.memory_space<vmem>>, vector<16xf32>,
      %swap3A_1680 = arith.constant 44 : i32
      %swap3A_1681 = arith.index_cast %swap3A_1680 : i32 to index
      %swap3A_1682 = arith.constant 96 : index
      %swap3A_1683 = tpu.vector_load %arg7[%swap3A_1681, %swap3A_1682] {strides = array<i32>} : memref<64x128xf32, #tpu.memory_space<vmem>>, vector<16xf32>,
      tpu.vector_store %arg7[%swap3A_1681, %swap3A_1682], %add3A_1655 {strides = array<i32>} : memref<64x128xf32, #tpu.memory_space<vmem>>, vector<16xf32>,
      %swap3A_1684 = arith.constant 44 : i32
      %swap3A_1685 = arith.index_cast %swap3A_1684 : i32 to index
      %swap3A_1686 = arith.constant 112 : index
      %swap3A_1687 = tpu.vector_load %arg7[%swap3A_1685, %swap3A_1686] {strides = array<i32>} : memref<64x128xf32, #tpu.memory_space<vmem>>, vector<16xf32>,
      tpu.vector_store %arg7[%swap3A_1685, %swap3A_1686], %add3A_1655 {strides = array<i32>} : memref<64x128xf32, #tpu.memory_space<vmem>>, vector<16xf32>,
      %slice3A_1688 = vector.extract_strided_slice %get3A_1219 {offsets = [13], sizes = [1], strides = [1]} : vector<16xf32> to vector<1xf32>
      %squeeze3A_1689 = vector.extract %slice3A_1688[0] : f32 from vector<1xf32>
      %add3A_1690 = vector.broadcast %squeeze3A_1689 : f32 to vector<16xf32>
      %add3A_1691 = arith.addf %broadcast_in_dim3A_1, %add3A_1690 : vector<16xf32>
      %swap3A_1692 = arith.constant 45 : i32
      %swap3A_1693 = arith.index_cast %swap3A_1692 : i32 to index
      %swap3A_1694 = arith.constant 0 : index
      %swap3A_1695 = tpu.vector_load %arg7[%swap3A_1693, %swap3A_1694] {strides = array<i32>} : memref<64x128xf32, #tpu.memory_space<vmem>>, vector<16xf32>,
      tpu.vector_store %arg7[%swap3A_1693, %swap3A_1694], %add3A_1691 {strides = array<i32>} : memref<64x128xf32, #tpu.memory_space<vmem>>, vector<16xf32>,
      %swap3A_1696 = arith.constant 45 : i32
      %swap3A_1697 = arith.index_cast %swap3A_1696 : i32 to index
      %swap3A_1698 = arith.constant 16 : index
      %swap3A_1699 = tpu.vector_load %arg7[%swap3A_1697, %swap3A_1698] {strides = array<i32>} : memref<64x128xf32, #tpu.memory_space<vmem>>, vector<16xf32>,
      tpu.vector_store %arg7[%swap3A_1697, %swap3A_1698], %add3A_1691 {strides = array<i32>} : memref<64x128xf32, #tpu.memory_space<vmem>>, vector<16xf32>,
      %swap3A_1700 = arith.constant 45 : i32
      %swap3A_1701 = arith.index_cast %swap3A_1700 : i32 to index
      %swap3A_1702 = arith.constant 32 : index
      %swap3A_1703 = tpu.vector_load %arg7[%swap3A_1701, %swap3A_1702] {strides = array<i32>} : memref<64x128xf32, #tpu.memory_space<vmem>>, vector<16xf32>,
      tpu.vector_store %arg7[%swap3A_1701, %swap3A_1702], %add3A_1691 {strides = array<i32>} : memref<64x128xf32, #tpu.memory_space<vmem>>, vector<16xf32>,
      %swap3A_1704 = arith.constant 45 : i32
      %swap3A_1705 = arith.index_cast %swap3A_1704 : i32 to index
      %swap3A_1706 = arith.constant 48 : index
      %swap3A_1707 = tpu.vector_load %arg7[%swap3A_1705, %swap3A_1706] {strides = array<i32>} : memref<64x128xf32, #tpu.memory_space<vmem>>, vector<16xf32>,
      tpu.vector_store %arg7[%swap3A_1705, %swap3A_1706], %add3A_1691 {strides = array<i32>} : memref<64x128xf32, #tpu.memory_space<vmem>>, vector<16xf32>,
      %swap3A_1708 = arith.constant 45 : i32
      %swap3A_1709 = arith.index_cast %swap3A_1708 : i32 to index
      %swap3A_1710 = arith.constant 64 : index
      %swap3A_1711 = tpu.vector_load %arg7[%swap3A_1709, %swap3A_1710] {strides = array<i32>} : memref<64x128xf32, #tpu.memory_space<vmem>>, vector<16xf32>,
      tpu.vector_store %arg7[%swap3A_1709, %swap3A_1710], %add3A_1691 {strides = array<i32>} : memref<64x128xf32, #tpu.memory_space<vmem>>, vector<16xf32>,
      %swap3A_1712 = arith.constant 45 : i32
      %swap3A_1713 = arith.index_cast %swap3A_1712 : i32 to index
      %swap3A_1714 = arith.constant 80 : index
      %swap3A_1715 = tpu.vector_load %arg7[%swap3A_1713, %swap3A_1714] {strides = array<i32>} : memref<64x128xf32, #tpu.memory_space<vmem>>, vector<16xf32>,
      tpu.vector_store %arg7[%swap3A_1713, %swap3A_1714], %add3A_1691 {strides = array<i32>} : memref<64x128xf32, #tpu.memory_space<vmem>>, vector<16xf32>,
      %swap3A_1716 = arith.constant 45 : i32
      %swap3A_1717 = arith.index_cast %swap3A_1716 : i32 to index
      %swap3A_1718 = arith.constant 96 : index
      %swap3A_1719 = tpu.vector_load %arg7[%swap3A_1717, %swap3A_1718] {strides = array<i32>} : memref<64x128xf32, #tpu.memory_space<vmem>>, vector<16xf32>,
      tpu.vector_store %arg7[%swap3A_1717, %swap3A_1718], %add3A_1691 {strides = array<i32>} : memref<64x128xf32, #tpu.memory_space<vmem>>, vector<16xf32>,
      %swap3A_1720 = arith.constant 45 : i32
      %swap3A_1721 = arith.index_cast %swap3A_1720 : i32 to index
      %swap3A_1722 = arith.constant 112 : index
      %swap3A_1723 = tpu.vector_load %arg7[%swap3A_1721, %swap3A_1722] {strides = array<i32>} : memref<64x128xf32, #tpu.memory_space<vmem>>, vector<16xf32>,
      tpu.vector_store %arg7[%swap3A_1721, %swap3A_1722], %add3A_1691 {strides = array<i32>} : memref<64x128xf32, #tpu.memory_space<vmem>>, vector<16xf32>,
      %slice3A_1724 = vector.extract_strided_slice %get3A_1219 {offsets = [14], sizes = [1], strides = [1]} : vector<16xf32> to vector<1xf32>
      %squeeze3A_1725 = vector.extract %slice3A_1724[0] : f32 from vector<1xf32>
      %add3A_1726 = vector.broadcast %squeeze3A_1725 : f32 to vector<16xf32>
      %add3A_1727 = arith.addf %broadcast_in_dim3A_1, %add3A_1726 : vector<16xf32>
      %swap3A_1728 = arith.constant 46 : i32
      %swap3A_1729 = arith.index_cast %swap3A_1728 : i32 to index
      %swap3A_1730 = arith.constant 0 : index
      %swap3A_1731 = tpu.vector_load %arg7[%swap3A_1729, %swap3A_1730] {strides = array<i32>} : memref<64x128xf32, #tpu.memory_space<vmem>>, vector<16xf32>,
      tpu.vector_store %arg7[%swap3A_1729, %swap3A_1730], %add3A_1727 {strides = array<i32>} : memref<64x128xf32, #tpu.memory_space<vmem>>, vector<16xf32>,
      %swap3A_1732 = arith.constant 46 : i32
      %swap3A_1733 = arith.index_cast %swap3A_1732 : i32 to index
      %swap3A_1734 = arith.constant 16 : index
      %swap3A_1735 = tpu.vector_load %arg7[%swap3A_1733, %swap3A_1734] {strides = array<i32>} : memref<64x128xf32, #tpu.memory_space<vmem>>, vector<16xf32>,
      tpu.vector_store %arg7[%swap3A_1733, %swap3A_1734], %add3A_1727 {strides = array<i32>} : memref<64x128xf32, #tpu.memory_space<vmem>>, vector<16xf32>,
      %swap3A_1736 = arith.constant 46 : i32
      %swap3A_1737 = arith.index_cast %swap3A_1736 : i32 to index
      %swap3A_1738 = arith.constant 32 : index
      %swap3A_1739 = tpu.vector_load %arg7[%swap3A_1737, %swap3A_1738] {strides = array<i32>} : memref<64x128xf32, #tpu.memory_space<vmem>>, vector<16xf32>,
      tpu.vector_store %arg7[%swap3A_1737, %swap3A_1738], %add3A_1727 {strides = array<i32>} : memref<64x128xf32, #tpu.memory_space<vmem>>, vector<16xf32>,
      %swap3A_1740 = arith.constant 46 : i32
      %swap3A_1741 = arith.index_cast %swap3A_1740 : i32 to index
      %swap3A_1742 = arith.constant 48 : index
      %swap3A_1743 = tpu.vector_load %arg7[%swap3A_1741, %swap3A_1742] {strides = array<i32>} : memref<64x128xf32, #tpu.memory_space<vmem>>, vector<16xf32>,
      tpu.vector_store %arg7[%swap3A_1741, %swap3A_1742], %add3A_1727 {strides = array<i32>} : memref<64x128xf32, #tpu.memory_space<vmem>>, vector<16xf32>,
      %swap3A_1744 = arith.constant 46 : i32
      %swap3A_1745 = arith.index_cast %swap3A_1744 : i32 to index
      %swap3A_1746 = arith.constant 64 : index
      %swap3A_1747 = tpu.vector_load %arg7[%swap3A_1745, %swap3A_1746] {strides = array<i32>} : memref<64x128xf32, #tpu.memory_space<vmem>>, vector<16xf32>,
      tpu.vector_store %arg7[%swap3A_1745, %swap3A_1746], %add3A_1727 {strides = array<i32>} : memref<64x128xf32, #tpu.memory_space<vmem>>, vector<16xf32>,
      %swap3A_1748 = arith.constant 46 : i32
      %swap3A_1749 = arith.index_cast %swap3A_1748 : i32 to index
      %swap3A_1750 = arith.constant 80 : index
      %swap3A_1751 = tpu.vector_load %arg7[%swap3A_1749, %swap3A_1750] {strides = array<i32>} : memref<64x128xf32, #tpu.memory_space<vmem>>, vector<16xf32>,
      tpu.vector_store %arg7[%swap3A_1749, %swap3A_1750], %add3A_1727 {strides = array<i32>} : memref<64x128xf32, #tpu.memory_space<vmem>>, vector<16xf32>,
      %swap3A_1752 = arith.constant 46 : i32
      %swap3A_1753 = arith.index_cast %swap3A_1752 : i32 to index
      %swap3A_1754 = arith.constant 96 : index
      %swap3A_1755 = tpu.vector_load %arg7[%swap3A_1753, %swap3A_1754] {strides = array<i32>} : memref<64x128xf32, #tpu.memory_space<vmem>>, vector<16xf32>,
      tpu.vector_store %arg7[%swap3A_1753, %swap3A_1754], %add3A_1727 {strides = array<i32>} : memref<64x128xf32, #tpu.memory_space<vmem>>, vector<16xf32>,
      %swap3A_1756 = arith.constant 46 : i32
      %swap3A_1757 = arith.index_cast %swap3A_1756 : i32 to index
      %swap3A_1758 = arith.constant 112 : index
      %swap3A_1759 = tpu.vector_load %arg7[%swap3A_1757, %swap3A_1758] {strides = array<i32>} : memref<64x128xf32, #tpu.memory_space<vmem>>, vector<16xf32>,
      tpu.vector_store %arg7[%swap3A_1757, %swap3A_1758], %add3A_1727 {strides = array<i32>} : memref<64x128xf32, #tpu.memory_space<vmem>>, vector<16xf32>,
      %slice3A_1760 = vector.extract_strided_slice %get3A_1219 {offsets = [15], sizes = [1], strides = [1]} : vector<16xf32> to vector<1xf32>
      %squeeze3A_1761 = vector.extract %slice3A_1760[0] : f32 from vector<1xf32>
      %add3A_1762 = vector.broadcast %squeeze3A_1761 : f32 to vector<16xf32>
      %add3A_1763 = arith.addf %broadcast_in_dim3A_1, %add3A_1762 : vector<16xf32>
      %swap3A_1764 = arith.constant 47 : i32
      %swap3A_1765 = arith.index_cast %swap3A_1764 : i32 to index
      %swap3A_1766 = arith.constant 0 : index
      %swap3A_1767 = tpu.vector_load %arg7[%swap3A_1765, %swap3A_1766] {strides = array<i32>} : memref<64x128xf32, #tpu.memory_space<vmem>>, vector<16xf32>,
      tpu.vector_store %arg7[%swap3A_1765, %swap3A_1766], %add3A_1763 {strides = array<i32>} : memref<64x128xf32, #tpu.memory_space<vmem>>, vector<16xf32>,
      %swap3A_1768 = arith.constant 47 : i32
      %swap3A_1769 = arith.index_cast %swap3A_1768 : i32 to index
      %swap3A_1770 = arith.constant 16 : index
      %swap3A_1771 = tpu.vector_load %arg7[%swap3A_1769, %swap3A_1770] {strides = array<i32>} : memref<64x128xf32, #tpu.memory_space<vmem>>, vector<16xf32>,
      tpu.vector_store %arg7[%swap3A_1769, %swap3A_1770], %add3A_1763 {strides = array<i32>} : memref<64x128xf32, #tpu.memory_space<vmem>>, vector<16xf32>,
      %swap3A_1772 = arith.constant 47 : i32
      %swap3A_1773 = arith.index_cast %swap3A_1772 : i32 to index
      %swap3A_1774 = arith.constant 32 : index
      %swap3A_1775 = tpu.vector_load %arg7[%swap3A_1773, %swap3A_1774] {strides = array<i32>} : memref<64x128xf32, #tpu.memory_space<vmem>>, vector<16xf32>,
      tpu.vector_store %arg7[%swap3A_1773, %swap3A_1774], %add3A_1763 {strides = array<i32>} : memref<64x128xf32, #tpu.memory_space<vmem>>, vector<16xf32>,
      %swap3A_1776 = arith.constant 47 : i32
      %swap3A_1777 = arith.index_cast %swap3A_1776 : i32 to index
      %swap3A_1778 = arith.constant 48 : index
      %swap3A_1779 = tpu.vector_load %arg7[%swap3A_1777, %swap3A_1778] {strides = array<i32>} : memref<64x128xf32, #tpu.memory_space<vmem>>, vector<16xf32>,
      tpu.vector_store %arg7[%swap3A_1777, %swap3A_1778], %add3A_1763 {strides = array<i32>} : memref<64x128xf32, #tpu.memory_space<vmem>>, vector<16xf32>,
      %swap3A_1780 = arith.constant 47 : i32
      %swap3A_1781 = arith.index_cast %swap3A_1780 : i32 to index
      %swap3A_1782 = arith.constant 64 : index
      %swap3A_1783 = tpu.vector_load %arg7[%swap3A_1781, %swap3A_1782] {strides = array<i32>} : memref<64x128xf32, #tpu.memory_space<vmem>>, vector<16xf32>,
      tpu.vector_store %arg7[%swap3A_1781, %swap3A_1782], %add3A_1763 {strides = array<i32>} : memref<64x128xf32, #tpu.memory_space<vmem>>, vector<16xf32>,
      %swap3A_1784 = arith.constant 47 : i32
      %swap3A_1785 = arith.index_cast %swap3A_1784 : i32 to index
      %swap3A_1786 = arith.constant 80 : index
      %swap3A_1787 = tpu.vector_load %arg7[%swap3A_1785, %swap3A_1786] {strides = array<i32>} : memref<64x128xf32, #tpu.memory_space<vmem>>, vector<16xf32>,
      tpu.vector_store %arg7[%swap3A_1785, %swap3A_1786], %add3A_1763 {strides = array<i32>} : memref<64x128xf32, #tpu.memory_space<vmem>>, vector<16xf32>,
      %swap3A_1788 = arith.constant 47 : i32
      %swap3A_1789 = arith.index_cast %swap3A_1788 : i32 to index
      %swap3A_1790 = arith.constant 96 : index
      %swap3A_1791 = tpu.vector_load %arg7[%swap3A_1789, %swap3A_1790] {strides = array<i32>} : memref<64x128xf32, #tpu.memory_space<vmem>>, vector<16xf32>,
      tpu.vector_store %arg7[%swap3A_1789, %swap3A_1790], %add3A_1763 {strides = array<i32>} : memref<64x128xf32, #tpu.memory_space<vmem>>, vector<16xf32>,
      %swap3A_1792 = arith.constant 47 : i32
      %swap3A_1793 = arith.index_cast %swap3A_1792 : i32 to index
      %swap3A_1794 = arith.constant 112 : index
      %swap3A_1795 = tpu.vector_load %arg7[%swap3A_1793, %swap3A_1794] {strides = array<i32>} : memref<64x128xf32, #tpu.memory_space<vmem>>, vector<16xf32>,
      tpu.vector_store %arg7[%swap3A_1793, %swap3A_1794], %add3A_1763 {strides = array<i32>} : memref<64x128xf32, #tpu.memory_space<vmem>>, vector<16xf32>,
      %mul3A_1796 = arith.constant 64 : i32
      %mul3A_1797 = arith.muli %add3A_53, %mul3A_1796 : i32
      %add3A_1798 = arith.constant 48 : i32
      %add3A_1799 = arith.addi %mul3A_1797, %add3A_1798 : i32
      %get3A_1800 = arith.index_cast %add3A_1799 : i32 to index
      %get3A_1801 = tpu.vector_load %arg5[%get3A_1800] {strides = array<i32>} : memref<10240xf32, #tpu.memory_space<vmem>>, vector<16xf32>,
      %slice3A_1802 = vector.extract_strided_slice %get3A_1801 {offsets = [0], sizes = [1], strides = [1]} : vector<16xf32> to vector<1xf32>
      %squeeze3A_1803 = vector.extract %slice3A_1802[0] : f32 from vector<1xf32>
      %add3A_1804 = vector.broadcast %squeeze3A_1803 : f32 to vector<16xf32>
      %add3A_1805 = arith.addf %broadcast_in_dim3A_1, %add3A_1804 : vector<16xf32>
      %swap3A_1806 = arith.constant 48 : i32
      %swap3A_1807 = arith.index_cast %swap3A_1806 : i32 to index
      %swap3A_1808 = arith.constant 0 : index
      %swap3A_1809 = tpu.vector_load %arg7[%swap3A_1807, %swap3A_1808] {strides = array<i32>} : memref<64x128xf32, #tpu.memory_space<vmem>>, vector<16xf32>,
      tpu.vector_store %arg7[%swap3A_1807, %swap3A_1808], %add3A_1805 {strides = array<i32>} : memref<64x128xf32, #tpu.memory_space<vmem>>, vector<16xf32>,
      %swap3A_1810 = arith.constant 48 : i32
      %swap3A_1811 = arith.index_cast %swap3A_1810 : i32 to index
      %swap3A_1812 = arith.constant 16 : index
      %swap3A_1813 = tpu.vector_load %arg7[%swap3A_1811, %swap3A_1812] {strides = array<i32>} : memref<64x128xf32, #tpu.memory_space<vmem>>, vector<16xf32>,
      tpu.vector_store %arg7[%swap3A_1811, %swap3A_1812], %add3A_1805 {strides = array<i32>} : memref<64x128xf32, #tpu.memory_space<vmem>>, vector<16xf32>,
      %swap3A_1814 = arith.constant 48 : i32
      %swap3A_1815 = arith.index_cast %swap3A_1814 : i32 to index
      %swap3A_1816 = arith.constant 32 : index
      %swap3A_1817 = tpu.vector_load %arg7[%swap3A_1815, %swap3A_1816] {strides = array<i32>} : memref<64x128xf32, #tpu.memory_space<vmem>>, vector<16xf32>,
      tpu.vector_store %arg7[%swap3A_1815, %swap3A_1816], %add3A_1805 {strides = array<i32>} : memref<64x128xf32, #tpu.memory_space<vmem>>, vector<16xf32>,
      %swap3A_1818 = arith.constant 48 : i32
      %swap3A_1819 = arith.index_cast %swap3A_1818 : i32 to index
      %swap3A_1820 = arith.constant 48 : index
      %swap3A_1821 = tpu.vector_load %arg7[%swap3A_1819, %swap3A_1820] {strides = array<i32>} : memref<64x128xf32, #tpu.memory_space<vmem>>, vector<16xf32>,
      tpu.vector_store %arg7[%swap3A_1819, %swap3A_1820], %add3A_1805 {strides = array<i32>} : memref<64x128xf32, #tpu.memory_space<vmem>>, vector<16xf32>,
      %swap3A_1822 = arith.constant 48 : i32
      %swap3A_1823 = arith.index_cast %swap3A_1822 : i32 to index
      %swap3A_1824 = arith.constant 64 : index
      %swap3A_1825 = tpu.vector_load %arg7[%swap3A_1823, %swap3A_1824] {strides = array<i32>} : memref<64x128xf32, #tpu.memory_space<vmem>>, vector<16xf32>,
      tpu.vector_store %arg7[%swap3A_1823, %swap3A_1824], %add3A_1805 {strides = array<i32>} : memref<64x128xf32, #tpu.memory_space<vmem>>, vector<16xf32>,
      %swap3A_1826 = arith.constant 48 : i32
      %swap3A_1827 = arith.index_cast %swap3A_1826 : i32 to index
      %swap3A_1828 = arith.constant 80 : index
      %swap3A_1829 = tpu.vector_load %arg7[%swap3A_1827, %swap3A_1828] {strides = array<i32>} : memref<64x128xf32, #tpu.memory_space<vmem>>, vector<16xf32>,
      tpu.vector_store %arg7[%swap3A_1827, %swap3A_1828], %add3A_1805 {strides = array<i32>} : memref<64x128xf32, #tpu.memory_space<vmem>>, vector<16xf32>,
      %swap3A_1830 = arith.constant 48 : i32
      %swap3A_1831 = arith.index_cast %swap3A_1830 : i32 to index
      %swap3A_1832 = arith.constant 96 : index
      %swap3A_1833 = tpu.vector_load %arg7[%swap3A_1831, %swap3A_1832] {strides = array<i32>} : memref<64x128xf32, #tpu.memory_space<vmem>>, vector<16xf32>,
      tpu.vector_store %arg7[%swap3A_1831, %swap3A_1832], %add3A_1805 {strides = array<i32>} : memref<64x128xf32, #tpu.memory_space<vmem>>, vector<16xf32>,
      %swap3A_1834 = arith.constant 48 : i32
      %swap3A_1835 = arith.index_cast %swap3A_1834 : i32 to index
      %swap3A_1836 = arith.constant 112 : index
      %swap3A_1837 = tpu.vector_load %arg7[%swap3A_1835, %swap3A_1836] {strides = array<i32>} : memref<64x128xf32, #tpu.memory_space<vmem>>, vector<16xf32>,
      tpu.vector_store %arg7[%swap3A_1835, %swap3A_1836], %add3A_1805 {strides = array<i32>} : memref<64x128xf32, #tpu.memory_space<vmem>>, vector<16xf32>,
      %slice3A_1838 = vector.extract_strided_slice %get3A_1801 {offsets = [1], sizes = [1], strides = [1]} : vector<16xf32> to vector<1xf32>
      %squeeze3A_1839 = vector.extract %slice3A_1838[0] : f32 from vector<1xf32>
      %add3A_1840 = vector.broadcast %squeeze3A_1839 : f32 to vector<16xf32>
      %add3A_1841 = arith.addf %broadcast_in_dim3A_1, %add3A_1840 : vector<16xf32>
      %swap3A_1842 = arith.constant 49 : i32
      %swap3A_1843 = arith.index_cast %swap3A_1842 : i32 to index
      %swap3A_1844 = arith.constant 0 : index
      %swap3A_1845 = tpu.vector_load %arg7[%swap3A_1843, %swap3A_1844] {strides = array<i32>} : memref<64x128xf32, #tpu.memory_space<vmem>>, vector<16xf32>,
      tpu.vector_store %arg7[%swap3A_1843, %swap3A_1844], %add3A_1841 {strides = array<i32>} : memref<64x128xf32, #tpu.memory_space<vmem>>, vector<16xf32>,
      %swap3A_1846 = arith.constant 49 : i32
      %swap3A_1847 = arith.index_cast %swap3A_1846 : i32 to index
      %swap3A_1848 = arith.constant 16 : index
      %swap3A_1849 = tpu.vector_load %arg7[%swap3A_1847, %swap3A_1848] {strides = array<i32>} : memref<64x128xf32, #tpu.memory_space<vmem>>, vector<16xf32>,
      tpu.vector_store %arg7[%swap3A_1847, %swap3A_1848], %add3A_1841 {strides = array<i32>} : memref<64x128xf32, #tpu.memory_space<vmem>>, vector<16xf32>,
      %swap3A_1850 = arith.constant 49 : i32
      %swap3A_1851 = arith.index_cast %swap3A_1850 : i32 to index
      %swap3A_1852 = arith.constant 32 : index
      %swap3A_1853 = tpu.vector_load %arg7[%swap3A_1851, %swap3A_1852] {strides = array<i32>} : memref<64x128xf32, #tpu.memory_space<vmem>>, vector<16xf32>,
      tpu.vector_store %arg7[%swap3A_1851, %swap3A_1852], %add3A_1841 {strides = array<i32>} : memref<64x128xf32, #tpu.memory_space<vmem>>, vector<16xf32>,
      %swap3A_1854 = arith.constant 49 : i32
      %swap3A_1855 = arith.index_cast %swap3A_1854 : i32 to index
      %swap3A_1856 = arith.constant 48 : index
      %swap3A_1857 = tpu.vector_load %arg7[%swap3A_1855, %swap3A_1856] {strides = array<i32>} : memref<64x128xf32, #tpu.memory_space<vmem>>, vector<16xf32>,
      tpu.vector_store %arg7[%swap3A_1855, %swap3A_1856], %add3A_1841 {strides = array<i32>} : memref<64x128xf32, #tpu.memory_space<vmem>>, vector<16xf32>,
      %swap3A_1858 = arith.constant 49 : i32
      %swap3A_1859 = arith.index_cast %swap3A_1858 : i32 to index
      %swap3A_1860 = arith.constant 64 : index
      %swap3A_1861 = tpu.vector_load %arg7[%swap3A_1859, %swap3A_1860] {strides = array<i32>} : memref<64x128xf32, #tpu.memory_space<vmem>>, vector<16xf32>,
      tpu.vector_store %arg7[%swap3A_1859, %swap3A_1860], %add3A_1841 {strides = array<i32>} : memref<64x128xf32, #tpu.memory_space<vmem>>, vector<16xf32>,
      %swap3A_1862 = arith.constant 49 : i32
      %swap3A_1863 = arith.index_cast %swap3A_1862 : i32 to index
      %swap3A_1864 = arith.constant 80 : index
      %swap3A_1865 = tpu.vector_load %arg7[%swap3A_1863, %swap3A_1864] {strides = array<i32>} : memref<64x128xf32, #tpu.memory_space<vmem>>, vector<16xf32>,
      tpu.vector_store %arg7[%swap3A_1863, %swap3A_1864], %add3A_1841 {strides = array<i32>} : memref<64x128xf32, #tpu.memory_space<vmem>>, vector<16xf32>,
      %swap3A_1866 = arith.constant 49 : i32
      %swap3A_1867 = arith.index_cast %swap3A_1866 : i32 to index
      %swap3A_1868 = arith.constant 96 : index
      %swap3A_1869 = tpu.vector_load %arg7[%swap3A_1867, %swap3A_1868] {strides = array<i32>} : memref<64x128xf32, #tpu.memory_space<vmem>>, vector<16xf32>,
      tpu.vector_store %arg7[%swap3A_1867, %swap3A_1868], %add3A_1841 {strides = array<i32>} : memref<64x128xf32, #tpu.memory_space<vmem>>, vector<16xf32>,
      %swap3A_1870 = arith.constant 49 : i32
      %swap3A_1871 = arith.index_cast %swap3A_1870 : i32 to index
      %swap3A_1872 = arith.constant 112 : index
      %swap3A_1873 = tpu.vector_load %arg7[%swap3A_1871, %swap3A_1872] {strides = array<i32>} : memref<64x128xf32, #tpu.memory_space<vmem>>, vector<16xf32>,
      tpu.vector_store %arg7[%swap3A_1871, %swap3A_1872], %add3A_1841 {strides = array<i32>} : memref<64x128xf32, #tpu.memory_space<vmem>>, vector<16xf32>,
      %slice3A_1874 = vector.extract_strided_slice %get3A_1801 {offsets = [2], sizes = [1], strides = [1]} : vector<16xf32> to vector<1xf32>
      %squeeze3A_1875 = vector.extract %slice3A_1874[0] : f32 from vector<1xf32>
      %add3A_1876 = vector.broadcast %squeeze3A_1875 : f32 to vector<16xf32>
      %add3A_1877 = arith.addf %broadcast_in_dim3A_1, %add3A_1876 : vector<16xf32>
      %swap3A_1878 = arith.constant 50 : i32
      %swap3A_1879 = arith.index_cast %swap3A_1878 : i32 to index
      %swap3A_1880 = arith.constant 0 : index
      %swap3A_1881 = tpu.vector_load %arg7[%swap3A_1879, %swap3A_1880] {strides = array<i32>} : memref<64x128xf32, #tpu.memory_space<vmem>>, vector<16xf32>,
      tpu.vector_store %arg7[%swap3A_1879, %swap3A_1880], %add3A_1877 {strides = array<i32>} : memref<64x128xf32, #tpu.memory_space<vmem>>, vector<16xf32>,
      %swap3A_1882 = arith.constant 50 : i32
      %swap3A_1883 = arith.index_cast %swap3A_1882 : i32 to index
      %swap3A_1884 = arith.constant 16 : index
      %swap3A_1885 = tpu.vector_load %arg7[%swap3A_1883, %swap3A_1884] {strides = array<i32>} : memref<64x128xf32, #tpu.memory_space<vmem>>, vector<16xf32>,
      tpu.vector_store %arg7[%swap3A_1883, %swap3A_1884], %add3A_1877 {strides = array<i32>} : memref<64x128xf32, #tpu.memory_space<vmem>>, vector<16xf32>,
      %swap3A_1886 = arith.constant 50 : i32
      %swap3A_1887 = arith.index_cast %swap3A_1886 : i32 to index
      %swap3A_1888 = arith.constant 32 : index
      %swap3A_1889 = tpu.vector_load %arg7[%swap3A_1887, %swap3A_1888] {strides = array<i32>} : memref<64x128xf32, #tpu.memory_space<vmem>>, vector<16xf32>,
      tpu.vector_store %arg7[%swap3A_1887, %swap3A_1888], %add3A_1877 {strides = array<i32>} : memref<64x128xf32, #tpu.memory_space<vmem>>, vector<16xf32>,
      %swap3A_1890 = arith.constant 50 : i32
      %swap3A_1891 = arith.index_cast %swap3A_1890 : i32 to index
      %swap3A_1892 = arith.constant 48 : index
      %swap3A_1893 = tpu.vector_load %arg7[%swap3A_1891, %swap3A_1892] {strides = array<i32>} : memref<64x128xf32, #tpu.memory_space<vmem>>, vector<16xf32>,
      tpu.vector_store %arg7[%swap3A_1891, %swap3A_1892], %add3A_1877 {strides = array<i32>} : memref<64x128xf32, #tpu.memory_space<vmem>>, vector<16xf32>,
      %swap3A_1894 = arith.constant 50 : i32
      %swap3A_1895 = arith.index_cast %swap3A_1894 : i32 to index
      %swap3A_1896 = arith.constant 64 : index
      %swap3A_1897 = tpu.vector_load %arg7[%swap3A_1895, %swap3A_1896] {strides = array<i32>} : memref<64x128xf32, #tpu.memory_space<vmem>>, vector<16xf32>,
      tpu.vector_store %arg7[%swap3A_1895, %swap3A_1896], %add3A_1877 {strides = array<i32>} : memref<64x128xf32, #tpu.memory_space<vmem>>, vector<16xf32>,
      %swap3A_1898 = arith.constant 50 : i32
      %swap3A_1899 = arith.index_cast %swap3A_1898 : i32 to index
      %swap3A_1900 = arith.constant 80 : index
      %swap3A_1901 = tpu.vector_load %arg7[%swap3A_1899, %swap3A_1900] {strides = array<i32>} : memref<64x128xf32, #tpu.memory_space<vmem>>, vector<16xf32>,
      tpu.vector_store %arg7[%swap3A_1899, %swap3A_1900], %add3A_1877 {strides = array<i32>} : memref<64x128xf32, #tpu.memory_space<vmem>>, vector<16xf32>,
      %swap3A_1902 = arith.constant 50 : i32
      %swap3A_1903 = arith.index_cast %swap3A_1902 : i32 to index
      %swap3A_1904 = arith.constant 96 : index
      %swap3A_1905 = tpu.vector_load %arg7[%swap3A_1903, %swap3A_1904] {strides = array<i32>} : memref<64x128xf32, #tpu.memory_space<vmem>>, vector<16xf32>,
      tpu.vector_store %arg7[%swap3A_1903, %swap3A_1904], %add3A_1877 {strides = array<i32>} : memref<64x128xf32, #tpu.memory_space<vmem>>, vector<16xf32>,
      %swap3A_1906 = arith.constant 50 : i32
      %swap3A_1907 = arith.index_cast %swap3A_1906 : i32 to index
      %swap3A_1908 = arith.constant 112 : index
      %swap3A_1909 = tpu.vector_load %arg7[%swap3A_1907, %swap3A_1908] {strides = array<i32>} : memref<64x128xf32, #tpu.memory_space<vmem>>, vector<16xf32>,
      tpu.vector_store %arg7[%swap3A_1907, %swap3A_1908], %add3A_1877 {strides = array<i32>} : memref<64x128xf32, #tpu.memory_space<vmem>>, vector<16xf32>,
      %slice3A_1910 = vector.extract_strided_slice %get3A_1801 {offsets = [3], sizes = [1], strides = [1]} : vector<16xf32> to vector<1xf32>
      %squeeze3A_1911 = vector.extract %slice3A_1910[0] : f32 from vector<1xf32>
      %add3A_1912 = vector.broadcast %squeeze3A_1911 : f32 to vector<16xf32>
      %add3A_1913 = arith.addf %broadcast_in_dim3A_1, %add3A_1912 : vector<16xf32>
      %swap3A_1914 = arith.constant 51 : i32
      %swap3A_1915 = arith.index_cast %swap3A_1914 : i32 to index
      %swap3A_1916 = arith.constant 0 : index
      %swap3A_1917 = tpu.vector_load %arg7[%swap3A_1915, %swap3A_1916] {strides = array<i32>} : memref<64x128xf32, #tpu.memory_space<vmem>>, vector<16xf32>,
      tpu.vector_store %arg7[%swap3A_1915, %swap3A_1916], %add3A_1913 {strides = array<i32>} : memref<64x128xf32, #tpu.memory_space<vmem>>, vector<16xf32>,
      %swap3A_1918 = arith.constant 51 : i32
      %swap3A_1919 = arith.index_cast %swap3A_1918 : i32 to index
      %swap3A_1920 = arith.constant 16 : index
      %swap3A_1921 = tpu.vector_load %arg7[%swap3A_1919, %swap3A_1920] {strides = array<i32>} : memref<64x128xf32, #tpu.memory_space<vmem>>, vector<16xf32>,
      tpu.vector_store %arg7[%swap3A_1919, %swap3A_1920], %add3A_1913 {strides = array<i32>} : memref<64x128xf32, #tpu.memory_space<vmem>>, vector<16xf32>,
      %swap3A_1922 = arith.constant 51 : i32
      %swap3A_1923 = arith.index_cast %swap3A_1922 : i32 to index
      %swap3A_1924 = arith.constant 32 : index
      %swap3A_1925 = tpu.vector_load %arg7[%swap3A_1923, %swap3A_1924] {strides = array<i32>} : memref<64x128xf32, #tpu.memory_space<vmem>>, vector<16xf32>,
      tpu.vector_store %arg7[%swap3A_1923, %swap3A_1924], %add3A_1913 {strides = array<i32>} : memref<64x128xf32, #tpu.memory_space<vmem>>, vector<16xf32>,
      %swap3A_1926 = arith.constant 51 : i32
      %swap3A_1927 = arith.index_cast %swap3A_1926 : i32 to index
      %swap3A_1928 = arith.constant 48 : index
      %swap3A_1929 = tpu.vector_load %arg7[%swap3A_1927, %swap3A_1928] {strides = array<i32>} : memref<64x128xf32, #tpu.memory_space<vmem>>, vector<16xf32>,
      tpu.vector_store %arg7[%swap3A_1927, %swap3A_1928], %add3A_1913 {strides = array<i32>} : memref<64x128xf32, #tpu.memory_space<vmem>>, vector<16xf32>,
      %swap3A_1930 = arith.constant 51 : i32
      %swap3A_1931 = arith.index_cast %swap3A_1930 : i32 to index
      %swap3A_1932 = arith.constant 64 : index
      %swap3A_1933 = tpu.vector_load %arg7[%swap3A_1931, %swap3A_1932] {strides = array<i32>} : memref<64x128xf32, #tpu.memory_space<vmem>>, vector<16xf32>,
      tpu.vector_store %arg7[%swap3A_1931, %swap3A_1932], %add3A_1913 {strides = array<i32>} : memref<64x128xf32, #tpu.memory_space<vmem>>, vector<16xf32>,
      %swap3A_1934 = arith.constant 51 : i32
      %swap3A_1935 = arith.index_cast %swap3A_1934 : i32 to index
      %swap3A_1936 = arith.constant 80 : index
      %swap3A_1937 = tpu.vector_load %arg7[%swap3A_1935, %swap3A_1936] {strides = array<i32>} : memref<64x128xf32, #tpu.memory_space<vmem>>, vector<16xf32>,
      tpu.vector_store %arg7[%swap3A_1935, %swap3A_1936], %add3A_1913 {strides = array<i32>} : memref<64x128xf32, #tpu.memory_space<vmem>>, vector<16xf32>,
      %swap3A_1938 = arith.constant 51 : i32
      %swap3A_1939 = arith.index_cast %swap3A_1938 : i32 to index
      %swap3A_1940 = arith.constant 96 : index
      %swap3A_1941 = tpu.vector_load %arg7[%swap3A_1939, %swap3A_1940] {strides = array<i32>} : memref<64x128xf32, #tpu.memory_space<vmem>>, vector<16xf32>,
      tpu.vector_store %arg7[%swap3A_1939, %swap3A_1940], %add3A_1913 {strides = array<i32>} : memref<64x128xf32, #tpu.memory_space<vmem>>, vector<16xf32>,
      %swap3A_1942 = arith.constant 51 : i32
      %swap3A_1943 = arith.index_cast %swap3A_1942 : i32 to index
      %swap3A_1944 = arith.constant 112 : index
      %swap3A_1945 = tpu.vector_load %arg7[%swap3A_1943, %swap3A_1944] {strides = array<i32>} : memref<64x128xf32, #tpu.memory_space<vmem>>, vector<16xf32>,
      tpu.vector_store %arg7[%swap3A_1943, %swap3A_1944], %add3A_1913 {strides = array<i32>} : memref<64x128xf32, #tpu.memory_space<vmem>>, vector<16xf32>,
      %slice3A_1946 = vector.extract_strided_slice %get3A_1801 {offsets = [4], sizes = [1], strides = [1]} : vector<16xf32> to vector<1xf32>
      %squeeze3A_1947 = vector.extract %slice3A_1946[0] : f32 from vector<1xf32>
      %add3A_1948 = vector.broadcast %squeeze3A_1947 : f32 to vector<16xf32>
      %add3A_1949 = arith.addf %broadcast_in_dim3A_1, %add3A_1948 : vector<16xf32>
      %swap3A_1950 = arith.constant 52 : i32
      %swap3A_1951 = arith.index_cast %swap3A_1950 : i32 to index
      %swap3A_1952 = arith.constant 0 : index
      %swap3A_1953 = tpu.vector_load %arg7[%swap3A_1951, %swap3A_1952] {strides = array<i32>} : memref<64x128xf32, #tpu.memory_space<vmem>>, vector<16xf32>,
      tpu.vector_store %arg7[%swap3A_1951, %swap3A_1952], %add3A_1949 {strides = array<i32>} : memref<64x128xf32, #tpu.memory_space<vmem>>, vector<16xf32>,
      %swap3A_1954 = arith.constant 52 : i32
      %swap3A_1955 = arith.index_cast %swap3A_1954 : i32 to index
      %swap3A_1956 = arith.constant 16 : index
      %swap3A_1957 = tpu.vector_load %arg7[%swap3A_1955, %swap3A_1956] {strides = array<i32>} : memref<64x128xf32, #tpu.memory_space<vmem>>, vector<16xf32>,
      tpu.vector_store %arg7[%swap3A_1955, %swap3A_1956], %add3A_1949 {strides = array<i32>} : memref<64x128xf32, #tpu.memory_space<vmem>>, vector<16xf32>,
      %swap3A_1958 = arith.constant 52 : i32
      %swap3A_1959 = arith.index_cast %swap3A_1958 : i32 to index
      %swap3A_1960 = arith.constant 32 : index
      %swap3A_1961 = tpu.vector_load %arg7[%swap3A_1959, %swap3A_1960] {strides = array<i32>} : memref<64x128xf32, #tpu.memory_space<vmem>>, vector<16xf32>,
      tpu.vector_store %arg7[%swap3A_1959, %swap3A_1960], %add3A_1949 {strides = array<i32>} : memref<64x128xf32, #tpu.memory_space<vmem>>, vector<16xf32>,
      %swap3A_1962 = arith.constant 52 : i32
      %swap3A_1963 = arith.index_cast %swap3A_1962 : i32 to index
      %swap3A_1964 = arith.constant 48 : index
      %swap3A_1965 = tpu.vector_load %arg7[%swap3A_1963, %swap3A_1964] {strides = array<i32>} : memref<64x128xf32, #tpu.memory_space<vmem>>, vector<16xf32>,
      tpu.vector_store %arg7[%swap3A_1963, %swap3A_1964], %add3A_1949 {strides = array<i32>} : memref<64x128xf32, #tpu.memory_space<vmem>>, vector<16xf32>,
      %swap3A_1966 = arith.constant 52 : i32
      %swap3A_1967 = arith.index_cast %swap3A_1966 : i32 to index
      %swap3A_1968 = arith.constant 64 : index
      %swap3A_1969 = tpu.vector_load %arg7[%swap3A_1967, %swap3A_1968] {strides = array<i32>} : memref<64x128xf32, #tpu.memory_space<vmem>>, vector<16xf32>,
      tpu.vector_store %arg7[%swap3A_1967, %swap3A_1968], %add3A_1949 {strides = array<i32>} : memref<64x128xf32, #tpu.memory_space<vmem>>, vector<16xf32>,
      %swap3A_1970 = arith.constant 52 : i32
      %swap3A_1971 = arith.index_cast %swap3A_1970 : i32 to index
      %swap3A_1972 = arith.constant 80 : index
      %swap3A_1973 = tpu.vector_load %arg7[%swap3A_1971, %swap3A_1972] {strides = array<i32>} : memref<64x128xf32, #tpu.memory_space<vmem>>, vector<16xf32>,
      tpu.vector_store %arg7[%swap3A_1971, %swap3A_1972], %add3A_1949 {strides = array<i32>} : memref<64x128xf32, #tpu.memory_space<vmem>>, vector<16xf32>,
      %swap3A_1974 = arith.constant 52 : i32
      %swap3A_1975 = arith.index_cast %swap3A_1974 : i32 to index
      %swap3A_1976 = arith.constant 96 : index
      %swap3A_1977 = tpu.vector_load %arg7[%swap3A_1975, %swap3A_1976] {strides = array<i32>} : memref<64x128xf32, #tpu.memory_space<vmem>>, vector<16xf32>,
      tpu.vector_store %arg7[%swap3A_1975, %swap3A_1976], %add3A_1949 {strides = array<i32>} : memref<64x128xf32, #tpu.memory_space<vmem>>, vector<16xf32>,
      %swap3A_1978 = arith.constant 52 : i32
      %swap3A_1979 = arith.index_cast %swap3A_1978 : i32 to index
      %swap3A_1980 = arith.constant 112 : index
      %swap3A_1981 = tpu.vector_load %arg7[%swap3A_1979, %swap3A_1980] {strides = array<i32>} : memref<64x128xf32, #tpu.memory_space<vmem>>, vector<16xf32>,
      tpu.vector_store %arg7[%swap3A_1979, %swap3A_1980], %add3A_1949 {strides = array<i32>} : memref<64x128xf32, #tpu.memory_space<vmem>>, vector<16xf32>,
      %slice3A_1982 = vector.extract_strided_slice %get3A_1801 {offsets = [5], sizes = [1], strides = [1]} : vector<16xf32> to vector<1xf32>
      %squeeze3A_1983 = vector.extract %slice3A_1982[0] : f32 from vector<1xf32>
      %add3A_1984 = vector.broadcast %squeeze3A_1983 : f32 to vector<16xf32>
      %add3A_1985 = arith.addf %broadcast_in_dim3A_1, %add3A_1984 : vector<16xf32>
      %swap3A_1986 = arith.constant 53 : i32
      %swap3A_1987 = arith.index_cast %swap3A_1986 : i32 to index
      %swap3A_1988 = arith.constant 0 : index
      %swap3A_1989 = tpu.vector_load %arg7[%swap3A_1987, %swap3A_1988] {strides = array<i32>} : memref<64x128xf32, #tpu.memory_space<vmem>>, vector<16xf32>,
      tpu.vector_store %arg7[%swap3A_1987, %swap3A_1988], %add3A_1985 {strides = array<i32>} : memref<64x128xf32, #tpu.memory_space<vmem>>, vector<16xf32>,
      %swap3A_1990 = arith.constant 53 : i32
      %swap3A_1991 = arith.index_cast %swap3A_1990 : i32 to index
      %swap3A_1992 = arith.constant 16 : index
      %swap3A_1993 = tpu.vector_load %arg7[%swap3A_1991, %swap3A_1992] {strides = array<i32>} : memref<64x128xf32, #tpu.memory_space<vmem>>, vector<16xf32>,
      tpu.vector_store %arg7[%swap3A_1991, %swap3A_1992], %add3A_1985 {strides = array<i32>} : memref<64x128xf32, #tpu.memory_space<vmem>>, vector<16xf32>,
      %swap3A_1994 = arith.constant 53 : i32
      %swap3A_1995 = arith.index_cast %swap3A_1994 : i32 to index
      %swap3A_1996 = arith.constant 32 : index
      %swap3A_1997 = tpu.vector_load %arg7[%swap3A_1995, %swap3A_1996] {strides = array<i32>} : memref<64x128xf32, #tpu.memory_space<vmem>>, vector<16xf32>,
      tpu.vector_store %arg7[%swap3A_1995, %swap3A_1996], %add3A_1985 {strides = array<i32>} : memref<64x128xf32, #tpu.memory_space<vmem>>, vector<16xf32>,
      %swap3A_1998 = arith.constant 53 : i32
      %swap3A_1999 = arith.index_cast %swap3A_1998 : i32 to index
      %swap3A_2000 = arith.constant 48 : index
      %swap3A_2001 = tpu.vector_load %arg7[%swap3A_1999, %swap3A_2000] {strides = array<i32>} : memref<64x128xf32, #tpu.memory_space<vmem>>, vector<16xf32>,
      tpu.vector_store %arg7[%swap3A_1999, %swap3A_2000], %add3A_1985 {strides = array<i32>} : memref<64x128xf32, #tpu.memory_space<vmem>>, vector<16xf32>,
      %swap3A_2002 = arith.constant 53 : i32
      %swap3A_2003 = arith.index_cast %swap3A_2002 : i32 to index
      %swap3A_2004 = arith.constant 64 : index
      %swap3A_2005 = tpu.vector_load %arg7[%swap3A_2003, %swap3A_2004] {strides = array<i32>} : memref<64x128xf32, #tpu.memory_space<vmem>>, vector<16xf32>,
      tpu.vector_store %arg7[%swap3A_2003, %swap3A_2004], %add3A_1985 {strides = array<i32>} : memref<64x128xf32, #tpu.memory_space<vmem>>, vector<16xf32>,
      %swap3A_2006 = arith.constant 53 : i32
      %swap3A_2007 = arith.index_cast %swap3A_2006 : i32 to index
      %swap3A_2008 = arith.constant 80 : index
      %swap3A_2009 = tpu.vector_load %arg7[%swap3A_2007, %swap3A_2008] {strides = array<i32>} : memref<64x128xf32, #tpu.memory_space<vmem>>, vector<16xf32>,
      tpu.vector_store %arg7[%swap3A_2007, %swap3A_2008], %add3A_1985 {strides = array<i32>} : memref<64x128xf32, #tpu.memory_space<vmem>>, vector<16xf32>,
      %swap3A_2010 = arith.constant 53 : i32
      %swap3A_2011 = arith.index_cast %swap3A_2010 : i32 to index
      %swap3A_2012 = arith.constant 96 : index
      %swap3A_2013 = tpu.vector_load %arg7[%swap3A_2011, %swap3A_2012] {strides = array<i32>} : memref<64x128xf32, #tpu.memory_space<vmem>>, vector<16xf32>,
      tpu.vector_store %arg7[%swap3A_2011, %swap3A_2012], %add3A_1985 {strides = array<i32>} : memref<64x128xf32, #tpu.memory_space<vmem>>, vector<16xf32>,
      %swap3A_2014 = arith.constant 53 : i32
      %swap3A_2015 = arith.index_cast %swap3A_2014 : i32 to index
      %swap3A_2016 = arith.constant 112 : index
      %swap3A_2017 = tpu.vector_load %arg7[%swap3A_2015, %swap3A_2016] {strides = array<i32>} : memref<64x128xf32, #tpu.memory_space<vmem>>, vector<16xf32>,
      tpu.vector_store %arg7[%swap3A_2015, %swap3A_2016], %add3A_1985 {strides = array<i32>} : memref<64x128xf32, #tpu.memory_space<vmem>>, vector<16xf32>,
      %slice3A_2018 = vector.extract_strided_slice %get3A_1801 {offsets = [6], sizes = [1], strides = [1]} : vector<16xf32> to vector<1xf32>
      %squeeze3A_2019 = vector.extract %slice3A_2018[0] : f32 from vector<1xf32>
      %add3A_2020 = vector.broadcast %squeeze3A_2019 : f32 to vector<16xf32>
      %add3A_2021 = arith.addf %broadcast_in_dim3A_1, %add3A_2020 : vector<16xf32>
      %swap3A_2022 = arith.constant 54 : i32
      %swap3A_2023 = arith.index_cast %swap3A_2022 : i32 to index
      %swap3A_2024 = arith.constant 0 : index
      %swap3A_2025 = tpu.vector_load %arg7[%swap3A_2023, %swap3A_2024] {strides = array<i32>} : memref<64x128xf32, #tpu.memory_space<vmem>>, vector<16xf32>,
      tpu.vector_store %arg7[%swap3A_2023, %swap3A_2024], %add3A_2021 {strides = array<i32>} : memref<64x128xf32, #tpu.memory_space<vmem>>, vector<16xf32>,
      %swap3A_2026 = arith.constant 54 : i32
      %swap3A_2027 = arith.index_cast %swap3A_2026 : i32 to index
      %swap3A_2028 = arith.constant 16 : index
      %swap3A_2029 = tpu.vector_load %arg7[%swap3A_2027, %swap3A_2028] {strides = array<i32>} : memref<64x128xf32, #tpu.memory_space<vmem>>, vector<16xf32>,
      tpu.vector_store %arg7[%swap3A_2027, %swap3A_2028], %add3A_2021 {strides = array<i32>} : memref<64x128xf32, #tpu.memory_space<vmem>>, vector<16xf32>,
      %swap3A_2030 = arith.constant 54 : i32
      %swap3A_2031 = arith.index_cast %swap3A_2030 : i32 to index
      %swap3A_2032 = arith.constant 32 : index
      %swap3A_2033 = tpu.vector_load %arg7[%swap3A_2031, %swap3A_2032] {strides = array<i32>} : memref<64x128xf32, #tpu.memory_space<vmem>>, vector<16xf32>,
      tpu.vector_store %arg7[%swap3A_2031, %swap3A_2032], %add3A_2021 {strides = array<i32>} : memref<64x128xf32, #tpu.memory_space<vmem>>, vector<16xf32>,
      %swap3A_2034 = arith.constant 54 : i32
      %swap3A_2035 = arith.index_cast %swap3A_2034 : i32 to index
      %swap3A_2036 = arith.constant 48 : index
      %swap3A_2037 = tpu.vector_load %arg7[%swap3A_2035, %swap3A_2036] {strides = array<i32>} : memref<64x128xf32, #tpu.memory_space<vmem>>, vector<16xf32>,
      tpu.vector_store %arg7[%swap3A_2035, %swap3A_2036], %add3A_2021 {strides = array<i32>} : memref<64x128xf32, #tpu.memory_space<vmem>>, vector<16xf32>,
      %swap3A_2038 = arith.constant 54 : i32
      %swap3A_2039 = arith.index_cast %swap3A_2038 : i32 to index
      %swap3A_2040 = arith.constant 64 : index
      %swap3A_2041 = tpu.vector_load %arg7[%swap3A_2039, %swap3A_2040] {strides = array<i32>} : memref<64x128xf32, #tpu.memory_space<vmem>>, vector<16xf32>,
      tpu.vector_store %arg7[%swap3A_2039, %swap3A_2040], %add3A_2021 {strides = array<i32>} : memref<64x128xf32, #tpu.memory_space<vmem>>, vector<16xf32>,
      %swap3A_2042 = arith.constant 54 : i32
      %swap3A_2043 = arith.index_cast %swap3A_2042 : i32 to index
      %swap3A_2044 = arith.constant 80 : index
      %swap3A_2045 = tpu.vector_load %arg7[%swap3A_2043, %swap3A_2044] {strides = array<i32>} : memref<64x128xf32, #tpu.memory_space<vmem>>, vector<16xf32>,
      tpu.vector_store %arg7[%swap3A_2043, %swap3A_2044], %add3A_2021 {strides = array<i32>} : memref<64x128xf32, #tpu.memory_space<vmem>>, vector<16xf32>,
      %swap3A_2046 = arith.constant 54 : i32
      %swap3A_2047 = arith.index_cast %swap3A_2046 : i32 to index
      %swap3A_2048 = arith.constant 96 : index
      %swap3A_2049 = tpu.vector_load %arg7[%swap3A_2047, %swap3A_2048] {strides = array<i32>} : memref<64x128xf32, #tpu.memory_space<vmem>>, vector<16xf32>,
      tpu.vector_store %arg7[%swap3A_2047, %swap3A_2048], %add3A_2021 {strides = array<i32>} : memref<64x128xf32, #tpu.memory_space<vmem>>, vector<16xf32>,
      %swap3A_2050 = arith.constant 54 : i32
      %swap3A_2051 = arith.index_cast %swap3A_2050 : i32 to index
      %swap3A_2052 = arith.constant 112 : index
      %swap3A_2053 = tpu.vector_load %arg7[%swap3A_2051, %swap3A_2052] {strides = array<i32>} : memref<64x128xf32, #tpu.memory_space<vmem>>, vector<16xf32>,
      tpu.vector_store %arg7[%swap3A_2051, %swap3A_2052], %add3A_2021 {strides = array<i32>} : memref<64x128xf32, #tpu.memory_space<vmem>>, vector<16xf32>,
      %slice3A_2054 = vector.extract_strided_slice %get3A_1801 {offsets = [7], sizes = [1], strides = [1]} : vector<16xf32> to vector<1xf32>
      %squeeze3A_2055 = vector.extract %slice3A_2054[0] : f32 from vector<1xf32>
      %add3A_2056 = vector.broadcast %squeeze3A_2055 : f32 to vector<16xf32>
      %add3A_2057 = arith.addf %broadcast_in_dim3A_1, %add3A_2056 : vector<16xf32>
      %swap3A_2058 = arith.constant 55 : i32
      %swap3A_2059 = arith.index_cast %swap3A_2058 : i32 to index
      %swap3A_2060 = arith.constant 0 : index
      %swap3A_2061 = tpu.vector_load %arg7[%swap3A_2059, %swap3A_2060] {strides = array<i32>} : memref<64x128xf32, #tpu.memory_space<vmem>>, vector<16xf32>,
      tpu.vector_store %arg7[%swap3A_2059, %swap3A_2060], %add3A_2057 {strides = array<i32>} : memref<64x128xf32, #tpu.memory_space<vmem>>, vector<16xf32>,
      %swap3A_2062 = arith.constant 55 : i32
      %swap3A_2063 = arith.index_cast %swap3A_2062 : i32 to index
      %swap3A_2064 = arith.constant 16 : index
      %swap3A_2065 = tpu.vector_load %arg7[%swap3A_2063, %swap3A_2064] {strides = array<i32>} : memref<64x128xf32, #tpu.memory_space<vmem>>, vector<16xf32>,
      tpu.vector_store %arg7[%swap3A_2063, %swap3A_2064], %add3A_2057 {strides = array<i32>} : memref<64x128xf32, #tpu.memory_space<vmem>>, vector<16xf32>,
      %swap3A_2066 = arith.constant 55 : i32
      %swap3A_2067 = arith.index_cast %swap3A_2066 : i32 to index
      %swap3A_2068 = arith.constant 32 : index
      %swap3A_2069 = tpu.vector_load %arg7[%swap3A_2067, %swap3A_2068] {strides = array<i32>} : memref<64x128xf32, #tpu.memory_space<vmem>>, vector<16xf32>,
      tpu.vector_store %arg7[%swap3A_2067, %swap3A_2068], %add3A_2057 {strides = array<i32>} : memref<64x128xf32, #tpu.memory_space<vmem>>, vector<16xf32>,
      %swap3A_2070 = arith.constant 55 : i32
      %swap3A_2071 = arith.index_cast %swap3A_2070 : i32 to index
      %swap3A_2072 = arith.constant 48 : index
      %swap3A_2073 = tpu.vector_load %arg7[%swap3A_2071, %swap3A_2072] {strides = array<i32>} : memref<64x128xf32, #tpu.memory_space<vmem>>, vector<16xf32>,
      tpu.vector_store %arg7[%swap3A_2071, %swap3A_2072], %add3A_2057 {strides = array<i32>} : memref<64x128xf32, #tpu.memory_space<vmem>>, vector<16xf32>,
      %swap3A_2074 = arith.constant 55 : i32
      %swap3A_2075 = arith.index_cast %swap3A_2074 : i32 to index
      %swap3A_2076 = arith.constant 64 : index
      %swap3A_2077 = tpu.vector_load %arg7[%swap3A_2075, %swap3A_2076] {strides = array<i32>} : memref<64x128xf32, #tpu.memory_space<vmem>>, vector<16xf32>,
      tpu.vector_store %arg7[%swap3A_2075, %swap3A_2076], %add3A_2057 {strides = array<i32>} : memref<64x128xf32, #tpu.memory_space<vmem>>, vector<16xf32>,
      %swap3A_2078 = arith.constant 55 : i32
      %swap3A_2079 = arith.index_cast %swap3A_2078 : i32 to index
      %swap3A_2080 = arith.constant 80 : index
      %swap3A_2081 = tpu.vector_load %arg7[%swap3A_2079, %swap3A_2080] {strides = array<i32>} : memref<64x128xf32, #tpu.memory_space<vmem>>, vector<16xf32>,
      tpu.vector_store %arg7[%swap3A_2079, %swap3A_2080], %add3A_2057 {strides = array<i32>} : memref<64x128xf32, #tpu.memory_space<vmem>>, vector<16xf32>,
      %swap3A_2082 = arith.constant 55 : i32
      %swap3A_2083 = arith.index_cast %swap3A_2082 : i32 to index
      %swap3A_2084 = arith.constant 96 : index
      %swap3A_2085 = tpu.vector_load %arg7[%swap3A_2083, %swap3A_2084] {strides = array<i32>} : memref<64x128xf32, #tpu.memory_space<vmem>>, vector<16xf32>,
      tpu.vector_store %arg7[%swap3A_2083, %swap3A_2084], %add3A_2057 {strides = array<i32>} : memref<64x128xf32, #tpu.memory_space<vmem>>, vector<16xf32>,
      %swap3A_2086 = arith.constant 55 : i32
      %swap3A_2087 = arith.index_cast %swap3A_2086 : i32 to index
      %swap3A_2088 = arith.constant 112 : index
      %swap3A_2089 = tpu.vector_load %arg7[%swap3A_2087, %swap3A_2088] {strides = array<i32>} : memref<64x128xf32, #tpu.memory_space<vmem>>, vector<16xf32>,
      tpu.vector_store %arg7[%swap3A_2087, %swap3A_2088], %add3A_2057 {strides = array<i32>} : memref<64x128xf32, #tpu.memory_space<vmem>>, vector<16xf32>,
      %slice3A_2090 = vector.extract_strided_slice %get3A_1801 {offsets = [8], sizes = [1], strides = [1]} : vector<16xf32> to vector<1xf32>
      %squeeze3A_2091 = vector.extract %slice3A_2090[0] : f32 from vector<1xf32>
      %add3A_2092 = vector.broadcast %squeeze3A_2091 : f32 to vector<16xf32>
      %add3A_2093 = arith.addf %broadcast_in_dim3A_1, %add3A_2092 : vector<16xf32>
      %swap3A_2094 = arith.constant 56 : i32
      %swap3A_2095 = arith.index_cast %swap3A_2094 : i32 to index
      %swap3A_2096 = arith.constant 0 : index
      %swap3A_2097 = tpu.vector_load %arg7[%swap3A_2095, %swap3A_2096] {strides = array<i32>} : memref<64x128xf32, #tpu.memory_space<vmem>>, vector<16xf32>,
      tpu.vector_store %arg7[%swap3A_2095, %swap3A_2096], %add3A_2093 {strides = array<i32>} : memref<64x128xf32, #tpu.memory_space<vmem>>, vector<16xf32>,
      %swap3A_2098 = arith.constant 56 : i32
      %swap3A_2099 = arith.index_cast %swap3A_2098 : i32 to index
      %swap3A_2100 = arith.constant 16 : index
      %swap3A_2101 = tpu.vector_load %arg7[%swap3A_2099, %swap3A_2100] {strides = array<i32>} : memref<64x128xf32, #tpu.memory_space<vmem>>, vector<16xf32>,
      tpu.vector_store %arg7[%swap3A_2099, %swap3A_2100], %add3A_2093 {strides = array<i32>} : memref<64x128xf32, #tpu.memory_space<vmem>>, vector<16xf32>,
      %swap3A_2102 = arith.constant 56 : i32
      %swap3A_2103 = arith.index_cast %swap3A_2102 : i32 to index
      %swap3A_2104 = arith.constant 32 : index
      %swap3A_2105 = tpu.vector_load %arg7[%swap3A_2103, %swap3A_2104] {strides = array<i32>} : memref<64x128xf32, #tpu.memory_space<vmem>>, vector<16xf32>,
      tpu.vector_store %arg7[%swap3A_2103, %swap3A_2104], %add3A_2093 {strides = array<i32>} : memref<64x128xf32, #tpu.memory_space<vmem>>, vector<16xf32>,
      %swap3A_2106 = arith.constant 56 : i32
      %swap3A_2107 = arith.index_cast %swap3A_2106 : i32 to index
      %swap3A_2108 = arith.constant 48 : index
      %swap3A_2109 = tpu.vector_load %arg7[%swap3A_2107, %swap3A_2108] {strides = array<i32>} : memref<64x128xf32, #tpu.memory_space<vmem>>, vector<16xf32>,
      tpu.vector_store %arg7[%swap3A_2107, %swap3A_2108], %add3A_2093 {strides = array<i32>} : memref<64x128xf32, #tpu.memory_space<vmem>>, vector<16xf32>,
      %swap3A_2110 = arith.constant 56 : i32
      %swap3A_2111 = arith.index_cast %swap3A_2110 : i32 to index
      %swap3A_2112 = arith.constant 64 : index
      %swap3A_2113 = tpu.vector_load %arg7[%swap3A_2111, %swap3A_2112] {strides = array<i32>} : memref<64x128xf32, #tpu.memory_space<vmem>>, vector<16xf32>,
      tpu.vector_store %arg7[%swap3A_2111, %swap3A_2112], %add3A_2093 {strides = array<i32>} : memref<64x128xf32, #tpu.memory_space<vmem>>, vector<16xf32>,
      %swap3A_2114 = arith.constant 56 : i32
      %swap3A_2115 = arith.index_cast %swap3A_2114 : i32 to index
      %swap3A_2116 = arith.constant 80 : index
      %swap3A_2117 = tpu.vector_load %arg7[%swap3A_2115, %swap3A_2116] {strides = array<i32>} : memref<64x128xf32, #tpu.memory_space<vmem>>, vector<16xf32>,
      tpu.vector_store %arg7[%swap3A_2115, %swap3A_2116], %add3A_2093 {strides = array<i32>} : memref<64x128xf32, #tpu.memory_space<vmem>>, vector<16xf32>,
      %swap3A_2118 = arith.constant 56 : i32
      %swap3A_2119 = arith.index_cast %swap3A_2118 : i32 to index
      %swap3A_2120 = arith.constant 96 : index
      %swap3A_2121 = tpu.vector_load %arg7[%swap3A_2119, %swap3A_2120] {strides = array<i32>} : memref<64x128xf32, #tpu.memory_space<vmem>>, vector<16xf32>,
      tpu.vector_store %arg7[%swap3A_2119, %swap3A_2120], %add3A_2093 {strides = array<i32>} : memref<64x128xf32, #tpu.memory_space<vmem>>, vector<16xf32>,
      %swap3A_2122 = arith.constant 56 : i32
      %swap3A_2123 = arith.index_cast %swap3A_2122 : i32 to index
      %swap3A_2124 = arith.constant 112 : index
      %swap3A_2125 = tpu.vector_load %arg7[%swap3A_2123, %swap3A_2124] {strides = array<i32>} : memref<64x128xf32, #tpu.memory_space<vmem>>, vector<16xf32>,
      tpu.vector_store %arg7[%swap3A_2123, %swap3A_2124], %add3A_2093 {strides = array<i32>} : memref<64x128xf32, #tpu.memory_space<vmem>>, vector<16xf32>,
      %slice3A_2126 = vector.extract_strided_slice %get3A_1801 {offsets = [9], sizes = [1], strides = [1]} : vector<16xf32> to vector<1xf32>
      %squeeze3A_2127 = vector.extract %slice3A_2126[0] : f32 from vector<1xf32>
      %add3A_2128 = vector.broadcast %squeeze3A_2127 : f32 to vector<16xf32>
      %add3A_2129 = arith.addf %broadcast_in_dim3A_1, %add3A_2128 : vector<16xf32>
      %swap3A_2130 = arith.constant 57 : i32
      %swap3A_2131 = arith.index_cast %swap3A_2130 : i32 to index
      %swap3A_2132 = arith.constant 0 : index
      %swap3A_2133 = tpu.vector_load %arg7[%swap3A_2131, %swap3A_2132] {strides = array<i32>} : memref<64x128xf32, #tpu.memory_space<vmem>>, vector<16xf32>,
      tpu.vector_store %arg7[%swap3A_2131, %swap3A_2132], %add3A_2129 {strides = array<i32>} : memref<64x128xf32, #tpu.memory_space<vmem>>, vector<16xf32>,
      %swap3A_2134 = arith.constant 57 : i32
      %swap3A_2135 = arith.index_cast %swap3A_2134 : i32 to index
      %swap3A_2136 = arith.constant 16 : index
      %swap3A_2137 = tpu.vector_load %arg7[%swap3A_2135, %swap3A_2136] {strides = array<i32>} : memref<64x128xf32, #tpu.memory_space<vmem>>, vector<16xf32>,
      tpu.vector_store %arg7[%swap3A_2135, %swap3A_2136], %add3A_2129 {strides = array<i32>} : memref<64x128xf32, #tpu.memory_space<vmem>>, vector<16xf32>,
      %swap3A_2138 = arith.constant 57 : i32
      %swap3A_2139 = arith.index_cast %swap3A_2138 : i32 to index
      %swap3A_2140 = arith.constant 32 : index
      %swap3A_2141 = tpu.vector_load %arg7[%swap3A_2139, %swap3A_2140] {strides = array<i32>} : memref<64x128xf32, #tpu.memory_space<vmem>>, vector<16xf32>,
      tpu.vector_store %arg7[%swap3A_2139, %swap3A_2140], %add3A_2129 {strides = array<i32>} : memref<64x128xf32, #tpu.memory_space<vmem>>, vector<16xf32>,
      %swap3A_2142 = arith.constant 57 : i32
      %swap3A_2143 = arith.index_cast %swap3A_2142 : i32 to index
      %swap3A_2144 = arith.constant 48 : index
      %swap3A_2145 = tpu.vector_load %arg7[%swap3A_2143, %swap3A_2144] {strides = array<i32>} : memref<64x128xf32, #tpu.memory_space<vmem>>, vector<16xf32>,
      tpu.vector_store %arg7[%swap3A_2143, %swap3A_2144], %add3A_2129 {strides = array<i32>} : memref<64x128xf32, #tpu.memory_space<vmem>>, vector<16xf32>,
      %swap3A_2146 = arith.constant 57 : i32
      %swap3A_2147 = arith.index_cast %swap3A_2146 : i32 to index
      %swap3A_2148 = arith.constant 64 : index
      %swap3A_2149 = tpu.vector_load %arg7[%swap3A_2147, %swap3A_2148] {strides = array<i32>} : memref<64x128xf32, #tpu.memory_space<vmem>>, vector<16xf32>,
      tpu.vector_store %arg7[%swap3A_2147, %swap3A_2148], %add3A_2129 {strides = array<i32>} : memref<64x128xf32, #tpu.memory_space<vmem>>, vector<16xf32>,
      %swap3A_2150 = arith.constant 57 : i32
      %swap3A_2151 = arith.index_cast %swap3A_2150 : i32 to index
      %swap3A_2152 = arith.constant 80 : index
      %swap3A_2153 = tpu.vector_load %arg7[%swap3A_2151, %swap3A_2152] {strides = array<i32>} : memref<64x128xf32, #tpu.memory_space<vmem>>, vector<16xf32>,
      tpu.vector_store %arg7[%swap3A_2151, %swap3A_2152], %add3A_2129 {strides = array<i32>} : memref<64x128xf32, #tpu.memory_space<vmem>>, vector<16xf32>,
      %swap3A_2154 = arith.constant 57 : i32
      %swap3A_2155 = arith.index_cast %swap3A_2154 : i32 to index
      %swap3A_2156 = arith.constant 96 : index
      %swap3A_2157 = tpu.vector_load %arg7[%swap3A_2155, %swap3A_2156] {strides = array<i32>} : memref<64x128xf32, #tpu.memory_space<vmem>>, vector<16xf32>,
      tpu.vector_store %arg7[%swap3A_2155, %swap3A_2156], %add3A_2129 {strides = array<i32>} : memref<64x128xf32, #tpu.memory_space<vmem>>, vector<16xf32>,
      %swap3A_2158 = arith.constant 57 : i32
      %swap3A_2159 = arith.index_cast %swap3A_2158 : i32 to index
      %swap3A_2160 = arith.constant 112 : index
      %swap3A_2161 = tpu.vector_load %arg7[%swap3A_2159, %swap3A_2160] {strides = array<i32>} : memref<64x128xf32, #tpu.memory_space<vmem>>, vector<16xf32>,
      tpu.vector_store %arg7[%swap3A_2159, %swap3A_2160], %add3A_2129 {strides = array<i32>} : memref<64x128xf32, #tpu.memory_space<vmem>>, vector<16xf32>,
      %slice3A_2162 = vector.extract_strided_slice %get3A_1801 {offsets = [10], sizes = [1], strides = [1]} : vector<16xf32> to vector<1xf32>
      %squeeze3A_2163 = vector.extract %slice3A_2162[0] : f32 from vector<1xf32>
      %add3A_2164 = vector.broadcast %squeeze3A_2163 : f32 to vector<16xf32>
      %add3A_2165 = arith.addf %broadcast_in_dim3A_1, %add3A_2164 : vector<16xf32>
      %swap3A_2166 = arith.constant 58 : i32
      %swap3A_2167 = arith.index_cast %swap3A_2166 : i32 to index
      %swap3A_2168 = arith.constant 0 : index
      %swap3A_2169 = tpu.vector_load %arg7[%swap3A_2167, %swap3A_2168] {strides = array<i32>} : memref<64x128xf32, #tpu.memory_space<vmem>>, vector<16xf32>,
      tpu.vector_store %arg7[%swap3A_2167, %swap3A_2168], %add3A_2165 {strides = array<i32>} : memref<64x128xf32, #tpu.memory_space<vmem>>, vector<16xf32>,
      %swap3A_2170 = arith.constant 58 : i32
      %swap3A_2171 = arith.index_cast %swap3A_2170 : i32 to index
      %swap3A_2172 = arith.constant 16 : index
      %swap3A_2173 = tpu.vector_load %arg7[%swap3A_2171, %swap3A_2172] {strides = array<i32>} : memref<64x128xf32, #tpu.memory_space<vmem>>, vector<16xf32>,
      tpu.vector_store %arg7[%swap3A_2171, %swap3A_2172], %add3A_2165 {strides = array<i32>} : memref<64x128xf32, #tpu.memory_space<vmem>>, vector<16xf32>,
      %swap3A_2174 = arith.constant 58 : i32
      %swap3A_2175 = arith.index_cast %swap3A_2174 : i32 to index
      %swap3A_2176 = arith.constant 32 : index
      %swap3A_2177 = tpu.vector_load %arg7[%swap3A_2175, %swap3A_2176] {strides = array<i32>} : memref<64x128xf32, #tpu.memory_space<vmem>>, vector<16xf32>,
      tpu.vector_store %arg7[%swap3A_2175, %swap3A_2176], %add3A_2165 {strides = array<i32>} : memref<64x128xf32, #tpu.memory_space<vmem>>, vector<16xf32>,
      %swap3A_2178 = arith.constant 58 : i32
      %swap3A_2179 = arith.index_cast %swap3A_2178 : i32 to index
      %swap3A_2180 = arith.constant 48 : index
      %swap3A_2181 = tpu.vector_load %arg7[%swap3A_2179, %swap3A_2180] {strides = array<i32>} : memref<64x128xf32, #tpu.memory_space<vmem>>, vector<16xf32>,
      tpu.vector_store %arg7[%swap3A_2179, %swap3A_2180], %add3A_2165 {strides = array<i32>} : memref<64x128xf32, #tpu.memory_space<vmem>>, vector<16xf32>,
      %swap3A_2182 = arith.constant 58 : i32
      %swap3A_2183 = arith.index_cast %swap3A_2182 : i32 to index
      %swap3A_2184 = arith.constant 64 : index
      %swap3A_2185 = tpu.vector_load %arg7[%swap3A_2183, %swap3A_2184] {strides = array<i32>} : memref<64x128xf32, #tpu.memory_space<vmem>>, vector<16xf32>,
      tpu.vector_store %arg7[%swap3A_2183, %swap3A_2184], %add3A_2165 {strides = array<i32>} : memref<64x128xf32, #tpu.memory_space<vmem>>, vector<16xf32>,
      %swap3A_2186 = arith.constant 58 : i32
      %swap3A_2187 = arith.index_cast %swap3A_2186 : i32 to index
      %swap3A_2188 = arith.constant 80 : index
      %swap3A_2189 = tpu.vector_load %arg7[%swap3A_2187, %swap3A_2188] {strides = array<i32>} : memref<64x128xf32, #tpu.memory_space<vmem>>, vector<16xf32>,
      tpu.vector_store %arg7[%swap3A_2187, %swap3A_2188], %add3A_2165 {strides = array<i32>} : memref<64x128xf32, #tpu.memory_space<vmem>>, vector<16xf32>,
      %swap3A_2190 = arith.constant 58 : i32
      %swap3A_2191 = arith.index_cast %swap3A_2190 : i32 to index
      %swap3A_2192 = arith.constant 96 : index
      %swap3A_2193 = tpu.vector_load %arg7[%swap3A_2191, %swap3A_2192] {strides = array<i32>} : memref<64x128xf32, #tpu.memory_space<vmem>>, vector<16xf32>,
      tpu.vector_store %arg7[%swap3A_2191, %swap3A_2192], %add3A_2165 {strides = array<i32>} : memref<64x128xf32, #tpu.memory_space<vmem>>, vector<16xf32>,
      %swap3A_2194 = arith.constant 58 : i32
      %swap3A_2195 = arith.index_cast %swap3A_2194 : i32 to index
      %swap3A_2196 = arith.constant 112 : index
      %swap3A_2197 = tpu.vector_load %arg7[%swap3A_2195, %swap3A_2196] {strides = array<i32>} : memref<64x128xf32, #tpu.memory_space<vmem>>, vector<16xf32>,
      tpu.vector_store %arg7[%swap3A_2195, %swap3A_2196], %add3A_2165 {strides = array<i32>} : memref<64x128xf32, #tpu.memory_space<vmem>>, vector<16xf32>,
      %slice3A_2198 = vector.extract_strided_slice %get3A_1801 {offsets = [11], sizes = [1], strides = [1]} : vector<16xf32> to vector<1xf32>
      %squeeze3A_2199 = vector.extract %slice3A_2198[0] : f32 from vector<1xf32>
      %add3A_2200 = vector.broadcast %squeeze3A_2199 : f32 to vector<16xf32>
      %add3A_2201 = arith.addf %broadcast_in_dim3A_1, %add3A_2200 : vector<16xf32>
      %swap3A_2202 = arith.constant 59 : i32
      %swap3A_2203 = arith.index_cast %swap3A_2202 : i32 to index
      %swap3A_2204 = arith.constant 0 : index
      %swap3A_2205 = tpu.vector_load %arg7[%swap3A_2203, %swap3A_2204] {strides = array<i32>} : memref<64x128xf32, #tpu.memory_space<vmem>>, vector<16xf32>,
      tpu.vector_store %arg7[%swap3A_2203, %swap3A_2204], %add3A_2201 {strides = array<i32>} : memref<64x128xf32, #tpu.memory_space<vmem>>, vector<16xf32>,
      %swap3A_2206 = arith.constant 59 : i32
      %swap3A_2207 = arith.index_cast %swap3A_2206 : i32 to index
      %swap3A_2208 = arith.constant 16 : index
      %swap3A_2209 = tpu.vector_load %arg7[%swap3A_2207, %swap3A_2208] {strides = array<i32>} : memref<64x128xf32, #tpu.memory_space<vmem>>, vector<16xf32>,
      tpu.vector_store %arg7[%swap3A_2207, %swap3A_2208], %add3A_2201 {strides = array<i32>} : memref<64x128xf32, #tpu.memory_space<vmem>>, vector<16xf32>,
      %swap3A_2210 = arith.constant 59 : i32
      %swap3A_2211 = arith.index_cast %swap3A_2210 : i32 to index
      %swap3A_2212 = arith.constant 32 : index
      %swap3A_2213 = tpu.vector_load %arg7[%swap3A_2211, %swap3A_2212] {strides = array<i32>} : memref<64x128xf32, #tpu.memory_space<vmem>>, vector<16xf32>,
      tpu.vector_store %arg7[%swap3A_2211, %swap3A_2212], %add3A_2201 {strides = array<i32>} : memref<64x128xf32, #tpu.memory_space<vmem>>, vector<16xf32>,
      %swap3A_2214 = arith.constant 59 : i32
      %swap3A_2215 = arith.index_cast %swap3A_2214 : i32 to index
      %swap3A_2216 = arith.constant 48 : index
      %swap3A_2217 = tpu.vector_load %arg7[%swap3A_2215, %swap3A_2216] {strides = array<i32>} : memref<64x128xf32, #tpu.memory_space<vmem>>, vector<16xf32>,
      tpu.vector_store %arg7[%swap3A_2215, %swap3A_2216], %add3A_2201 {strides = array<i32>} : memref<64x128xf32, #tpu.memory_space<vmem>>, vector<16xf32>,
      %swap3A_2218 = arith.constant 59 : i32
      %swap3A_2219 = arith.index_cast %swap3A_2218 : i32 to index
      %swap3A_2220 = arith.constant 64 : index
      %swap3A_2221 = tpu.vector_load %arg7[%swap3A_2219, %swap3A_2220] {strides = array<i32>} : memref<64x128xf32, #tpu.memory_space<vmem>>, vector<16xf32>,
      tpu.vector_store %arg7[%swap3A_2219, %swap3A_2220], %add3A_2201 {strides = array<i32>} : memref<64x128xf32, #tpu.memory_space<vmem>>, vector<16xf32>,
      %swap3A_2222 = arith.constant 59 : i32
      %swap3A_2223 = arith.index_cast %swap3A_2222 : i32 to index
      %swap3A_2224 = arith.constant 80 : index
      %swap3A_2225 = tpu.vector_load %arg7[%swap3A_2223, %swap3A_2224] {strides = array<i32>} : memref<64x128xf32, #tpu.memory_space<vmem>>, vector<16xf32>,
      tpu.vector_store %arg7[%swap3A_2223, %swap3A_2224], %add3A_2201 {strides = array<i32>} : memref<64x128xf32, #tpu.memory_space<vmem>>, vector<16xf32>,
      %swap3A_2226 = arith.constant 59 : i32
      %swap3A_2227 = arith.index_cast %swap3A_2226 : i32 to index
      %swap3A_2228 = arith.constant 96 : index
      %swap3A_2229 = tpu.vector_load %arg7[%swap3A_2227, %swap3A_2228] {strides = array<i32>} : memref<64x128xf32, #tpu.memory_space<vmem>>, vector<16xf32>,
      tpu.vector_store %arg7[%swap3A_2227, %swap3A_2228], %add3A_2201 {strides = array<i32>} : memref<64x128xf32, #tpu.memory_space<vmem>>, vector<16xf32>,
      %swap3A_2230 = arith.constant 59 : i32
      %swap3A_2231 = arith.index_cast %swap3A_2230 : i32 to index
      %swap3A_2232 = arith.constant 112 : index
      %swap3A_2233 = tpu.vector_load %arg7[%swap3A_2231, %swap3A_2232] {strides = array<i32>} : memref<64x128xf32, #tpu.memory_space<vmem>>, vector<16xf32>,
      tpu.vector_store %arg7[%swap3A_2231, %swap3A_2232], %add3A_2201 {strides = array<i32>} : memref<64x128xf32, #tpu.memory_space<vmem>>, vector<16xf32>,
      %slice3A_2234 = vector.extract_strided_slice %get3A_1801 {offsets = [12], sizes = [1], strides = [1]} : vector<16xf32> to vector<1xf32>
      %squeeze3A_2235 = vector.extract %slice3A_2234[0] : f32 from vector<1xf32>
      %add3A_2236 = vector.broadcast %squeeze3A_2235 : f32 to vector<16xf32>
      %add3A_2237 = arith.addf %broadcast_in_dim3A_1, %add3A_2236 : vector<16xf32>
      %swap3A_2238 = arith.constant 60 : i32
      %swap3A_2239 = arith.index_cast %swap3A_2238 : i32 to index
      %swap3A_2240 = arith.constant 0 : index
      %swap3A_2241 = tpu.vector_load %arg7[%swap3A_2239, %swap3A_2240] {strides = array<i32>} : memref<64x128xf32, #tpu.memory_space<vmem>>, vector<16xf32>,
      tpu.vector_store %arg7[%swap3A_2239, %swap3A_2240], %add3A_2237 {strides = array<i32>} : memref<64x128xf32, #tpu.memory_space<vmem>>, vector<16xf32>,
      %swap3A_2242 = arith.constant 60 : i32
      %swap3A_2243 = arith.index_cast %swap3A_2242 : i32 to index
      %swap3A_2244 = arith.constant 16 : index
      %swap3A_2245 = tpu.vector_load %arg7[%swap3A_2243, %swap3A_2244] {strides = array<i32>} : memref<64x128xf32, #tpu.memory_space<vmem>>, vector<16xf32>,
      tpu.vector_store %arg7[%swap3A_2243, %swap3A_2244], %add3A_2237 {strides = array<i32>} : memref<64x128xf32, #tpu.memory_space<vmem>>, vector<16xf32>,
      %swap3A_2246 = arith.constant 60 : i32
      %swap3A_2247 = arith.index_cast %swap3A_2246 : i32 to index
      %swap3A_2248 = arith.constant 32 : index
      %swap3A_2249 = tpu.vector_load %arg7[%swap3A_2247, %swap3A_2248] {strides = array<i32>} : memref<64x128xf32, #tpu.memory_space<vmem>>, vector<16xf32>,
      tpu.vector_store %arg7[%swap3A_2247, %swap3A_2248], %add3A_2237 {strides = array<i32>} : memref<64x128xf32, #tpu.memory_space<vmem>>, vector<16xf32>,
      %swap3A_2250 = arith.constant 60 : i32
      %swap3A_2251 = arith.index_cast %swap3A_2250 : i32 to index
      %swap3A_2252 = arith.constant 48 : index
      %swap3A_2253 = tpu.vector_load %arg7[%swap3A_2251, %swap3A_2252] {strides = array<i32>} : memref<64x128xf32, #tpu.memory_space<vmem>>, vector<16xf32>,
      tpu.vector_store %arg7[%swap3A_2251, %swap3A_2252], %add3A_2237 {strides = array<i32>} : memref<64x128xf32, #tpu.memory_space<vmem>>, vector<16xf32>,
      %swap3A_2254 = arith.constant 60 : i32
      %swap3A_2255 = arith.index_cast %swap3A_2254 : i32 to index
      %swap3A_2256 = arith.constant 64 : index
      %swap3A_2257 = tpu.vector_load %arg7[%swap3A_2255, %swap3A_2256] {strides = array<i32>} : memref<64x128xf32, #tpu.memory_space<vmem>>, vector<16xf32>,
      tpu.vector_store %arg7[%swap3A_2255, %swap3A_2256], %add3A_2237 {strides = array<i32>} : memref<64x128xf32, #tpu.memory_space<vmem>>, vector<16xf32>,
      %swap3A_2258 = arith.constant 60 : i32
      %swap3A_2259 = arith.index_cast %swap3A_2258 : i32 to index
      %swap3A_2260 = arith.constant 80 : index
      %swap3A_2261 = tpu.vector_load %arg7[%swap3A_2259, %swap3A_2260] {strides = array<i32>} : memref<64x128xf32, #tpu.memory_space<vmem>>, vector<16xf32>,
      tpu.vector_store %arg7[%swap3A_2259, %swap3A_2260], %add3A_2237 {strides = array<i32>} : memref<64x128xf32, #tpu.memory_space<vmem>>, vector<16xf32>,
      %swap3A_2262 = arith.constant 60 : i32
      %swap3A_2263 = arith.index_cast %swap3A_2262 : i32 to index
      %swap3A_2264 = arith.constant 96 : index
      %swap3A_2265 = tpu.vector_load %arg7[%swap3A_2263, %swap3A_2264] {strides = array<i32>} : memref<64x128xf32, #tpu.memory_space<vmem>>, vector<16xf32>,
      tpu.vector_store %arg7[%swap3A_2263, %swap3A_2264], %add3A_2237 {strides = array<i32>} : memref<64x128xf32, #tpu.memory_space<vmem>>, vector<16xf32>,
      %swap3A_2266 = arith.constant 60 : i32
      %swap3A_2267 = arith.index_cast %swap3A_2266 : i32 to index
      %swap3A_2268 = arith.constant 112 : index
      %swap3A_2269 = tpu.vector_load %arg7[%swap3A_2267, %swap3A_2268] {strides = array<i32>} : memref<64x128xf32, #tpu.memory_space<vmem>>, vector<16xf32>,
      tpu.vector_store %arg7[%swap3A_2267, %swap3A_2268], %add3A_2237 {strides = array<i32>} : memref<64x128xf32, #tpu.memory_space<vmem>>, vector<16xf32>,
      %slice3A_2270 = vector.extract_strided_slice %get3A_1801 {offsets = [13], sizes = [1], strides = [1]} : vector<16xf32> to vector<1xf32>
      %squeeze3A_2271 = vector.extract %slice3A_2270[0] : f32 from vector<1xf32>
      %add3A_2272 = vector.broadcast %squeeze3A_2271 : f32 to vector<16xf32>
      %add3A_2273 = arith.addf %broadcast_in_dim3A_1, %add3A_2272 : vector<16xf32>
      %swap3A_2274 = arith.constant 61 : i32
      %swap3A_2275 = arith.index_cast %swap3A_2274 : i32 to index
      %swap3A_2276 = arith.constant 0 : index
      %swap3A_2277 = tpu.vector_load %arg7[%swap3A_2275, %swap3A_2276] {strides = array<i32>} : memref<64x128xf32, #tpu.memory_space<vmem>>, vector<16xf32>,
      tpu.vector_store %arg7[%swap3A_2275, %swap3A_2276], %add3A_2273 {strides = array<i32>} : memref<64x128xf32, #tpu.memory_space<vmem>>, vector<16xf32>,
      %swap3A_2278 = arith.constant 61 : i32
      %swap3A_2279 = arith.index_cast %swap3A_2278 : i32 to index
      %swap3A_2280 = arith.constant 16 : index
      %swap3A_2281 = tpu.vector_load %arg7[%swap3A_2279, %swap3A_2280] {strides = array<i32>} : memref<64x128xf32, #tpu.memory_space<vmem>>, vector<16xf32>,
      tpu.vector_store %arg7[%swap3A_2279, %swap3A_2280], %add3A_2273 {strides = array<i32>} : memref<64x128xf32, #tpu.memory_space<vmem>>, vector<16xf32>,
      %swap3A_2282 = arith.constant 61 : i32
      %swap3A_2283 = arith.index_cast %swap3A_2282 : i32 to index
      %swap3A_2284 = arith.constant 32 : index
      %swap3A_2285 = tpu.vector_load %arg7[%swap3A_2283, %swap3A_2284] {strides = array<i32>} : memref<64x128xf32, #tpu.memory_space<vmem>>, vector<16xf32>,
      tpu.vector_store %arg7[%swap3A_2283, %swap3A_2284], %add3A_2273 {strides = array<i32>} : memref<64x128xf32, #tpu.memory_space<vmem>>, vector<16xf32>,
      %swap3A_2286 = arith.constant 61 : i32
      %swap3A_2287 = arith.index_cast %swap3A_2286 : i32 to index
      %swap3A_2288 = arith.constant 48 : index
      %swap3A_2289 = tpu.vector_load %arg7[%swap3A_2287, %swap3A_2288] {strides = array<i32>} : memref<64x128xf32, #tpu.memory_space<vmem>>, vector<16xf32>,
      tpu.vector_store %arg7[%swap3A_2287, %swap3A_2288], %add3A_2273 {strides = array<i32>} : memref<64x128xf32, #tpu.memory_space<vmem>>, vector<16xf32>,
      %swap3A_2290 = arith.constant 61 : i32
      %swap3A_2291 = arith.index_cast %swap3A_2290 : i32 to index
      %swap3A_2292 = arith.constant 64 : index
      %swap3A_2293 = tpu.vector_load %arg7[%swap3A_2291, %swap3A_2292] {strides = array<i32>} : memref<64x128xf32, #tpu.memory_space<vmem>>, vector<16xf32>,
      tpu.vector_store %arg7[%swap3A_2291, %swap3A_2292], %add3A_2273 {strides = array<i32>} : memref<64x128xf32, #tpu.memory_space<vmem>>, vector<16xf32>,
      %swap3A_2294 = arith.constant 61 : i32
      %swap3A_2295 = arith.index_cast %swap3A_2294 : i32 to index
      %swap3A_2296 = arith.constant 80 : index
      %swap3A_2297 = tpu.vector_load %arg7[%swap3A_2295, %swap3A_2296] {strides = array<i32>} : memref<64x128xf32, #tpu.memory_space<vmem>>, vector<16xf32>,
      tpu.vector_store %arg7[%swap3A_2295, %swap3A_2296], %add3A_2273 {strides = array<i32>} : memref<64x128xf32, #tpu.memory_space<vmem>>, vector<16xf32>,
      %swap3A_2298 = arith.constant 61 : i32
      %swap3A_2299 = arith.index_cast %swap3A_2298 : i32 to index
      %swap3A_2300 = arith.constant 96 : index
      %swap3A_2301 = tpu.vector_load %arg7[%swap3A_2299, %swap3A_2300] {strides = array<i32>} : memref<64x128xf32, #tpu.memory_space<vmem>>, vector<16xf32>,
      tpu.vector_store %arg7[%swap3A_2299, %swap3A_2300], %add3A_2273 {strides = array<i32>} : memref<64x128xf32, #tpu.memory_space<vmem>>, vector<16xf32>,
      %swap3A_2302 = arith.constant 61 : i32
      %swap3A_2303 = arith.index_cast %swap3A_2302 : i32 to index
      %swap3A_2304 = arith.constant 112 : index
      %swap3A_2305 = tpu.vector_load %arg7[%swap3A_2303, %swap3A_2304] {strides = array<i32>} : memref<64x128xf32, #tpu.memory_space<vmem>>, vector<16xf32>,
      tpu.vector_store %arg7[%swap3A_2303, %swap3A_2304], %add3A_2273 {strides = array<i32>} : memref<64x128xf32, #tpu.memory_space<vmem>>, vector<16xf32>,
      %slice3A_2306 = vector.extract_strided_slice %get3A_1801 {offsets = [14], sizes = [1], strides = [1]} : vector<16xf32> to vector<1xf32>
      %squeeze3A_2307 = vector.extract %slice3A_2306[0] : f32 from vector<1xf32>
      %add3A_2308 = vector.broadcast %squeeze3A_2307 : f32 to vector<16xf32>
      %add3A_2309 = arith.addf %broadcast_in_dim3A_1, %add3A_2308 : vector<16xf32>
      %swap3A_2310 = arith.constant 62 : i32
      %swap3A_2311 = arith.index_cast %swap3A_2310 : i32 to index
      %swap3A_2312 = arith.constant 0 : index
      %swap3A_2313 = tpu.vector_load %arg7[%swap3A_2311, %swap3A_2312] {strides = array<i32>} : memref<64x128xf32, #tpu.memory_space<vmem>>, vector<16xf32>,
      tpu.vector_store %arg7[%swap3A_2311, %swap3A_2312], %add3A_2309 {strides = array<i32>} : memref<64x128xf32, #tpu.memory_space<vmem>>, vector<16xf32>,
      %swap3A_2314 = arith.constant 62 : i32
      %swap3A_2315 = arith.index_cast %swap3A_2314 : i32 to index
      %swap3A_2316 = arith.constant 16 : index
      %swap3A_2317 = tpu.vector_load %arg7[%swap3A_2315, %swap3A_2316] {strides = array<i32>} : memref<64x128xf32, #tpu.memory_space<vmem>>, vector<16xf32>,
      tpu.vector_store %arg7[%swap3A_2315, %swap3A_2316], %add3A_2309 {strides = array<i32>} : memref<64x128xf32, #tpu.memory_space<vmem>>, vector<16xf32>,
      %swap3A_2318 = arith.constant 62 : i32
      %swap3A_2319 = arith.index_cast %swap3A_2318 : i32 to index
      %swap3A_2320 = arith.constant 32 : index
      %swap3A_2321 = tpu.vector_load %arg7[%swap3A_2319, %swap3A_2320] {strides = array<i32>} : memref<64x128xf32, #tpu.memory_space<vmem>>, vector<16xf32>,
      tpu.vector_store %arg7[%swap3A_2319, %swap3A_2320], %add3A_2309 {strides = array<i32>} : memref<64x128xf32, #tpu.memory_space<vmem>>, vector<16xf32>,
      %swap3A_2322 = arith.constant 62 : i32
      %swap3A_2323 = arith.index_cast %swap3A_2322 : i32 to index
      %swap3A_2324 = arith.constant 48 : index
      %swap3A_2325 = tpu.vector_load %arg7[%swap3A_2323, %swap3A_2324] {strides = array<i32>} : memref<64x128xf32, #tpu.memory_space<vmem>>, vector<16xf32>,
      tpu.vector_store %arg7[%swap3A_2323, %swap3A_2324], %add3A_2309 {strides = array<i32>} : memref<64x128xf32, #tpu.memory_space<vmem>>, vector<16xf32>,
      %swap3A_2326 = arith.constant 62 : i32
      %swap3A_2327 = arith.index_cast %swap3A_2326 : i32 to index
      %swap3A_2328 = arith.constant 64 : index
      %swap3A_2329 = tpu.vector_load %arg7[%swap3A_2327, %swap3A_2328] {strides = array<i32>} : memref<64x128xf32, #tpu.memory_space<vmem>>, vector<16xf32>,
      tpu.vector_store %arg7[%swap3A_2327, %swap3A_2328], %add3A_2309 {strides = array<i32>} : memref<64x128xf32, #tpu.memory_space<vmem>>, vector<16xf32>,
      %swap3A_2330 = arith.constant 62 : i32
      %swap3A_2331 = arith.index_cast %swap3A_2330 : i32 to index
      %swap3A_2332 = arith.constant 80 : index
      %swap3A_2333 = tpu.vector_load %arg7[%swap3A_2331, %swap3A_2332] {strides = array<i32>} : memref<64x128xf32, #tpu.memory_space<vmem>>, vector<16xf32>,
      tpu.vector_store %arg7[%swap3A_2331, %swap3A_2332], %add3A_2309 {strides = array<i32>} : memref<64x128xf32, #tpu.memory_space<vmem>>, vector<16xf32>,
      %swap3A_2334 = arith.constant 62 : i32
      %swap3A_2335 = arith.index_cast %swap3A_2334 : i32 to index
      %swap3A_2336 = arith.constant 96 : index
      %swap3A_2337 = tpu.vector_load %arg7[%swap3A_2335, %swap3A_2336] {strides = array<i32>} : memref<64x128xf32, #tpu.memory_space<vmem>>, vector<16xf32>,
      tpu.vector_store %arg7[%swap3A_2335, %swap3A_2336], %add3A_2309 {strides = array<i32>} : memref<64x128xf32, #tpu.memory_space<vmem>>, vector<16xf32>,
      %swap3A_2338 = arith.constant 62 : i32
      %swap3A_2339 = arith.index_cast %swap3A_2338 : i32 to index
      %swap3A_2340 = arith.constant 112 : index
      %swap3A_2341 = tpu.vector_load %arg7[%swap3A_2339, %swap3A_2340] {strides = array<i32>} : memref<64x128xf32, #tpu.memory_space<vmem>>, vector<16xf32>,
      tpu.vector_store %arg7[%swap3A_2339, %swap3A_2340], %add3A_2309 {strides = array<i32>} : memref<64x128xf32, #tpu.memory_space<vmem>>, vector<16xf32>,
      %slice3A_2342 = vector.extract_strided_slice %get3A_1801 {offsets = [15], sizes = [1], strides = [1]} : vector<16xf32> to vector<1xf32>
      %squeeze3A_2343 = vector.extract %slice3A_2342[0] : f32 from vector<1xf32>
      %add3A_2344 = vector.broadcast %squeeze3A_2343 : f32 to vector<16xf32>
      %add3A_2345 = arith.addf %broadcast_in_dim3A_1, %add3A_2344 : vector<16xf32>
      %swap3A_2346 = arith.constant 63 : i32
      %swap3A_2347 = arith.index_cast %swap3A_2346 : i32 to index
      %swap3A_2348 = arith.constant 0 : index
      %swap3A_2349 = tpu.vector_load %arg7[%swap3A_2347, %swap3A_2348] {strides = array<i32>} : memref<64x128xf32, #tpu.memory_space<vmem>>, vector<16xf32>,
      tpu.vector_store %arg7[%swap3A_2347, %swap3A_2348], %add3A_2345 {strides = array<i32>} : memref<64x128xf32, #tpu.memory_space<vmem>>, vector<16xf32>,
      %swap3A_2350 = arith.constant 63 : i32
      %swap3A_2351 = arith.index_cast %swap3A_2350 : i32 to index
      %swap3A_2352 = arith.constant 16 : index
      %swap3A_2353 = tpu.vector_load %arg7[%swap3A_2351, %swap3A_2352] {strides = array<i32>} : memref<64x128xf32, #tpu.memory_space<vmem>>, vector<16xf32>,
      tpu.vector_store %arg7[%swap3A_2351, %swap3A_2352], %add3A_2345 {strides = array<i32>} : memref<64x128xf32, #tpu.memory_space<vmem>>, vector<16xf32>,
      %swap3A_2354 = arith.constant 63 : i32
      %swap3A_2355 = arith.index_cast %swap3A_2354 : i32 to index
      %swap3A_2356 = arith.constant 32 : index
      %swap3A_2357 = tpu.vector_load %arg7[%swap3A_2355, %swap3A_2356] {strides = array<i32>} : memref<64x128xf32, #tpu.memory_space<vmem>>, vector<16xf32>,
      tpu.vector_store %arg7[%swap3A_2355, %swap3A_2356], %add3A_2345 {strides = array<i32>} : memref<64x128xf32, #tpu.memory_space<vmem>>, vector<16xf32>,
      %swap3A_2358 = arith.constant 63 : i32
      %swap3A_2359 = arith.index_cast %swap3A_2358 : i32 to index
      %swap3A_2360 = arith.constant 48 : index
      %swap3A_2361 = tpu.vector_load %arg7[%swap3A_2359, %swap3A_2360] {strides = array<i32>} : memref<64x128xf32, #tpu.memory_space<vmem>>, vector<16xf32>,
      tpu.vector_store %arg7[%swap3A_2359, %swap3A_2360], %add3A_2345 {strides = array<i32>} : memref<64x128xf32, #tpu.memory_space<vmem>>, vector<16xf32>,
      %swap3A_2362 = arith.constant 63 : i32
      %swap3A_2363 = arith.index_cast %swap3A_2362 : i32 to index
      %swap3A_2364 = arith.constant 64 : index
      %swap3A_2365 = tpu.vector_load %arg7[%swap3A_2363, %swap3A_2364] {strides = array<i32>} : memref<64x128xf32, #tpu.memory_space<vmem>>, vector<16xf32>,
      tpu.vector_store %arg7[%swap3A_2363, %swap3A_2364], %add3A_2345 {strides = array<i32>} : memref<64x128xf32, #tpu.memory_space<vmem>>, vector<16xf32>,
      %swap3A_2366 = arith.constant 63 : i32
      %swap3A_2367 = arith.index_cast %swap3A_2366 : i32 to index
      %swap3A_2368 = arith.constant 80 : index
      %swap3A_2369 = tpu.vector_load %arg7[%swap3A_2367, %swap3A_2368] {strides = array<i32>} : memref<64x128xf32, #tpu.memory_space<vmem>>, vector<16xf32>,
      tpu.vector_store %arg7[%swap3A_2367, %swap3A_2368], %add3A_2345 {strides = array<i32>} : memref<64x128xf32, #tpu.memory_space<vmem>>, vector<16xf32>,
      %swap3A_2370 = arith.constant 63 : i32
      %swap3A_2371 = arith.index_cast %swap3A_2370 : i32 to index
      %swap3A_2372 = arith.constant 96 : index
      %swap3A_2373 = tpu.vector_load %arg7[%swap3A_2371, %swap3A_2372] {strides = array<i32>} : memref<64x128xf32, #tpu.memory_space<vmem>>, vector<16xf32>,
      tpu.vector_store %arg7[%swap3A_2371, %swap3A_2372], %add3A_2345 {strides = array<i32>} : memref<64x128xf32, #tpu.memory_space<vmem>>, vector<16xf32>,
      %swap3A_2374 = arith.constant 63 : i32
      %swap3A_2375 = arith.index_cast %swap3A_2374 : i32 to index
      %swap3A_2376 = arith.constant 112 : index
      %swap3A_2377 = tpu.vector_load %arg7[%swap3A_2375, %swap3A_2376] {strides = array<i32>} : memref<64x128xf32, #tpu.memory_space<vmem>>, vector<16xf32>,
      tpu.vector_store %arg7[%swap3A_2375, %swap3A_2376], %add3A_2345 {strides = array<i32>} : memref<64x128xf32, #tpu.memory_space<vmem>>, vector<16xf32>,
      %mul3A_2378 = arith.constant 640 : i32
      %mul3A_2379 = arith.muli %arg1, %mul3A_2378 : i32
      %mul3A_2380 = arith.constant 64 : i32
      %mul3A_2381 = arith.muli %add3A_53, %mul3A_2380 : i32
      %add3A_2382 = arith.addi %mul3A_2379, %mul3A_2381 : i32
      "tpu.region"() ({
        %run_scoped3A = tpu.sem_alloc : memref<!tpu.dma_semaphore, #tpu.memory_space<semaphore_mem>>
        %dma_start3A_2383 = arith.constant 0 : i32
        %dma_start3A_2384 = tpu.memref_slice %arg3[%arg0, %add3A_2382, %dma_start3A_2383] : memref<2x10240x128xf32, #tpu.memory_space<hbm>> -> memref<1x64x128xf32, #tpu.memory_space<hbm>>
        %dma_start3A_2385 = tpu.memref_squeeze %dma_start3A_2384 : memref<1x64x128xf32, #tpu.memory_space<hbm>> -> memref<64x128xf32, #tpu.memory_space<hbm>>
        %dma_start3A_2386 = arith.constant 0 : i32
        %dma_start3A_2387 = tpu.memref_slice %arg3[%arg0, %add3A_2382, %dma_start3A_2386] : memref<2x10240x128xf32, #tpu.memory_space<hbm>> -> memref<1x64x128xf32, #tpu.memory_space<hbm>>
        %dma_start3A_2388 = tpu.memref_squeeze %dma_start3A_2387 : memref<1x64x128xf32, #tpu.memory_space<hbm>> -> memref<64x128xf32, #tpu.memory_space<hbm>>
        tpu.enqueue_dma source(%arg7 : memref<64x128xf32, #tpu.memory_space<vmem>>) target(%dma_start3A_2388 : memref<64x128xf32, #tpu.memory_space<hbm>>) target_semaphore(%run_scoped3A : memref<!tpu.dma_semaphore, #tpu.memory_space<semaphore_mem>>)
        %dma_wait3A_2389 = arith.constant 0 : i32
        %dma_wait3A_2390 = tpu.memref_slice %arg3[%arg0, %add3A_2382, %dma_wait3A_2389] : memref<2x10240x128xf32, #tpu.memory_space<hbm>> -> memref<1x64x128xf32, #tpu.memory_space<hbm>>
        %dma_wait3A_2391 = tpu.memref_squeeze %dma_wait3A_2390 : memref<1x64x128xf32, #tpu.memory_space<hbm>> -> memref<64x128xf32, #tpu.memory_space<hbm>>
        %dma_wait3A_2392 = arith.constant 0 : i32
        %dma_wait3A_2393 = tpu.memref_slice %arg3[%arg0, %add3A_2382, %dma_wait3A_2392] : memref<2x10240x128xf32, #tpu.memory_space<hbm>> -> memref<1x64x128xf32, #tpu.memory_space<hbm>>
        %dma_wait3A_2394 = tpu.memref_squeeze %dma_wait3A_2393 : memref<1x64x128xf32, #tpu.memory_space<hbm>> -> memref<64x128xf32, #tpu.memory_space<hbm>>
        tpu.wait_dma2 semaphore(%run_scoped3A : memref<!tpu.dma_semaphore, #tpu.memory_space<semaphore_mem>>) src(%arg7 : memref<64x128xf32, #tpu.memory_space<vmem>>) dst(%dma_wait3A_2394 : memref<64x128xf32, #tpu.memory_space<hbm>>)
        tpu.yield
      }) : () -> ()
    }
    %scan3A_48 = arith.constant 10 : i32
    return
  }
}

#map = affine_map<(d0, d1) -> (0, 0, 0)>
#map1 = affine_map<(d0, d1) -> (0, 0)>
#map2 = affine_map<(d0, d1) -> (0)>
module attributes {stable_mosaic.version = 14 : i64} {
  func.func @_rewritten_body(%arg0: i32, %arg1: i32, %arg2: memref<2560x2x128xi32, #tpu.memory_space<hbm>>, %arg3: memref<10240x128xf32, #tpu.memory_space<hbm>>, %arg4: memref<1xi32, #tpu.memory_space<hbm>>, %arg5: memref<1xi32, #tpu.memory_space<hbm>>, %arg6: memref<1xi32, #tpu.memory_space<hbm>>, %arg7: memref<1xi32, #tpu.memory_space<hbm>>, %arg8: memref<1xi32, #tpu.memory_space<hbm>>, %arg9: memref<1xi32, #tpu.memory_space<hbm>>, %arg10: memref<2x10240x128xf32, #tpu.memory_space<hbm>>, %arg11: memref<4x2x128xi32, #tpu.memory_space<vmem>>, %arg12: memref<2x128x128xf32, #tpu.memory_space<vmem>>, %arg13: memref<10240x128xf32, #tpu.memory_space<vmem_shared>>, %arg14: memref<!tpu.dma_semaphore, #tpu.memory_space<semaphore_mem>>, %arg15: memref<!tpu.dma_semaphore, #tpu.memory_space<semaphore_mem>>, %arg16: memref<!tpu.dma_semaphore, #tpu.memory_space<semaphore_mem>>, %arg17: memref<!tpu.dma_semaphore, #tpu.memory_space<semaphore_mem>>, %arg18: memref<!tpu.dma_semaphore, #tpu.memory_space<semaphore_mem>>, %arg19: memref<!tpu.dma_semaphore, #tpu.memory_space<semaphore_mem>>) attributes {dimension_semantics = [#tpu.dimension_semantics<core_parallel>, #tpu.dimension_semantics<subcore_parallel>], iteration_bounds = array<i64: 2, 16>, scalar_prefetch = 0 : i64, scratch_operands = 9 : i64, tpu.core_type = #tpu.core_type<sc_vector_subcore>, window_params = [{transform_indices = #map}, {transform_indices = #map1}, {transform_indices = #map2}, {transform_indices = #map2}, {transform_indices = #map2}, {transform_indices = #map2}, {transform_indices = #map2}, {transform_indices = #map2}, {transform_indices = #map}]} {
    %empty_ref3A = memref.alloca() : memref<16xi32, #tpu.memory_space<vmem>>
    %empty_ref3A_0 = memref.alloca() : memref<16xi32, #tpu.memory_space<vmem>>
    %empty_ref3A_1 = memref.alloca() : memref<16xi32, #tpu.memory_space<vmem>>
    %empty_ref3A_2 = memref.alloca() : memref<16xi32, #tpu.memory_space<vmem>>
    %empty_ref3A_3 = memref.alloca() : memref<16xi32, #tpu.memory_space<vmem>>
    %empty_ref3A_4 = memref.alloca() : memref<16xi32, #tpu.memory_space<vmem>>
    "tpu.region"() ({
      %run_scoped3A_451 = tpu.sem_alloc : memref<!tpu.dma_semaphore, #tpu.memory_space<semaphore_mem>>
      %dma_start3A_452 = arith.constant 0 : i32
      %dma_start3A_453 = tpu.memref_slice %empty_ref3A[%dma_start3A_452] : memref<16xi32, #tpu.memory_space<vmem>> -> memref<1xi32, #tpu.memory_space<vmem>>
      %dma_start3A_454 = arith.constant 0 : i32
      %dma_start3A_455 = tpu.memref_slice %empty_ref3A[%dma_start3A_454] : memref<16xi32, #tpu.memory_space<vmem>> -> memref<1xi32, #tpu.memory_space<vmem>>
      tpu.enqueue_dma source(%arg4 : memref<1xi32, #tpu.memory_space<hbm>>) target(%dma_start3A_455 : memref<1xi32, #tpu.memory_space<vmem>>) target_semaphore(%run_scoped3A_451 : memref<!tpu.dma_semaphore, #tpu.memory_space<semaphore_mem>>)
      %dma_start3A_456 = arith.constant 0 : i32
      %dma_start3A_457 = tpu.memref_slice %empty_ref3A_0[%dma_start3A_456] : memref<16xi32, #tpu.memory_space<vmem>> -> memref<1xi32, #tpu.memory_space<vmem>>
      %dma_start3A_458 = arith.constant 0 : i32
      %dma_start3A_459 = tpu.memref_slice %empty_ref3A_0[%dma_start3A_458] : memref<16xi32, #tpu.memory_space<vmem>> -> memref<1xi32, #tpu.memory_space<vmem>>
      tpu.enqueue_dma source(%arg5 : memref<1xi32, #tpu.memory_space<hbm>>) target(%dma_start3A_459 : memref<1xi32, #tpu.memory_space<vmem>>) target_semaphore(%run_scoped3A_451 : memref<!tpu.dma_semaphore, #tpu.memory_space<semaphore_mem>>)
      %dma_start3A_460 = arith.constant 0 : i32
      %dma_start3A_461 = tpu.memref_slice %empty_ref3A_1[%dma_start3A_460] : memref<16xi32, #tpu.memory_space<vmem>> -> memref<1xi32, #tpu.memory_space<vmem>>
      %dma_start3A_462 = arith.constant 0 : i32
      %dma_start3A_463 = tpu.memref_slice %empty_ref3A_1[%dma_start3A_462] : memref<16xi32, #tpu.memory_space<vmem>> -> memref<1xi32, #tpu.memory_space<vmem>>
      tpu.enqueue_dma source(%arg6 : memref<1xi32, #tpu.memory_space<hbm>>) target(%dma_start3A_463 : memref<1xi32, #tpu.memory_space<vmem>>) target_semaphore(%run_scoped3A_451 : memref<!tpu.dma_semaphore, #tpu.memory_space<semaphore_mem>>)
      %dma_start3A_464 = arith.constant 0 : i32
      %dma_start3A_465 = tpu.memref_slice %empty_ref3A_2[%dma_start3A_464] : memref<16xi32, #tpu.memory_space<vmem>> -> memref<1xi32, #tpu.memory_space<vmem>>
      %dma_start3A_466 = arith.constant 0 : i32
      %dma_start3A_467 = tpu.memref_slice %empty_ref3A_2[%dma_start3A_466] : memref<16xi32, #tpu.memory_space<vmem>> -> memref<1xi32, #tpu.memory_space<vmem>>
      tpu.enqueue_dma source(%arg7 : memref<1xi32, #tpu.memory_space<hbm>>) target(%dma_start3A_467 : memref<1xi32, #tpu.memory_space<vmem>>) target_semaphore(%run_scoped3A_451 : memref<!tpu.dma_semaphore, #tpu.memory_space<semaphore_mem>>)
      %dma_start3A_468 = arith.constant 0 : i32
      %dma_start3A_469 = tpu.memref_slice %empty_ref3A_3[%dma_start3A_468] : memref<16xi32, #tpu.memory_space<vmem>> -> memref<1xi32, #tpu.memory_space<vmem>>
      %dma_start3A_470 = arith.constant 0 : i32
      %dma_start3A_471 = tpu.memref_slice %empty_ref3A_3[%dma_start3A_470] : memref<16xi32, #tpu.memory_space<vmem>> -> memref<1xi32, #tpu.memory_space<vmem>>
      tpu.enqueue_dma source(%arg8 : memref<1xi32, #tpu.memory_space<hbm>>) target(%dma_start3A_471 : memref<1xi32, #tpu.memory_space<vmem>>) target_semaphore(%run_scoped3A_451 : memref<!tpu.dma_semaphore, #tpu.memory_space<semaphore_mem>>)
      %dma_start3A_472 = arith.constant 0 : i32
      %dma_start3A_473 = tpu.memref_slice %empty_ref3A_4[%dma_start3A_472] : memref<16xi32, #tpu.memory_space<vmem>> -> memref<1xi32, #tpu.memory_space<vmem>>
      %dma_start3A_474 = arith.constant 0 : i32
      %dma_start3A_475 = tpu.memref_slice %empty_ref3A_4[%dma_start3A_474] : memref<16xi32, #tpu.memory_space<vmem>> -> memref<1xi32, #tpu.memory_space<vmem>>
      tpu.enqueue_dma source(%arg9 : memref<1xi32, #tpu.memory_space<hbm>>) target(%dma_start3A_475 : memref<1xi32, #tpu.memory_space<vmem>>) target_semaphore(%run_scoped3A_451 : memref<!tpu.dma_semaphore, #tpu.memory_space<semaphore_mem>>)
      %dma_wait3A_476 = arith.constant 0 : i32
      %dma_wait3A_477 = tpu.memref_slice %empty_ref3A[%dma_wait3A_476] : memref<16xi32, #tpu.memory_space<vmem>> -> memref<1xi32, #tpu.memory_space<vmem>>
      %dma_wait3A_478 = arith.constant 0 : i32
      %dma_wait3A_479 = tpu.memref_slice %empty_ref3A[%dma_wait3A_478] : memref<16xi32, #tpu.memory_space<vmem>> -> memref<1xi32, #tpu.memory_space<vmem>>
      tpu.wait_dma2 semaphore(%run_scoped3A_451 : memref<!tpu.dma_semaphore, #tpu.memory_space<semaphore_mem>>) src(%arg4 : memref<1xi32, #tpu.memory_space<hbm>>) dst(%dma_wait3A_479 : memref<1xi32, #tpu.memory_space<vmem>>)
      %dma_wait3A_480 = arith.constant 0 : i32
      %dma_wait3A_481 = tpu.memref_slice %empty_ref3A_0[%dma_wait3A_480] : memref<16xi32, #tpu.memory_space<vmem>> -> memref<1xi32, #tpu.memory_space<vmem>>
      %dma_wait3A_482 = arith.constant 0 : i32
      %dma_wait3A_483 = tpu.memref_slice %empty_ref3A_0[%dma_wait3A_482] : memref<16xi32, #tpu.memory_space<vmem>> -> memref<1xi32, #tpu.memory_space<vmem>>
      tpu.wait_dma2 semaphore(%run_scoped3A_451 : memref<!tpu.dma_semaphore, #tpu.memory_space<semaphore_mem>>) src(%arg5 : memref<1xi32, #tpu.memory_space<hbm>>) dst(%dma_wait3A_483 : memref<1xi32, #tpu.memory_space<vmem>>)
      %dma_wait3A_484 = arith.constant 0 : i32
      %dma_wait3A_485 = tpu.memref_slice %empty_ref3A_1[%dma_wait3A_484] : memref<16xi32, #tpu.memory_space<vmem>> -> memref<1xi32, #tpu.memory_space<vmem>>
      %dma_wait3A_486 = arith.constant 0 : i32
      %dma_wait3A_487 = tpu.memref_slice %empty_ref3A_1[%dma_wait3A_486] : memref<16xi32, #tpu.memory_space<vmem>> -> memref<1xi32, #tpu.memory_space<vmem>>
      tpu.wait_dma2 semaphore(%run_scoped3A_451 : memref<!tpu.dma_semaphore, #tpu.memory_space<semaphore_mem>>) src(%arg6 : memref<1xi32, #tpu.memory_space<hbm>>) dst(%dma_wait3A_487 : memref<1xi32, #tpu.memory_space<vmem>>)
      %dma_wait3A_488 = arith.constant 0 : i32
      %dma_wait3A_489 = tpu.memref_slice %empty_ref3A_2[%dma_wait3A_488] : memref<16xi32, #tpu.memory_space<vmem>> -> memref<1xi32, #tpu.memory_space<vmem>>
      %dma_wait3A_490 = arith.constant 0 : i32
      %dma_wait3A_491 = tpu.memref_slice %empty_ref3A_2[%dma_wait3A_490] : memref<16xi32, #tpu.memory_space<vmem>> -> memref<1xi32, #tpu.memory_space<vmem>>
      tpu.wait_dma2 semaphore(%run_scoped3A_451 : memref<!tpu.dma_semaphore, #tpu.memory_space<semaphore_mem>>) src(%arg7 : memref<1xi32, #tpu.memory_space<hbm>>) dst(%dma_wait3A_491 : memref<1xi32, #tpu.memory_space<vmem>>)
      %dma_wait3A_492 = arith.constant 0 : i32
      %dma_wait3A_493 = tpu.memref_slice %empty_ref3A_3[%dma_wait3A_492] : memref<16xi32, #tpu.memory_space<vmem>> -> memref<1xi32, #tpu.memory_space<vmem>>
      %dma_wait3A_494 = arith.constant 0 : i32
      %dma_wait3A_495 = tpu.memref_slice %empty_ref3A_3[%dma_wait3A_494] : memref<16xi32, #tpu.memory_space<vmem>> -> memref<1xi32, #tpu.memory_space<vmem>>
      tpu.wait_dma2 semaphore(%run_scoped3A_451 : memref<!tpu.dma_semaphore, #tpu.memory_space<semaphore_mem>>) src(%arg8 : memref<1xi32, #tpu.memory_space<hbm>>) dst(%dma_wait3A_495 : memref<1xi32, #tpu.memory_space<vmem>>)
      %dma_wait3A_496 = arith.constant 0 : i32
      %dma_wait3A_497 = tpu.memref_slice %empty_ref3A_4[%dma_wait3A_496] : memref<16xi32, #tpu.memory_space<vmem>> -> memref<1xi32, #tpu.memory_space<vmem>>
      %dma_wait3A_498 = arith.constant 0 : i32
      %dma_wait3A_499 = tpu.memref_slice %empty_ref3A_4[%dma_wait3A_498] : memref<16xi32, #tpu.memory_space<vmem>> -> memref<1xi32, #tpu.memory_space<vmem>>
      tpu.wait_dma2 semaphore(%run_scoped3A_451 : memref<!tpu.dma_semaphore, #tpu.memory_space<semaphore_mem>>) src(%arg9 : memref<1xi32, #tpu.memory_space<hbm>>) dst(%dma_wait3A_499 : memref<1xi32, #tpu.memory_space<vmem>>)
      tpu.yield
    }) : () -> ()
    %get3A = arith.constant 0 : index
    %get3A_5 = tpu.vector_load %empty_ref3A[%get3A] {strides = array<i32>} : memref<16xi32, #tpu.memory_space<vmem>>, vector<16xi32>,
    %slice3A = vector.extract_strided_slice %get3A_5 {offsets = [0], sizes = [1], strides = [1]} : vector<16xi32> to vector<1xi32>
    %squeeze3A = vector.extract %slice3A[0] : i32 from vector<1xi32>
    %get3A_6 = arith.constant 0 : index
    %get3A_7 = tpu.vector_load %empty_ref3A_0[%get3A_6] {strides = array<i32>} : memref<16xi32, #tpu.memory_space<vmem>>, vector<16xi32>,
    %slice3A_8 = vector.extract_strided_slice %get3A_7 {offsets = [0], sizes = [1], strides = [1]} : vector<16xi32> to vector<1xi32>
    %squeeze3A_9 = vector.extract %slice3A_8[0] : i32 from vector<1xi32>
    %get3A_10 = arith.constant 0 : index
    %get3A_11 = tpu.vector_load %empty_ref3A_1[%get3A_10] {strides = array<i32>} : memref<16xi32, #tpu.memory_space<vmem>>, vector<16xi32>,
    %slice3A_12 = vector.extract_strided_slice %get3A_11 {offsets = [0], sizes = [1], strides = [1]} : vector<16xi32> to vector<1xi32>
    %squeeze3A_13 = vector.extract %slice3A_12[0] : i32 from vector<1xi32>
    %get3A_14 = arith.constant 0 : index
    %get3A_15 = tpu.vector_load %empty_ref3A_2[%get3A_14] {strides = array<i32>} : memref<16xi32, #tpu.memory_space<vmem>>, vector<16xi32>,
    %slice3A_16 = vector.extract_strided_slice %get3A_15 {offsets = [0], sizes = [1], strides = [1]} : vector<16xi32> to vector<1xi32>
    %squeeze3A_17 = vector.extract %slice3A_16[0] : i32 from vector<1xi32>
    %get3A_18 = arith.constant 0 : index
    %get3A_19 = tpu.vector_load %empty_ref3A_3[%get3A_18] {strides = array<i32>} : memref<16xi32, #tpu.memory_space<vmem>>, vector<16xi32>,
    %slice3A_20 = vector.extract_strided_slice %get3A_19 {offsets = [0], sizes = [1], strides = [1]} : vector<16xi32> to vector<1xi32>
    %squeeze3A_21 = vector.extract %slice3A_20[0] : i32 from vector<1xi32>
    %get3A_22 = arith.constant 0 : index
    %get3A_23 = tpu.vector_load %empty_ref3A_4[%get3A_22] {strides = array<i32>} : memref<16xi32, #tpu.memory_space<vmem>>, vector<16xi32>,
    %slice3A_24 = vector.extract_strided_slice %get3A_23 {offsets = [0], sizes = [1], strides = [1]} : vector<16xi32> to vector<1xi32>
    %squeeze3A_25 = vector.extract %slice3A_24[0] : i32 from vector<1xi32>
    %mul3A = arith.constant 16 : i32
    %mul3A_26 = arith.muli %arg0, %mul3A : i32
    %add3A = arith.addi %mul3A_26, %arg1 : i32
    %mul3A_27 = arith.constant 80 : i32
    %mul3A_28 = arith.muli %add3A, %mul3A_27 : i32
    %broadcast_in_dim3A = arith.constant 0.000000e+00 : f32
    %broadcast_in_dim3A_29 = vector.broadcast %broadcast_in_dim3A : f32 to vector<16xf32>
    %scan3A = arith.constant 0 : i32
    %scan3A_30 = arith.constant 128 : i32
    %scan3A_31 = arith.addi %scan3A, %scan3A_30 : i32
    %scan3A_32 = arith.constant 1 : i32
    scf.for %scan3A_451 = %scan3A to %scan3A_31 step %scan3A_32  : i32 {
      %mul3A_452 = arith.constant 1 : i32
      %mul3A_453 = arith.muli %scan3A_451, %mul3A_452 : i32
      %add3A_454 = arith.constant 0 : i32
      %add3A_455 = arith.addi %add3A_454, %mul3A_453 : i32
      %scan3A_456 = arith.constant 0 : i32
      %scan3A_457 = arith.constant 8 : i32
      %scan3A_458 = arith.addi %scan3A_456, %scan3A_457 : i32
      %scan3A_459 = arith.constant 1 : i32
      scf.for %scan3A_461 = %scan3A_456 to %scan3A_458 step %scan3A_459  : i32 {
        %mul3A_462 = arith.constant 1 : i32
        %mul3A_463 = arith.muli %scan3A_461, %mul3A_462 : i32
        %add3A_464 = arith.constant 0 : i32
        %add3A_465 = arith.addi %add3A_464, %mul3A_463 : i32
        %mul3A_466 = arith.constant 16 : i32
        %mul3A_467 = arith.muli %add3A_465, %mul3A_466 : i32
        %swap3A = arith.constant 0 : i32
        %swap3A_468 = arith.index_cast %swap3A : i32 to index
        %swap3A_469 = arith.index_cast %add3A_455 : i32 to index
        %swap3A_470 = arith.index_cast %mul3A_467 : i32 to index
        %swap3A_471 = tpu.vector_load %arg12[%swap3A_468, %swap3A_469, %swap3A_470] {strides = array<i32>} : memref<2x128x128xf32, #tpu.memory_space<vmem>>, vector<16xf32>,
        tpu.vector_store %arg12[%swap3A_468, %swap3A_469, %swap3A_470], %broadcast_in_dim3A_29 {strides = array<i32>} : memref<2x128x128xf32, #tpu.memory_space<vmem>>, vector<16xf32>,
      }
      %scan3A_460 = arith.constant 8 : i32
    }
    %scan3A_33 = arith.constant 128 : i32
    %mul3A_34 = arith.constant 640 : i32
    %mul3A_35 = arith.muli %arg1, %mul3A_34 : i32
    %add3A_36 = arith.constant 0 : i32
    %add3A_37 = arith.addi %mul3A_35, %add3A_36 : i32
    %dma_start3A = arith.constant 0 : i32
    %dma_start3A_38 = arith.constant 0 : i32
    %dma_start3A_39 = arith.constant 0 : i32
    %dma_start3A_40 = tpu.memref_slice %arg12[%dma_start3A, %dma_start3A_38, %dma_start3A_39] : memref<2x128x128xf32, #tpu.memory_space<vmem>> -> memref<1x128x128xf32, #tpu.memory_space<vmem>>
    %dma_start3A_41 = tpu.memref_squeeze %dma_start3A_40 : memref<1x128x128xf32, #tpu.memory_space<vmem>> -> memref<128x128xf32, #tpu.memory_space<vmem>>
    %dma_start3A_42 = arith.constant 0 : i32
    %dma_start3A_43 = tpu.memref_slice %arg13[%add3A_37, %dma_start3A_42] : memref<10240x128xf32, #tpu.memory_space<vmem_shared>> -> memref<128x128xf32, #tpu.memory_space<vmem_shared>>
    %dma_start3A_44 = arith.constant 0 : i32
    %dma_start3A_45 = tpu.memref_slice %arg13[%add3A_37, %dma_start3A_44] : memref<10240x128xf32, #tpu.memory_space<vmem_shared>> -> memref<128x128xf32, #tpu.memory_space<vmem_shared>>
    %dma_start3A_46 = arith.constant 0 : i32
    %dma_start3A_47 = arith.constant 0 : i32
    %dma_start3A_48 = tpu.memref_slice %arg12[%dma_start3A, %dma_start3A_46, %dma_start3A_47] : memref<2x128x128xf32, #tpu.memory_space<vmem>> -> memref<1x128x128xf32, #tpu.memory_space<vmem>>
    %dma_start3A_49 = tpu.memref_squeeze %dma_start3A_48 : memref<1x128x128xf32, #tpu.memory_space<vmem>> -> memref<128x128xf32, #tpu.memory_space<vmem>>
    tpu.enqueue_dma source(%dma_start3A_49 : memref<128x128xf32, #tpu.memory_space<vmem>>) target(%dma_start3A_45 : memref<128x128xf32, #tpu.memory_space<vmem_shared>>) target_semaphore(%arg16 : memref<!tpu.dma_semaphore, #tpu.memory_space<semaphore_mem>>)
    %mul3A_50 = arith.constant 640 : i32
    %mul3A_51 = arith.muli %arg1, %mul3A_50 : i32
    %add3A_52 = arith.constant 128 : i32
    %add3A_53 = arith.addi %mul3A_51, %add3A_52 : i32
    %dma_start3A_54 = arith.constant 0 : i32
    %dma_start3A_55 = arith.constant 0 : i32
    %dma_start3A_56 = arith.constant 0 : i32
    %dma_start3A_57 = tpu.memref_slice %arg12[%dma_start3A_54, %dma_start3A_55, %dma_start3A_56] : memref<2x128x128xf32, #tpu.memory_space<vmem>> -> memref<1x128x128xf32, #tpu.memory_space<vmem>>
    %dma_start3A_58 = tpu.memref_squeeze %dma_start3A_57 : memref<1x128x128xf32, #tpu.memory_space<vmem>> -> memref<128x128xf32, #tpu.memory_space<vmem>>
    %dma_start3A_59 = arith.constant 0 : i32
    %dma_start3A_60 = tpu.memref_slice %arg13[%add3A_53, %dma_start3A_59] : memref<10240x128xf32, #tpu.memory_space<vmem_shared>> -> memref<128x128xf32, #tpu.memory_space<vmem_shared>>
    %dma_start3A_61 = arith.constant 0 : i32
    %dma_start3A_62 = tpu.memref_slice %arg13[%add3A_53, %dma_start3A_61] : memref<10240x128xf32, #tpu.memory_space<vmem_shared>> -> memref<128x128xf32, #tpu.memory_space<vmem_shared>>
    %dma_start3A_63 = arith.constant 0 : i32
    %dma_start3A_64 = arith.constant 0 : i32
    %dma_start3A_65 = tpu.memref_slice %arg12[%dma_start3A_54, %dma_start3A_63, %dma_start3A_64] : memref<2x128x128xf32, #tpu.memory_space<vmem>> -> memref<1x128x128xf32, #tpu.memory_space<vmem>>
    %dma_start3A_66 = tpu.memref_squeeze %dma_start3A_65 : memref<1x128x128xf32, #tpu.memory_space<vmem>> -> memref<128x128xf32, #tpu.memory_space<vmem>>
    tpu.enqueue_dma source(%dma_start3A_66 : memref<128x128xf32, #tpu.memory_space<vmem>>) target(%dma_start3A_62 : memref<128x128xf32, #tpu.memory_space<vmem_shared>>) target_semaphore(%arg16 : memref<!tpu.dma_semaphore, #tpu.memory_space<semaphore_mem>>)
    %mul3A_67 = arith.constant 640 : i32
    %mul3A_68 = arith.muli %arg1, %mul3A_67 : i32
    %add3A_69 = arith.constant 256 : i32
    %add3A_70 = arith.addi %mul3A_68, %add3A_69 : i32
    %dma_start3A_71 = arith.constant 0 : i32
    %dma_start3A_72 = arith.constant 0 : i32
    %dma_start3A_73 = arith.constant 0 : i32
    %dma_start3A_74 = tpu.memref_slice %arg12[%dma_start3A_71, %dma_start3A_72, %dma_start3A_73] : memref<2x128x128xf32, #tpu.memory_space<vmem>> -> memref<1x128x128xf32, #tpu.memory_space<vmem>>
    %dma_start3A_75 = tpu.memref_squeeze %dma_start3A_74 : memref<1x128x128xf32, #tpu.memory_space<vmem>> -> memref<128x128xf32, #tpu.memory_space<vmem>>
    %dma_start3A_76 = arith.constant 0 : i32
    %dma_start3A_77 = tpu.memref_slice %arg13[%add3A_70, %dma_start3A_76] : memref<10240x128xf32, #tpu.memory_space<vmem_shared>> -> memref<128x128xf32, #tpu.memory_space<vmem_shared>>
    %dma_start3A_78 = arith.constant 0 : i32
    %dma_start3A_79 = tpu.memref_slice %arg13[%add3A_70, %dma_start3A_78] : memref<10240x128xf32, #tpu.memory_space<vmem_shared>> -> memref<128x128xf32, #tpu.memory_space<vmem_shared>>
    %dma_start3A_80 = arith.constant 0 : i32
    %dma_start3A_81 = arith.constant 0 : i32
    %dma_start3A_82 = tpu.memref_slice %arg12[%dma_start3A_71, %dma_start3A_80, %dma_start3A_81] : memref<2x128x128xf32, #tpu.memory_space<vmem>> -> memref<1x128x128xf32, #tpu.memory_space<vmem>>
    %dma_start3A_83 = tpu.memref_squeeze %dma_start3A_82 : memref<1x128x128xf32, #tpu.memory_space<vmem>> -> memref<128x128xf32, #tpu.memory_space<vmem>>
    tpu.enqueue_dma source(%dma_start3A_83 : memref<128x128xf32, #tpu.memory_space<vmem>>) target(%dma_start3A_79 : memref<128x128xf32, #tpu.memory_space<vmem_shared>>) target_semaphore(%arg16 : memref<!tpu.dma_semaphore, #tpu.memory_space<semaphore_mem>>)
    %mul3A_84 = arith.constant 640 : i32
    %mul3A_85 = arith.muli %arg1, %mul3A_84 : i32
    %add3A_86 = arith.constant 384 : i32
    %add3A_87 = arith.addi %mul3A_85, %add3A_86 : i32
    %dma_start3A_88 = arith.constant 0 : i32
    %dma_start3A_89 = arith.constant 0 : i32
    %dma_start3A_90 = arith.constant 0 : i32
    %dma_start3A_91 = tpu.memref_slice %arg12[%dma_start3A_88, %dma_start3A_89, %dma_start3A_90] : memref<2x128x128xf32, #tpu.memory_space<vmem>> -> memref<1x128x128xf32, #tpu.memory_space<vmem>>
    %dma_start3A_92 = tpu.memref_squeeze %dma_start3A_91 : memref<1x128x128xf32, #tpu.memory_space<vmem>> -> memref<128x128xf32, #tpu.memory_space<vmem>>
    %dma_start3A_93 = arith.constant 0 : i32
    %dma_start3A_94 = tpu.memref_slice %arg13[%add3A_87, %dma_start3A_93] : memref<10240x128xf32, #tpu.memory_space<vmem_shared>> -> memref<128x128xf32, #tpu.memory_space<vmem_shared>>
    %dma_start3A_95 = arith.constant 0 : i32
    %dma_start3A_96 = tpu.memref_slice %arg13[%add3A_87, %dma_start3A_95] : memref<10240x128xf32, #tpu.memory_space<vmem_shared>> -> memref<128x128xf32, #tpu.memory_space<vmem_shared>>
    %dma_start3A_97 = arith.constant 0 : i32
    %dma_start3A_98 = arith.constant 0 : i32
    %dma_start3A_99 = tpu.memref_slice %arg12[%dma_start3A_88, %dma_start3A_97, %dma_start3A_98] : memref<2x128x128xf32, #tpu.memory_space<vmem>> -> memref<1x128x128xf32, #tpu.memory_space<vmem>>
    %dma_start3A_100 = tpu.memref_squeeze %dma_start3A_99 : memref<1x128x128xf32, #tpu.memory_space<vmem>> -> memref<128x128xf32, #tpu.memory_space<vmem>>
    tpu.enqueue_dma source(%dma_start3A_100 : memref<128x128xf32, #tpu.memory_space<vmem>>) target(%dma_start3A_96 : memref<128x128xf32, #tpu.memory_space<vmem_shared>>) target_semaphore(%arg16 : memref<!tpu.dma_semaphore, #tpu.memory_space<semaphore_mem>>)
    %mul3A_101 = arith.constant 640 : i32
    %mul3A_102 = arith.muli %arg1, %mul3A_101 : i32
    %add3A_103 = arith.constant 512 : i32
    %add3A_104 = arith.addi %mul3A_102, %add3A_103 : i32
    %dma_start3A_105 = arith.constant 0 : i32
    %dma_start3A_106 = arith.constant 0 : i32
    %dma_start3A_107 = arith.constant 0 : i32
    %dma_start3A_108 = tpu.memref_slice %arg12[%dma_start3A_105, %dma_start3A_106, %dma_start3A_107] : memref<2x128x128xf32, #tpu.memory_space<vmem>> -> memref<1x128x128xf32, #tpu.memory_space<vmem>>
    %dma_start3A_109 = tpu.memref_squeeze %dma_start3A_108 : memref<1x128x128xf32, #tpu.memory_space<vmem>> -> memref<128x128xf32, #tpu.memory_space<vmem>>
    %dma_start3A_110 = arith.constant 0 : i32
    %dma_start3A_111 = tpu.memref_slice %arg13[%add3A_104, %dma_start3A_110] : memref<10240x128xf32, #tpu.memory_space<vmem_shared>> -> memref<128x128xf32, #tpu.memory_space<vmem_shared>>
    %dma_start3A_112 = arith.constant 0 : i32
    %dma_start3A_113 = tpu.memref_slice %arg13[%add3A_104, %dma_start3A_112] : memref<10240x128xf32, #tpu.memory_space<vmem_shared>> -> memref<128x128xf32, #tpu.memory_space<vmem_shared>>
    %dma_start3A_114 = arith.constant 0 : i32
    %dma_start3A_115 = arith.constant 0 : i32
    %dma_start3A_116 = tpu.memref_slice %arg12[%dma_start3A_105, %dma_start3A_114, %dma_start3A_115] : memref<2x128x128xf32, #tpu.memory_space<vmem>> -> memref<1x128x128xf32, #tpu.memory_space<vmem>>
    %dma_start3A_117 = tpu.memref_squeeze %dma_start3A_116 : memref<1x128x128xf32, #tpu.memory_space<vmem>> -> memref<128x128xf32, #tpu.memory_space<vmem>>
    tpu.enqueue_dma source(%dma_start3A_117 : memref<128x128xf32, #tpu.memory_space<vmem>>) target(%dma_start3A_113 : memref<128x128xf32, #tpu.memory_space<vmem_shared>>) target_semaphore(%arg16 : memref<!tpu.dma_semaphore, #tpu.memory_space<semaphore_mem>>)
    %dma_wait3A = arith.constant 0 : i32
    %dma_wait3A_118 = arith.constant 0 : i32
    %dma_wait3A_119 = arith.constant 0 : i32
    %dma_wait3A_120 = tpu.memref_slice %arg12[%dma_wait3A, %dma_wait3A_118, %dma_wait3A_119] : memref<2x128x128xf32, #tpu.memory_space<vmem>> -> memref<1x128x128xf32, #tpu.memory_space<vmem>>
    %dma_wait3A_121 = tpu.memref_squeeze %dma_wait3A_120 : memref<1x128x128xf32, #tpu.memory_space<vmem>> -> memref<128x128xf32, #tpu.memory_space<vmem>>
    %dma_wait3A_122 = arith.constant 0 : i32
    %dma_wait3A_123 = tpu.memref_slice %arg13[%add3A_37, %dma_wait3A_122] : memref<10240x128xf32, #tpu.memory_space<vmem_shared>> -> memref<128x128xf32, #tpu.memory_space<vmem_shared>>
    %dma_wait3A_124 = arith.constant 0 : i32
    %dma_wait3A_125 = tpu.memref_slice %arg13[%add3A_37, %dma_wait3A_124] : memref<10240x128xf32, #tpu.memory_space<vmem_shared>> -> memref<128x128xf32, #tpu.memory_space<vmem_shared>>
    %dma_wait3A_126 = arith.constant 0 : i32
    %dma_wait3A_127 = arith.constant 0 : i32
    %dma_wait3A_128 = tpu.memref_slice %arg12[%dma_wait3A, %dma_wait3A_126, %dma_wait3A_127] : memref<2x128x128xf32, #tpu.memory_space<vmem>> -> memref<1x128x128xf32, #tpu.memory_space<vmem>>
    %dma_wait3A_129 = tpu.memref_squeeze %dma_wait3A_128 : memref<1x128x128xf32, #tpu.memory_space<vmem>> -> memref<128x128xf32, #tpu.memory_space<vmem>>
    tpu.wait_dma2 semaphore(%arg16 : memref<!tpu.dma_semaphore, #tpu.memory_space<semaphore_mem>>) src(%dma_wait3A_129 : memref<128x128xf32, #tpu.memory_space<vmem>>) dst(%dma_wait3A_125 : memref<128x128xf32, #tpu.memory_space<vmem_shared>>)
    %dma_wait3A_130 = arith.constant 0 : i32
    %dma_wait3A_131 = arith.constant 0 : i32
    %dma_wait3A_132 = arith.constant 0 : i32
    %dma_wait3A_133 = tpu.memref_slice %arg12[%dma_wait3A_130, %dma_wait3A_131, %dma_wait3A_132] : memref<2x128x128xf32, #tpu.memory_space<vmem>> -> memref<1x128x128xf32, #tpu.memory_space<vmem>>
    %dma_wait3A_134 = tpu.memref_squeeze %dma_wait3A_133 : memref<1x128x128xf32, #tpu.memory_space<vmem>> -> memref<128x128xf32, #tpu.memory_space<vmem>>
    %dma_wait3A_135 = arith.constant 0 : i32
    %dma_wait3A_136 = tpu.memref_slice %arg13[%add3A_53, %dma_wait3A_135] : memref<10240x128xf32, #tpu.memory_space<vmem_shared>> -> memref<128x128xf32, #tpu.memory_space<vmem_shared>>
    %dma_wait3A_137 = arith.constant 0 : i32
    %dma_wait3A_138 = tpu.memref_slice %arg13[%add3A_53, %dma_wait3A_137] : memref<10240x128xf32, #tpu.memory_space<vmem_shared>> -> memref<128x128xf32, #tpu.memory_space<vmem_shared>>
    %dma_wait3A_139 = arith.constant 0 : i32
    %dma_wait3A_140 = arith.constant 0 : i32
    %dma_wait3A_141 = tpu.memref_slice %arg12[%dma_wait3A_130, %dma_wait3A_139, %dma_wait3A_140] : memref<2x128x128xf32, #tpu.memory_space<vmem>> -> memref<1x128x128xf32, #tpu.memory_space<vmem>>
    %dma_wait3A_142 = tpu.memref_squeeze %dma_wait3A_141 : memref<1x128x128xf32, #tpu.memory_space<vmem>> -> memref<128x128xf32, #tpu.memory_space<vmem>>
    tpu.wait_dma2 semaphore(%arg16 : memref<!tpu.dma_semaphore, #tpu.memory_space<semaphore_mem>>) src(%dma_wait3A_142 : memref<128x128xf32, #tpu.memory_space<vmem>>) dst(%dma_wait3A_138 : memref<128x128xf32, #tpu.memory_space<vmem_shared>>)
    %dma_wait3A_143 = arith.constant 0 : i32
    %dma_wait3A_144 = arith.constant 0 : i32
    %dma_wait3A_145 = arith.constant 0 : i32
    %dma_wait3A_146 = tpu.memref_slice %arg12[%dma_wait3A_143, %dma_wait3A_144, %dma_wait3A_145] : memref<2x128x128xf32, #tpu.memory_space<vmem>> -> memref<1x128x128xf32, #tpu.memory_space<vmem>>
    %dma_wait3A_147 = tpu.memref_squeeze %dma_wait3A_146 : memref<1x128x128xf32, #tpu.memory_space<vmem>> -> memref<128x128xf32, #tpu.memory_space<vmem>>
    %dma_wait3A_148 = arith.constant 0 : i32
    %dma_wait3A_149 = tpu.memref_slice %arg13[%add3A_70, %dma_wait3A_148] : memref<10240x128xf32, #tpu.memory_space<vmem_shared>> -> memref<128x128xf32, #tpu.memory_space<vmem_shared>>
    %dma_wait3A_150 = arith.constant 0 : i32
    %dma_wait3A_151 = tpu.memref_slice %arg13[%add3A_70, %dma_wait3A_150] : memref<10240x128xf32, #tpu.memory_space<vmem_shared>> -> memref<128x128xf32, #tpu.memory_space<vmem_shared>>
    %dma_wait3A_152 = arith.constant 0 : i32
    %dma_wait3A_153 = arith.constant 0 : i32
    %dma_wait3A_154 = tpu.memref_slice %arg12[%dma_wait3A_143, %dma_wait3A_152, %dma_wait3A_153] : memref<2x128x128xf32, #tpu.memory_space<vmem>> -> memref<1x128x128xf32, #tpu.memory_space<vmem>>
    %dma_wait3A_155 = tpu.memref_squeeze %dma_wait3A_154 : memref<1x128x128xf32, #tpu.memory_space<vmem>> -> memref<128x128xf32, #tpu.memory_space<vmem>>
    tpu.wait_dma2 semaphore(%arg16 : memref<!tpu.dma_semaphore, #tpu.memory_space<semaphore_mem>>) src(%dma_wait3A_155 : memref<128x128xf32, #tpu.memory_space<vmem>>) dst(%dma_wait3A_151 : memref<128x128xf32, #tpu.memory_space<vmem_shared>>)
    %dma_wait3A_156 = arith.constant 0 : i32
    %dma_wait3A_157 = arith.constant 0 : i32
    %dma_wait3A_158 = arith.constant 0 : i32
    %dma_wait3A_159 = tpu.memref_slice %arg12[%dma_wait3A_156, %dma_wait3A_157, %dma_wait3A_158] : memref<2x128x128xf32, #tpu.memory_space<vmem>> -> memref<1x128x128xf32, #tpu.memory_space<vmem>>
    %dma_wait3A_160 = tpu.memref_squeeze %dma_wait3A_159 : memref<1x128x128xf32, #tpu.memory_space<vmem>> -> memref<128x128xf32, #tpu.memory_space<vmem>>
    %dma_wait3A_161 = arith.constant 0 : i32
    %dma_wait3A_162 = tpu.memref_slice %arg13[%add3A_87, %dma_wait3A_161] : memref<10240x128xf32, #tpu.memory_space<vmem_shared>> -> memref<128x128xf32, #tpu.memory_space<vmem_shared>>
    %dma_wait3A_163 = arith.constant 0 : i32
    %dma_wait3A_164 = tpu.memref_slice %arg13[%add3A_87, %dma_wait3A_163] : memref<10240x128xf32, #tpu.memory_space<vmem_shared>> -> memref<128x128xf32, #tpu.memory_space<vmem_shared>>
    %dma_wait3A_165 = arith.constant 0 : i32
    %dma_wait3A_166 = arith.constant 0 : i32
    %dma_wait3A_167 = tpu.memref_slice %arg12[%dma_wait3A_156, %dma_wait3A_165, %dma_wait3A_166] : memref<2x128x128xf32, #tpu.memory_space<vmem>> -> memref<1x128x128xf32, #tpu.memory_space<vmem>>
    %dma_wait3A_168 = tpu.memref_squeeze %dma_wait3A_167 : memref<1x128x128xf32, #tpu.memory_space<vmem>> -> memref<128x128xf32, #tpu.memory_space<vmem>>
    tpu.wait_dma2 semaphore(%arg16 : memref<!tpu.dma_semaphore, #tpu.memory_space<semaphore_mem>>) src(%dma_wait3A_168 : memref<128x128xf32, #tpu.memory_space<vmem>>) dst(%dma_wait3A_164 : memref<128x128xf32, #tpu.memory_space<vmem_shared>>)
    %dma_wait3A_169 = arith.constant 0 : i32
    %dma_wait3A_170 = arith.constant 0 : i32
    %dma_wait3A_171 = arith.constant 0 : i32
    %dma_wait3A_172 = tpu.memref_slice %arg12[%dma_wait3A_169, %dma_wait3A_170, %dma_wait3A_171] : memref<2x128x128xf32, #tpu.memory_space<vmem>> -> memref<1x128x128xf32, #tpu.memory_space<vmem>>
    %dma_wait3A_173 = tpu.memref_squeeze %dma_wait3A_172 : memref<1x128x128xf32, #tpu.memory_space<vmem>> -> memref<128x128xf32, #tpu.memory_space<vmem>>
    %dma_wait3A_174 = arith.constant 0 : i32
    %dma_wait3A_175 = tpu.memref_slice %arg13[%add3A_104, %dma_wait3A_174] : memref<10240x128xf32, #tpu.memory_space<vmem_shared>> -> memref<128x128xf32, #tpu.memory_space<vmem_shared>>
    %dma_wait3A_176 = arith.constant 0 : i32
    %dma_wait3A_177 = tpu.memref_slice %arg13[%add3A_104, %dma_wait3A_176] : memref<10240x128xf32, #tpu.memory_space<vmem_shared>> -> memref<128x128xf32, #tpu.memory_space<vmem_shared>>
    %dma_wait3A_178 = arith.constant 0 : i32
    %dma_wait3A_179 = arith.constant 0 : i32
    %dma_wait3A_180 = tpu.memref_slice %arg12[%dma_wait3A_169, %dma_wait3A_178, %dma_wait3A_179] : memref<2x128x128xf32, #tpu.memory_space<vmem>> -> memref<1x128x128xf32, #tpu.memory_space<vmem>>
    %dma_wait3A_181 = tpu.memref_squeeze %dma_wait3A_180 : memref<1x128x128xf32, #tpu.memory_space<vmem>> -> memref<128x128xf32, #tpu.memory_space<vmem>>
    tpu.wait_dma2 semaphore(%arg16 : memref<!tpu.dma_semaphore, #tpu.memory_space<semaphore_mem>>) src(%dma_wait3A_181 : memref<128x128xf32, #tpu.memory_space<vmem>>) dst(%dma_wait3A_177 : memref<128x128xf32, #tpu.memory_space<vmem_shared>>)
    %barrier3A = arith.constant 0 : index
    tpu.barrier barrier_id(%barrier3A)
    %add3A_182 = arith.constant 0 : i32
    %add3A_183 = arith.addi %mul3A_28, %add3A_182 : i32
    %dma_start3A_184 = arith.constant 0 : i32
    %dma_start3A_185 = arith.constant 0 : i32
    %dma_start3A_186 = arith.constant 0 : i32
    %dma_start3A_187 = tpu.memref_slice %arg11[%dma_start3A_184, %dma_start3A_185, %dma_start3A_186] : memref<4x2x128xi32, #tpu.memory_space<vmem>> -> memref<1x2x128xi32, #tpu.memory_space<vmem>>
    %dma_start3A_188 = tpu.memref_squeeze %dma_start3A_187 : memref<1x2x128xi32, #tpu.memory_space<vmem>> -> memref<2x128xi32, #tpu.memory_space<vmem>>
    %dma_start3A_189 = arith.constant 0 : i32
    %dma_start3A_190 = arith.constant 0 : i32
    %dma_start3A_191 = tpu.memref_slice %arg2[%add3A_183, %dma_start3A_189, %dma_start3A_190] : memref<2560x2x128xi32, #tpu.memory_space<hbm>> -> memref<1x2x128xi32, #tpu.memory_space<hbm>>
    %dma_start3A_192 = tpu.memref_squeeze %dma_start3A_191 : memref<1x2x128xi32, #tpu.memory_space<hbm>> -> memref<2x128xi32, #tpu.memory_space<hbm>>
    %dma_start3A_193 = arith.constant 0 : i32
    %dma_start3A_194 = arith.constant 0 : i32
    %dma_start3A_195 = tpu.memref_slice %arg11[%dma_start3A_184, %dma_start3A_193, %dma_start3A_194] : memref<4x2x128xi32, #tpu.memory_space<vmem>> -> memref<1x2x128xi32, #tpu.memory_space<vmem>>
    %dma_start3A_196 = tpu.memref_squeeze %dma_start3A_195 : memref<1x2x128xi32, #tpu.memory_space<vmem>> -> memref<2x128xi32, #tpu.memory_space<vmem>>
    %dma_start3A_197 = arith.constant 0 : i32
    %dma_start3A_198 = arith.constant 0 : i32
    %dma_start3A_199 = tpu.memref_slice %arg2[%add3A_183, %dma_start3A_197, %dma_start3A_198] : memref<2560x2x128xi32, #tpu.memory_space<hbm>> -> memref<1x2x128xi32, #tpu.memory_space<hbm>>
    %dma_start3A_200 = tpu.memref_squeeze %dma_start3A_199 : memref<1x2x128xi32, #tpu.memory_space<hbm>> -> memref<2x128xi32, #tpu.memory_space<hbm>>
    tpu.enqueue_dma source(%dma_start3A_200 : memref<2x128xi32, #tpu.memory_space<hbm>>) target(%dma_start3A_196 : memref<2x128xi32, #tpu.memory_space<vmem>>) target_semaphore(%arg16 : memref<!tpu.dma_semaphore, #tpu.memory_space<semaphore_mem>>)
    %add3A_201 = arith.constant 1 : i32
    %add3A_202 = arith.addi %mul3A_28, %add3A_201 : i32
    %dma_start3A_203 = arith.constant 1 : i32
    %dma_start3A_204 = arith.constant 0 : i32
    %dma_start3A_205 = arith.constant 0 : i32
    %dma_start3A_206 = tpu.memref_slice %arg11[%dma_start3A_203, %dma_start3A_204, %dma_start3A_205] : memref<4x2x128xi32, #tpu.memory_space<vmem>> -> memref<1x2x128xi32, #tpu.memory_space<vmem>>
    %dma_start3A_207 = tpu.memref_squeeze %dma_start3A_206 : memref<1x2x128xi32, #tpu.memory_space<vmem>> -> memref<2x128xi32, #tpu.memory_space<vmem>>
    %dma_start3A_208 = arith.constant 0 : i32
    %dma_start3A_209 = arith.constant 0 : i32
    %dma_start3A_210 = tpu.memref_slice %arg2[%add3A_202, %dma_start3A_208, %dma_start3A_209] : memref<2560x2x128xi32, #tpu.memory_space<hbm>> -> memref<1x2x128xi32, #tpu.memory_space<hbm>>
    %dma_start3A_211 = tpu.memref_squeeze %dma_start3A_210 : memref<1x2x128xi32, #tpu.memory_space<hbm>> -> memref<2x128xi32, #tpu.memory_space<hbm>>
    %dma_start3A_212 = arith.constant 0 : i32
    %dma_start3A_213 = arith.constant 0 : i32
    %dma_start3A_214 = tpu.memref_slice %arg11[%dma_start3A_203, %dma_start3A_212, %dma_start3A_213] : memref<4x2x128xi32, #tpu.memory_space<vmem>> -> memref<1x2x128xi32, #tpu.memory_space<vmem>>
    %dma_start3A_215 = tpu.memref_squeeze %dma_start3A_214 : memref<1x2x128xi32, #tpu.memory_space<vmem>> -> memref<2x128xi32, #tpu.memory_space<vmem>>
    %dma_start3A_216 = arith.constant 0 : i32
    %dma_start3A_217 = arith.constant 0 : i32
    %dma_start3A_218 = tpu.memref_slice %arg2[%add3A_202, %dma_start3A_216, %dma_start3A_217] : memref<2560x2x128xi32, #tpu.memory_space<hbm>> -> memref<1x2x128xi32, #tpu.memory_space<hbm>>
    %dma_start3A_219 = tpu.memref_squeeze %dma_start3A_218 : memref<1x2x128xi32, #tpu.memory_space<hbm>> -> memref<2x128xi32, #tpu.memory_space<hbm>>
    tpu.enqueue_dma source(%dma_start3A_219 : memref<2x128xi32, #tpu.memory_space<hbm>>) target(%dma_start3A_215 : memref<2x128xi32, #tpu.memory_space<vmem>>) target_semaphore(%arg17 : memref<!tpu.dma_semaphore, #tpu.memory_space<semaphore_mem>>)
    %add3A_220 = arith.constant 2 : i32
    %add3A_221 = arith.addi %mul3A_28, %add3A_220 : i32
    %dma_start3A_222 = arith.constant 2 : i32
    %dma_start3A_223 = arith.constant 0 : i32
    %dma_start3A_224 = arith.constant 0 : i32
    %dma_start3A_225 = tpu.memref_slice %arg11[%dma_start3A_222, %dma_start3A_223, %dma_start3A_224] : memref<4x2x128xi32, #tpu.memory_space<vmem>> -> memref<1x2x128xi32, #tpu.memory_space<vmem>>
    %dma_start3A_226 = tpu.memref_squeeze %dma_start3A_225 : memref<1x2x128xi32, #tpu.memory_space<vmem>> -> memref<2x128xi32, #tpu.memory_space<vmem>>
    %dma_start3A_227 = arith.constant 0 : i32
    %dma_start3A_228 = arith.constant 0 : i32
    %dma_start3A_229 = tpu.memref_slice %arg2[%add3A_221, %dma_start3A_227, %dma_start3A_228] : memref<2560x2x128xi32, #tpu.memory_space<hbm>> -> memref<1x2x128xi32, #tpu.memory_space<hbm>>
    %dma_start3A_230 = tpu.memref_squeeze %dma_start3A_229 : memref<1x2x128xi32, #tpu.memory_space<hbm>> -> memref<2x128xi32, #tpu.memory_space<hbm>>
    %dma_start3A_231 = arith.constant 0 : i32
    %dma_start3A_232 = arith.constant 0 : i32
    %dma_start3A_233 = tpu.memref_slice %arg11[%dma_start3A_222, %dma_start3A_231, %dma_start3A_232] : memref<4x2x128xi32, #tpu.memory_space<vmem>> -> memref<1x2x128xi32, #tpu.memory_space<vmem>>
    %dma_start3A_234 = tpu.memref_squeeze %dma_start3A_233 : memref<1x2x128xi32, #tpu.memory_space<vmem>> -> memref<2x128xi32, #tpu.memory_space<vmem>>
    %dma_start3A_235 = arith.constant 0 : i32
    %dma_start3A_236 = arith.constant 0 : i32
    %dma_start3A_237 = tpu.memref_slice %arg2[%add3A_221, %dma_start3A_235, %dma_start3A_236] : memref<2560x2x128xi32, #tpu.memory_space<hbm>> -> memref<1x2x128xi32, #tpu.memory_space<hbm>>
    %dma_start3A_238 = tpu.memref_squeeze %dma_start3A_237 : memref<1x2x128xi32, #tpu.memory_space<hbm>> -> memref<2x128xi32, #tpu.memory_space<hbm>>
    tpu.enqueue_dma source(%dma_start3A_238 : memref<2x128xi32, #tpu.memory_space<hbm>>) target(%dma_start3A_234 : memref<2x128xi32, #tpu.memory_space<vmem>>) target_semaphore(%arg18 : memref<!tpu.dma_semaphore, #tpu.memory_space<semaphore_mem>>)
    %add3A_239 = arith.constant 3 : i32
    %add3A_240 = arith.addi %mul3A_28, %add3A_239 : i32
    %dma_start3A_241 = arith.constant 3 : i32
    %dma_start3A_242 = arith.constant 0 : i32
    %dma_start3A_243 = arith.constant 0 : i32
    %dma_start3A_244 = tpu.memref_slice %arg11[%dma_start3A_241, %dma_start3A_242, %dma_start3A_243] : memref<4x2x128xi32, #tpu.memory_space<vmem>> -> memref<1x2x128xi32, #tpu.memory_space<vmem>>
    %dma_start3A_245 = tpu.memref_squeeze %dma_start3A_244 : memref<1x2x128xi32, #tpu.memory_space<vmem>> -> memref<2x128xi32, #tpu.memory_space<vmem>>
    %dma_start3A_246 = arith.constant 0 : i32
    %dma_start3A_247 = arith.constant 0 : i32
    %dma_start3A_248 = tpu.memref_slice %arg2[%add3A_240, %dma_start3A_246, %dma_start3A_247] : memref<2560x2x128xi32, #tpu.memory_space<hbm>> -> memref<1x2x128xi32, #tpu.memory_space<hbm>>
    %dma_start3A_249 = tpu.memref_squeeze %dma_start3A_248 : memref<1x2x128xi32, #tpu.memory_space<hbm>> -> memref<2x128xi32, #tpu.memory_space<hbm>>
    %dma_start3A_250 = arith.constant 0 : i32
    %dma_start3A_251 = arith.constant 0 : i32
    %dma_start3A_252 = tpu.memref_slice %arg11[%dma_start3A_241, %dma_start3A_250, %dma_start3A_251] : memref<4x2x128xi32, #tpu.memory_space<vmem>> -> memref<1x2x128xi32, #tpu.memory_space<vmem>>
    %dma_start3A_253 = tpu.memref_squeeze %dma_start3A_252 : memref<1x2x128xi32, #tpu.memory_space<vmem>> -> memref<2x128xi32, #tpu.memory_space<vmem>>
    %dma_start3A_254 = arith.constant 0 : i32
    %dma_start3A_255 = arith.constant 0 : i32
    %dma_start3A_256 = tpu.memref_slice %arg2[%add3A_240, %dma_start3A_254, %dma_start3A_255] : memref<2560x2x128xi32, #tpu.memory_space<hbm>> -> memref<1x2x128xi32, #tpu.memory_space<hbm>>
    %dma_start3A_257 = tpu.memref_squeeze %dma_start3A_256 : memref<1x2x128xi32, #tpu.memory_space<hbm>> -> memref<2x128xi32, #tpu.memory_space<hbm>>
    tpu.enqueue_dma source(%dma_start3A_257 : memref<2x128xi32, #tpu.memory_space<hbm>>) target(%dma_start3A_253 : memref<2x128xi32, #tpu.memory_space<vmem>>) target_semaphore(%arg19 : memref<!tpu.dma_semaphore, #tpu.memory_space<semaphore_mem>>)
    %dma_wait3A_258 = arith.constant 0 : i32
    %dma_wait3A_259 = arith.constant 0 : i32
    %dma_wait3A_260 = arith.constant 0 : i32
    %dma_wait3A_261 = tpu.memref_slice %arg11[%dma_wait3A_258, %dma_wait3A_259, %dma_wait3A_260] : memref<4x2x128xi32, #tpu.memory_space<vmem>> -> memref<1x2x128xi32, #tpu.memory_space<vmem>>
    %dma_wait3A_262 = tpu.memref_squeeze %dma_wait3A_261 : memref<1x2x128xi32, #tpu.memory_space<vmem>> -> memref<2x128xi32, #tpu.memory_space<vmem>>
    %dma_wait3A_263 = arith.constant 0 : i32
    %dma_wait3A_264 = arith.constant 0 : i32
    %dma_wait3A_265 = tpu.memref_slice %arg2[%mul3A_28, %dma_wait3A_263, %dma_wait3A_264] : memref<2560x2x128xi32, #tpu.memory_space<hbm>> -> memref<1x2x128xi32, #tpu.memory_space<hbm>>
    %dma_wait3A_266 = tpu.memref_squeeze %dma_wait3A_265 : memref<1x2x128xi32, #tpu.memory_space<hbm>> -> memref<2x128xi32, #tpu.memory_space<hbm>>
    %dma_wait3A_267 = arith.constant 0 : i32
    %dma_wait3A_268 = arith.constant 0 : i32
    %dma_wait3A_269 = tpu.memref_slice %arg11[%dma_wait3A_258, %dma_wait3A_267, %dma_wait3A_268] : memref<4x2x128xi32, #tpu.memory_space<vmem>> -> memref<1x2x128xi32, #tpu.memory_space<vmem>>
    %dma_wait3A_270 = tpu.memref_squeeze %dma_wait3A_269 : memref<1x2x128xi32, #tpu.memory_space<vmem>> -> memref<2x128xi32, #tpu.memory_space<vmem>>
    %dma_wait3A_271 = arith.constant 0 : i32
    %dma_wait3A_272 = arith.constant 0 : i32
    %dma_wait3A_273 = tpu.memref_slice %arg2[%mul3A_28, %dma_wait3A_271, %dma_wait3A_272] : memref<2560x2x128xi32, #tpu.memory_space<hbm>> -> memref<1x2x128xi32, #tpu.memory_space<hbm>>
    %dma_wait3A_274 = tpu.memref_squeeze %dma_wait3A_273 : memref<1x2x128xi32, #tpu.memory_space<hbm>> -> memref<2x128xi32, #tpu.memory_space<hbm>>
    tpu.wait_dma2 semaphore(%arg16 : memref<!tpu.dma_semaphore, #tpu.memory_space<semaphore_mem>>) src(%dma_wait3A_274 : memref<2x128xi32, #tpu.memory_space<hbm>>) dst(%dma_wait3A_270 : memref<2x128xi32, #tpu.memory_space<vmem>>)
    %dma_start3A_275 = arith.constant 0 : i32
    %dma_start3A_276 = arith.constant 0 : i32
    %dma_start3A_277 = arith.constant 0 : i32
    %dma_start3A_278 = arith.constant 0 : i32
    %dma_start3A_279 = arith.constant 0 : i32
    %dma_start3A_280 = tpu.memref_slice %arg12[%dma_start3A_277, %dma_start3A_278, %dma_start3A_279] : memref<2x128x128xf32, #tpu.memory_space<vmem>> -> memref<1x128x128xf32, #tpu.memory_space<vmem>>
    %dma_start3A_281 = tpu.memref_squeeze %dma_start3A_280 : memref<1x128x128xf32, #tpu.memory_space<vmem>> -> memref<128x128xf32, #tpu.memory_space<vmem>>
    %dma_start3A_282 = arith.constant 0 : i32
    %dma_start3A_283 = tpu.memref_slice %arg11[%dma_start3A_275, %dma_start3A_276, %dma_start3A_282] : memref<4x2x128xi32, #tpu.memory_space<vmem>> -> memref<1x1x128xi32, #tpu.memory_space<vmem>>
    %dma_start3A_284 = tpu.memref_squeeze %dma_start3A_283 : memref<1x1x128xi32, #tpu.memory_space<vmem>> -> memref<128xi32, #tpu.memory_space<vmem>>
    %dma_start3A_285 = arith.constant 0 : i32
    %dma_start3A_286 = arith.constant 0 : i32
    %dma_start3A_287 = tpu.memref_slice %arg3[%dma_start3A_285, %dma_start3A_286] : memref<10240x128xf32, #tpu.memory_space<hbm>> -> memref<10240x128xf32, #tpu.memory_space<hbm>>
    tpu.enqueue_indirect_dma source(%dma_start3A_287 : memref<10240x128xf32, #tpu.memory_space<hbm>>) target(%dma_start3A_281 : memref<128x128xf32, #tpu.memory_space<vmem>>) offsets(%dma_start3A_284 : memref<128xi32, #tpu.memory_space<vmem>>) semaphore(%arg14 : memref<!tpu.dma_semaphore, #tpu.memory_space<semaphore_mem>>)
    %dma_wait3A_288 = arith.constant 1 : i32
    %dma_wait3A_289 = arith.constant 0 : i32
    %dma_wait3A_290 = arith.constant 0 : i32
    %dma_wait3A_291 = tpu.memref_slice %arg11[%dma_wait3A_288, %dma_wait3A_289, %dma_wait3A_290] : memref<4x2x128xi32, #tpu.memory_space<vmem>> -> memref<1x2x128xi32, #tpu.memory_space<vmem>>
    %dma_wait3A_292 = tpu.memref_squeeze %dma_wait3A_291 : memref<1x2x128xi32, #tpu.memory_space<vmem>> -> memref<2x128xi32, #tpu.memory_space<vmem>>
    %dma_wait3A_293 = arith.constant 0 : i32
    %dma_wait3A_294 = arith.constant 0 : i32
    %dma_wait3A_295 = tpu.memref_slice %arg2[%mul3A_28, %dma_wait3A_293, %dma_wait3A_294] : memref<2560x2x128xi32, #tpu.memory_space<hbm>> -> memref<1x2x128xi32, #tpu.memory_space<hbm>>
    %dma_wait3A_296 = tpu.memref_squeeze %dma_wait3A_295 : memref<1x2x128xi32, #tpu.memory_space<hbm>> -> memref<2x128xi32, #tpu.memory_space<hbm>>
    %dma_wait3A_297 = arith.constant 0 : i32
    %dma_wait3A_298 = arith.constant 0 : i32
    %dma_wait3A_299 = tpu.memref_slice %arg11[%dma_wait3A_288, %dma_wait3A_297, %dma_wait3A_298] : memref<4x2x128xi32, #tpu.memory_space<vmem>> -> memref<1x2x128xi32, #tpu.memory_space<vmem>>
    %dma_wait3A_300 = tpu.memref_squeeze %dma_wait3A_299 : memref<1x2x128xi32, #tpu.memory_space<vmem>> -> memref<2x128xi32, #tpu.memory_space<vmem>>
    %dma_wait3A_301 = arith.constant 0 : i32
    %dma_wait3A_302 = arith.constant 0 : i32
    %dma_wait3A_303 = tpu.memref_slice %arg2[%mul3A_28, %dma_wait3A_301, %dma_wait3A_302] : memref<2560x2x128xi32, #tpu.memory_space<hbm>> -> memref<1x2x128xi32, #tpu.memory_space<hbm>>
    %dma_wait3A_304 = tpu.memref_squeeze %dma_wait3A_303 : memref<1x2x128xi32, #tpu.memory_space<hbm>> -> memref<2x128xi32, #tpu.memory_space<hbm>>
    tpu.wait_dma2 semaphore(%arg17 : memref<!tpu.dma_semaphore, #tpu.memory_space<semaphore_mem>>) src(%dma_wait3A_304 : memref<2x128xi32, #tpu.memory_space<hbm>>) dst(%dma_wait3A_300 : memref<2x128xi32, #tpu.memory_space<vmem>>)
    %dma_start3A_305 = arith.constant 1 : i32
    %dma_start3A_306 = arith.constant 0 : i32
    %dma_start3A_307 = arith.constant 1 : i32
    %dma_start3A_308 = arith.constant 0 : i32
    %dma_start3A_309 = arith.constant 0 : i32
    %dma_start3A_310 = tpu.memref_slice %arg12[%dma_start3A_307, %dma_start3A_308, %dma_start3A_309] : memref<2x128x128xf32, #tpu.memory_space<vmem>> -> memref<1x128x128xf32, #tpu.memory_space<vmem>>
    %dma_start3A_311 = tpu.memref_squeeze %dma_start3A_310 : memref<1x128x128xf32, #tpu.memory_space<vmem>> -> memref<128x128xf32, #tpu.memory_space<vmem>>
    %dma_start3A_312 = arith.constant 0 : i32
    %dma_start3A_313 = tpu.memref_slice %arg11[%dma_start3A_305, %dma_start3A_306, %dma_start3A_312] : memref<4x2x128xi32, #tpu.memory_space<vmem>> -> memref<1x1x128xi32, #tpu.memory_space<vmem>>
    %dma_start3A_314 = tpu.memref_squeeze %dma_start3A_313 : memref<1x1x128xi32, #tpu.memory_space<vmem>> -> memref<128xi32, #tpu.memory_space<vmem>>
    %dma_start3A_315 = arith.constant 0 : i32
    %dma_start3A_316 = arith.constant 0 : i32
    %dma_start3A_317 = tpu.memref_slice %arg3[%dma_start3A_315, %dma_start3A_316] : memref<10240x128xf32, #tpu.memory_space<hbm>> -> memref<10240x128xf32, #tpu.memory_space<hbm>>
    tpu.enqueue_indirect_dma source(%dma_start3A_317 : memref<10240x128xf32, #tpu.memory_space<hbm>>) target(%dma_start3A_311 : memref<128x128xf32, #tpu.memory_space<vmem>>) offsets(%dma_start3A_314 : memref<128xi32, #tpu.memory_space<vmem>>) semaphore(%arg15 : memref<!tpu.dma_semaphore, #tpu.memory_space<semaphore_mem>>)
    %scan3A_318 = arith.constant 0 : i32
    %scan3A_319 = arith.constant 0 : i32
    %scan3A_320 = arith.constant 0 : i32
    %scan3A_321 = arith.constant 1 : i32
    %scan3A_322 = arith.constant 0 : i32
    %scan3A_323 = arith.constant 1 : i32
    %scan3A_324 = arith.constant 0 : i32
    %scan3A_325 = arith.constant 19 : i32
    %scan3A_326 = arith.addi %scan3A_324, %scan3A_325 : i32
    %scan3A_327 = arith.constant 1 : i32
    scf.for %scan3A_451 = %scan3A_324 to %scan3A_326 step %scan3A_327  : i32 {
      %mul3A_452 = arith.constant 1 : i32
      %mul3A_453 = arith.muli %scan3A_451, %mul3A_452 : i32
      %add3A_454 = arith.constant 0 : i32
      %add3A_455 = arith.addi %add3A_454, %mul3A_453 : i32
      %mul3A_456 = arith.constant 4 : i32
      %mul3A_457 = arith.muli %add3A_455, %mul3A_456 : i32
      %dma_wait3A_458 = arith.constant 0 : i32
      %dma_wait3A_459 = arith.constant 0 : i32
      %dma_wait3A_460 = tpu.memref_slice %arg12[%scan3A_320, %dma_wait3A_458, %dma_wait3A_459] : memref<2x128x128xf32, #tpu.memory_space<vmem>> -> memref<1x128x128xf32, #tpu.memory_space<vmem>>
      %dma_wait3A_461 = tpu.memref_squeeze %dma_wait3A_460 : memref<1x128x128xf32, #tpu.memory_space<vmem>> -> memref<128x128xf32, #tpu.memory_space<vmem>>
      %dma_wait3A_462 = arith.constant 0 : i32
      %dma_wait3A_463 = tpu.memref_slice %arg11[%scan3A_318, %scan3A_319, %dma_wait3A_462] : memref<4x2x128xi32, #tpu.memory_space<vmem>> -> memref<1x1x128xi32, #tpu.memory_space<vmem>>
      %dma_wait3A_464 = tpu.memref_squeeze %dma_wait3A_463 : memref<1x1x128xi32, #tpu.memory_space<vmem>> -> memref<128xi32, #tpu.memory_space<vmem>>
      %dma_wait3A_465 = arith.constant 0 : i32
      %dma_wait3A_466 = arith.constant 0 : i32
      %dma_wait3A_467 = tpu.memref_slice %arg3[%dma_wait3A_465, %dma_wait3A_466] : memref<10240x128xf32, #tpu.memory_space<hbm>> -> memref<10240x128xf32, #tpu.memory_space<hbm>>
      tpu.wait_indirect_dma semaphore(%arg14 : memref<!tpu.dma_semaphore, #tpu.memory_space<semaphore_mem>>) src(%dma_wait3A_467 : memref<10240x128xf32, #tpu.memory_space<hbm>>) dst(%dma_wait3A_461 : memref<128x128xf32, #tpu.memory_space<vmem>>)
      %run_scoped3A_468 = arith.constant 0 : i32
      %run_scoped3A_469 = arith.constant 0 : i32
      %run_scoped3A_470 = arith.constant 1 : i32
      "tpu.region"() ({
        %run_scoped3A_724 = tpu.sem_alloc : memref<!tpu.dma_semaphore, #tpu.memory_space<semaphore_mem>>
        %dma_start3A_725 = arith.constant 0 : i32
        %dma_start3A_726 = arith.constant 0 : i32
        %dma_start3A_727 = tpu.memref_slice %arg12[%run_scoped3A_468, %dma_start3A_725, %dma_start3A_726] : memref<2x128x128xf32, #tpu.memory_space<vmem>> -> memref<1x128x128xf32, #tpu.memory_space<vmem>>
        %dma_start3A_728 = tpu.memref_squeeze %dma_start3A_727 : memref<1x128x128xf32, #tpu.memory_space<vmem>> -> memref<128x128xf32, #tpu.memory_space<vmem>>
        %dma_start3A_729 = arith.constant 0 : i32
        %dma_start3A_730 = tpu.memref_slice %arg11[%run_scoped3A_469, %run_scoped3A_470, %dma_start3A_729] : memref<4x2x128xi32, #tpu.memory_space<vmem>> -> memref<1x1x128xi32, #tpu.memory_space<vmem>>
        %dma_start3A_731 = tpu.memref_squeeze %dma_start3A_730 : memref<1x1x128xi32, #tpu.memory_space<vmem>> -> memref<128xi32, #tpu.memory_space<vmem>>
        %dma_start3A_732 = arith.constant 0 : i32
        %dma_start3A_733 = arith.constant 0 : i32
        %dma_start3A_734 = tpu.memref_slice %arg13[%dma_start3A_732, %dma_start3A_733] : memref<10240x128xf32, #tpu.memory_space<vmem_shared>> -> memref<10240x128xf32, #tpu.memory_space<vmem_shared>>
        tpu.enqueue_indirect_dma source(%dma_start3A_728 : memref<128x128xf32, #tpu.memory_space<vmem>>) target(%dma_start3A_734 : memref<10240x128xf32, #tpu.memory_space<vmem_shared>>) offsets(%dma_start3A_731 : memref<128xi32, #tpu.memory_space<vmem>>) semaphore(%run_scoped3A_724 : memref<!tpu.dma_semaphore, #tpu.memory_space<semaphore_mem>>) {add = true}
        %dma_wait3A_735 = arith.constant 0 : i32
        %dma_wait3A_736 = arith.constant 0 : i32
        %dma_wait3A_737 = tpu.memref_slice %arg12[%run_scoped3A_468, %dma_wait3A_735, %dma_wait3A_736] : memref<2x128x128xf32, #tpu.memory_space<vmem>> -> memref<1x128x128xf32, #tpu.memory_space<vmem>>
        %dma_wait3A_738 = tpu.memref_squeeze %dma_wait3A_737 : memref<1x128x128xf32, #tpu.memory_space<vmem>> -> memref<128x128xf32, #tpu.memory_space<vmem>>
        %dma_wait3A_739 = arith.constant 0 : i32
        %dma_wait3A_740 = tpu.memref_slice %arg11[%run_scoped3A_469, %run_scoped3A_470, %dma_wait3A_739] : memref<4x2x128xi32, #tpu.memory_space<vmem>> -> memref<1x1x128xi32, #tpu.memory_space<vmem>>
        %dma_wait3A_741 = tpu.memref_squeeze %dma_wait3A_740 : memref<1x1x128xi32, #tpu.memory_space<vmem>> -> memref<128xi32, #tpu.memory_space<vmem>>
        %dma_wait3A_742 = arith.constant 0 : i32
        %dma_wait3A_743 = arith.constant 0 : i32
        %dma_wait3A_744 = tpu.memref_slice %arg13[%dma_wait3A_742, %dma_wait3A_743] : memref<10240x128xf32, #tpu.memory_space<vmem_shared>> -> memref<10240x128xf32, #tpu.memory_space<vmem_shared>>
        tpu.wait_indirect_dma semaphore(%run_scoped3A_724 : memref<!tpu.dma_semaphore, #tpu.memory_space<semaphore_mem>>) src(%dma_wait3A_738 : memref<128x128xf32, #tpu.memory_space<vmem>>) dst(%dma_wait3A_744 : memref<10240x128xf32, #tpu.memory_space<vmem_shared>>)
        tpu.yield
      }) : () -> ()
      %add3A_471 = arith.constant 0 : i32
      %add3A_472 = arith.addi %mul3A_457, %add3A_471 : i32
      %add3A_473 = arith.constant 4 : i32
      %add3A_474 = arith.addi %add3A_472, %add3A_473 : i32
      %add3A_475 = arith.addi %mul3A_28, %add3A_474 : i32
      %dma_start3A_476 = arith.constant 0 : i32
      %dma_start3A_477 = arith.constant 0 : i32
      %dma_start3A_478 = arith.constant 0 : i32
      %dma_start3A_479 = tpu.memref_slice %arg11[%dma_start3A_476, %dma_start3A_477, %dma_start3A_478] : memref<4x2x128xi32, #tpu.memory_space<vmem>> -> memref<1x2x128xi32, #tpu.memory_space<vmem>>
      %dma_start3A_480 = tpu.memref_squeeze %dma_start3A_479 : memref<1x2x128xi32, #tpu.memory_space<vmem>> -> memref<2x128xi32, #tpu.memory_space<vmem>>
      %dma_start3A_481 = arith.constant 0 : i32
      %dma_start3A_482 = arith.constant 0 : i32
      %dma_start3A_483 = tpu.memref_slice %arg2[%add3A_475, %dma_start3A_481, %dma_start3A_482] : memref<2560x2x128xi32, #tpu.memory_space<hbm>> -> memref<1x2x128xi32, #tpu.memory_space<hbm>>
      %dma_start3A_484 = tpu.memref_squeeze %dma_start3A_483 : memref<1x2x128xi32, #tpu.memory_space<hbm>> -> memref<2x128xi32, #tpu.memory_space<hbm>>
      %dma_start3A_485 = arith.constant 0 : i32
      %dma_start3A_486 = arith.constant 0 : i32
      %dma_start3A_487 = tpu.memref_slice %arg11[%dma_start3A_476, %dma_start3A_485, %dma_start3A_486] : memref<4x2x128xi32, #tpu.memory_space<vmem>> -> memref<1x2x128xi32, #tpu.memory_space<vmem>>
      %dma_start3A_488 = tpu.memref_squeeze %dma_start3A_487 : memref<1x2x128xi32, #tpu.memory_space<vmem>> -> memref<2x128xi32, #tpu.memory_space<vmem>>
      %dma_start3A_489 = arith.constant 0 : i32
      %dma_start3A_490 = arith.constant 0 : i32
      %dma_start3A_491 = tpu.memref_slice %arg2[%add3A_475, %dma_start3A_489, %dma_start3A_490] : memref<2560x2x128xi32, #tpu.memory_space<hbm>> -> memref<1x2x128xi32, #tpu.memory_space<hbm>>
      %dma_start3A_492 = tpu.memref_squeeze %dma_start3A_491 : memref<1x2x128xi32, #tpu.memory_space<hbm>> -> memref<2x128xi32, #tpu.memory_space<hbm>>
      tpu.enqueue_dma source(%dma_start3A_492 : memref<2x128xi32, #tpu.memory_space<hbm>>) target(%dma_start3A_488 : memref<2x128xi32, #tpu.memory_space<vmem>>) target_semaphore(%arg16 : memref<!tpu.dma_semaphore, #tpu.memory_space<semaphore_mem>>)
      %dma_wait3A_493 = arith.constant 2 : i32
      %dma_wait3A_494 = arith.constant 0 : i32
      %dma_wait3A_495 = arith.constant 0 : i32
      %dma_wait3A_496 = tpu.memref_slice %arg11[%dma_wait3A_493, %dma_wait3A_494, %dma_wait3A_495] : memref<4x2x128xi32, #tpu.memory_space<vmem>> -> memref<1x2x128xi32, #tpu.memory_space<vmem>>
      %dma_wait3A_497 = tpu.memref_squeeze %dma_wait3A_496 : memref<1x2x128xi32, #tpu.memory_space<vmem>> -> memref<2x128xi32, #tpu.memory_space<vmem>>
      %dma_wait3A_498 = arith.constant 0 : i32
      %dma_wait3A_499 = arith.constant 0 : i32
      %dma_wait3A_500 = tpu.memref_slice %arg2[%mul3A_28, %dma_wait3A_498, %dma_wait3A_499] : memref<2560x2x128xi32, #tpu.memory_space<hbm>> -> memref<1x2x128xi32, #tpu.memory_space<hbm>>
      %dma_wait3A_501 = tpu.memref_squeeze %dma_wait3A_500 : memref<1x2x128xi32, #tpu.memory_space<hbm>> -> memref<2x128xi32, #tpu.memory_space<hbm>>
      %dma_wait3A_502 = arith.constant 0 : i32
      %dma_wait3A_503 = arith.constant 0 : i32
      %dma_wait3A_504 = tpu.memref_slice %arg11[%dma_wait3A_493, %dma_wait3A_502, %dma_wait3A_503] : memref<4x2x128xi32, #tpu.memory_space<vmem>> -> memref<1x2x128xi32, #tpu.memory_space<vmem>>
      %dma_wait3A_505 = tpu.memref_squeeze %dma_wait3A_504 : memref<1x2x128xi32, #tpu.memory_space<vmem>> -> memref<2x128xi32, #tpu.memory_space<vmem>>
      %dma_wait3A_506 = arith.constant 0 : i32
      %dma_wait3A_507 = arith.constant 0 : i32
      %dma_wait3A_508 = tpu.memref_slice %arg2[%mul3A_28, %dma_wait3A_506, %dma_wait3A_507] : memref<2560x2x128xi32, #tpu.memory_space<hbm>> -> memref<1x2x128xi32, #tpu.memory_space<hbm>>
      %dma_wait3A_509 = tpu.memref_squeeze %dma_wait3A_508 : memref<1x2x128xi32, #tpu.memory_space<hbm>> -> memref<2x128xi32, #tpu.memory_space<hbm>>
      tpu.wait_dma2 semaphore(%arg18 : memref<!tpu.dma_semaphore, #tpu.memory_space<semaphore_mem>>) src(%dma_wait3A_509 : memref<2x128xi32, #tpu.memory_space<hbm>>) dst(%dma_wait3A_505 : memref<2x128xi32, #tpu.memory_space<vmem>>)
      %dma_start3A_510 = arith.constant 2 : i32
      %dma_start3A_511 = arith.constant 0 : i32
      %dma_start3A_512 = arith.constant 0 : i32
      %dma_start3A_513 = arith.constant 0 : i32
      %dma_start3A_514 = arith.constant 0 : i32
      %dma_start3A_515 = tpu.memref_slice %arg12[%dma_start3A_512, %dma_start3A_513, %dma_start3A_514] : memref<2x128x128xf32, #tpu.memory_space<vmem>> -> memref<1x128x128xf32, #tpu.memory_space<vmem>>
      %dma_start3A_516 = tpu.memref_squeeze %dma_start3A_515 : memref<1x128x128xf32, #tpu.memory_space<vmem>> -> memref<128x128xf32, #tpu.memory_space<vmem>>
      %dma_start3A_517 = arith.constant 0 : i32
      %dma_start3A_518 = tpu.memref_slice %arg11[%dma_start3A_510, %dma_start3A_511, %dma_start3A_517] : memref<4x2x128xi32, #tpu.memory_space<vmem>> -> memref<1x1x128xi32, #tpu.memory_space<vmem>>
      %dma_start3A_519 = tpu.memref_squeeze %dma_start3A_518 : memref<1x1x128xi32, #tpu.memory_space<vmem>> -> memref<128xi32, #tpu.memory_space<vmem>>
      %dma_start3A_520 = arith.constant 0 : i32
      %dma_start3A_521 = arith.constant 0 : i32
      %dma_start3A_522 = tpu.memref_slice %arg3[%dma_start3A_520, %dma_start3A_521] : memref<10240x128xf32, #tpu.memory_space<hbm>> -> memref<10240x128xf32, #tpu.memory_space<hbm>>
      tpu.enqueue_indirect_dma source(%dma_start3A_522 : memref<10240x128xf32, #tpu.memory_space<hbm>>) target(%dma_start3A_516 : memref<128x128xf32, #tpu.memory_space<vmem>>) offsets(%dma_start3A_519 : memref<128xi32, #tpu.memory_space<vmem>>) semaphore(%arg14 : memref<!tpu.dma_semaphore, #tpu.memory_space<semaphore_mem>>)
      %dma_wait3A_523 = arith.constant 0 : i32
      %dma_wait3A_524 = arith.constant 0 : i32
      %dma_wait3A_525 = tpu.memref_slice %arg12[%scan3A_323, %dma_wait3A_523, %dma_wait3A_524] : memref<2x128x128xf32, #tpu.memory_space<vmem>> -> memref<1x128x128xf32, #tpu.memory_space<vmem>>
      %dma_wait3A_526 = tpu.memref_squeeze %dma_wait3A_525 : memref<1x128x128xf32, #tpu.memory_space<vmem>> -> memref<128x128xf32, #tpu.memory_space<vmem>>
      %dma_wait3A_527 = arith.constant 0 : i32
      %dma_wait3A_528 = tpu.memref_slice %arg11[%scan3A_321, %scan3A_322, %dma_wait3A_527] : memref<4x2x128xi32, #tpu.memory_space<vmem>> -> memref<1x1x128xi32, #tpu.memory_space<vmem>>
      %dma_wait3A_529 = tpu.memref_squeeze %dma_wait3A_528 : memref<1x1x128xi32, #tpu.memory_space<vmem>> -> memref<128xi32, #tpu.memory_space<vmem>>
      %dma_wait3A_530 = arith.constant 0 : i32
      %dma_wait3A_531 = arith.constant 0 : i32
      %dma_wait3A_532 = tpu.memref_slice %arg3[%dma_wait3A_530, %dma_wait3A_531] : memref<10240x128xf32, #tpu.memory_space<hbm>> -> memref<10240x128xf32, #tpu.memory_space<hbm>>
      tpu.wait_indirect_dma semaphore(%arg15 : memref<!tpu.dma_semaphore, #tpu.memory_space<semaphore_mem>>) src(%dma_wait3A_532 : memref<10240x128xf32, #tpu.memory_space<hbm>>) dst(%dma_wait3A_526 : memref<128x128xf32, #tpu.memory_space<vmem>>)
      %run_scoped3A_533 = arith.constant 1 : i32
      %run_scoped3A_534 = arith.constant 1 : i32
      %run_scoped3A_535 = arith.constant 1 : i32
      "tpu.region"() ({
        %run_scoped3A_724 = tpu.sem_alloc : memref<!tpu.dma_semaphore, #tpu.memory_space<semaphore_mem>>
        %dma_start3A_725 = arith.constant 0 : i32
        %dma_start3A_726 = arith.constant 0 : i32
        %dma_start3A_727 = tpu.memref_slice %arg12[%run_scoped3A_533, %dma_start3A_725, %dma_start3A_726] : memref<2x128x128xf32, #tpu.memory_space<vmem>> -> memref<1x128x128xf32, #tpu.memory_space<vmem>>
        %dma_start3A_728 = tpu.memref_squeeze %dma_start3A_727 : memref<1x128x128xf32, #tpu.memory_space<vmem>> -> memref<128x128xf32, #tpu.memory_space<vmem>>
        %dma_start3A_729 = arith.constant 0 : i32
        %dma_start3A_730 = tpu.memref_slice %arg11[%run_scoped3A_534, %run_scoped3A_535, %dma_start3A_729] : memref<4x2x128xi32, #tpu.memory_space<vmem>> -> memref<1x1x128xi32, #tpu.memory_space<vmem>>
        %dma_start3A_731 = tpu.memref_squeeze %dma_start3A_730 : memref<1x1x128xi32, #tpu.memory_space<vmem>> -> memref<128xi32, #tpu.memory_space<vmem>>
        %dma_start3A_732 = arith.constant 0 : i32
        %dma_start3A_733 = arith.constant 0 : i32
        %dma_start3A_734 = tpu.memref_slice %arg13[%dma_start3A_732, %dma_start3A_733] : memref<10240x128xf32, #tpu.memory_space<vmem_shared>> -> memref<10240x128xf32, #tpu.memory_space<vmem_shared>>
        tpu.enqueue_indirect_dma source(%dma_start3A_728 : memref<128x128xf32, #tpu.memory_space<vmem>>) target(%dma_start3A_734 : memref<10240x128xf32, #tpu.memory_space<vmem_shared>>) offsets(%dma_start3A_731 : memref<128xi32, #tpu.memory_space<vmem>>) semaphore(%run_scoped3A_724 : memref<!tpu.dma_semaphore, #tpu.memory_space<semaphore_mem>>) {add = true}
        %dma_wait3A_735 = arith.constant 0 : i32
        %dma_wait3A_736 = arith.constant 0 : i32
        %dma_wait3A_737 = tpu.memref_slice %arg12[%run_scoped3A_533, %dma_wait3A_735, %dma_wait3A_736] : memref<2x128x128xf32, #tpu.memory_space<vmem>> -> memref<1x128x128xf32, #tpu.memory_space<vmem>>
        %dma_wait3A_738 = tpu.memref_squeeze %dma_wait3A_737 : memref<1x128x128xf32, #tpu.memory_space<vmem>> -> memref<128x128xf32, #tpu.memory_space<vmem>>
        %dma_wait3A_739 = arith.constant 0 : i32
        %dma_wait3A_740 = tpu.memref_slice %arg11[%run_scoped3A_534, %run_scoped3A_535, %dma_wait3A_739] : memref<4x2x128xi32, #tpu.memory_space<vmem>> -> memref<1x1x128xi32, #tpu.memory_space<vmem>>
        %dma_wait3A_741 = tpu.memref_squeeze %dma_wait3A_740 : memref<1x1x128xi32, #tpu.memory_space<vmem>> -> memref<128xi32, #tpu.memory_space<vmem>>
        %dma_wait3A_742 = arith.constant 0 : i32
        %dma_wait3A_743 = arith.constant 0 : i32
        %dma_wait3A_744 = tpu.memref_slice %arg13[%dma_wait3A_742, %dma_wait3A_743] : memref<10240x128xf32, #tpu.memory_space<vmem_shared>> -> memref<10240x128xf32, #tpu.memory_space<vmem_shared>>
        tpu.wait_indirect_dma semaphore(%run_scoped3A_724 : memref<!tpu.dma_semaphore, #tpu.memory_space<semaphore_mem>>) src(%dma_wait3A_738 : memref<128x128xf32, #tpu.memory_space<vmem>>) dst(%dma_wait3A_744 : memref<10240x128xf32, #tpu.memory_space<vmem_shared>>)
        tpu.yield
      }) : () -> ()
      %add3A_536 = arith.constant 1 : i32
      %add3A_537 = arith.addi %mul3A_457, %add3A_536 : i32
      %add3A_538 = arith.constant 4 : i32
      %add3A_539 = arith.addi %add3A_537, %add3A_538 : i32
      %add3A_540 = arith.addi %mul3A_28, %add3A_539 : i32
      %dma_start3A_541 = arith.constant 1 : i32
      %dma_start3A_542 = arith.constant 0 : i32
      %dma_start3A_543 = arith.constant 0 : i32
      %dma_start3A_544 = tpu.memref_slice %arg11[%dma_start3A_541, %dma_start3A_542, %dma_start3A_543] : memref<4x2x128xi32, #tpu.memory_space<vmem>> -> memref<1x2x128xi32, #tpu.memory_space<vmem>>
      %dma_start3A_545 = tpu.memref_squeeze %dma_start3A_544 : memref<1x2x128xi32, #tpu.memory_space<vmem>> -> memref<2x128xi32, #tpu.memory_space<vmem>>
      %dma_start3A_546 = arith.constant 0 : i32
      %dma_start3A_547 = arith.constant 0 : i32
      %dma_start3A_548 = tpu.memref_slice %arg2[%add3A_540, %dma_start3A_546, %dma_start3A_547] : memref<2560x2x128xi32, #tpu.memory_space<hbm>> -> memref<1x2x128xi32, #tpu.memory_space<hbm>>
      %dma_start3A_549 = tpu.memref_squeeze %dma_start3A_548 : memref<1x2x128xi32, #tpu.memory_space<hbm>> -> memref<2x128xi32, #tpu.memory_space<hbm>>
      %dma_start3A_550 = arith.constant 0 : i32
      %dma_start3A_551 = arith.constant 0 : i32
      %dma_start3A_552 = tpu.memref_slice %arg11[%dma_start3A_541, %dma_start3A_550, %dma_start3A_551] : memref<4x2x128xi32, #tpu.memory_space<vmem>> -> memref<1x2x128xi32, #tpu.memory_space<vmem>>
      %dma_start3A_553 = tpu.memref_squeeze %dma_start3A_552 : memref<1x2x128xi32, #tpu.memory_space<vmem>> -> memref<2x128xi32, #tpu.memory_space<vmem>>
      %dma_start3A_554 = arith.constant 0 : i32
      %dma_start3A_555 = arith.constant 0 : i32
      %dma_start3A_556 = tpu.memref_slice %arg2[%add3A_540, %dma_start3A_554, %dma_start3A_555] : memref<2560x2x128xi32, #tpu.memory_space<hbm>> -> memref<1x2x128xi32, #tpu.memory_space<hbm>>
      %dma_start3A_557 = tpu.memref_squeeze %dma_start3A_556 : memref<1x2x128xi32, #tpu.memory_space<hbm>> -> memref<2x128xi32, #tpu.memory_space<hbm>>
      tpu.enqueue_dma source(%dma_start3A_557 : memref<2x128xi32, #tpu.memory_space<hbm>>) target(%dma_start3A_553 : memref<2x128xi32, #tpu.memory_space<vmem>>) target_semaphore(%arg17 : memref<!tpu.dma_semaphore, #tpu.memory_space<semaphore_mem>>)
      %dma_wait3A_558 = arith.constant 3 : i32
      %dma_wait3A_559 = arith.constant 0 : i32
      %dma_wait3A_560 = arith.constant 0 : i32
      %dma_wait3A_561 = tpu.memref_slice %arg11[%dma_wait3A_558, %dma_wait3A_559, %dma_wait3A_560] : memref<4x2x128xi32, #tpu.memory_space<vmem>> -> memref<1x2x128xi32, #tpu.memory_space<vmem>>
      %dma_wait3A_562 = tpu.memref_squeeze %dma_wait3A_561 : memref<1x2x128xi32, #tpu.memory_space<vmem>> -> memref<2x128xi32, #tpu.memory_space<vmem>>
      %dma_wait3A_563 = arith.constant 0 : i32
      %dma_wait3A_564 = arith.constant 0 : i32
      %dma_wait3A_565 = tpu.memref_slice %arg2[%mul3A_28, %dma_wait3A_563, %dma_wait3A_564] : memref<2560x2x128xi32, #tpu.memory_space<hbm>> -> memref<1x2x128xi32, #tpu.memory_space<hbm>>
      %dma_wait3A_566 = tpu.memref_squeeze %dma_wait3A_565 : memref<1x2x128xi32, #tpu.memory_space<hbm>> -> memref<2x128xi32, #tpu.memory_space<hbm>>
      %dma_wait3A_567 = arith.constant 0 : i32
      %dma_wait3A_568 = arith.constant 0 : i32
      %dma_wait3A_569 = tpu.memref_slice %arg11[%dma_wait3A_558, %dma_wait3A_567, %dma_wait3A_568] : memref<4x2x128xi32, #tpu.memory_space<vmem>> -> memref<1x2x128xi32, #tpu.memory_space<vmem>>
      %dma_wait3A_570 = tpu.memref_squeeze %dma_wait3A_569 : memref<1x2x128xi32, #tpu.memory_space<vmem>> -> memref<2x128xi32, #tpu.memory_space<vmem>>
      %dma_wait3A_571 = arith.constant 0 : i32
      %dma_wait3A_572 = arith.constant 0 : i32
      %dma_wait3A_573 = tpu.memref_slice %arg2[%mul3A_28, %dma_wait3A_571, %dma_wait3A_572] : memref<2560x2x128xi32, #tpu.memory_space<hbm>> -> memref<1x2x128xi32, #tpu.memory_space<hbm>>
      %dma_wait3A_574 = tpu.memref_squeeze %dma_wait3A_573 : memref<1x2x128xi32, #tpu.memory_space<hbm>> -> memref<2x128xi32, #tpu.memory_space<hbm>>
      tpu.wait_dma2 semaphore(%arg19 : memref<!tpu.dma_semaphore, #tpu.memory_space<semaphore_mem>>) src(%dma_wait3A_574 : memref<2x128xi32, #tpu.memory_space<hbm>>) dst(%dma_wait3A_570 : memref<2x128xi32, #tpu.memory_space<vmem>>)
      %dma_start3A_575 = arith.constant 3 : i32
      %dma_start3A_576 = arith.constant 0 : i32
      %dma_start3A_577 = arith.constant 1 : i32
      %dma_start3A_578 = arith.constant 0 : i32
      %dma_start3A_579 = arith.constant 0 : i32
      %dma_start3A_580 = tpu.memref_slice %arg12[%dma_start3A_577, %dma_start3A_578, %dma_start3A_579] : memref<2x128x128xf32, #tpu.memory_space<vmem>> -> memref<1x128x128xf32, #tpu.memory_space<vmem>>
      %dma_start3A_581 = tpu.memref_squeeze %dma_start3A_580 : memref<1x128x128xf32, #tpu.memory_space<vmem>> -> memref<128x128xf32, #tpu.memory_space<vmem>>
      %dma_start3A_582 = arith.constant 0 : i32
      %dma_start3A_583 = tpu.memref_slice %arg11[%dma_start3A_575, %dma_start3A_576, %dma_start3A_582] : memref<4x2x128xi32, #tpu.memory_space<vmem>> -> memref<1x1x128xi32, #tpu.memory_space<vmem>>
      %dma_start3A_584 = tpu.memref_squeeze %dma_start3A_583 : memref<1x1x128xi32, #tpu.memory_space<vmem>> -> memref<128xi32, #tpu.memory_space<vmem>>
      %dma_start3A_585 = arith.constant 0 : i32
      %dma_start3A_586 = arith.constant 0 : i32
      %dma_start3A_587 = tpu.memref_slice %arg3[%dma_start3A_585, %dma_start3A_586] : memref<10240x128xf32, #tpu.memory_space<hbm>> -> memref<10240x128xf32, #tpu.memory_space<hbm>>
      tpu.enqueue_indirect_dma source(%dma_start3A_587 : memref<10240x128xf32, #tpu.memory_space<hbm>>) target(%dma_start3A_581 : memref<128x128xf32, #tpu.memory_space<vmem>>) offsets(%dma_start3A_584 : memref<128xi32, #tpu.memory_space<vmem>>) semaphore(%arg15 : memref<!tpu.dma_semaphore, #tpu.memory_space<semaphore_mem>>)
      %dma_wait3A_588 = arith.constant 2 : i32
      %dma_wait3A_589 = arith.constant 0 : i32
      %dma_wait3A_590 = arith.constant 0 : i32
      %dma_wait3A_591 = arith.constant 0 : i32
      %dma_wait3A_592 = arith.constant 0 : i32
      %dma_wait3A_593 = tpu.memref_slice %arg12[%dma_wait3A_590, %dma_wait3A_591, %dma_wait3A_592] : memref<2x128x128xf32, #tpu.memory_space<vmem>> -> memref<1x128x128xf32, #tpu.memory_space<vmem>>
      %dma_wait3A_594 = tpu.memref_squeeze %dma_wait3A_593 : memref<1x128x128xf32, #tpu.memory_space<vmem>> -> memref<128x128xf32, #tpu.memory_space<vmem>>
      %dma_wait3A_595 = arith.constant 0 : i32
      %dma_wait3A_596 = tpu.memref_slice %arg11[%dma_wait3A_588, %dma_wait3A_589, %dma_wait3A_595] : memref<4x2x128xi32, #tpu.memory_space<vmem>> -> memref<1x1x128xi32, #tpu.memory_space<vmem>>
      %dma_wait3A_597 = tpu.memref_squeeze %dma_wait3A_596 : memref<1x1x128xi32, #tpu.memory_space<vmem>> -> memref<128xi32, #tpu.memory_space<vmem>>
      %dma_wait3A_598 = arith.constant 0 : i32
      %dma_wait3A_599 = arith.constant 0 : i32
      %dma_wait3A_600 = tpu.memref_slice %arg3[%dma_wait3A_598, %dma_wait3A_599] : memref<10240x128xf32, #tpu.memory_space<hbm>> -> memref<10240x128xf32, #tpu.memory_space<hbm>>
      tpu.wait_indirect_dma semaphore(%arg14 : memref<!tpu.dma_semaphore, #tpu.memory_space<semaphore_mem>>) src(%dma_wait3A_600 : memref<10240x128xf32, #tpu.memory_space<hbm>>) dst(%dma_wait3A_594 : memref<128x128xf32, #tpu.memory_space<vmem>>)
      %run_scoped3A_601 = arith.constant 0 : i32
      %run_scoped3A_602 = arith.constant 2 : i32
      %run_scoped3A_603 = arith.constant 1 : i32
      "tpu.region"() ({
        %run_scoped3A_724 = tpu.sem_alloc : memref<!tpu.dma_semaphore, #tpu.memory_space<semaphore_mem>>
        %dma_start3A_725 = arith.constant 0 : i32
        %dma_start3A_726 = arith.constant 0 : i32
        %dma_start3A_727 = tpu.memref_slice %arg12[%run_scoped3A_601, %dma_start3A_725, %dma_start3A_726] : memref<2x128x128xf32, #tpu.memory_space<vmem>> -> memref<1x128x128xf32, #tpu.memory_space<vmem>>
        %dma_start3A_728 = tpu.memref_squeeze %dma_start3A_727 : memref<1x128x128xf32, #tpu.memory_space<vmem>> -> memref<128x128xf32, #tpu.memory_space<vmem>>
        %dma_start3A_729 = arith.constant 0 : i32
        %dma_start3A_730 = tpu.memref_slice %arg11[%run_scoped3A_602, %run_scoped3A_603, %dma_start3A_729] : memref<4x2x128xi32, #tpu.memory_space<vmem>> -> memref<1x1x128xi32, #tpu.memory_space<vmem>>
        %dma_start3A_731 = tpu.memref_squeeze %dma_start3A_730 : memref<1x1x128xi32, #tpu.memory_space<vmem>> -> memref<128xi32, #tpu.memory_space<vmem>>
        %dma_start3A_732 = arith.constant 0 : i32
        %dma_start3A_733 = arith.constant 0 : i32
        %dma_start3A_734 = tpu.memref_slice %arg13[%dma_start3A_732, %dma_start3A_733] : memref<10240x128xf32, #tpu.memory_space<vmem_shared>> -> memref<10240x128xf32, #tpu.memory_space<vmem_shared>>
        tpu.enqueue_indirect_dma source(%dma_start3A_728 : memref<128x128xf32, #tpu.memory_space<vmem>>) target(%dma_start3A_734 : memref<10240x128xf32, #tpu.memory_space<vmem_shared>>) offsets(%dma_start3A_731 : memref<128xi32, #tpu.memory_space<vmem>>) semaphore(%run_scoped3A_724 : memref<!tpu.dma_semaphore, #tpu.memory_space<semaphore_mem>>) {add = true}
        %dma_wait3A_735 = arith.constant 0 : i32
        %dma_wait3A_736 = arith.constant 0 : i32
        %dma_wait3A_737 = tpu.memref_slice %arg12[%run_scoped3A_601, %dma_wait3A_735, %dma_wait3A_736] : memref<2x128x128xf32, #tpu.memory_space<vmem>> -> memref<1x128x128xf32, #tpu.memory_space<vmem>>
        %dma_wait3A_738 = tpu.memref_squeeze %dma_wait3A_737 : memref<1x128x128xf32, #tpu.memory_space<vmem>> -> memref<128x128xf32, #tpu.memory_space<vmem>>
        %dma_wait3A_739 = arith.constant 0 : i32
        %dma_wait3A_740 = tpu.memref_slice %arg11[%run_scoped3A_602, %run_scoped3A_603, %dma_wait3A_739] : memref<4x2x128xi32, #tpu.memory_space<vmem>> -> memref<1x1x128xi32, #tpu.memory_space<vmem>>
        %dma_wait3A_741 = tpu.memref_squeeze %dma_wait3A_740 : memref<1x1x128xi32, #tpu.memory_space<vmem>> -> memref<128xi32, #tpu.memory_space<vmem>>
        %dma_wait3A_742 = arith.constant 0 : i32
        %dma_wait3A_743 = arith.constant 0 : i32
        %dma_wait3A_744 = tpu.memref_slice %arg13[%dma_wait3A_742, %dma_wait3A_743] : memref<10240x128xf32, #tpu.memory_space<vmem_shared>> -> memref<10240x128xf32, #tpu.memory_space<vmem_shared>>
        tpu.wait_indirect_dma semaphore(%run_scoped3A_724 : memref<!tpu.dma_semaphore, #tpu.memory_space<semaphore_mem>>) src(%dma_wait3A_738 : memref<128x128xf32, #tpu.memory_space<vmem>>) dst(%dma_wait3A_744 : memref<10240x128xf32, #tpu.memory_space<vmem_shared>>)
        tpu.yield
      }) : () -> ()
      %add3A_604 = arith.constant 2 : i32
      %add3A_605 = arith.addi %mul3A_457, %add3A_604 : i32
      %add3A_606 = arith.constant 4 : i32
      %add3A_607 = arith.addi %add3A_605, %add3A_606 : i32
      %add3A_608 = arith.addi %mul3A_28, %add3A_607 : i32
      %dma_start3A_609 = arith.constant 2 : i32
      %dma_start3A_610 = arith.constant 0 : i32
      %dma_start3A_611 = arith.constant 0 : i32
      %dma_start3A_612 = tpu.memref_slice %arg11[%dma_start3A_609, %dma_start3A_610, %dma_start3A_611] : memref<4x2x128xi32, #tpu.memory_space<vmem>> -> memref<1x2x128xi32, #tpu.memory_space<vmem>>
      %dma_start3A_613 = tpu.memref_squeeze %dma_start3A_612 : memref<1x2x128xi32, #tpu.memory_space<vmem>> -> memref<2x128xi32, #tpu.memory_space<vmem>>
      %dma_start3A_614 = arith.constant 0 : i32
      %dma_start3A_615 = arith.constant 0 : i32
      %dma_start3A_616 = tpu.memref_slice %arg2[%add3A_608, %dma_start3A_614, %dma_start3A_615] : memref<2560x2x128xi32, #tpu.memory_space<hbm>> -> memref<1x2x128xi32, #tpu.memory_space<hbm>>
      %dma_start3A_617 = tpu.memref_squeeze %dma_start3A_616 : memref<1x2x128xi32, #tpu.memory_space<hbm>> -> memref<2x128xi32, #tpu.memory_space<hbm>>
      %dma_start3A_618 = arith.constant 0 : i32
      %dma_start3A_619 = arith.constant 0 : i32
      %dma_start3A_620 = tpu.memref_slice %arg11[%dma_start3A_609, %dma_start3A_618, %dma_start3A_619] : memref<4x2x128xi32, #tpu.memory_space<vmem>> -> memref<1x2x128xi32, #tpu.memory_space<vmem>>
      %dma_start3A_621 = tpu.memref_squeeze %dma_start3A_620 : memref<1x2x128xi32, #tpu.memory_space<vmem>> -> memref<2x128xi32, #tpu.memory_space<vmem>>
      %dma_start3A_622 = arith.constant 0 : i32
      %dma_start3A_623 = arith.constant 0 : i32
      %dma_start3A_624 = tpu.memref_slice %arg2[%add3A_608, %dma_start3A_622, %dma_start3A_623] : memref<2560x2x128xi32, #tpu.memory_space<hbm>> -> memref<1x2x128xi32, #tpu.memory_space<hbm>>
      %dma_start3A_625 = tpu.memref_squeeze %dma_start3A_624 : memref<1x2x128xi32, #tpu.memory_space<hbm>> -> memref<2x128xi32, #tpu.memory_space<hbm>>
      tpu.enqueue_dma source(%dma_start3A_625 : memref<2x128xi32, #tpu.memory_space<hbm>>) target(%dma_start3A_621 : memref<2x128xi32, #tpu.memory_space<vmem>>) target_semaphore(%arg18 : memref<!tpu.dma_semaphore, #tpu.memory_space<semaphore_mem>>)
      %dma_wait3A_626 = arith.constant 0 : i32
      %dma_wait3A_627 = arith.constant 0 : i32
      %dma_wait3A_628 = arith.constant 0 : i32
      %dma_wait3A_629 = tpu.memref_slice %arg11[%dma_wait3A_626, %dma_wait3A_627, %dma_wait3A_628] : memref<4x2x128xi32, #tpu.memory_space<vmem>> -> memref<1x2x128xi32, #tpu.memory_space<vmem>>
      %dma_wait3A_630 = tpu.memref_squeeze %dma_wait3A_629 : memref<1x2x128xi32, #tpu.memory_space<vmem>> -> memref<2x128xi32, #tpu.memory_space<vmem>>
      %dma_wait3A_631 = arith.constant 0 : i32
      %dma_wait3A_632 = arith.constant 0 : i32
      %dma_wait3A_633 = tpu.memref_slice %arg2[%mul3A_28, %dma_wait3A_631, %dma_wait3A_632] : memref<2560x2x128xi32, #tpu.memory_space<hbm>> -> memref<1x2x128xi32, #tpu.memory_space<hbm>>
      %dma_wait3A_634 = tpu.memref_squeeze %dma_wait3A_633 : memref<1x2x128xi32, #tpu.memory_space<hbm>> -> memref<2x128xi32, #tpu.memory_space<hbm>>
      %dma_wait3A_635 = arith.constant 0 : i32
      %dma_wait3A_636 = arith.constant 0 : i32
      %dma_wait3A_637 = tpu.memref_slice %arg11[%dma_wait3A_626, %dma_wait3A_635, %dma_wait3A_636] : memref<4x2x128xi32, #tpu.memory_space<vmem>> -> memref<1x2x128xi32, #tpu.memory_space<vmem>>
      %dma_wait3A_638 = tpu.memref_squeeze %dma_wait3A_637 : memref<1x2x128xi32, #tpu.memory_space<vmem>> -> memref<2x128xi32, #tpu.memory_space<vmem>>
      %dma_wait3A_639 = arith.constant 0 : i32
      %dma_wait3A_640 = arith.constant 0 : i32
      %dma_wait3A_641 = tpu.memref_slice %arg2[%mul3A_28, %dma_wait3A_639, %dma_wait3A_640] : memref<2560x2x128xi32, #tpu.memory_space<hbm>> -> memref<1x2x128xi32, #tpu.memory_space<hbm>>
      %dma_wait3A_642 = tpu.memref_squeeze %dma_wait3A_641 : memref<1x2x128xi32, #tpu.memory_space<hbm>> -> memref<2x128xi32, #tpu.memory_space<hbm>>
      tpu.wait_dma2 semaphore(%arg16 : memref<!tpu.dma_semaphore, #tpu.memory_space<semaphore_mem>>) src(%dma_wait3A_642 : memref<2x128xi32, #tpu.memory_space<hbm>>) dst(%dma_wait3A_638 : memref<2x128xi32, #tpu.memory_space<vmem>>)
      %dma_start3A_643 = arith.constant 0 : i32
      %dma_start3A_644 = arith.constant 0 : i32
      %dma_start3A_645 = arith.constant 0 : i32
      %dma_start3A_646 = arith.constant 0 : i32
      %dma_start3A_647 = arith.constant 0 : i32
      %dma_start3A_648 = tpu.memref_slice %arg12[%dma_start3A_645, %dma_start3A_646, %dma_start3A_647] : memref<2x128x128xf32, #tpu.memory_space<vmem>> -> memref<1x128x128xf32, #tpu.memory_space<vmem>>
      %dma_start3A_649 = tpu.memref_squeeze %dma_start3A_648 : memref<1x128x128xf32, #tpu.memory_space<vmem>> -> memref<128x128xf32, #tpu.memory_space<vmem>>
      %dma_start3A_650 = arith.constant 0 : i32
      %dma_start3A_651 = tpu.memref_slice %arg11[%dma_start3A_643, %dma_start3A_644, %dma_start3A_650] : memref<4x2x128xi32, #tpu.memory_space<vmem>> -> memref<1x1x128xi32, #tpu.memory_space<vmem>>
      %dma_start3A_652 = tpu.memref_squeeze %dma_start3A_651 : memref<1x1x128xi32, #tpu.memory_space<vmem>> -> memref<128xi32, #tpu.memory_space<vmem>>
      %dma_start3A_653 = arith.constant 0 : i32
      %dma_start3A_654 = arith.constant 0 : i32
      %dma_start3A_655 = tpu.memref_slice %arg3[%dma_start3A_653, %dma_start3A_654] : memref<10240x128xf32, #tpu.memory_space<hbm>> -> memref<10240x128xf32, #tpu.memory_space<hbm>>
      tpu.enqueue_indirect_dma source(%dma_start3A_655 : memref<10240x128xf32, #tpu.memory_space<hbm>>) target(%dma_start3A_649 : memref<128x128xf32, #tpu.memory_space<vmem>>) offsets(%dma_start3A_652 : memref<128xi32, #tpu.memory_space<vmem>>) semaphore(%arg14 : memref<!tpu.dma_semaphore, #tpu.memory_space<semaphore_mem>>)
      %dma_wait3A_656 = arith.constant 3 : i32
      %dma_wait3A_657 = arith.constant 0 : i32
      %dma_wait3A_658 = arith.constant 1 : i32
      %dma_wait3A_659 = arith.constant 0 : i32
      %dma_wait3A_660 = arith.constant 0 : i32
      %dma_wait3A_661 = tpu.memref_slice %arg12[%dma_wait3A_658, %dma_wait3A_659, %dma_wait3A_660] : memref<2x128x128xf32, #tpu.memory_space<vmem>> -> memref<1x128x128xf32, #tpu.memory_space<vmem>>
      %dma_wait3A_662 = tpu.memref_squeeze %dma_wait3A_661 : memref<1x128x128xf32, #tpu.memory_space<vmem>> -> memref<128x128xf32, #tpu.memory_space<vmem>>
      %dma_wait3A_663 = arith.constant 0 : i32
      %dma_wait3A_664 = tpu.memref_slice %arg11[%dma_wait3A_656, %dma_wait3A_657, %dma_wait3A_663] : memref<4x2x128xi32, #tpu.memory_space<vmem>> -> memref<1x1x128xi32, #tpu.memory_space<vmem>>
      %dma_wait3A_665 = tpu.memref_squeeze %dma_wait3A_664 : memref<1x1x128xi32, #tpu.memory_space<vmem>> -> memref<128xi32, #tpu.memory_space<vmem>>
      %dma_wait3A_666 = arith.constant 0 : i32
      %dma_wait3A_667 = arith.constant 0 : i32
      %dma_wait3A_668 = tpu.memref_slice %arg3[%dma_wait3A_666, %dma_wait3A_667] : memref<10240x128xf32, #tpu.memory_space<hbm>> -> memref<10240x128xf32, #tpu.memory_space<hbm>>
      tpu.wait_indirect_dma semaphore(%arg15 : memref<!tpu.dma_semaphore, #tpu.memory_space<semaphore_mem>>) src(%dma_wait3A_668 : memref<10240x128xf32, #tpu.memory_space<hbm>>) dst(%dma_wait3A_662 : memref<128x128xf32, #tpu.memory_space<vmem>>)
      %run_scoped3A_669 = arith.constant 1 : i32
      %run_scoped3A_670 = arith.constant 3 : i32
      %run_scoped3A_671 = arith.constant 1 : i32
      "tpu.region"() ({
        %run_scoped3A_724 = tpu.sem_alloc : memref<!tpu.dma_semaphore, #tpu.memory_space<semaphore_mem>>
        %dma_start3A_725 = arith.constant 0 : i32
        %dma_start3A_726 = arith.constant 0 : i32
        %dma_start3A_727 = tpu.memref_slice %arg12[%run_scoped3A_669, %dma_start3A_725, %dma_start3A_726] : memref<2x128x128xf32, #tpu.memory_space<vmem>> -> memref<1x128x128xf32, #tpu.memory_space<vmem>>
        %dma_start3A_728 = tpu.memref_squeeze %dma_start3A_727 : memref<1x128x128xf32, #tpu.memory_space<vmem>> -> memref<128x128xf32, #tpu.memory_space<vmem>>
        %dma_start3A_729 = arith.constant 0 : i32
        %dma_start3A_730 = tpu.memref_slice %arg11[%run_scoped3A_670, %run_scoped3A_671, %dma_start3A_729] : memref<4x2x128xi32, #tpu.memory_space<vmem>> -> memref<1x1x128xi32, #tpu.memory_space<vmem>>
        %dma_start3A_731 = tpu.memref_squeeze %dma_start3A_730 : memref<1x1x128xi32, #tpu.memory_space<vmem>> -> memref<128xi32, #tpu.memory_space<vmem>>
        %dma_start3A_732 = arith.constant 0 : i32
        %dma_start3A_733 = arith.constant 0 : i32
        %dma_start3A_734 = tpu.memref_slice %arg13[%dma_start3A_732, %dma_start3A_733] : memref<10240x128xf32, #tpu.memory_space<vmem_shared>> -> memref<10240x128xf32, #tpu.memory_space<vmem_shared>>
        tpu.enqueue_indirect_dma source(%dma_start3A_728 : memref<128x128xf32, #tpu.memory_space<vmem>>) target(%dma_start3A_734 : memref<10240x128xf32, #tpu.memory_space<vmem_shared>>) offsets(%dma_start3A_731 : memref<128xi32, #tpu.memory_space<vmem>>) semaphore(%run_scoped3A_724 : memref<!tpu.dma_semaphore, #tpu.memory_space<semaphore_mem>>) {add = true}
        %dma_wait3A_735 = arith.constant 0 : i32
        %dma_wait3A_736 = arith.constant 0 : i32
        %dma_wait3A_737 = tpu.memref_slice %arg12[%run_scoped3A_669, %dma_wait3A_735, %dma_wait3A_736] : memref<2x128x128xf32, #tpu.memory_space<vmem>> -> memref<1x128x128xf32, #tpu.memory_space<vmem>>
        %dma_wait3A_738 = tpu.memref_squeeze %dma_wait3A_737 : memref<1x128x128xf32, #tpu.memory_space<vmem>> -> memref<128x128xf32, #tpu.memory_space<vmem>>
        %dma_wait3A_739 = arith.constant 0 : i32
        %dma_wait3A_740 = tpu.memref_slice %arg11[%run_scoped3A_670, %run_scoped3A_671, %dma_wait3A_739] : memref<4x2x128xi32, #tpu.memory_space<vmem>> -> memref<1x1x128xi32, #tpu.memory_space<vmem>>
        %dma_wait3A_741 = tpu.memref_squeeze %dma_wait3A_740 : memref<1x1x128xi32, #tpu.memory_space<vmem>> -> memref<128xi32, #tpu.memory_space<vmem>>
        %dma_wait3A_742 = arith.constant 0 : i32
        %dma_wait3A_743 = arith.constant 0 : i32
        %dma_wait3A_744 = tpu.memref_slice %arg13[%dma_wait3A_742, %dma_wait3A_743] : memref<10240x128xf32, #tpu.memory_space<vmem_shared>> -> memref<10240x128xf32, #tpu.memory_space<vmem_shared>>
        tpu.wait_indirect_dma semaphore(%run_scoped3A_724 : memref<!tpu.dma_semaphore, #tpu.memory_space<semaphore_mem>>) src(%dma_wait3A_738 : memref<128x128xf32, #tpu.memory_space<vmem>>) dst(%dma_wait3A_744 : memref<10240x128xf32, #tpu.memory_space<vmem_shared>>)
        tpu.yield
      }) : () -> ()
      %add3A_672 = arith.constant 3 : i32
      %add3A_673 = arith.addi %mul3A_457, %add3A_672 : i32
      %add3A_674 = arith.constant 4 : i32
      %add3A_675 = arith.addi %add3A_673, %add3A_674 : i32
      %add3A_676 = arith.addi %mul3A_28, %add3A_675 : i32
      %dma_start3A_677 = arith.constant 3 : i32
      %dma_start3A_678 = arith.constant 0 : i32
      %dma_start3A_679 = arith.constant 0 : i32
      %dma_start3A_680 = tpu.memref_slice %arg11[%dma_start3A_677, %dma_start3A_678, %dma_start3A_679] : memref<4x2x128xi32, #tpu.memory_space<vmem>> -> memref<1x2x128xi32, #tpu.memory_space<vmem>>
      %dma_start3A_681 = tpu.memref_squeeze %dma_start3A_680 : memref<1x2x128xi32, #tpu.memory_space<vmem>> -> memref<2x128xi32, #tpu.memory_space<vmem>>
      %dma_start3A_682 = arith.constant 0 : i32
      %dma_start3A_683 = arith.constant 0 : i32
      %dma_start3A_684 = tpu.memref_slice %arg2[%add3A_676, %dma_start3A_682, %dma_start3A_683] : memref<2560x2x128xi32, #tpu.memory_space<hbm>> -> memref<1x2x128xi32, #tpu.memory_space<hbm>>
      %dma_start3A_685 = tpu.memref_squeeze %dma_start3A_684 : memref<1x2x128xi32, #tpu.memory_space<hbm>> -> memref<2x128xi32, #tpu.memory_space<hbm>>
      %dma_start3A_686 = arith.constant 0 : i32
      %dma_start3A_687 = arith.constant 0 : i32
      %dma_start3A_688 = tpu.memref_slice %arg11[%dma_start3A_677, %dma_start3A_686, %dma_start3A_687] : memref<4x2x128xi32, #tpu.memory_space<vmem>> -> memref<1x2x128xi32, #tpu.memory_space<vmem>>
      %dma_start3A_689 = tpu.memref_squeeze %dma_start3A_688 : memref<1x2x128xi32, #tpu.memory_space<vmem>> -> memref<2x128xi32, #tpu.memory_space<vmem>>
      %dma_start3A_690 = arith.constant 0 : i32
      %dma_start3A_691 = arith.constant 0 : i32
      %dma_start3A_692 = tpu.memref_slice %arg2[%add3A_676, %dma_start3A_690, %dma_start3A_691] : memref<2560x2x128xi32, #tpu.memory_space<hbm>> -> memref<1x2x128xi32, #tpu.memory_space<hbm>>
      %dma_start3A_693 = tpu.memref_squeeze %dma_start3A_692 : memref<1x2x128xi32, #tpu.memory_space<hbm>> -> memref<2x128xi32, #tpu.memory_space<hbm>>
      tpu.enqueue_dma source(%dma_start3A_693 : memref<2x128xi32, #tpu.memory_space<hbm>>) target(%dma_start3A_689 : memref<2x128xi32, #tpu.memory_space<vmem>>) target_semaphore(%arg19 : memref<!tpu.dma_semaphore, #tpu.memory_space<semaphore_mem>>)
      %dma_wait3A_694 = arith.constant 1 : i32
      %dma_wait3A_695 = arith.constant 0 : i32
      %dma_wait3A_696 = arith.constant 0 : i32
      %dma_wait3A_697 = tpu.memref_slice %arg11[%dma_wait3A_694, %dma_wait3A_695, %dma_wait3A_696] : memref<4x2x128xi32, #tpu.memory_space<vmem>> -> memref<1x2x128xi32, #tpu.memory_space<vmem>>
      %dma_wait3A_698 = tpu.memref_squeeze %dma_wait3A_697 : memref<1x2x128xi32, #tpu.memory_space<vmem>> -> memref<2x128xi32, #tpu.memory_space<vmem>>
      %dma_wait3A_699 = arith.constant 0 : i32
      %dma_wait3A_700 = arith.constant 0 : i32
      %dma_wait3A_701 = tpu.memref_slice %arg2[%mul3A_28, %dma_wait3A_699, %dma_wait3A_700] : memref<2560x2x128xi32, #tpu.memory_space<hbm>> -> memref<1x2x128xi32, #tpu.memory_space<hbm>>
      %dma_wait3A_702 = tpu.memref_squeeze %dma_wait3A_701 : memref<1x2x128xi32, #tpu.memory_space<hbm>> -> memref<2x128xi32, #tpu.memory_space<hbm>>
      %dma_wait3A_703 = arith.constant 0 : i32
      %dma_wait3A_704 = arith.constant 0 : i32
      %dma_wait3A_705 = tpu.memref_slice %arg11[%dma_wait3A_694, %dma_wait3A_703, %dma_wait3A_704] : memref<4x2x128xi32, #tpu.memory_space<vmem>> -> memref<1x2x128xi32, #tpu.memory_space<vmem>>
      %dma_wait3A_706 = tpu.memref_squeeze %dma_wait3A_705 : memref<1x2x128xi32, #tpu.memory_space<vmem>> -> memref<2x128xi32, #tpu.memory_space<vmem>>
      %dma_wait3A_707 = arith.constant 0 : i32
      %dma_wait3A_708 = arith.constant 0 : i32
      %dma_wait3A_709 = tpu.memref_slice %arg2[%mul3A_28, %dma_wait3A_707, %dma_wait3A_708] : memref<2560x2x128xi32, #tpu.memory_space<hbm>> -> memref<1x2x128xi32, #tpu.memory_space<hbm>>
      %dma_wait3A_710 = tpu.memref_squeeze %dma_wait3A_709 : memref<1x2x128xi32, #tpu.memory_space<hbm>> -> memref<2x128xi32, #tpu.memory_space<hbm>>
      tpu.wait_dma2 semaphore(%arg17 : memref<!tpu.dma_semaphore, #tpu.memory_space<semaphore_mem>>) src(%dma_wait3A_710 : memref<2x128xi32, #tpu.memory_space<hbm>>) dst(%dma_wait3A_706 : memref<2x128xi32, #tpu.memory_space<vmem>>)
      %dma_start3A_711 = arith.constant 1 : i32
      %dma_start3A_712 = arith.constant 0 : i32
      %dma_start3A_713 = arith.constant 1 : i32
      %dma_start3A_714 = arith.constant 0 : i32
      %dma_start3A_715 = arith.constant 0 : i32
      %dma_start3A_716 = tpu.memref_slice %arg12[%dma_start3A_713, %dma_start3A_714, %dma_start3A_715] : memref<2x128x128xf32, #tpu.memory_space<vmem>> -> memref<1x128x128xf32, #tpu.memory_space<vmem>>
      %dma_start3A_717 = tpu.memref_squeeze %dma_start3A_716 : memref<1x128x128xf32, #tpu.memory_space<vmem>> -> memref<128x128xf32, #tpu.memory_space<vmem>>
      %dma_start3A_718 = arith.constant 0 : i32
      %dma_start3A_719 = tpu.memref_slice %arg11[%dma_start3A_711, %dma_start3A_712, %dma_start3A_718] : memref<4x2x128xi32, #tpu.memory_space<vmem>> -> memref<1x1x128xi32, #tpu.memory_space<vmem>>
      %dma_start3A_720 = tpu.memref_squeeze %dma_start3A_719 : memref<1x1x128xi32, #tpu.memory_space<vmem>> -> memref<128xi32, #tpu.memory_space<vmem>>
      %dma_start3A_721 = arith.constant 0 : i32
      %dma_start3A_722 = arith.constant 0 : i32
      %dma_start3A_723 = tpu.memref_slice %arg3[%dma_start3A_721, %dma_start3A_722] : memref<10240x128xf32, #tpu.memory_space<hbm>> -> memref<10240x128xf32, #tpu.memory_space<hbm>>
      tpu.enqueue_indirect_dma source(%dma_start3A_723 : memref<10240x128xf32, #tpu.memory_space<hbm>>) target(%dma_start3A_717 : memref<128x128xf32, #tpu.memory_space<vmem>>) offsets(%dma_start3A_720 : memref<128xi32, #tpu.memory_space<vmem>>) semaphore(%arg15 : memref<!tpu.dma_semaphore, #tpu.memory_space<semaphore_mem>>)
    }
    %scan3A_328 = arith.constant 19 : i32
    %dma_wait3A_329 = arith.constant 0 : i32
    %dma_wait3A_330 = arith.constant 0 : i32
    %dma_wait3A_331 = tpu.memref_slice %arg12[%squeeze3A_13, %dma_wait3A_329, %dma_wait3A_330] : memref<2x128x128xf32, #tpu.memory_space<vmem>> -> memref<1x128x128xf32, #tpu.memory_space<vmem>>
    %dma_wait3A_332 = tpu.memref_squeeze %dma_wait3A_331 : memref<1x128x128xf32, #tpu.memory_space<vmem>> -> memref<128x128xf32, #tpu.memory_space<vmem>>
    %dma_wait3A_333 = arith.constant 0 : i32
    %dma_wait3A_334 = tpu.memref_slice %arg11[%squeeze3A, %squeeze3A_9, %dma_wait3A_333] : memref<4x2x128xi32, #tpu.memory_space<vmem>> -> memref<1x1x128xi32, #tpu.memory_space<vmem>>
    %dma_wait3A_335 = tpu.memref_squeeze %dma_wait3A_334 : memref<1x1x128xi32, #tpu.memory_space<vmem>> -> memref<128xi32, #tpu.memory_space<vmem>>
    %dma_wait3A_336 = arith.constant 0 : i32
    %dma_wait3A_337 = arith.constant 0 : i32
    %dma_wait3A_338 = tpu.memref_slice %arg3[%dma_wait3A_336, %dma_wait3A_337] : memref<10240x128xf32, #tpu.memory_space<hbm>> -> memref<10240x128xf32, #tpu.memory_space<hbm>>
    tpu.wait_indirect_dma semaphore(%arg14 : memref<!tpu.dma_semaphore, #tpu.memory_space<semaphore_mem>>) src(%dma_wait3A_338 : memref<10240x128xf32, #tpu.memory_space<hbm>>) dst(%dma_wait3A_332 : memref<128x128xf32, #tpu.memory_space<vmem>>)
    %run_scoped3A = arith.constant 0 : i32
    %run_scoped3A_339 = arith.constant 0 : i32
    %run_scoped3A_340 = arith.constant 1 : i32
    "tpu.region"() ({
      %run_scoped3A_451 = tpu.sem_alloc : memref<!tpu.dma_semaphore, #tpu.memory_space<semaphore_mem>>
      %dma_start3A_452 = arith.constant 0 : i32
      %dma_start3A_453 = arith.constant 0 : i32
      %dma_start3A_454 = tpu.memref_slice %arg12[%run_scoped3A, %dma_start3A_452, %dma_start3A_453] : memref<2x128x128xf32, #tpu.memory_space<vmem>> -> memref<1x128x128xf32, #tpu.memory_space<vmem>>
      %dma_start3A_455 = tpu.memref_squeeze %dma_start3A_454 : memref<1x128x128xf32, #tpu.memory_space<vmem>> -> memref<128x128xf32, #tpu.memory_space<vmem>>
      %dma_start3A_456 = arith.constant 0 : i32
      %dma_start3A_457 = tpu.memref_slice %arg11[%run_scoped3A_339, %run_scoped3A_340, %dma_start3A_456] : memref<4x2x128xi32, #tpu.memory_space<vmem>> -> memref<1x1x128xi32, #tpu.memory_space<vmem>>
      %dma_start3A_458 = tpu.memref_squeeze %dma_start3A_457 : memref<1x1x128xi32, #tpu.memory_space<vmem>> -> memref<128xi32, #tpu.memory_space<vmem>>
      %dma_start3A_459 = arith.constant 0 : i32
      %dma_start3A_460 = arith.constant 0 : i32
      %dma_start3A_461 = tpu.memref_slice %arg13[%dma_start3A_459, %dma_start3A_460] : memref<10240x128xf32, #tpu.memory_space<vmem_shared>> -> memref<10240x128xf32, #tpu.memory_space<vmem_shared>>
      tpu.enqueue_indirect_dma source(%dma_start3A_455 : memref<128x128xf32, #tpu.memory_space<vmem>>) target(%dma_start3A_461 : memref<10240x128xf32, #tpu.memory_space<vmem_shared>>) offsets(%dma_start3A_458 : memref<128xi32, #tpu.memory_space<vmem>>) semaphore(%run_scoped3A_451 : memref<!tpu.dma_semaphore, #tpu.memory_space<semaphore_mem>>) {add = true}
      %dma_wait3A_462 = arith.constant 0 : i32
      %dma_wait3A_463 = arith.constant 0 : i32
      %dma_wait3A_464 = tpu.memref_slice %arg12[%run_scoped3A, %dma_wait3A_462, %dma_wait3A_463] : memref<2x128x128xf32, #tpu.memory_space<vmem>> -> memref<1x128x128xf32, #tpu.memory_space<vmem>>
      %dma_wait3A_465 = tpu.memref_squeeze %dma_wait3A_464 : memref<1x128x128xf32, #tpu.memory_space<vmem>> -> memref<128x128xf32, #tpu.memory_space<vmem>>
      %dma_wait3A_466 = arith.constant 0 : i32
      %dma_wait3A_467 = tpu.memref_slice %arg11[%run_scoped3A_339, %run_scoped3A_340, %dma_wait3A_466] : memref<4x2x128xi32, #tpu.memory_space<vmem>> -> memref<1x1x128xi32, #tpu.memory_space<vmem>>
      %dma_wait3A_468 = tpu.memref_squeeze %dma_wait3A_467 : memref<1x1x128xi32, #tpu.memory_space<vmem>> -> memref<128xi32, #tpu.memory_space<vmem>>
      %dma_wait3A_469 = arith.constant 0 : i32
      %dma_wait3A_470 = arith.constant 0 : i32
      %dma_wait3A_471 = tpu.memref_slice %arg13[%dma_wait3A_469, %dma_wait3A_470] : memref<10240x128xf32, #tpu.memory_space<vmem_shared>> -> memref<10240x128xf32, #tpu.memory_space<vmem_shared>>
      tpu.wait_indirect_dma semaphore(%run_scoped3A_451 : memref<!tpu.dma_semaphore, #tpu.memory_space<semaphore_mem>>) src(%dma_wait3A_465 : memref<128x128xf32, #tpu.memory_space<vmem>>) dst(%dma_wait3A_471 : memref<10240x128xf32, #tpu.memory_space<vmem_shared>>)
      tpu.yield
    }) : () -> ()
    %dma_wait3A_341 = arith.constant 2 : i32
    %dma_wait3A_342 = arith.constant 0 : i32
    %dma_wait3A_343 = arith.constant 0 : i32
    %dma_wait3A_344 = tpu.memref_slice %arg11[%dma_wait3A_341, %dma_wait3A_342, %dma_wait3A_343] : memref<4x2x128xi32, #tpu.memory_space<vmem>> -> memref<1x2x128xi32, #tpu.memory_space<vmem>>
    %dma_wait3A_345 = tpu.memref_squeeze %dma_wait3A_344 : memref<1x2x128xi32, #tpu.memory_space<vmem>> -> memref<2x128xi32, #tpu.memory_space<vmem>>
    %dma_wait3A_346 = arith.constant 0 : i32
    %dma_wait3A_347 = arith.constant 0 : i32
    %dma_wait3A_348 = tpu.memref_slice %arg2[%mul3A_28, %dma_wait3A_346, %dma_wait3A_347] : memref<2560x2x128xi32, #tpu.memory_space<hbm>> -> memref<1x2x128xi32, #tpu.memory_space<hbm>>
    %dma_wait3A_349 = tpu.memref_squeeze %dma_wait3A_348 : memref<1x2x128xi32, #tpu.memory_space<hbm>> -> memref<2x128xi32, #tpu.memory_space<hbm>>
    %dma_wait3A_350 = arith.constant 0 : i32
    %dma_wait3A_351 = arith.constant 0 : i32
    %dma_wait3A_352 = tpu.memref_slice %arg11[%dma_wait3A_341, %dma_wait3A_350, %dma_wait3A_351] : memref<4x2x128xi32, #tpu.memory_space<vmem>> -> memref<1x2x128xi32, #tpu.memory_space<vmem>>
    %dma_wait3A_353 = tpu.memref_squeeze %dma_wait3A_352 : memref<1x2x128xi32, #tpu.memory_space<vmem>> -> memref<2x128xi32, #tpu.memory_space<vmem>>
    %dma_wait3A_354 = arith.constant 0 : i32
    %dma_wait3A_355 = arith.constant 0 : i32
    %dma_wait3A_356 = tpu.memref_slice %arg2[%mul3A_28, %dma_wait3A_354, %dma_wait3A_355] : memref<2560x2x128xi32, #tpu.memory_space<hbm>> -> memref<1x2x128xi32, #tpu.memory_space<hbm>>
    %dma_wait3A_357 = tpu.memref_squeeze %dma_wait3A_356 : memref<1x2x128xi32, #tpu.memory_space<hbm>> -> memref<2x128xi32, #tpu.memory_space<hbm>>
    tpu.wait_dma2 semaphore(%arg18 : memref<!tpu.dma_semaphore, #tpu.memory_space<semaphore_mem>>) src(%dma_wait3A_357 : memref<2x128xi32, #tpu.memory_space<hbm>>) dst(%dma_wait3A_353 : memref<2x128xi32, #tpu.memory_space<vmem>>)
    %dma_start3A_358 = arith.constant 2 : i32
    %dma_start3A_359 = arith.constant 0 : i32
    %dma_start3A_360 = arith.constant 0 : i32
    %dma_start3A_361 = arith.constant 0 : i32
    %dma_start3A_362 = arith.constant 0 : i32
    %dma_start3A_363 = tpu.memref_slice %arg12[%dma_start3A_360, %dma_start3A_361, %dma_start3A_362] : memref<2x128x128xf32, #tpu.memory_space<vmem>> -> memref<1x128x128xf32, #tpu.memory_space<vmem>>
    %dma_start3A_364 = tpu.memref_squeeze %dma_start3A_363 : memref<1x128x128xf32, #tpu.memory_space<vmem>> -> memref<128x128xf32, #tpu.memory_space<vmem>>
    %dma_start3A_365 = arith.constant 0 : i32
    %dma_start3A_366 = tpu.memref_slice %arg11[%dma_start3A_358, %dma_start3A_359, %dma_start3A_365] : memref<4x2x128xi32, #tpu.memory_space<vmem>> -> memref<1x1x128xi32, #tpu.memory_space<vmem>>
    %dma_start3A_367 = tpu.memref_squeeze %dma_start3A_366 : memref<1x1x128xi32, #tpu.memory_space<vmem>> -> memref<128xi32, #tpu.memory_space<vmem>>
    %dma_start3A_368 = arith.constant 0 : i32
    %dma_start3A_369 = arith.constant 0 : i32
    %dma_start3A_370 = tpu.memref_slice %arg3[%dma_start3A_368, %dma_start3A_369] : memref<10240x128xf32, #tpu.memory_space<hbm>> -> memref<10240x128xf32, #tpu.memory_space<hbm>>
    tpu.enqueue_indirect_dma source(%dma_start3A_370 : memref<10240x128xf32, #tpu.memory_space<hbm>>) target(%dma_start3A_364 : memref<128x128xf32, #tpu.memory_space<vmem>>) offsets(%dma_start3A_367 : memref<128xi32, #tpu.memory_space<vmem>>) semaphore(%arg14 : memref<!tpu.dma_semaphore, #tpu.memory_space<semaphore_mem>>)
    %dma_wait3A_371 = arith.constant 0 : i32
    %dma_wait3A_372 = arith.constant 0 : i32
    %dma_wait3A_373 = tpu.memref_slice %arg12[%squeeze3A_25, %dma_wait3A_371, %dma_wait3A_372] : memref<2x128x128xf32, #tpu.memory_space<vmem>> -> memref<1x128x128xf32, #tpu.memory_space<vmem>>
    %dma_wait3A_374 = tpu.memref_squeeze %dma_wait3A_373 : memref<1x128x128xf32, #tpu.memory_space<vmem>> -> memref<128x128xf32, #tpu.memory_space<vmem>>
    %dma_wait3A_375 = arith.constant 0 : i32
    %dma_wait3A_376 = tpu.memref_slice %arg11[%squeeze3A_17, %squeeze3A_21, %dma_wait3A_375] : memref<4x2x128xi32, #tpu.memory_space<vmem>> -> memref<1x1x128xi32, #tpu.memory_space<vmem>>
    %dma_wait3A_377 = tpu.memref_squeeze %dma_wait3A_376 : memref<1x1x128xi32, #tpu.memory_space<vmem>> -> memref<128xi32, #tpu.memory_space<vmem>>
    %dma_wait3A_378 = arith.constant 0 : i32
    %dma_wait3A_379 = arith.constant 0 : i32
    %dma_wait3A_380 = tpu.memref_slice %arg3[%dma_wait3A_378, %dma_wait3A_379] : memref<10240x128xf32, #tpu.memory_space<hbm>> -> memref<10240x128xf32, #tpu.memory_space<hbm>>
    tpu.wait_indirect_dma semaphore(%arg15 : memref<!tpu.dma_semaphore, #tpu.memory_space<semaphore_mem>>) src(%dma_wait3A_380 : memref<10240x128xf32, #tpu.memory_space<hbm>>) dst(%dma_wait3A_374 : memref<128x128xf32, #tpu.memory_space<vmem>>)
    %run_scoped3A_381 = arith.constant 1 : i32
    %run_scoped3A_382 = arith.constant 1 : i32
    %run_scoped3A_383 = arith.constant 1 : i32
    "tpu.region"() ({
      %run_scoped3A_451 = tpu.sem_alloc : memref<!tpu.dma_semaphore, #tpu.memory_space<semaphore_mem>>
      %dma_start3A_452 = arith.constant 0 : i32
      %dma_start3A_453 = arith.constant 0 : i32
      %dma_start3A_454 = tpu.memref_slice %arg12[%run_scoped3A_381, %dma_start3A_452, %dma_start3A_453] : memref<2x128x128xf32, #tpu.memory_space<vmem>> -> memref<1x128x128xf32, #tpu.memory_space<vmem>>
      %dma_start3A_455 = tpu.memref_squeeze %dma_start3A_454 : memref<1x128x128xf32, #tpu.memory_space<vmem>> -> memref<128x128xf32, #tpu.memory_space<vmem>>
      %dma_start3A_456 = arith.constant 0 : i32
      %dma_start3A_457 = tpu.memref_slice %arg11[%run_scoped3A_382, %run_scoped3A_383, %dma_start3A_456] : memref<4x2x128xi32, #tpu.memory_space<vmem>> -> memref<1x1x128xi32, #tpu.memory_space<vmem>>
      %dma_start3A_458 = tpu.memref_squeeze %dma_start3A_457 : memref<1x1x128xi32, #tpu.memory_space<vmem>> -> memref<128xi32, #tpu.memory_space<vmem>>
      %dma_start3A_459 = arith.constant 0 : i32
      %dma_start3A_460 = arith.constant 0 : i32
      %dma_start3A_461 = tpu.memref_slice %arg13[%dma_start3A_459, %dma_start3A_460] : memref<10240x128xf32, #tpu.memory_space<vmem_shared>> -> memref<10240x128xf32, #tpu.memory_space<vmem_shared>>
      tpu.enqueue_indirect_dma source(%dma_start3A_455 : memref<128x128xf32, #tpu.memory_space<vmem>>) target(%dma_start3A_461 : memref<10240x128xf32, #tpu.memory_space<vmem_shared>>) offsets(%dma_start3A_458 : memref<128xi32, #tpu.memory_space<vmem>>) semaphore(%run_scoped3A_451 : memref<!tpu.dma_semaphore, #tpu.memory_space<semaphore_mem>>) {add = true}
      %dma_wait3A_462 = arith.constant 0 : i32
      %dma_wait3A_463 = arith.constant 0 : i32
      %dma_wait3A_464 = tpu.memref_slice %arg12[%run_scoped3A_381, %dma_wait3A_462, %dma_wait3A_463] : memref<2x128x128xf32, #tpu.memory_space<vmem>> -> memref<1x128x128xf32, #tpu.memory_space<vmem>>
      %dma_wait3A_465 = tpu.memref_squeeze %dma_wait3A_464 : memref<1x128x128xf32, #tpu.memory_space<vmem>> -> memref<128x128xf32, #tpu.memory_space<vmem>>
      %dma_wait3A_466 = arith.constant 0 : i32
      %dma_wait3A_467 = tpu.memref_slice %arg11[%run_scoped3A_382, %run_scoped3A_383, %dma_wait3A_466] : memref<4x2x128xi32, #tpu.memory_space<vmem>> -> memref<1x1x128xi32, #tpu.memory_space<vmem>>
      %dma_wait3A_468 = tpu.memref_squeeze %dma_wait3A_467 : memref<1x1x128xi32, #tpu.memory_space<vmem>> -> memref<128xi32, #tpu.memory_space<vmem>>
      %dma_wait3A_469 = arith.constant 0 : i32
      %dma_wait3A_470 = arith.constant 0 : i32
      %dma_wait3A_471 = tpu.memref_slice %arg13[%dma_wait3A_469, %dma_wait3A_470] : memref<10240x128xf32, #tpu.memory_space<vmem_shared>> -> memref<10240x128xf32, #tpu.memory_space<vmem_shared>>
      tpu.wait_indirect_dma semaphore(%run_scoped3A_451 : memref<!tpu.dma_semaphore, #tpu.memory_space<semaphore_mem>>) src(%dma_wait3A_465 : memref<128x128xf32, #tpu.memory_space<vmem>>) dst(%dma_wait3A_471 : memref<10240x128xf32, #tpu.memory_space<vmem_shared>>)
      tpu.yield
    }) : () -> ()
    %dma_wait3A_384 = arith.constant 3 : i32
    %dma_wait3A_385 = arith.constant 0 : i32
    %dma_wait3A_386 = arith.constant 0 : i32
    %dma_wait3A_387 = tpu.memref_slice %arg11[%dma_wait3A_384, %dma_wait3A_385, %dma_wait3A_386] : memref<4x2x128xi32, #tpu.memory_space<vmem>> -> memref<1x2x128xi32, #tpu.memory_space<vmem>>
    %dma_wait3A_388 = tpu.memref_squeeze %dma_wait3A_387 : memref<1x2x128xi32, #tpu.memory_space<vmem>> -> memref<2x128xi32, #tpu.memory_space<vmem>>
    %dma_wait3A_389 = arith.constant 0 : i32
    %dma_wait3A_390 = arith.constant 0 : i32
    %dma_wait3A_391 = tpu.memref_slice %arg2[%mul3A_28, %dma_wait3A_389, %dma_wait3A_390] : memref<2560x2x128xi32, #tpu.memory_space<hbm>> -> memref<1x2x128xi32, #tpu.memory_space<hbm>>
    %dma_wait3A_392 = tpu.memref_squeeze %dma_wait3A_391 : memref<1x2x128xi32, #tpu.memory_space<hbm>> -> memref<2x128xi32, #tpu.memory_space<hbm>>
    %dma_wait3A_393 = arith.constant 0 : i32
    %dma_wait3A_394 = arith.constant 0 : i32
    %dma_wait3A_395 = tpu.memref_slice %arg11[%dma_wait3A_384, %dma_wait3A_393, %dma_wait3A_394] : memref<4x2x128xi32, #tpu.memory_space<vmem>> -> memref<1x2x128xi32, #tpu.memory_space<vmem>>
    %dma_wait3A_396 = tpu.memref_squeeze %dma_wait3A_395 : memref<1x2x128xi32, #tpu.memory_space<vmem>> -> memref<2x128xi32, #tpu.memory_space<vmem>>
    %dma_wait3A_397 = arith.constant 0 : i32
    %dma_wait3A_398 = arith.constant 0 : i32
    %dma_wait3A_399 = tpu.memref_slice %arg2[%mul3A_28, %dma_wait3A_397, %dma_wait3A_398] : memref<2560x2x128xi32, #tpu.memory_space<hbm>> -> memref<1x2x128xi32, #tpu.memory_space<hbm>>
    %dma_wait3A_400 = tpu.memref_squeeze %dma_wait3A_399 : memref<1x2x128xi32, #tpu.memory_space<hbm>> -> memref<2x128xi32, #tpu.memory_space<hbm>>
    tpu.wait_dma2 semaphore(%arg19 : memref<!tpu.dma_semaphore, #tpu.memory_space<semaphore_mem>>) src(%dma_wait3A_400 : memref<2x128xi32, #tpu.memory_space<hbm>>) dst(%dma_wait3A_396 : memref<2x128xi32, #tpu.memory_space<vmem>>)
    %dma_start3A_401 = arith.constant 3 : i32
    %dma_start3A_402 = arith.constant 0 : i32
    %dma_start3A_403 = arith.constant 1 : i32
    %dma_start3A_404 = arith.constant 0 : i32
    %dma_start3A_405 = arith.constant 0 : i32
    %dma_start3A_406 = tpu.memref_slice %arg12[%dma_start3A_403, %dma_start3A_404, %dma_start3A_405] : memref<2x128x128xf32, #tpu.memory_space<vmem>> -> memref<1x128x128xf32, #tpu.memory_space<vmem>>
    %dma_start3A_407 = tpu.memref_squeeze %dma_start3A_406 : memref<1x128x128xf32, #tpu.memory_space<vmem>> -> memref<128x128xf32, #tpu.memory_space<vmem>>
    %dma_start3A_408 = arith.constant 0 : i32
    %dma_start3A_409 = tpu.memref_slice %arg11[%dma_start3A_401, %dma_start3A_402, %dma_start3A_408] : memref<4x2x128xi32, #tpu.memory_space<vmem>> -> memref<1x1x128xi32, #tpu.memory_space<vmem>>
    %dma_start3A_410 = tpu.memref_squeeze %dma_start3A_409 : memref<1x1x128xi32, #tpu.memory_space<vmem>> -> memref<128xi32, #tpu.memory_space<vmem>>
    %dma_start3A_411 = arith.constant 0 : i32
    %dma_start3A_412 = arith.constant 0 : i32
    %dma_start3A_413 = tpu.memref_slice %arg3[%dma_start3A_411, %dma_start3A_412] : memref<10240x128xf32, #tpu.memory_space<hbm>> -> memref<10240x128xf32, #tpu.memory_space<hbm>>
    tpu.enqueue_indirect_dma source(%dma_start3A_413 : memref<10240x128xf32, #tpu.memory_space<hbm>>) target(%dma_start3A_407 : memref<128x128xf32, #tpu.memory_space<vmem>>) offsets(%dma_start3A_410 : memref<128xi32, #tpu.memory_space<vmem>>) semaphore(%arg15 : memref<!tpu.dma_semaphore, #tpu.memory_space<semaphore_mem>>)
    %dma_wait3A_414 = arith.constant 2 : i32
    %dma_wait3A_415 = arith.constant 0 : i32
    %dma_wait3A_416 = arith.constant 0 : i32
    %dma_wait3A_417 = arith.constant 0 : i32
    %dma_wait3A_418 = arith.constant 0 : i32
    %dma_wait3A_419 = tpu.memref_slice %arg12[%dma_wait3A_416, %dma_wait3A_417, %dma_wait3A_418] : memref<2x128x128xf32, #tpu.memory_space<vmem>> -> memref<1x128x128xf32, #tpu.memory_space<vmem>>
    %dma_wait3A_420 = tpu.memref_squeeze %dma_wait3A_419 : memref<1x128x128xf32, #tpu.memory_space<vmem>> -> memref<128x128xf32, #tpu.memory_space<vmem>>
    %dma_wait3A_421 = arith.constant 0 : i32
    %dma_wait3A_422 = tpu.memref_slice %arg11[%dma_wait3A_414, %dma_wait3A_415, %dma_wait3A_421] : memref<4x2x128xi32, #tpu.memory_space<vmem>> -> memref<1x1x128xi32, #tpu.memory_space<vmem>>
    %dma_wait3A_423 = tpu.memref_squeeze %dma_wait3A_422 : memref<1x1x128xi32, #tpu.memory_space<vmem>> -> memref<128xi32, #tpu.memory_space<vmem>>
    %dma_wait3A_424 = arith.constant 0 : i32
    %dma_wait3A_425 = arith.constant 0 : i32
    %dma_wait3A_426 = tpu.memref_slice %arg3[%dma_wait3A_424, %dma_wait3A_425] : memref<10240x128xf32, #tpu.memory_space<hbm>> -> memref<10240x128xf32, #tpu.memory_space<hbm>>
    tpu.wait_indirect_dma semaphore(%arg14 : memref<!tpu.dma_semaphore, #tpu.memory_space<semaphore_mem>>) src(%dma_wait3A_426 : memref<10240x128xf32, #tpu.memory_space<hbm>>) dst(%dma_wait3A_420 : memref<128x128xf32, #tpu.memory_space<vmem>>)
    %run_scoped3A_427 = arith.constant 0 : i32
    %run_scoped3A_428 = arith.constant 2 : i32
    %run_scoped3A_429 = arith.constant 1 : i32
    "tpu.region"() ({
      %run_scoped3A_451 = tpu.sem_alloc : memref<!tpu.dma_semaphore, #tpu.memory_space<semaphore_mem>>
      %dma_start3A_452 = arith.constant 0 : i32
      %dma_start3A_453 = arith.constant 0 : i32
      %dma_start3A_454 = tpu.memref_slice %arg12[%run_scoped3A_427, %dma_start3A_452, %dma_start3A_453] : memref<2x128x128xf32, #tpu.memory_space<vmem>> -> memref<1x128x128xf32, #tpu.memory_space<vmem>>
      %dma_start3A_455 = tpu.memref_squeeze %dma_start3A_454 : memref<1x128x128xf32, #tpu.memory_space<vmem>> -> memref<128x128xf32, #tpu.memory_space<vmem>>
      %dma_start3A_456 = arith.constant 0 : i32
      %dma_start3A_457 = tpu.memref_slice %arg11[%run_scoped3A_428, %run_scoped3A_429, %dma_start3A_456] : memref<4x2x128xi32, #tpu.memory_space<vmem>> -> memref<1x1x128xi32, #tpu.memory_space<vmem>>
      %dma_start3A_458 = tpu.memref_squeeze %dma_start3A_457 : memref<1x1x128xi32, #tpu.memory_space<vmem>> -> memref<128xi32, #tpu.memory_space<vmem>>
      %dma_start3A_459 = arith.constant 0 : i32
      %dma_start3A_460 = arith.constant 0 : i32
      %dma_start3A_461 = tpu.memref_slice %arg13[%dma_start3A_459, %dma_start3A_460] : memref<10240x128xf32, #tpu.memory_space<vmem_shared>> -> memref<10240x128xf32, #tpu.memory_space<vmem_shared>>
      tpu.enqueue_indirect_dma source(%dma_start3A_455 : memref<128x128xf32, #tpu.memory_space<vmem>>) target(%dma_start3A_461 : memref<10240x128xf32, #tpu.memory_space<vmem_shared>>) offsets(%dma_start3A_458 : memref<128xi32, #tpu.memory_space<vmem>>) semaphore(%run_scoped3A_451 : memref<!tpu.dma_semaphore, #tpu.memory_space<semaphore_mem>>) {add = true}
      %dma_wait3A_462 = arith.constant 0 : i32
      %dma_wait3A_463 = arith.constant 0 : i32
      %dma_wait3A_464 = tpu.memref_slice %arg12[%run_scoped3A_427, %dma_wait3A_462, %dma_wait3A_463] : memref<2x128x128xf32, #tpu.memory_space<vmem>> -> memref<1x128x128xf32, #tpu.memory_space<vmem>>
      %dma_wait3A_465 = tpu.memref_squeeze %dma_wait3A_464 : memref<1x128x128xf32, #tpu.memory_space<vmem>> -> memref<128x128xf32, #tpu.memory_space<vmem>>
      %dma_wait3A_466 = arith.constant 0 : i32
      %dma_wait3A_467 = tpu.memref_slice %arg11[%run_scoped3A_428, %run_scoped3A_429, %dma_wait3A_466] : memref<4x2x128xi32, #tpu.memory_space<vmem>> -> memref<1x1x128xi32, #tpu.memory_space<vmem>>
      %dma_wait3A_468 = tpu.memref_squeeze %dma_wait3A_467 : memref<1x1x128xi32, #tpu.memory_space<vmem>> -> memref<128xi32, #tpu.memory_space<vmem>>
      %dma_wait3A_469 = arith.constant 0 : i32
      %dma_wait3A_470 = arith.constant 0 : i32
      %dma_wait3A_471 = tpu.memref_slice %arg13[%dma_wait3A_469, %dma_wait3A_470] : memref<10240x128xf32, #tpu.memory_space<vmem_shared>> -> memref<10240x128xf32, #tpu.memory_space<vmem_shared>>
      tpu.wait_indirect_dma semaphore(%run_scoped3A_451 : memref<!tpu.dma_semaphore, #tpu.memory_space<semaphore_mem>>) src(%dma_wait3A_465 : memref<128x128xf32, #tpu.memory_space<vmem>>) dst(%dma_wait3A_471 : memref<10240x128xf32, #tpu.memory_space<vmem_shared>>)
      tpu.yield
    }) : () -> ()
    %dma_wait3A_430 = arith.constant 3 : i32
    %dma_wait3A_431 = arith.constant 0 : i32
    %dma_wait3A_432 = arith.constant 1 : i32
    %dma_wait3A_433 = arith.constant 0 : i32
    %dma_wait3A_434 = arith.constant 0 : i32
    %dma_wait3A_435 = tpu.memref_slice %arg12[%dma_wait3A_432, %dma_wait3A_433, %dma_wait3A_434] : memref<2x128x128xf32, #tpu.memory_space<vmem>> -> memref<1x128x128xf32, #tpu.memory_space<vmem>>
    %dma_wait3A_436 = tpu.memref_squeeze %dma_wait3A_435 : memref<1x128x128xf32, #tpu.memory_space<vmem>> -> memref<128x128xf32, #tpu.memory_space<vmem>>
    %dma_wait3A_437 = arith.constant 0 : i32
    %dma_wait3A_438 = tpu.memref_slice %arg11[%dma_wait3A_430, %dma_wait3A_431, %dma_wait3A_437] : memref<4x2x128xi32, #tpu.memory_space<vmem>> -> memref<1x1x128xi32, #tpu.memory_space<vmem>>
    %dma_wait3A_439 = tpu.memref_squeeze %dma_wait3A_438 : memref<1x1x128xi32, #tpu.memory_space<vmem>> -> memref<128xi32, #tpu.memory_space<vmem>>
    %dma_wait3A_440 = arith.constant 0 : i32
    %dma_wait3A_441 = arith.constant 0 : i32
    %dma_wait3A_442 = tpu.memref_slice %arg3[%dma_wait3A_440, %dma_wait3A_441] : memref<10240x128xf32, #tpu.memory_space<hbm>> -> memref<10240x128xf32, #tpu.memory_space<hbm>>
    tpu.wait_indirect_dma semaphore(%arg15 : memref<!tpu.dma_semaphore, #tpu.memory_space<semaphore_mem>>) src(%dma_wait3A_442 : memref<10240x128xf32, #tpu.memory_space<hbm>>) dst(%dma_wait3A_436 : memref<128x128xf32, #tpu.memory_space<vmem>>)
    %run_scoped3A_443 = arith.constant 1 : i32
    %run_scoped3A_444 = arith.constant 3 : i32
    %run_scoped3A_445 = arith.constant 1 : i32
    "tpu.region"() ({
      %run_scoped3A_451 = tpu.sem_alloc : memref<!tpu.dma_semaphore, #tpu.memory_space<semaphore_mem>>
      %dma_start3A_452 = arith.constant 0 : i32
      %dma_start3A_453 = arith.constant 0 : i32
      %dma_start3A_454 = tpu.memref_slice %arg12[%run_scoped3A_443, %dma_start3A_452, %dma_start3A_453] : memref<2x128x128xf32, #tpu.memory_space<vmem>> -> memref<1x128x128xf32, #tpu.memory_space<vmem>>
      %dma_start3A_455 = tpu.memref_squeeze %dma_start3A_454 : memref<1x128x128xf32, #tpu.memory_space<vmem>> -> memref<128x128xf32, #tpu.memory_space<vmem>>
      %dma_start3A_456 = arith.constant 0 : i32
      %dma_start3A_457 = tpu.memref_slice %arg11[%run_scoped3A_444, %run_scoped3A_445, %dma_start3A_456] : memref<4x2x128xi32, #tpu.memory_space<vmem>> -> memref<1x1x128xi32, #tpu.memory_space<vmem>>
      %dma_start3A_458 = tpu.memref_squeeze %dma_start3A_457 : memref<1x1x128xi32, #tpu.memory_space<vmem>> -> memref<128xi32, #tpu.memory_space<vmem>>
      %dma_start3A_459 = arith.constant 0 : i32
      %dma_start3A_460 = arith.constant 0 : i32
      %dma_start3A_461 = tpu.memref_slice %arg13[%dma_start3A_459, %dma_start3A_460] : memref<10240x128xf32, #tpu.memory_space<vmem_shared>> -> memref<10240x128xf32, #tpu.memory_space<vmem_shared>>
      tpu.enqueue_indirect_dma source(%dma_start3A_455 : memref<128x128xf32, #tpu.memory_space<vmem>>) target(%dma_start3A_461 : memref<10240x128xf32, #tpu.memory_space<vmem_shared>>) offsets(%dma_start3A_458 : memref<128xi32, #tpu.memory_space<vmem>>) semaphore(%run_scoped3A_451 : memref<!tpu.dma_semaphore, #tpu.memory_space<semaphore_mem>>) {add = true}
      %dma_wait3A_462 = arith.constant 0 : i32
      %dma_wait3A_463 = arith.constant 0 : i32
      %dma_wait3A_464 = tpu.memref_slice %arg12[%run_scoped3A_443, %dma_wait3A_462, %dma_wait3A_463] : memref<2x128x128xf32, #tpu.memory_space<vmem>> -> memref<1x128x128xf32, #tpu.memory_space<vmem>>
      %dma_wait3A_465 = tpu.memref_squeeze %dma_wait3A_464 : memref<1x128x128xf32, #tpu.memory_space<vmem>> -> memref<128x128xf32, #tpu.memory_space<vmem>>
      %dma_wait3A_466 = arith.constant 0 : i32
      %dma_wait3A_467 = tpu.memref_slice %arg11[%run_scoped3A_444, %run_scoped3A_445, %dma_wait3A_466] : memref<4x2x128xi32, #tpu.memory_space<vmem>> -> memref<1x1x128xi32, #tpu.memory_space<vmem>>
      %dma_wait3A_468 = tpu.memref_squeeze %dma_wait3A_467 : memref<1x1x128xi32, #tpu.memory_space<vmem>> -> memref<128xi32, #tpu.memory_space<vmem>>
      %dma_wait3A_469 = arith.constant 0 : i32
      %dma_wait3A_470 = arith.constant 0 : i32
      %dma_wait3A_471 = tpu.memref_slice %arg13[%dma_wait3A_469, %dma_wait3A_470] : memref<10240x128xf32, #tpu.memory_space<vmem_shared>> -> memref<10240x128xf32, #tpu.memory_space<vmem_shared>>
      tpu.wait_indirect_dma semaphore(%run_scoped3A_451 : memref<!tpu.dma_semaphore, #tpu.memory_space<semaphore_mem>>) src(%dma_wait3A_465 : memref<128x128xf32, #tpu.memory_space<vmem>>) dst(%dma_wait3A_471 : memref<10240x128xf32, #tpu.memory_space<vmem_shared>>)
      tpu.yield
    }) : () -> ()
    %barrier3A_446 = arith.constant 0 : index
    tpu.barrier barrier_id(%barrier3A_446)
    %mul3A_447 = arith.constant 640 : i32
    %mul3A_448 = arith.muli %arg1, %mul3A_447 : i32
    %mul3A_449 = arith.constant 640 : i32
    %mul3A_450 = arith.muli %arg1, %mul3A_449 : i32
    "tpu.region"() ({
      %run_scoped3A_451 = tpu.sem_alloc : memref<!tpu.dma_semaphore, #tpu.memory_space<semaphore_mem>>
      %dma_start3A_452 = arith.constant 0 : i32
      %dma_start3A_453 = arith.constant 0 : i32
      %dma_start3A_454 = tpu.memref_slice %arg10[%arg0, %dma_start3A_452, %dma_start3A_453] : memref<2x10240x128xf32, #tpu.memory_space<hbm>> -> memref<1x10240x128xf32, #tpu.memory_space<hbm>>
      %dma_start3A_455 = tpu.memref_squeeze %dma_start3A_454 : memref<1x10240x128xf32, #tpu.memory_space<hbm>> -> memref<10240x128xf32, #tpu.memory_space<hbm>>
      %dma_start3A_456 = arith.constant 0 : i32
      %dma_start3A_457 = tpu.memref_slice %dma_start3A_455[%mul3A_450, %dma_start3A_456] : memref<10240x128xf32, #tpu.memory_space<hbm>> -> memref<640x128xf32, #tpu.memory_space<hbm>>
      %dma_start3A_458 = arith.constant 0 : i32
      %dma_start3A_459 = tpu.memref_slice %arg13[%mul3A_448, %dma_start3A_458] : memref<10240x128xf32, #tpu.memory_space<vmem_shared>> -> memref<640x128xf32, #tpu.memory_space<vmem_shared>>
      tpu.enqueue_dma source(%dma_start3A_459 : memref<640x128xf32, #tpu.memory_space<vmem_shared>>) target(%dma_start3A_457 : memref<640x128xf32, #tpu.memory_space<hbm>>) target_semaphore(%run_scoped3A_451 : memref<!tpu.dma_semaphore, #tpu.memory_space<semaphore_mem>>)
      %dma_wait3A_460 = arith.constant 0 : i32
      %dma_wait3A_461 = arith.constant 0 : i32
      %dma_wait3A_462 = tpu.memref_slice %arg10[%arg0, %dma_wait3A_460, %dma_wait3A_461] : memref<2x10240x128xf32, #tpu.memory_space<hbm>> -> memref<1x10240x128xf32, #tpu.memory_space<hbm>>
      %dma_wait3A_463 = tpu.memref_squeeze %dma_wait3A_462 : memref<1x10240x128xf32, #tpu.memory_space<hbm>> -> memref<10240x128xf32, #tpu.memory_space<hbm>>
      %dma_wait3A_464 = arith.constant 0 : i32
      %dma_wait3A_465 = tpu.memref_slice %dma_wait3A_463[%mul3A_450, %dma_wait3A_464] : memref<10240x128xf32, #tpu.memory_space<hbm>> -> memref<640x128xf32, #tpu.memory_space<hbm>>
      %dma_wait3A_466 = arith.constant 0 : i32
      %dma_wait3A_467 = tpu.memref_slice %arg13[%mul3A_448, %dma_wait3A_466] : memref<10240x128xf32, #tpu.memory_space<vmem_shared>> -> memref<640x128xf32, #tpu.memory_space<vmem_shared>>
      tpu.wait_dma2 semaphore(%run_scoped3A_451 : memref<!tpu.dma_semaphore, #tpu.memory_space<semaphore_mem>>) src(%dma_wait3A_467 : memref<640x128xf32, #tpu.memory_space<vmem_shared>>) dst(%dma_wait3A_465 : memref<640x128xf32, #tpu.memory_space<hbm>>)
      tpu.yield
    }) : () -> ()
    return
  }
}

module attributes {stable_mosaic.version = 14 : i64} {
  func.func @_matmul_body(%arg0: i32, %arg1: memref<512x128xf32, #tpu.memory_space<vmem>>, %arg2: memref<128x128xf32, #tpu.memory_space<vmem>>, %arg3: memref<512x128xf32, #tpu.memory_space<vmem>>) attributes {dimension_semantics = [#tpu.dimension_semantics<arbitrary>], iteration_bounds = array<i64: 20>, scalar_prefetch = 0 : i64, scratch_operands = 0 : i64, tpu.core_type = #tpu.core_type<tc>, window_params = [{transform_indices = @transform_0, window_bounds = array<i64: 512, 128>}, {pipeline_mode = #tpu.pipeline_mode<synchronous>, transform_indices = @transform_1, window_bounds = array<i64: 128, 128>}, {transform_indices = @transform_2, window_bounds = array<i64: 512, 128>}]} {
    %get3A = arith.constant 0 : index
    %get3A_0 = arith.constant 0 : index
    %get3A_1 = vector.load %arg1[%get3A, %get3A_0] : memref<512x128xf32, #tpu.memory_space<vmem>>, vector<512x128xf32>
    %get3A_2 = arith.constant 0 : index
    %get3A_3 = arith.constant 0 : index
    %get3A_4 = vector.load %arg2[%get3A_2, %get3A_3] : memref<128x128xf32, #tpu.memory_space<vmem>>, vector<128x128xf32>
    %dot_general3A = arith.constant dense<0.000000e+00> : vector<512x128xf32>
    %dot_general3A_5 = tpu.matmul %get3A_1, %get3A_4, %dot_general3A {dimension_numbers = #tpu.dot_dimension_numbers<[1], [0], [0], [1], [0, 0, 1, 1], [], []>, precision = #tpu.contract_precision<fp32>, transpose_lhs_hint = false} : vector<512x128xf32>, vector<128x128xf32>, vector<512x128xf32> -> vector<512x128xf32>
    %swap3A = arith.constant 0 : index
    %swap3A_6 = arith.constant 0 : index
    %swap3A_7 = vector.load %arg3[%swap3A, %swap3A_6] : memref<512x128xf32, #tpu.memory_space<vmem>>, vector<512x128xf32>
    tpu.vector_store %arg3[%swap3A, %swap3A_6], %dot_general3A_5 {strides = array<i32>} : memref<512x128xf32, #tpu.memory_space<vmem>>, vector<512x128xf32>,
    return
  }
  func.func @transform_0(%arg0: i32) -> (i32, i32) {
    %c0_i32 = arith.constant 0 : i32
    %c0_i32_0 = arith.constant 0 : i32
    return %arg0, %c0_i32 : i32, i32
  }
  func.func @transform_1(%arg0: i32) -> (i32, i32) {
    %c0_i32 = arith.constant 0 : i32
    %c0_i32_0 = arith.constant 0 : i32
    %c0_i32_1 = arith.constant 0 : i32
    return %c0_i32, %c0_i32_0 : i32, i32
  }
  func.func @transform_2(%arg0: i32) -> (i32, i32) {
    %c0_i32 = arith.constant 0 : i32
    %c0_i32_0 = arith.constant 0 : i32
    return %arg0, %c0_i32 : i32, i32
  }
}

module attributes {stable_mosaic.version = 14 : i64} {
  func.func @_scale_body(%arg0: i32, %arg1: memref<1024x128xf32, #tpu.memory_space<vmem>>, %arg2: memref<1x1024x128xf32, #tpu.memory_space<vmem>>, %arg3: memref<1x1024x128xf32, #tpu.memory_space<vmem>>, %arg4: memref<1024x128xf32, #tpu.memory_space<vmem>>) attributes {dimension_semantics = [#tpu.dimension_semantics<arbitrary>], iteration_bounds = array<i64: 10>, scalar_prefetch = 0 : i64, scratch_operands = 0 : i64, tpu.core_type = #tpu.core_type<tc>, window_params = [{transform_indices = @transform_0, window_bounds = array<i64: 1024, 128>}, {transform_indices = @transform_1, window_bounds = array<i64: 1, 1024, 128>}, {transform_indices = @transform_2, window_bounds = array<i64: 1, 1024, 128>}, {transform_indices = @transform_3, window_bounds = array<i64: 1024, 128>}]} {
    %get3A = arith.constant 0 : index
    %get3A_0 = arith.constant 0 : index
    %get3A_1 = arith.constant 0 : index
    %get3A_2 = vector.load %arg2[%get3A, %get3A_0, %get3A_1] : memref<1x1024x128xf32, #tpu.memory_space<vmem>>, vector<1x1024x128xf32>
    %get3A_3 = vector.shape_cast %get3A_2 : vector<1x1024x128xf32> to vector<1024x128xf32>
    %get3A_4 = arith.constant 0 : index
    %get3A_5 = arith.constant 0 : index
    %get3A_6 = arith.constant 0 : index
    %get3A_7 = vector.load %arg3[%get3A_4, %get3A_5, %get3A_6] : memref<1x1024x128xf32, #tpu.memory_space<vmem>>, vector<1x1024x128xf32>
    %get3A_8 = vector.shape_cast %get3A_7 : vector<1x1024x128xf32> to vector<1024x128xf32>
    %add3A = arith.addf %get3A_3, %get3A_8 : vector<1024x128xf32>
    %add3A_9 = arith.constant 1.000000e+00 : f32
    %add3A_10 = vector.broadcast %add3A_9 : f32 to vector<1024x128xf32>
    %add3A_11 = arith.addf %add3A, %add3A_10 : vector<1024x128xf32>
    %rsqrt3A = math.rsqrt %add3A_11 : vector<1024x128xf32>
    %get3A_12 = arith.constant 0 : index
    %get3A_13 = arith.constant 0 : index
    %get3A_14 = vector.load %arg1[%get3A_12, %get3A_13] : memref<1024x128xf32, #tpu.memory_space<vmem>>, vector<1024x128xf32>
    %mul3A = arith.mulf %rsqrt3A, %get3A_14 : vector<1024x128xf32>
    %swap3A = arith.constant 0 : index
    %swap3A_15 = arith.constant 0 : index
    %swap3A_16 = vector.load %arg4[%swap3A, %swap3A_15] : memref<1024x128xf32, #tpu.memory_space<vmem>>, vector<1024x128xf32>
    tpu.vector_store %arg4[%swap3A, %swap3A_15], %mul3A {strides = array<i32>} : memref<1024x128xf32, #tpu.memory_space<vmem>>, vector<1024x128xf32>,
    return
  }
  func.func @transform_0(%arg0: i32) -> (i32, i32) {
    %c0_i32 = arith.constant 0 : i32
    %c0_i32_0 = arith.constant 0 : i32
    return %arg0, %c0_i32 : i32, i32
  }
  func.func @transform_1(%arg0: i32) -> (i32, i32, i32) {
    %c0_i32 = arith.constant 0 : i32
    %c0_i32_0 = arith.constant 0 : i32
    %c0_i32_1 = arith.constant 0 : i32
    return %c0_i32, %arg0, %c0_i32_0 : i32, i32, i32
  }
  func.func @transform_2(%arg0: i32) -> (i32, i32, i32) {
    %c1_i32 = arith.constant 1 : i32
    %c0_i32 = arith.constant 0 : i32
    %c0_i32_0 = arith.constant 0 : i32
    return %c1_i32, %arg0, %c0_i32 : i32, i32, i32
  }
  func.func @transform_3(%arg0: i32) -> (i32, i32) {
    %c0_i32 = arith.constant 0 : i32
    %c0_i32_0 = arith.constant 0 : i32
    return %arg0, %c0_i32 : i32, i32
  }
}

module attributes {stable_mosaic.version = 14 : i64} {
  func.func @_finalize_body(%arg0: i32, %arg1: memref<1x1000x128xf32, #tpu.memory_space<vmem>>, %arg2: memref<1x1000x128xf32, #tpu.memory_space<vmem>>, %arg3: memref<1000x128xf32, #tpu.memory_space<vmem>>, %arg4: memref<1x1000x128xf32, #tpu.memory_space<vmem>>, %arg5: memref<1x1000x128xf32, #tpu.memory_space<vmem>>, %arg6: memref<1000x128xf32, #tpu.memory_space<vmem>>) attributes {dimension_semantics = [#tpu.dimension_semantics<arbitrary>], iteration_bounds = array<i64: 10>, scalar_prefetch = 0 : i64, scratch_operands = 0 : i64, tpu.core_type = #tpu.core_type<tc>, window_params = [{transform_indices = @transform_0, window_bounds = array<i64: 1, 1000, 128>}, {transform_indices = @transform_1, window_bounds = array<i64: 1, 1000, 128>}, {transform_indices = @transform_2, window_bounds = array<i64: 1000, 128>}, {transform_indices = @transform_3, window_bounds = array<i64: 1, 1000, 128>}, {transform_indices = @transform_4, window_bounds = array<i64: 1, 1000, 128>}, {transform_indices = @transform_5, window_bounds = array<i64: 1000, 128>}]} {
    %get3A = arith.constant 0 : index
    %get3A_0 = arith.constant 0 : index
    %get3A_1 = arith.constant 0 : index
    %get3A_2 = vector.load %arg4[%get3A, %get3A_0, %get3A_1] : memref<1x1000x128xf32, #tpu.memory_space<vmem>>, vector<1x1000x128xf32>
    %get3A_3 = vector.shape_cast %get3A_2 : vector<1x1000x128xf32> to vector<1000x128xf32>
    %get3A_4 = arith.constant 0 : index
    %get3A_5 = arith.constant 0 : index
    %get3A_6 = arith.constant 0 : index
    %get3A_7 = vector.load %arg5[%get3A_4, %get3A_5, %get3A_6] : memref<1x1000x128xf32, #tpu.memory_space<vmem>>, vector<1x1000x128xf32>
    %get3A_8 = vector.shape_cast %get3A_7 : vector<1x1000x128xf32> to vector<1000x128xf32>
    %add3A = arith.addf %get3A_3, %get3A_8 : vector<1000x128xf32>
    %add3A_9 = arith.constant 1.000000e+00 : f32
    %add3A_10 = vector.broadcast %add3A_9 : f32 to vector<1000x128xf32>
    %add3A_11 = arith.addf %add3A, %add3A_10 : vector<1000x128xf32>
    %get3A_12 = arith.constant 0 : index
    %get3A_13 = arith.constant 0 : index
    %get3A_14 = arith.constant 0 : index
    %get3A_15 = vector.load %arg1[%get3A_12, %get3A_13, %get3A_14] : memref<1x1000x128xf32, #tpu.memory_space<vmem>>, vector<1x1000x128xf32>
    %get3A_16 = vector.shape_cast %get3A_15 : vector<1x1000x128xf32> to vector<1000x128xf32>
    %get3A_17 = arith.constant 0 : index
    %get3A_18 = arith.constant 0 : index
    %get3A_19 = arith.constant 0 : index
    %get3A_20 = vector.load %arg2[%get3A_17, %get3A_18, %get3A_19] : memref<1x1000x128xf32, #tpu.memory_space<vmem>>, vector<1x1000x128xf32>
    %get3A_21 = vector.shape_cast %get3A_20 : vector<1x1000x128xf32> to vector<1000x128xf32>
    %add3A_22 = arith.addf %get3A_16, %get3A_21 : vector<1000x128xf32>
    %get3A_23 = arith.constant 0 : index
    %get3A_24 = arith.constant 0 : index
    %get3A_25 = vector.load %arg3[%get3A_23, %get3A_24] : memref<1000x128xf32, #tpu.memory_space<vmem>>, vector<1000x128xf32>
    %add3A_26 = arith.addf %add3A_22, %get3A_25 : vector<1000x128xf32>
    %rsqrt3A = math.rsqrt %add3A_11 : vector<1000x128xf32>
    %mul3A = arith.mulf %rsqrt3A, %add3A_26 : vector<1000x128xf32>
    %swap3A = arith.constant 0 : index
    %swap3A_27 = arith.constant 0 : index
    %swap3A_28 = vector.load %arg6[%swap3A, %swap3A_27] : memref<1000x128xf32, #tpu.memory_space<vmem>>, vector<1000x128xf32>
    tpu.vector_store %arg6[%swap3A, %swap3A_27], %mul3A {strides = array<i32>} : memref<1000x128xf32, #tpu.memory_space<vmem>>, vector<1000x128xf32>,
    return
  }
  func.func @transform_0(%arg0: i32) -> (i32, i32, i32) {
    %c0_i32 = arith.constant 0 : i32
    %c0_i32_0 = arith.constant 0 : i32
    %c0_i32_1 = arith.constant 0 : i32
    return %c0_i32, %arg0, %c0_i32_0 : i32, i32, i32
  }
  func.func @transform_1(%arg0: i32) -> (i32, i32, i32) {
    %c1_i32 = arith.constant 1 : i32
    %c0_i32 = arith.constant 0 : i32
    %c0_i32_0 = arith.constant 0 : i32
    return %c1_i32, %arg0, %c0_i32 : i32, i32, i32
  }
  func.func @transform_2(%arg0: i32) -> (i32, i32) {
    %c0_i32 = arith.constant 0 : i32
    %c0_i32_0 = arith.constant 0 : i32
    return %arg0, %c0_i32 : i32, i32
  }
  func.func @transform_3(%arg0: i32) -> (i32, i32, i32) {
    %c0_i32 = arith.constant 0 : i32
    %c0_i32_0 = arith.constant 0 : i32
    %c0_i32_1 = arith.constant 0 : i32
    return %c0_i32, %arg0, %c0_i32_0 : i32, i32, i32
  }
  func.func @transform_4(%arg0: i32) -> (i32, i32, i32) {
    %c1_i32 = arith.constant 1 : i32
    %c0_i32 = arith.constant 0 : i32
    %c0_i32_0 = arith.constant 0 : i32
    return %c1_i32, %arg0, %c0_i32 : i32, i32, i32
  }
  func.func @transform_5(%arg0: i32) -> (i32, i32) {
    %c0_i32 = arith.constant 0 : i32
    %c0_i32_0 = arith.constant 0 : i32
    return %arg0, %c0_i32 : i32, i32
  }
}

</mosaic_0001>

<sc_bundles>
// kernel: kernel.10.cloned.1.call-start
scs
__scs_entry_jumppad:
0x0: {  	(pc) =	sbr.rel $0x88, $3  }
0x1: {  	(tag) =	ssettag $0x0;
	lr =	simm.s32 $0x1  }
0x2: {  	[smem:$0x3F98] =	sst lr;
	_ =	strace $0xD0000000  }
0x3: {  	_ = 	snop  }
0x4: {  	_ = 	snop  }
0x5: {  	_ = 	snop  }
0x6: {  	_ = 	snop  }
0x7: {  	_ = 	snop  }
__scs_overlays_trampoline_lowered:
0x8: {  	[smem:$0x3FA7] =	sst s0  }
0x9: {  	[smem:$0x3FA8] =	sst s1  }
0xa: {  	[smem:$0x3FA9] =	sst s2  }
0xb: {  	[smem:$0x3FAA] =	sst s3  }
0xc: {  	[smem:$0x3FAB] =	sst s4  }
0xd: {  	[smem:$0x3FAC] =	sst s5  }
0xe: {  	[smem:$0x3FAD] =	sst s6  }
0xf: {  	[smem:$0x3FAE] =	sst s7  }
0x10: {  	[smem:$0x3FAF] =	sst s8  }
0x11: {  	[smem:$0x3FB0] =	sst s9;
	s0 =	simm.s32 @!p0 $0x0  }
0x12: {  	s1 =	sld [smem:$0x3F96];
	s0 =	simm.s32 @p0 $0x1  }
0x13: {  	[smem:$0x3FB1] =	sst s0;
	s0 =	simm.s32 @!p1 $0x0  }
0x14: {  	s2 =	sld [smem:$0x3F95];
	s0 =	simm.s32 @p1 $0x1  }
0x15: {  	[smem:$0x3FB2] =	sst s0;
	s0 =	simm.s32 @!p2 $0x0  }
0x16: {  	s3 =	sld [smem:$0x3FDB];
	s0 =	simm.s32 @p2 $0x1  }
0x17: {  	s4 =	simm.s32 $0x1BF5;
	[smem:$0x3FB4] =	sst s0  }
0x18: {  	s0 =	sld [smem:$0x3F97];
	_ =	swait.ge [sflag:s4], $0x0  }
0x19: {  	s7 =	sld [smem:$0x3F98]  }
0x1a: {  	s8 =	sadd.s32 $0xFFFFE003, lr  }
0x1b: {  	s9 =	sadd.s32 $0xFFFFFEF7, lr;
	s5 =	simm.s32 $0xFFFFFFFF;
	p2 =	slt.u32 s8, $0xFFFFF086  }
0x1c: {  	p1 =	slt.u32 s9, $0xF7A;
	s5 =	simm.s32 @!p2 $0x0  }
0x1d: {  	s5 =	simm.s32 @p1 $0x1;
	p0 =	seq.s32 s7, s2  }
0x1e: {  	s7 =	smul.u32 @!p0 $0xF7A, s2;
	p2 =	seq.s32 @!p0 s5, $0x0  }
0x1f: {  	s9 =	smul.u32 $0xF7A, s1;
	s8 =	simm.s32 @!p0 $0x1BF5;
	p2 =	por !p2, p0  }
0x20: {  	[sflag:s8] =	ssyncset.s32 @!p0 $0xFFFFF086;
	s6 =	sadd.s32 @!p0 s3, s7;
	s7 =	simm.s32 @!p0 $0x108  }
0x21: {  	s3 =	sadd.s32 s3, s9;
	s6 =	sadd.s32 @!p0 $0x88, s6;
	s7 =	simm.s32 @p2 $0x1082  }
0x22: {  	[simem:s7], [sflag:s8] =	dma.local @!p0 [hbm:s6], $0xF7A  }
0x23: {  	s9 =	sor.u32 $0xD0000000, s2;
	s6 =	simm.s32 $0x108;
	_ =	swait.ge @!p0 [sflag:s8], $0x0  }
0x24: {  	s3 =	sadd.s32 $0x88, s3;
	s6 =	simm.s32 @!p1 $0x1082;
	[sflag:s4] =	ssyncset.s32 $0xFFFFF086  }
0x25: {  	[simem:s6], [sflag:s4] =	dma.local [hbm:s3], $0xF7A  }
0x26: {  	[smem:$0x3F98] =	sst s1;
	(tag) =	ssettag s2;
	_ =	strace s9  }
0x27: {  	s1 =	sld [smem:$0x3FA8]  }
0x28: {  	s2 =	sld [smem:$0x3FA9]  }
0x29: {  	s4 =	sld [smem:$0x3FAB]  }
0x2a: {  	p0 =	seq.s32 s5, $0x0;
	s5 =	sld [smem:$0x3FAC]  }
0x2b: {  	s6 =	sld [smem:$0x3FAD]  }
0x2c: {  	s7 =	sld [smem:$0x3FAE]  }
0x2d: {  	s3 =	simm.s32 $0x108;
	s8 =	sld [smem:$0x3FAF]  }
0x2e: {  	s3 =	simm.s32 @!p0 $0x1082;
	s9 =	sld [smem:$0x3FB0]  }
0x2f: {  	lr =	sadd.s32 s0, s3;
	s0 =	sld [smem:$0x3FA7]  }
0x30: {  	s3 =	sld [smem:$0x3FAA]  }
0x31: {  	[smem:$0x3FB3] =	sst s10  }
0x32: {  	s10 =	sld [smem:$0x3FB1];
	_ =	sdelay $0x3  }
0x33: {  	p0 =	seq.s32 s10, $0x1;
	s10 =	sld [smem:$0x3FB3];
	_ =	sdelay $0x3  }
0x34: {  	[smem:$0x3FB3] =	sst s10  }
0x35: {  	s10 =	sld [smem:$0x3FB2];
	_ =	sdelay $0x3  }
0x36: {  	p1 =	seq.s32 s10, $0x1;
	s10 =	sld [smem:$0x3FB3];
	_ =	sdelay $0x3  }
0x37: {  	[smem:$0x3FB3] =	sst s10  }
0x38: {  	s10 =	sld [smem:$0x3FB4]  }
0x39: {  	_ = 	snop;
	(pc) =	sbr.ind lr, $3  }
0x3a: {  	_ = 	snop  }
0x3b: {  	_ = 	snop  }
0x3c: {  	p2 =	seq.s32 s10, $0x1;
	s10 =	sld [smem:$0x3FB3]  }
0x3d: {  	_ =	shalt  }
0x3e: {  	_ =	shalt  }
0x3f: {  	_ =	shalt  }
0x40: {  	_ =	shalt  }
0x41: {  	_ =	shalt  }
0x42: {  	_ =	shalt  }
0x43: {  	_ =	shalt  }
0x44: {  	_ =	shalt  }
0x45: {  	_ =	shalt  }
0x46: {  	_ =	shalt  }
0x47: {  	_ =	shalt  }
0x48: {  	_ =	shalt  }
0x49: {  	_ =	shalt  }
0x4a: {  	_ =	shalt  }
0x4b: {  	_ =	shalt  }
0x4c: {  	_ =	shalt  }
0x4d: {  	_ =	shalt  }
0x4e: {  	_ =	shalt  }
0x4f: {  	_ =	shalt  }
0x50: {  	_ =	shalt  }
0x51: {  	_ =	shalt  }
0x52: {  	_ =	shalt  }
0x53: {  	_ =	shalt  }
0x54: {  	_ =	shalt  }
0x55: {  	_ =	shalt  }
0x56: {  	_ =	shalt  }
0x57: {  	_ =	shalt  }
0x58: {  	_ =	shalt  }
0x59: {  	_ =	shalt  }
0x5a: {  	_ =	shalt  }
0x5b: {  	_ =	shalt  }
0x5c: {  	_ =	shalt  }
0x5d: {  	_ =	shalt  }
0x5e: {  	_ =	shalt  }
0x5f: {  	_ =	shalt  }
0x60: {  	_ =	shalt  }
0x61: {  	_ =	shalt  }
0x62: {  	_ =	shalt  }
0x63: {  	_ =	shalt  }
0x64: {  	_ =	shalt  }
0x65: {  	_ =	shalt  }
0x66: {  	_ =	shalt  }
0x67: {  	_ =	shalt  }
0x68: {  	_ =	shalt  }
0x69: {  	_ =	shalt  }
0x6a: {  	_ =	shalt  }
0x6b: {  	_ =	shalt  }
0x6c: {  	_ =	shalt  }
0x6d: {  	_ =	shalt  }
0x6e: {  	_ =	shalt  }
0x6f: {  	_ =	shalt  }
0x70: {  	_ =	shalt  }
0x71: {  	_ =	shalt  }
0x72: {  	_ =	shalt  }
0x73: {  	_ =	shalt  }
0x74: {  	_ =	shalt  }
0x75: {  	_ =	shalt  }
0x76: {  	_ =	shalt  }
0x77: {  	_ =	shalt  }
0x78: {  	_ =	shalt  }
0x79: {  	_ =	shalt  }
0x7a: {  	_ =	shalt  }
0x7b: {  	_ =	shalt  }
0x7c: {  	_ =	shalt  }
0x7d: {  	_ =	shalt  }
0x7e: {  	_ =	shalt  }
0x7f: {  	_ =	shalt  }
0x80: {  	_ =	shalt  }
0x81: {  	_ =	shalt  }
0x82: {  	_ =	shalt  }
0x83: {  	_ =	shalt  }
0x84: {  	_ =	shalt  }
0x85: {  	_ =	shalt  }
0x86: {  	_ =	shalt  }
0x87: {  	_ =	shalt  }
.Lfunc_end0:
.L_simem_size_0:
called_computation.1_lowered:
.L_overlay_start_0:
0x88: {  	s2 =	sld [smem:$0x3FD9]  }
0x89: {  	s3 =	sld [smem:$0x3FFE];
	_ =	sdelay $0x1  }
0x8a: {  	s1 =	srdreg.scid  }
0x8b: {  	s0 =	sand.u32 $0x1, s1  }
0x8c: {  	s17 =	sshll.u32 s0, $0xA;
	s2 =	sadd.s32 s3, s2  }
0x8d: {  	s2 =	sadd.s32 s2, s17  }
0x8e: {  	[smem:$0x3FBF] =	sst s2  }
0x8f: {  	_ = 	snop  }
0x90: {  	s2 =	sld [smem:$0x3FC9]  }
0x91: {  	s18 =	sld [smem:$0x3FC8]  }
0x92: {  	s4 =	sld [smem:$0x3FC7]  }
0x93: {  	s5 =	sld [smem:$0x3FC6]  }
0x94: {  	s6 =	sld [smem:$0x3FC5]  }
0x95: {  	s7 =	sld [smem:$0x3FC4]  }
0x96: {  	s8 =	sld [smem:$0x3FD0];
	(tm) =	ssettm $0x1  }
0x97: {  	s9 =	sld [smem:$0x3FFB];
	_ =	sdelay $0x3  }
0x98: {  	_ =	strace s9  }
0x99: {  	s9 =	sld [smem:$0x3FFC];
	_ =	sdelay $0x3  }
0x9a: {  	_ =	strace s9  }
0x9b: {  	s9 =	sld [smem:$0x3FFD];
	_ =	sdelay $0x3  }
0x9c: {  	_ =	strace s9  }
0x9d: {  	_ =	strace $0x8FFFFFFF  }
0x9e: {  	s19 =	sld [smem:$0x3FDB];
	_ =	sdelay $0x1  }
0x9f: {  	s10 =	simm.s32 $_scs_section_size  }
0xa0: {  	s11 =	simm.s32 $_size__tile_overlayer_lowered;
	s12 =	simm.s32 $_tile_overlayer_lowered  }
0xa1: {  	s22 =	simm.s32 $0x1BFF;
	s21 =	sshll.u32 s12, $0x1;
	s9 =	sadd.s32 s10, s19  }
0xa2: {  	s13 =	simm.s32 $0x0;
	s20 =	sshll.u32 s11, $0x1;
	s11 =	sadd.s32 s21, s9  }
0xa3: {  	[timem:s13], [sflag:s22] =	dma.local [hbm:s11], s20  }
0xa4: {  	_ =	swait.ge [sflag:s22], s20  }
0xa5: {  	s10 =	ssub.s32 $0x0, s20;
	[sflag:s22] =	ssyncset.done $0x0  }
0xa6: {  	[sflag:s22] =	ssyncadd.s32 s10;
	_ =	sdelay $0x1  }
0xa7: {  	s23 =	simm.s32 $0x1B8B  }
0xa8: {  	_ =	swait.ge [sflag:s23], $0x1  }
0xa9: {  	[sflag:s23] =	ssyncset.done $0x0  }
0xaa: {  	s25 =	simm.s32 $0x1B8E;
	s24 =	sld [smem:$0x3FFE];
	[sflag:s23] =	ssyncadd.s32 $0xFFFFFFFF  }
0xab: {  	s26 =	simm.s32 $execute0_lowered;
	[smem:$0x3FD2] =	sst s25  }
0xac: {  	s11 =	sshll.u32 s26, $0x1;
	_ =	strace $0x80000049;
	[dreg:$0x1] =	wrdreg $0xFFFFFFFF  }
0xad: {  	s28 =	simm.s32 $_size_execute0_lowered;
	s9 =	sadd.s32 s9, s11;
	[dreg:$0x0] =	wrdreg $0x0  }
0xae: {  	s11 =	sshll.u32 s28, $0x1;
	[dreg:$0x2] =	wrdreg s9  }
0xaf: {  	[dreg:$0x3] =	wrdreg s11  }
0xb0: {  	[dreg:$0x4] =	wrdreg $0xC0  }
0xb1: {  	_ =	task [dreg:s13], $0x5FFFF  }
0xb2: {  	[dreg:$0x1] =	wrdreg $0xFFFFFFFF  }
0xb3: {  	[dreg:$0x0] =	wrdreg $0x60  }
0xb4: {  	[dreg:$0x2] =	wrdreg s8  }
0xb5: {  	[dreg:$0x3] =	wrdreg s24  }
0xb6: {  	[dreg:$0x4] =	wrdreg s2  }
0xb7: {  	[dreg:$0x5] =	wrdreg s18  }
0xb8: {  	[dreg:$0x6] =	wrdreg s4  }
0xb9: {  	[dreg:$0x7] =	wrdreg s5  }
0xba: {  	[dreg:$0x8] =	wrdreg s6  }
0xbb: {  	[dreg:$0x9] =	wrdreg s7  }
0xbc: {  	[dreg:$0xa] =	wrdreg $0x84000  }
0xbd: {  	[dreg:$0xb] =	wrdreg $0x9  }
0xbe: {  	_ =	task.clear_ibuf [dreg:s13], $0xCFFFF;
	_ =	strace $0x90000049  }
0xbf: {  	s29 =	simm.s32 $0x9;
	_ =	strace $0x8000004B  }
0xc0: {  	_ =	swait.ge [sflag:s29], $0x1  }
0xc1: {  	[sflag:s29] =	ssyncadd.s32 $0xFFFFFFFF  }
0xc2: {  	_ =	strace $0x9000004B  }
0xc3: {  	_ =	sfence  }
0xc4: {  	s30 =	sld [smem:$0x0];
	_ =	sdelay $0x2  }
0xc5: {  	s31 =	sshll.u32 s1, $0xD;
	s1 =	sshrl.u32 s1, $0x2  }
0xc6: {  	s3 =	sand.u32 $0x4000, s31;
	s1 =	sadd.s32 s1, s30  }
0xc7: {  	s0 =	sor.u32 s3, s0;
	s1 =	sshll.u32 s1, $0x11  }
0xc8: {  	s0 =	sor.u32 s1, s0  }
0xc9: {  	s0 =	sadd.s32 $0x8F2B, s0  }
0xca: {  	[sflag:s0] =	ssyncadd.remote.s32 $0x1  }
0xcb: {  	_ =	sfence.sel $0xFFFF  }
0xcc: {  	[dreg:$0x0] =	wrdreg $0xFFFFFFFF;
	(pc) =	sbr.abs _section_cstart, $3  }
0xcd: {  	[dreg:$0x1] =	wrdreg $0xFFFFFFFF  }
0xce: {  	_ =	task.clear_ibuf [dreg:s13], $0x2FFFF;
	_ =	strace $0x9FFFFFFF  }
0xcf: {  	(tm) =	ssettm $0x7FFFFFFF  }
tec
execute0_lowered:
.L_overlay_start_1:
0x0: {  	(tag) =	ssettag $0x1  }
0x1: {  	s0 =	rddreg [dreg:$0x0]  }
0x2: {  	s1 =	rddreg [dreg:$0x1]  }
0x3: {  	s7 =	rddreg [dreg:$0x8];
	s8 =	simm.s32 $0x0  }
0x4: {  	s2 =	srdreg.scid;
	s9 =	stileid.u32;
	s28 =	simm.s32 $0x1  }
0x5: {  	s29 =	simm.s32 $0x5;
	s30 =	simm.s32 $0x2;
	s31 =	simm.s32 $0x180  }
0x6: {  	s12 =	simm.s32 $0x280;
	s13 =	simm.s32 $0x380;
	s5 =	smul.u32 $0x50000, s9  }
0x7: {  	s14 =	simm.s32 $0x0;
	[smem:$0x7FF] =	sst s8;
	s19 =	smul.u32 $0x50, s9  }
0x8: {  	s2 =	sand.u32 $0x1, s2;
	s10 =	sadd.s32 $0x51400, s1;
	s26 =	smul.u32 $0x2800, s9  }
0x9: {  	s3 =	smul.u32 $0x28000, s2;
	_ =	strace $0x8000004A;
	s4 =	sshll.u32 s2, $0x4  }
0xa: {  	s18 =	ssub.s32 $0x2, s2;
	s2 =	smul.u32 $0x500, s2;
	s17 =	sor.u32 s9, s4  }
0xb: {  	s5 =	sshrl.u32 s5, $0x2;
	s6 =	sshrl.u32 s18, $0x1;
	s9 =	simm.s32 $0x6  }
0xc: {  	s1 =	sadd.s32 s3, s1;
	s3 =	smul.u32 $0xA00, s17;
	s11 =	sadd.s32 s5, s7  }
0xd: {  	s4 =	ssub.s32 s18, s6;
	s2 =	sadd.s32 s19, s2;
	s5 =	sadd.s32 $0x4000, s11  }
0xe: {  	s6 =	simm.s32 $0x80;
	s20 =	sadd.s32 $0x8000, s11;
	[dreg:$0xa] =	wrdreg s5  }
0xf: {  	s21 =	sadd.s32 $0xC000, s11;
	s22 =	sadd.s32 $0x10000, s11;
	[dreg:$0xb] =	wrdreg s20  }
0x10: {  	s2 =	sshll.u32 s2, $0x5;
	s1 =	sadd.s32 $0x79400, s1;
	[dreg:$0xc] =	wrdreg s21  }
0x11: {  	s15 =	sadd.s32 s0, s3;
	[dreg:$0xd] =	wrdreg s22;
	s20 =	sadd.s32 s2, s0  }
0x12: {  	s21 =	smax.u32 s4, $0x1;
	s0 =	simm.s32 $0x400;
	s2 =	simm.s32 $0x3  }
0x13: {  	s3 =	simm.s32 $0x100;
	s4 =	simm.s32 $0x200;
	s23 =	sadd.s32 $0x20, s15  }
0x14: {  	s5 =	simm.s32 $0x300;
	s24 =	sadd.s32 $0x40, s15;
	[dreg:$0xe] =	wrdreg s23  }
0x15: {  	s25 =	sadd.s32 $0x60, s15;
	s22 =	sadd.s32 $0xC0, s20;
	[dreg:$0xf] =	wrdreg s24  }
0x16: {  	[dreg:$0x10] =	wrdreg s25;
	s23 =	sadd.s32 $0x80, s20;
	s24 =	sadd.s32 s26, s1  }
0x17: {  	v0 =	vimm.f32 $0.0e+00;
	s1 =	simm.s32 $0x7;
	s25 =	simm.s32 $0x4;
	s26 =	simm.s32 $0x4400  }
.LBB2_1:
0x18: {  	s16 =	rddreg [dreg:$0x2];
	s17 =	simm.s32 $0x1C400  }
0x19: {  	[tilespmem:s17], [sflag:$0x7] =	stream.linear.gather [hbm4b:s16+s8], $0x1, $0x38;
	[tilespmem:$0x1C700] =	vst v63  }
0x1a: {  	s18 =	rddreg [dreg:$0x3];
	s19 =	simm.s32 $0x1C480  }
0x1b: {  	[tilespmem:s19], [sflag:$0x7] =	stream.linear.gather [hbm4b:s18+s8], $0x1, $0x38;
	[tilespmem:$0x1C700] =	vst v63  }
0x1c: {  	s18 =	rddreg [dreg:$0x4];
	s19 =	simm.s32 $0x1C500  }
0x1d: {  	[tilespmem:s19], [sflag:$0x7] =	stream.linear.gather [hbm4b:s18+s8], $0x1, $0x38;
	[tilespmem:$0x1C700] =	vst v63  }
0x1e: {  	s18 =	rddreg [dreg:$0x5];
	s19 =	simm.s32 $0x1C580  }
0x1f: {  	[tilespmem:s19], [sflag:$0x7] =	stream.linear.gather [hbm4b:s18+s8], $0x1, $0x38;
	[tilespmem:$0x1C700] =	vst v63  }
0x20: {  	s18 =	rddreg [dreg:$0x6];
	s19 =	simm.s32 $0x1C600  }
0x21: {  	[tilespmem:s19], [sflag:$0x7] =	stream.linear.gather [hbm4b:s18+s8], $0x1, $0x38;
	[tilespmem:$0x1C700] =	vst v63  }
0x22: {  	s18 =	rddreg [dreg:$0x7];
	s19 =	simm.s32 $0x1C680  }
0x23: {  	[tilespmem:s19], [sflag:$0x7] =	stream.linear.gather [hbm4b:s18+s8], $0x1, $0x38;
	[tilespmem:$0x1C700] =	vst v63  }
0x24: {  	_ =	swait.ge [sflag:s1], $0x1  }
0x25: {  	[sflag:s1] =	ssyncset.done $0x0  }
0x26: {  	[sflag:s1] =	ssyncadd.s32 $0xFFFFFFFF  }
0x27: {  	_ =	swait.ge [sflag:s1], $0x1  }
0x28: {  	[sflag:s1] =	ssyncset.done $0x0  }
0x29: {  	[sflag:s1] =	ssyncadd.s32 $0xFFFFFFFF  }
0x2a: {  	_ =	swait.ge [sflag:s1], $0x1  }
0x2b: {  	[sflag:s1] =	ssyncset.done $0x0  }
0x2c: {  	[sflag:s1] =	ssyncadd.s32 $0xFFFFFFFF  }
0x2d: {  	_ =	swait.ge [sflag:s1], $0x1  }
0x2e: {  	[sflag:s1] =	ssyncset.done $0x0  }
0x2f: {  	[sflag:s1] =	ssyncadd.s32 $0xFFFFFFFF  }
0x30: {  	_ =	swait.ge [sflag:s1], $0x1  }
0x31: {  	[sflag:s1] =	ssyncset.done $0x0  }
0x32: {  	[sflag:s1] =	ssyncadd.s32 $0xFFFFFFFF  }
0x33: {  	_ =	swait.ge [sflag:s1], $0x1  }
0x34: {  	[sflag:s1] =	ssyncset.done $0x0  }
0x35: {  	s16 =	simm.s32 $0x0;
	s17 =	simm.s32 $0x200;
	[sflag:s1] =	ssyncadd.s32 $0xFFFFFFFF  }
.LBB2_2:
0x36: {  	p0 =	sne.s32 s17, $0xFE00;
	[tilespmem:s16+$0x470] =	vst v0  }
0x37: {  	[tilespmem:s16+$0x400] =	vst v0  }
0x38: {  	[tilespmem:s16+$0x410] =	vst v0  }
.Ltmp0:
0x39: {  	[tilespmem:s16+$0x420] =	vst v0;
	(pc) =	sbr.rel @p0 .LBB2_2-.Ltmp0, $4  }
0x3a: {  	[tilespmem:s16+$0x430] =	vst v0  }
0x3b: {  	[tilespmem:s16+$0x440] =	vst v0  }
0x3c: {  	[tilespmem:s16+$0x450] =	vst v0  }
0x3d: {  	[tilespmem:s16+$0x460] =	vst v0;
	s16 =	sshra.s32 s17, $0x2;
	s17 =	sadd.s32 $0x200, s17  }
0x3e: {  	[tilespmem:s16+$0x470] =	vst v0  }
0x3f: {  	[tilespmem:s16+$0x400] =	vst v0  }
0x40: {  	[tilespmem:s16+$0x410] =	vst v0  }
0x41: {  	[tilespmem:s16+$0x420] =	vst v0  }
0x42: {  	[tilespmem:s16+$0x430] =	vst v0  }
0x43: {  	[tilespmem:s16+$0x440] =	vst v0  }
0x44: {  	[tilespmem:s16+$0x450] =	vst v0  }
0x45: {  	[tilespmem:s16+$0x460] =	vst v0  }
0x46: {  	[spmem:s11] =	stream.linear.scatter [tilespmem:s0], [sflag:$0x3], $0x4000, $0x38;
	[tilespmem:$0x1C700] =	vst v63  }
0x47: {  	s17 =	rddreg [dreg:$0xa]  }
0x48: {  	[spmem:s17] =	stream.linear.scatter [tilespmem:s0], [sflag:$0x3], $0x4000, $0x38;
	[tilespmem:$0x1C700] =	vst v63  }
0x49: {  	s18 =	rddreg [dreg:$0xb]  }
0x4a: {  	[spmem:s18] =	stream.linear.scatter [tilespmem:s0], [sflag:$0x3], $0x4000, $0x38;
	[tilespmem:$0x1C700] =	vst v63  }
0x4b: {  	s19 =	rddreg [dreg:$0xc]  }
0x4c: {  	[spmem:s19] =	stream.linear.scatter [tilespmem:s0], [sflag:$0x3], $0x4000, $0x38;
	[tilespmem:$0x1C700] =	vst v63  }
0x4d: {  	s17 =	rddreg [dreg:$0xd]  }
0x4e: {  	[spmem:s17] =	stream.linear.scatter [tilespmem:s0], [sflag:$0x3], $0x4000, $0x38;
	[tilespmem:$0x1C700] =	vst v63  }
0x4f: {  	_ =	swait.ge [sflag:s2], $0x4000  }
0x50: {  	[sflag:s2] =	ssyncset.done $0x0  }
0x51: {  	[sflag:s2] =	ssyncadd.s32 $0xFFFFC000  }
0x52: {  	_ =	swait.ge [sflag:s2], $0x4000  }
0x53: {  	[sflag:s2] =	ssyncset.done $0x0  }
0x54: {  	[sflag:s2] =	ssyncadd.s32 $0xFFFFC000  }
0x55: {  	_ =	swait.ge [sflag:s2], $0x4000  }
0x56: {  	[sflag:s2] =	ssyncset.done $0x0  }
0x57: {  	[sflag:s2] =	ssyncadd.s32 $0xFFFFC000  }
0x58: {  	_ =	swait.ge [sflag:s2], $0x4000  }
0x59: {  	[sflag:s2] =	ssyncset.done $0x0  }
0x5a: {  	[sflag:s2] =	ssyncadd.s32 $0xFFFFC000  }
0x5b: {  	_ =	swait.ge [sflag:s2], $0x4000  }
0x5c: {  	[sflag:s2] =	ssyncset.done $0x0  }
0x5d: {  	[sflag:s2] =	ssyncadd.s32 $0xFFFFC000  }
0x5e: {  	s16 =	simm.s32 $0x0;
	[bflag:$0x0] =	sbarrier.arrive $0xFFFF  }
0x5f: {  	[tilespmem:s16], [sflag:$0x3] =	stream.linear.gather [hbm4b:s15+s16], $0x100, $0x38;
	[tilespmem:$0x1C700] =	vst v63  }
0x60: {  	s17 =	rddreg [dreg:$0xe]  }
0x61: {  	[tilespmem:s3], [sflag:$0x4] =	stream.linear.gather [hbm4b:s17+s16], $0x100, $0x38;
	[tilespmem:$0x1C700] =	vst v63  }
0x62: {  	s18 =	rddreg [dreg:$0xf]  }
0x63: {  	[tilespmem:s4], [sflag:$0x5] =	stream.linear.gather [hbm4b:s18+s16], $0x100, $0x38;
	[tilespmem:$0x1C700] =	vst v63  }
0x64: {  	s19 =	rddreg [dreg:$0x10]  }
0x65: {  	[tilespmem:s5], [sflag:$0x6] =	stream.linear.gather [hbm4b:s19+s16], $0x100, $0x38;
	[tilespmem:$0x1C700] =	vst v63  }
0x66: {  	_ =	swait.ge [sflag:s2], $0x100  }
0x67: {  	[sflag:s2] =	ssyncset.done $0x0  }
0x68: {  	[sflag:s2] =	ssyncadd.s32 $0xFFFFFF00  }
0x69: {  	[tilespmem:s0], [sflag:$0x1] =	stream.indirect.gather [hbm4b:s10+s6], $0x80, s16, s6, $0xb8;
	[tilespmem:$0x1C700] =	vst v63  }
0x6a: {  	_ =	swait.ge [sflag:s25], $0x100  }
0x6b: {  	[sflag:s25] =	ssyncset.done $0x0  }
0x6c: {  	[sflag:s25] =	ssyncadd.s32 $0xFFFFFF00  }
0x6d: {  	[tilespmem:s26], [sflag:$0x2] =	stream.indirect.gather [hbm4b:s10+s6], $0x80, s3, s6, $0xb8;
	[tilespmem:$0x1C700] =	vst v63  }
0x6e: {  	_ =	swait.ge [sflag:s28], $0x4000  }
0x6f: {  	[sflag:s28] =	ssyncset.done $0x0  }
0x70: {  	[sflag:s28] =	ssyncadd.s32 $0xFFFFC000  }
0x71: {  	[spmem:s7] =	stream.indirect.scatter.add.f32 [tilespmem:s0], [sflag:$0x7], $0x80, s6, s6, $0xb8;
	[tilespmem:$0x1C700] =	vst v63  }
0x72: {  	_ =	swait.ge [sflag:s1], $0x4000  }
0x73: {  	[sflag:s1] =	ssyncset.done $0x0  }
0x74: {  	s17 =	sadd.s32 $0x0, s23;
	[sflag:s1] =	ssyncadd.s32 $0xFFFFC000  }
0x75: {  	[tilespmem:s8], [sflag:$0x3] =	stream.linear.gather [hbm4b:s17+s8], $0x100, $0x38;
	[tilespmem:$0x1C700] =	vst v63  }
0x76: {  	_ =	swait.ge [sflag:s29], $0x100  }
0x77: {  	[sflag:s29] =	ssyncset.done $0x0  }
0x78: {  	[sflag:s29] =	ssyncadd.s32 $0xFFFFFF00  }
0x79: {  	[tilespmem:s0], [sflag:$0x1] =	stream.indirect.gather [hbm4b:s10+s6], $0x80, s4, s6, $0xb8;
	[tilespmem:$0x1C700] =	vst v63  }
0x7a: {  	_ =	swait.ge [sflag:s30], $0x4000  }
0x7b: {  	[sflag:s30] =	ssyncset.done $0x0  }
0x7c: {  	[sflag:s30] =	ssyncadd.s32 $0xFFFFC000  }
0x7d: {  	[spmem:s7] =	stream.indirect.scatter.add.f32 [tilespmem:s26], [sflag:$0x7], $0x80, s31, s6, $0xb8;
	[tilespmem:$0x1C700] =	vst v63  }
0x7e: {  	_ =	swait.ge [sflag:s1], $0x4000  }
0x7f: {  	s16 =	sadd.s32 $0x0, s20;
	[sflag:s1] =	ssyncset.done $0x0  }
0x80: {  	s18 =	sadd.s32 $0xA0, s16;
	[sflag:s1] =	ssyncadd.s32 $0xFFFFC000  }
0x81: {  	[tilespmem:s3], [sflag:$0x4] =	stream.linear.gather [hbm4b:s18+s8], $0x100, $0x38;
	[tilespmem:$0x1C700] =	vst v63  }
0x82: {  	_ =	swait.ge [sflag:s9], $0x100  }
0x83: {  	[sflag:s9] =	ssyncset.done $0x0  }
0x84: {  	[sflag:s9] =	ssyncadd.s32 $0xFFFFFF00  }
0x85: {  	[tilespmem:s26], [sflag:$0x2] =	stream.indirect.gather [hbm4b:s10+s6], $0x80, s5, s6, $0xb8;
	[tilespmem:$0x1C700] =	vst v63  }
0x86: {  	_ =	swait.ge [sflag:s28], $0x4000  }
0x87: {  	[sflag:s28] =	ssyncset.done $0x0  }
0x88: {  	[sflag:s28] =	ssyncadd.s32 $0xFFFFC000  }
0x89: {  	[spmem:s7] =	stream.indirect.scatter.add.f32 [tilespmem:s0], [sflag:$0x7], $0x80, s12, s6, $0xb8;
	[tilespmem:$0x1C700] =	vst v63  }
0x8a: {  	_ =	swait.ge [sflag:s1], $0x4000  }
0x8b: {  	[sflag:s1] =	ssyncset.done $0x0  }
0x8c: {  	s19 =	sadd.s32 $0x0, s22;
	[sflag:s1] =	ssyncadd.s32 $0xFFFFC000  }
0x8d: {  	[tilespmem:s4], [sflag:$0x5] =	stream.linear.gather [hbm4b:s19+s8], $0x100, $0x38;
	[tilespmem:$0x1C700] =	vst v63  }
0x8e: {  	_ =	swait.ge [sflag:s2], $0x100  }
0x8f: {  	[sflag:s2] =	ssyncset.done $0x0  }
0x90: {  	[sflag:s2] =	ssyncadd.s32 $0xFFFFFF00  }
0x91: {  	[tilespmem:s0], [sflag:$0x1] =	stream.indirect.gather [hbm4b:s10+s6], $0x80, s8, s6, $0xb8;
	[tilespmem:$0x1C700] =	vst v63  }
0x92: {  	_ =	swait.ge [sflag:s30], $0x4000  }
0x93: {  	[sflag:s30] =	ssyncset.done $0x0  }
0x94: {  	[sflag:s30] =	ssyncadd.s32 $0xFFFFC000  }
0x95: {  	[spmem:s7] =	stream.indirect.scatter.add.f32 [tilespmem:s26], [sflag:$0x7], $0x80, s13, s6, $0xb8;
	[tilespmem:$0x1C700] =	vst v63  }
0x96: {  	_ =	swait.ge [sflag:s1], $0x4000  }
0x97: {  	[sflag:s1] =	ssyncset.done $0x0  }
0x98: {  	s16 =	sadd.s32 $0xE0, s16;
	[sflag:s1] =	ssyncadd.s32 $0xFFFFC000  }
0x99: {  	[tilespmem:s5], [sflag:$0x6] =	stream.linear.gather [hbm4b:s16+s8], $0x100, $0x38;
	[tilespmem:$0x1C700] =	vst v63  }
0x9a: {  	_ =	swait.ge [sflag:s25], $0x100  }
0x9b: {  	[sflag:s25] =	ssyncset.done $0x0  }
0x9c: {  	s16 =	simm.s32 $0x80;
	[sflag:s25] =	ssyncadd.s32 $0xFFFFFF00  }
.LBB2_4:
0x9d: {  	[tilespmem:s26], [sflag:$0x2] =	stream.indirect.gather [hbm4b:s10+s6], $0x80, s3, s6, $0xb8;
	[tilespmem:$0x1C700] =	vst v63  }
0x9e: {  	s17 =	smov.u32 s16  }
0x9f: {  	p0 =	sne.s32 s16, $0x900;
	s16 =	sadd.s32 $0x80, s16;
	_ =	swait.ge [sflag:s28], $0x4000  }
0xa0: {  	[sflag:s28] =	ssyncset.done $0x0  }
0xa1: {  	[sflag:s28] =	ssyncadd.s32 $0xFFFFC000  }
0xa2: {  	[spmem:s7] =	stream.indirect.scatter.add.f32 [tilespmem:s0], [sflag:$0x7], $0x80, s6, s6, $0xb8;
	[tilespmem:$0x1C700] =	vst v63  }
0xa3: {  	_ =	swait.ge [sflag:s1], $0x4000  }
0xa4: {  	[sflag:s1] =	ssyncset.done $0x0  }
0xa5: {  	s18 =	sadd.s32 s17, s23;
	[sflag:s1] =	ssyncadd.s32 $0xFFFFC000  }
0xa6: {  	[tilespmem:s8], [sflag:$0x3] =	stream.linear.gather [hbm4b:s18+s8], $0x100, $0x38;
	[tilespmem:$0x1C700] =	vst v63  }
0xa7: {  	_ =	swait.ge [sflag:s29], $0x100  }
0xa8: {  	[sflag:s29] =	ssyncset.done $0x0  }
0xa9: {  	[sflag:s29] =	ssyncadd.s32 $0xFFFFFF00  }
0xaa: {  	[tilespmem:s0], [sflag:$0x1] =	stream.indirect.gather [hbm4b:s10+s6], $0x80, s4, s6, $0xb8;
	[tilespmem:$0x1C700] =	vst v63  }
0xab: {  	_ =	swait.ge [sflag:s30], $0x4000  }
0xac: {  	[sflag:s30] =	ssyncset.done $0x0  }
0xad: {  	[sflag:s30] =	ssyncadd.s32 $0xFFFFC000  }
0xae: {  	[spmem:s7] =	stream.indirect.scatter.add.f32 [tilespmem:s26], [sflag:$0x7], $0x80, s31, s6, $0xb8;
	[tilespmem:$0x1C700] =	vst v63  }
0xaf: {  	_ =	swait.ge [sflag:s1], $0x4000  }
0xb0: {  	s18 =	sadd.s32 s17, s20;
	[sflag:s1] =	ssyncset.done $0x0  }
0xb1: {  	s19 =	sadd.s32 $0xA0, s18;
	[sflag:s1] =	ssyncadd.s32 $0xFFFFC000  }
0xb2: {  	[tilespmem:s3], [sflag:$0x4] =	stream.linear.gather [hbm4b:s19+s8], $0x100, $0x38;
	[tilespmem:$0x1C700] =	vst v63  }
0xb3: {  	_ =	swait.ge [sflag:s9], $0x100  }
0xb4: {  	[sflag:s9] =	ssyncset.done $0x0  }
0xb5: {  	[sflag:s9] =	ssyncadd.s32 $0xFFFFFF00  }
0xb6: {  	[tilespmem:s26], [sflag:$0x2] =	stream.indirect.gather [hbm4b:s10+s6], $0x80, s5, s6, $0xb8;
	[tilespmem:$0x1C700] =	vst v63  }
0xb7: {  	_ =	swait.ge [sflag:s28], $0x4000  }
0xb8: {  	[sflag:s28] =	ssyncset.done $0x0  }
0xb9: {  	[sflag:s28] =	ssyncadd.s32 $0xFFFFC000  }
0xba: {  	[spmem:s7] =	stream.indirect.scatter.add.f32 [tilespmem:s0], [sflag:$0x7], $0x80, s12, s6, $0xb8;
	[tilespmem:$0x1C700] =	vst v63  }
0xbb: {  	_ =	swait.ge [sflag:s1], $0x4000  }
0xbc: {  	[sflag:s1] =	ssyncset.done $0x0  }
0xbd: {  	s17 =	sadd.s32 s17, s22;
	[sflag:s1] =	ssyncadd.s32 $0xFFFFC000  }
0xbe: {  	[tilespmem:s4], [sflag:$0x5] =	stream.linear.gather [hbm4b:s17+s8], $0x100, $0x38;
	[tilespmem:$0x1C700] =	vst v63  }
0xbf: {  	_ =	swait.ge [sflag:s2], $0x100  }
0xc0: {  	[sflag:s2] =	ssyncset.done $0x0  }
0xc1: {  	[sflag:s2] =	ssyncadd.s32 $0xFFFFFF00  }
0xc2: {  	[tilespmem:s0], [sflag:$0x1] =	stream.indirect.gather [hbm4b:s10+s6], $0x80, s8, s6, $0xb8;
	[tilespmem:$0x1C700] =	vst v63  }
0xc3: {  	_ =	swait.ge [sflag:s30], $0x4000  }
0xc4: {  	[sflag:s30] =	ssyncset.done $0x0  }
0xc5: {  	[sflag:s30] =	ssyncadd.s32 $0xFFFFC000  }
0xc6: {  	[spmem:s7] =	stream.indirect.scatter.add.f32 [tilespmem:s26], [sflag:$0x7], $0x80, s13, s6, $0xb8;
	[tilespmem:$0x1C700] =	vst v63  }
0xc7: {  	_ =	swait.ge [sflag:s1], $0x4000  }
0xc8: {  	[sflag:s1] =	ssyncset.done $0x0  }
.Ltmp1:
0xc9: {  	s17 =	sadd.s32 $0xE0, s18;
	[sflag:s1] =	ssyncadd.s32 $0xFFFFC000;
	(pc) =	sbr.rel @p0 .LBB2_4-.Ltmp1, $4  }
0xca: {  	[tilespmem:s5], [sflag:$0x6] =	stream.linear.gather [hbm4b:s17+s8], $0x100, $0x38;
	[tilespmem:$0x1C700] =	vst v63  }
0xcb: {  	_ =	swait.ge [sflag:s25], $0x100  }
0xcc: {  	[sflag:s25] =	ssyncset.done $0x0  }
0xcd: {  	[sflag:s25] =	ssyncadd.s32 $0xFFFFFF00  }
0xce: {  	[tilespmem:s26], [sflag:$0x2] =	stream.indirect.gather [hbm4b:s10+s6], $0x80, s3, s6, $0xb8;
	[tilespmem:$0x1C700] =	vst v63  }
0xcf: {  	_ =	swait.ge [sflag:s28], $0x4000  }
0xd0: {  	[sflag:s28] =	ssyncset.done $0x0  }
0xd1: {  	[sflag:s28] =	ssyncadd.s32 $0xFFFFC000  }
0xd2: {  	[spmem:s7] =	stream.indirect.scatter.add.f32 [tilespmem:s0], [sflag:$0x7], $0x80, s6, s6, $0xb8;
	[tilespmem:$0x1C700] =	vst v63  }
0xd3: {  	_ =	swait.ge [sflag:s1], $0x4000  }
0xd4: {  	[sflag:s1] =	ssyncset.done $0x0  }
0xd5: {  	[sflag:s1] =	ssyncadd.s32 $0xFFFFC000  }
0xd6: {  	_ =	swait.ge [sflag:s29], $0x100  }
0xd7: {  	[sflag:s29] =	ssyncset.done $0x0  }
0xd8: {  	[sflag:s29] =	ssyncadd.s32 $0xFFFFFF00  }
0xd9: {  	[tilespmem:s0], [sflag:$0x1] =	stream.indirect.gather [hbm4b:s10+s6], $0x80, s4, s6, $0xb8;
	[tilespmem:$0x1C700] =	vst v63  }
0xda: {  	_ =	swait.ge [sflag:s30], $0x4000  }
0xdb: {  	[sflag:s30] =	ssyncset.done $0x0  }
0xdc: {  	[sflag:s30] =	ssyncadd.s32 $0xFFFFC000  }
0xdd: {  	[spmem:s7] =	stream.indirect.scatter.add.f32 [tilespmem:s26], [sflag:$0x7], $0x80, s31, s6, $0xb8;
	[tilespmem:$0x1C700] =	vst v63  }
0xde: {  	_ =	swait.ge [sflag:s1], $0x4000  }
0xdf: {  	[sflag:s1] =	ssyncset.done $0x0  }
0xe0: {  	[sflag:s1] =	ssyncadd.s32 $0xFFFFC000  }
0xe1: {  	_ =	swait.ge [sflag:s9], $0x100  }
0xe2: {  	[sflag:s9] =	ssyncset.done $0x0  }
0xe3: {  	[sflag:s9] =	ssyncadd.s32 $0xFFFFFF00  }
0xe4: {  	[tilespmem:s26], [sflag:$0x2] =	stream.indirect.gather [hbm4b:s10+s6], $0x80, s5, s6, $0xb8;
	[tilespmem:$0x1C700] =	vst v63  }
0xe5: {  	_ =	swait.ge [sflag:s28], $0x4000  }
0xe6: {  	[sflag:s28] =	ssyncset.done $0x0  }
0xe7: {  	[sflag:s28] =	ssyncadd.s32 $0xFFFFC000  }
0xe8: {  	[spmem:s7] =	stream.indirect.scatter.add.f32 [tilespmem:s0], [sflag:$0x7], $0x80, s12, s6, $0xb8;
	[tilespmem:$0x1C700] =	vst v63  }
0xe9: {  	_ =	swait.ge [sflag:s1], $0x4000  }
0xea: {  	[sflag:s1] =	ssyncset.done $0x0  }
0xeb: {  	[sflag:s1] =	ssyncadd.s32 $0xFFFFC000  }
0xec: {  	_ =	swait.ge [sflag:s30], $0x4000  }
0xed: {  	[sflag:s30] =	ssyncset.done $0x0  }
0xee: {  	[sflag:s30] =	ssyncadd.s32 $0xFFFFC000  }
0xef: {  	[spmem:s7] =	stream.indirect.scatter.add.f32 [tilespmem:s26], [sflag:$0x7], $0x80, s13, s6, $0xb8;
	[tilespmem:$0x1C700] =	vst v63  }
0xf0: {  	s16 =	stileid.u32;
	_ =	swait.ge [sflag:s1], $0x4000  }
0xf1: {  	s17 =	sshrl.u32 s11, $0x3;
	s14 =	sadd.s32 $0x1, s14;
	[sflag:s1] =	ssyncset.done $0x0  }
0xf2: {  	s16 =	sshll.u32 s16, $0x6;
	p0 =	sne.s32 s14, s21;
	[sflag:s1] =	ssyncadd.s32 $0xFFFFC000  }
.Ltmp2:
0xf3: {  	s16 =	sor.u32 $0x1C07, s16;
	[bflag:$0x0] =	sbarrier.arrive $0xFFFF;
	(pc) =	sbr.rel @p0 .LBB2_1-.Ltmp2, $4  }
0xf4: {  	[hbm:s24], [sflag:s16] =	dma.local [spmem:s17], $0x2800  }
0xf5: {  	_ =	swait.ge [sflag:s1], $0x2800  }
0xf6: {  	[sflag:s1] =	ssyncset.done $0x0  }
0xf7: {  	[sflag:s1] =	ssyncadd.s32 $0xFFFFD800  }
0xf8: {  	_ =	sfence.sel $0x180000  }
0xf9: {  	[bflag:$0x0] =	sbarrier.arrive $0xFFFF  }
0xfa: {  	_ =	strace $0x9000004A  }
0xfb: {  	s0 =	stileid.u32;
	[bflag:$0x2] =	sbarrier.arrive $0xFFFF  }
0xfc: {  	p0 =	sne.s32 s0, $0x0;
	s0 =	rddreg [dreg:$0x9]  }
0xfd: {  	s0 =	sadd.s32 @!p0 $0x100000, s0  }
0xfe: {  	[sflag:s0] =	ssyncadd.tile.s32 @!p0 $0x1;
	_ =	shalt  }
.Lfunc_end2:
_tile_overlayer_lowered:
.L_overlay_start_2:
0xff: {  	(tag) =	ssettag $0x2  }
0x100: {  	s0 =	rddreg [dreg:$0x0];
	s2 =	stileid.u32  }
0x101: {  	s1 =	rddreg [dreg:$0x1];
	p0 =	sne.s32 s2, $0x0  }
0x102: {  	s3 =	rddreg [dreg:$0x2];
	[bflag:$0x3] =	sbarrier.arrive $0xFFFF;
	s2 =	simm.s32 @!p0 $0x1C07  }
0x103: {  	[timem:s3], [sflag:s2] =	dma.local @!p0 [hbm:s0], s1  }
0x104: {  	s0 =	simm.s32 @!p0 $0x7  }
0x105: {  	_ =	swait.ge @!p0 [sflag:s0], s1  }
0x106: {  	s1 =	ssub.s32 @!p0 $0x0, s1;
	[sflag:s0] =	ssyncset.done @!p0 $0x0  }
0x107: {  	[sflag:s0] =	ssyncadd.s32 @!p0 s1  }
0x108: {  	[bflag:$0x3] =	sbarrier.arrive $0xFFFF  }
0x109: {  	_ =	shalt  }

// kernel: kernel.7.cloned.1.call-start
scs
__scs_entry_jumppad:
0x0: {  	(pc) =	sbr.rel $0x88, $3  }
0x1: {  	(tag) =	ssettag $0x0;
	lr =	simm.s32 $0x1  }
0x2: {  	[smem:$0x3F98] =	sst lr;
	_ =	strace $0xD0000000  }
0x3: {  	_ = 	snop  }
0x4: {  	_ = 	snop  }
0x5: {  	_ = 	snop  }
0x6: {  	_ = 	snop  }
0x7: {  	_ = 	snop  }
__scs_overlays_trampoline_lowered:
0x8: {  	[smem:$0x3FA7] =	sst s0  }
0x9: {  	[smem:$0x3FA8] =	sst s1  }
0xa: {  	[smem:$0x3FA9] =	sst s2  }
0xb: {  	[smem:$0x3FAA] =	sst s3  }
0xc: {  	[smem:$0x3FAB] =	sst s4  }
0xd: {  	[smem:$0x3FAC] =	sst s5  }
0xe: {  	[smem:$0x3FAD] =	sst s6  }
0xf: {  	[smem:$0x3FAE] =	sst s7  }
0x10: {  	[smem:$0x3FAF] =	sst s8  }
0x11: {  	[smem:$0x3FB0] =	sst s9;
	s0 =	simm.s32 @!p0 $0x0  }
0x12: {  	s1 =	sld [smem:$0x3F96];
	s0 =	simm.s32 @p0 $0x1  }
0x13: {  	[smem:$0x3FB1] =	sst s0;
	s0 =	simm.s32 @!p1 $0x0  }
0x14: {  	s2 =	sld [smem:$0x3F95];
	s0 =	simm.s32 @p1 $0x1  }
0x15: {  	[smem:$0x3FB2] =	sst s0;
	s0 =	simm.s32 @!p2 $0x0  }
0x16: {  	s3 =	sld [smem:$0x3FDB];
	s0 =	simm.s32 @p2 $0x1  }
0x17: {  	s4 =	simm.s32 $0x1BF5;
	[smem:$0x3FB4] =	sst s0  }
0x18: {  	s0 =	sld [smem:$0x3F97];
	_ =	swait.ge [sflag:s4], $0x0  }
0x19: {  	s7 =	sld [smem:$0x3F98]  }
0x1a: {  	s8 =	sadd.s32 $0xFFFFE003, lr  }
0x1b: {  	s9 =	sadd.s32 $0xFFFFFEF7, lr;
	s5 =	simm.s32 $0xFFFFFFFF;
	p2 =	slt.u32 s8, $0xFFFFF086  }
0x1c: {  	p1 =	slt.u32 s9, $0xF7A;
	s5 =	simm.s32 @!p2 $0x0  }
0x1d: {  	s5 =	simm.s32 @p1 $0x1;
	p0 =	seq.s32 s7, s2  }
0x1e: {  	s7 =	smul.u32 @!p0 $0xF7A, s2;
	p2 =	seq.s32 @!p0 s5, $0x0  }
0x1f: {  	s9 =	smul.u32 $0xF7A, s1;
	s8 =	simm.s32 @!p0 $0x1BF5;
	p2 =	por !p2, p0  }
0x20: {  	[sflag:s8] =	ssyncset.s32 @!p0 $0xFFFFF086;
	s6 =	sadd.s32 @!p0 s3, s7;
	s7 =	simm.s32 @!p0 $0x108  }
0x21: {  	s3 =	sadd.s32 s3, s9;
	s6 =	sadd.s32 @!p0 $0x88, s6;
	s7 =	simm.s32 @p2 $0x1082  }
0x22: {  	[simem:s7], [sflag:s8] =	dma.local @!p0 [hbm:s6], $0xF7A  }
0x23: {  	s9 =	sor.u32 $0xD0000000, s2;
	s6 =	simm.s32 $0x108;
	_ =	swait.ge @!p0 [sflag:s8], $0x0  }
0x24: {  	s3 =	sadd.s32 $0x88, s3;
	s6 =	simm.s32 @!p1 $0x1082;
	[sflag:s4] =	ssyncset.s32 $0xFFFFF086  }
0x25: {  	[simem:s6], [sflag:s4] =	dma.local [hbm:s3], $0xF7A  }
0x26: {  	[smem:$0x3F98] =	sst s1;
	(tag) =	ssettag s2;
	_ =	strace s9  }
0x27: {  	s1 =	sld [smem:$0x3FA8]  }
0x28: {  	s2 =	sld [smem:$0x3FA9]  }
0x29: {  	s4 =	sld [smem:$0x3FAB]  }
0x2a: {  	p0 =	seq.s32 s5, $0x0;
	s5 =	sld [smem:$0x3FAC]  }
0x2b: {  	s6 =	sld [smem:$0x3FAD]  }
0x2c: {  	s7 =	sld [smem:$0x3FAE]  }
0x2d: {  	s3 =	simm.s32 $0x108;
	s8 =	sld [smem:$0x3FAF]  }
0x2e: {  	s3 =	simm.s32 @!p0 $0x1082;
	s9 =	sld [smem:$0x3FB0]  }
0x2f: {  	lr =	sadd.s32 s0, s3;
	s0 =	sld [smem:$0x3FA7]  }
0x30: {  	s3 =	sld [smem:$0x3FAA]  }
0x31: {  	[smem:$0x3FB3] =	sst s10  }
0x32: {  	s10 =	sld [smem:$0x3FB1];
	_ =	sdelay $0x3  }
0x33: {  	p0 =	seq.s32 s10, $0x1;
	s10 =	sld [smem:$0x3FB3];
	_ =	sdelay $0x3  }
0x34: {  	[smem:$0x3FB3] =	sst s10  }
0x35: {  	s10 =	sld [smem:$0x3FB2];
	_ =	sdelay $0x3  }
0x36: {  	p1 =	seq.s32 s10, $0x1;
	s10 =	sld [smem:$0x3FB3];
	_ =	sdelay $0x3  }
0x37: {  	[smem:$0x3FB3] =	sst s10  }
0x38: {  	s10 =	sld [smem:$0x3FB4]  }
0x39: {  	_ = 	snop;
	(pc) =	sbr.ind lr, $3  }
0x3a: {  	_ = 	snop  }
0x3b: {  	_ = 	snop  }
0x3c: {  	p2 =	seq.s32 s10, $0x1;
	s10 =	sld [smem:$0x3FB3]  }
0x3d: {  	_ =	shalt  }
0x3e: {  	_ =	shalt  }
0x3f: {  	_ =	shalt  }
0x40: {  	_ =	shalt  }
0x41: {  	_ =	shalt  }
0x42: {  	_ =	shalt  }
0x43: {  	_ =	shalt  }
0x44: {  	_ =	shalt  }
0x45: {  	_ =	shalt  }
0x46: {  	_ =	shalt  }
0x47: {  	_ =	shalt  }
0x48: {  	_ =	shalt  }
0x49: {  	_ =	shalt  }
0x4a: {  	_ =	shalt  }
0x4b: {  	_ =	shalt  }
0x4c: {  	_ =	shalt  }
0x4d: {  	_ =	shalt  }
0x4e: {  	_ =	shalt  }
0x4f: {  	_ =	shalt  }
0x50: {  	_ =	shalt  }
0x51: {  	_ =	shalt  }
0x52: {  	_ =	shalt  }
0x53: {  	_ =	shalt  }
0x54: {  	_ =	shalt  }
0x55: {  	_ =	shalt  }
0x56: {  	_ =	shalt  }
0x57: {  	_ =	shalt  }
0x58: {  	_ =	shalt  }
0x59: {  	_ =	shalt  }
0x5a: {  	_ =	shalt  }
0x5b: {  	_ =	shalt  }
0x5c: {  	_ =	shalt  }
0x5d: {  	_ =	shalt  }
0x5e: {  	_ =	shalt  }
0x5f: {  	_ =	shalt  }
0x60: {  	_ =	shalt  }
0x61: {  	_ =	shalt  }
0x62: {  	_ =	shalt  }
0x63: {  	_ =	shalt  }
0x64: {  	_ =	shalt  }
0x65: {  	_ =	shalt  }
0x66: {  	_ =	shalt  }
0x67: {  	_ =	shalt  }
0x68: {  	_ =	shalt  }
0x69: {  	_ =	shalt  }
0x6a: {  	_ =	shalt  }
0x6b: {  	_ =	shalt  }
0x6c: {  	_ =	shalt  }
0x6d: {  	_ =	shalt  }
0x6e: {  	_ =	shalt  }
0x6f: {  	_ =	shalt  }
0x70: {  	_ =	shalt  }
0x71: {  	_ =	shalt  }
0x72: {  	_ =	shalt  }
0x73: {  	_ =	shalt  }
0x74: {  	_ =	shalt  }
0x75: {  	_ =	shalt  }
0x76: {  	_ =	shalt  }
0x77: {  	_ =	shalt  }
0x78: {  	_ =	shalt  }
0x79: {  	_ =	shalt  }
0x7a: {  	_ =	shalt  }
0x7b: {  	_ =	shalt  }
0x7c: {  	_ =	shalt  }
0x7d: {  	_ =	shalt  }
0x7e: {  	_ =	shalt  }
0x7f: {  	_ =	shalt  }
0x80: {  	_ =	shalt  }
0x81: {  	_ =	shalt  }
0x82: {  	_ =	shalt  }
0x83: {  	_ =	shalt  }
0x84: {  	_ =	shalt  }
0x85: {  	_ =	shalt  }
0x86: {  	_ =	shalt  }
0x87: {  	_ =	shalt  }
.Lfunc_end0:
.L_simem_size_0:
called_computation_lowered:
.L_overlay_start_0:
0x88: {  	s2 =	sld [smem:$0x3FD9]  }
0x89: {  	s3 =	sld [smem:$0x3FFE];
	_ =	sdelay $0x1  }
0x8a: {  	s1 =	srdreg.scid  }
0x8b: {  	s0 =	sand.u32 $0x1, s1  }
0x8c: {  	s17 =	sshll.u32 s0, $0xA;
	s2 =	sadd.s32 s3, s2  }
0x8d: {  	s2 =	sadd.s32 s2, s17  }
0x8e: {  	[smem:$0x3FBF] =	sst s2  }
0x8f: {  	_ = 	snop  }
0x90: {  	s2 =	sld [smem:$0x3FD0];
	(tm) =	ssettm $0x1  }
0x91: {  	s18 =	sld [smem:$0x3FFB];
	_ =	sdelay $0x3  }
0x92: {  	_ =	strace s18  }
0x93: {  	s3 =	sld [smem:$0x3FFC];
	_ =	sdelay $0x3  }
0x94: {  	_ =	strace s3  }
0x95: {  	s3 =	sld [smem:$0x3FFD];
	_ =	sdelay $0x3  }
0x96: {  	_ =	strace s3  }
0x97: {  	_ =	strace $0x8FFFFFFF  }
0x98: {  	s19 =	sld [smem:$0x3FDB];
	_ =	sdelay $0x1  }
0x99: {  	s4 =	simm.s32 $_scs_section_size  }
0x9a: {  	s5 =	simm.s32 $_size__tile_overlayer_lowered;
	s6 =	simm.s32 $_tile_overlayer_lowered  }
0x9b: {  	s22 =	simm.s32 $0x1BFF;
	s21 =	sshll.u32 s6, $0x1;
	s3 =	sadd.s32 s4, s19  }
0x9c: {  	s7 =	simm.s32 $0x0;
	s20 =	sshll.u32 s5, $0x1;
	s5 =	sadd.s32 s21, s3  }
0x9d: {  	[timem:s7], [sflag:s22] =	dma.local [hbm:s5], s20  }
0x9e: {  	_ =	swait.ge [sflag:s22], s20  }
0x9f: {  	s4 =	ssub.s32 $0x0, s20;
	[sflag:s22] =	ssyncset.done $0x0  }
0xa0: {  	[sflag:s22] =	ssyncadd.s32 s4;
	_ =	sdelay $0x1  }
0xa1: {  	s23 =	simm.s32 $0x1B8B  }
0xa2: {  	_ =	swait.ge [sflag:s23], $0x1  }
0xa3: {  	[sflag:s23] =	ssyncset.done $0x0  }
0xa4: {  	s25 =	simm.s32 $0x1B8E;
	s24 =	sld [smem:$0x3FFE];
	[sflag:s23] =	ssyncadd.s32 $0xFFFFFFFF  }
0xa5: {  	s26 =	simm.s32 $execute0_lowered;
	[smem:$0x3FD2] =	sst s25  }
0xa6: {  	s5 =	sshll.u32 s26, $0x1;
	_ =	strace $0x80000046;
	[dreg:$0x1] =	wrdreg $0xFFFFFFFF  }
0xa7: {  	s28 =	simm.s32 $_size_execute0_lowered;
	s3 =	sadd.s32 s3, s5;
	[dreg:$0x0] =	wrdreg $0x0  }
0xa8: {  	s5 =	sshll.u32 s28, $0x1;
	[dreg:$0x2] =	wrdreg s3  }
0xa9: {  	[dreg:$0x3] =	wrdreg s5  }
0xaa: {  	[dreg:$0x4] =	wrdreg $0xC0  }
0xab: {  	_ =	task [dreg:s7], $0x5FFFF  }
0xac: {  	[dreg:$0x1] =	wrdreg $0xFFFFFFFF  }
0xad: {  	[dreg:$0x0] =	wrdreg $0x60  }
0xae: {  	[dreg:$0x2] =	wrdreg s2  }
0xaf: {  	[dreg:$0x3] =	wrdreg s24  }
0xb0: {  	[dreg:$0x4] =	wrdreg $0xC0000  }
0xb1: {  	[dreg:$0x5] =	wrdreg $0x9  }
0xb2: {  	_ =	task.clear_ibuf [dreg:s7], $0x6FFFF;
	_ =	strace $0x90000046  }
0xb3: {  	s29 =	simm.s32 $0x9;
	_ =	strace $0x80000048  }
0xb4: {  	_ =	swait.ge [sflag:s29], $0x1  }
0xb5: {  	[sflag:s29] =	ssyncadd.s32 $0xFFFFFFFF  }
0xb6: {  	_ =	strace $0x90000048  }
0xb7: {  	_ =	sfence  }
0xb8: {  	s30 =	sld [smem:$0x0];
	_ =	sdelay $0x2  }
0xb9: {  	s31 =	sshll.u32 s1, $0xD;
	s1 =	sshrl.u32 s1, $0x2  }
0xba: {  	s3 =	sand.u32 $0x4000, s31;
	s1 =	sadd.s32 s1, s30  }
0xbb: {  	s0 =	sor.u32 s3, s0;
	s1 =	sshll.u32 s1, $0x11  }
0xbc: {  	s0 =	sor.u32 s1, s0  }
0xbd: {  	s0 =	sadd.s32 $0x8F2B, s0  }
0xbe: {  	[sflag:s0] =	ssyncadd.remote.s32 $0x1  }
0xbf: {  	_ =	sfence.sel $0xFFFF  }
0xc0: {  	[dreg:$0x0] =	wrdreg $0xFFFFFFFF;
	(pc) =	sbr.abs _section_cstart, $3  }
0xc1: {  	[dreg:$0x1] =	wrdreg $0xFFFFFFFF  }
0xc2: {  	_ =	task.clear_ibuf [dreg:s7], $0x2FFFF;
	_ =	strace $0x9FFFFFFF  }
0xc3: {  	(tm) =	ssettm $0x7FFFFFFF  }
tec
execute0_lowered:
.L_overlay_start_1:
0x0: {  	(tag) =	ssettag $0x1  }
0x1: {  	v0 =	vimm.s32 $0xFFEDCBA9  }
0x2: {  	v1 =	vimm.s32 $0x87654321;
	v2 =	vimm.s32 $0xEDCBA987;
	v3 =	vimm.s32 $0x65432100  }
0x3: {  	v0 =	vunpack.c.l.s4.s8 v0;
	v1 =	vunpack.c.l.s4.s8 v1;
	v2 =	vunpack.c.l.s4.s8 v2  }
0x4: {  	vm0 =	vcmask $0x3F3C;
	v3 =	vunpack.c.l.s4.s8 v3  }
0x5: {  	v0 =	vunpack.c.0.s8.s32 v0;
	v1 =	vunpack.c.0.s8.s32 v1;
	v2 =	vunpack.c.0.s8.s32 v2  }
0x6: {  	vm1 =	vcmask $0x300;
	v4 =	vimm.f32 $1.600000000e+01;
	v3 =	vunpack.c.0.s8.s32 v3  }
0x7: {  	s3 =	rddreg [dreg:$0x0];
	v4 =	vsel vm1, $0x3F800000, v4;
	v1 =	vcombine.low v1, v0;
	v2 =	vand.u32 $0xF, v2  }
0x8: {  	s4 =	rddreg [dreg:$0x1];
	v0 =	vimm.f32 $0.0e+00;
	v2 =	vcombine.low v3, v2;
	v3 =	vimm.f32 $-1.500000000e+01  }
0x9: {  	s7 =	rddreg [dreg:$0x2];
	v1 =	vand.u32 $0xF, v1;
	v3 =	vsel vm1, $0x0, v3;
	vm1 =	vcmask $0x704  }
0xa: {  	s0 =	srdreg.scid;
	s1 =	rddreg [dreg:$0x3];
	v3 =	vsel vm1, $0xBF800000, v3;
	v4 =	vsel vm1, $0x40000000, v4;
	vm1 =	vcmask $0xB08  }
0xb: {  	s2 =	simm.s32 $0x0;
	s11 =	simm.s32 $0x400;
	s12 =	simm.s32 $0x2;
	v3 =	vsel vm1, $0xC0000000, v3;
	v4 =	vsel vm1, $0x40400000, v4;
	vm1 =	vcmask $0xF0C  }
0xc: {  	s13 =	simm.s32 $0x1400;
	s14 =	simm.s32 $0x14000;
	s5 =	sand.u32 $0x1, s0;
	v3 =	vsel vm1, $0xC0400000, v3;
	v4 =	vsel vm1, $0x40800000, v4;
	vm1 =	vcmask $0x1310  }
0xd: {  	s15 =	simm.s32 $0x7800;
	s0 =	stileid.u32;
	s6 =	smul.u32 $0x140000, s5;
	v3 =	vsel vm1, $0xC0800000, v3;
	v4 =	vsel vm1, $0x40A00000, v4;
	vm1 =	vcmask $0x1714  }
0xe: {  	s16 =	simm.s32 $0xA000;
	[smem:$0x7FF] =	sst s2;
	s8 =	smul.u32 $0x14000, s0;
	v3 =	vsel vm1, $0xC0A00000, v3;
	v4 =	vsel vm1, $0x40C00000, v4;
	vm1 =	vcmask $0x1B18  }
0xf: {  	s17 =	simm.s32 $0x0;
	_ =	strace $0x80000047;
	s28 =	ssub.s32 $0x2, s5;
	v3 =	vsel vm1, $0xC0C00000, v3;
	v4 =	vsel vm1, $0x40E00000, v4;
	vm1 =	vcmask $0x1F1C  }
0x10: {  	s29 =	sshrl.u32 s0, $0x3;
	s5 =	sshll.u32 s5, $0x4;
	s6 =	sadd.s32 s8, s6;
	v3 =	vsel vm1, $0xC0E00000, v3;
	v4 =	vsel vm1, $0x41000000, v4;
	vm1 =	vcmask $0x2320  }
0x11: {  	s31 =	smul.u32 $0x5000, s0;
	s10 =	sshll.u32 s0, $0x7;
	s6 =	sshrl.u32 s6, $0x3;
	v3 =	vsel vm1, $0xC1000000, v3;
	v4 =	vsel vm1, $0x41100000, v4;
	vm1 =	vcmask $0x2724  }
0x12: {  	s9 =	sshrl.u32 s28, $0x1;
	s26 =	sadd.s32 s6, s4;
	s6 =	smul.u32 $0x50000, s29;
	v3 =	vsel vm1, $0xC1100000, v3;
	v4 =	vsel vm1, $0x41200000, v4;
	vm1 =	vcmask $0x2B28  }
0x13: {  	s30 =	sor.u32 s0, s5;
	s10 =	sand.u32 $0x380, s10;
	s9 =	ssub.s32 s28, s9;
	v3 =	vsel vm1, $0xC1200000, v3;
	v4 =	vsel vm1, $0x41300000, v4;
	vm1 =	vcmask $0x2F2C  }
0x14: {  	s5 =	sshrl.u32 s31, $0x2;
	s4 =	smul.u32 $0xA00, s30;
	s6 =	sshrl.u32 s6, $0x2;
	v3 =	vsel vm1, $0xC1300000, v3;
	v4 =	vsel vm1, $0x41400000, v4;
	vm1 =	vcmask $0x3330  }
0x15: {  	s8 =	simm.s32 $0x1;
	s5 =	sadd.s32 s5, s7;
	s6 =	sadd.s32 s6, s7;
	v3 =	vsel vm1, $0xC1400000, v3;
	v4 =	vsel vm1, $0x41500000, v4;
	vm1 =	vcmask $0x3734  }
0x16: {  	s3 =	sadd.s32 s3, s4;
	s7 =	sadd.s32 $0x1400, s26;
	s4 =	sadd.s32 s10, s6;
	v3 =	vsel vm1, $0xC1500000, v3;
	v4 =	vsel vm1, $0x41600000, v4;
	vm1 =	vcmask $0x3B38  }
0x17: {  	s6 =	smax.u32 s9, $0x1;
	s9 =	simm.s32 $0x5000;
	s10 =	simm.s32 $0x80;
	v3 =	vsel vm1, $0xC1600000, v3;
	v4 =	vsel vm1, $0x41700000, v4;
	vm1 =	vmmov $0x1  }
.LBB2_1:
0x18: {  	[tilespmem:s2], [sflag:$0x1] =	stream.linear.gather [hbm4b:s3+s2], $0x5000, $0x38;
	[tilespmem:$0xE800] =	vst v63  }
0x19: {  	s18 =	simm.s32 $0x40;
	s19 =	simm.s32 $0x0  }
.LBB2_2:
0x1a: {  	p0 =	sne.s32 s18, $0x9FC0;
	[tilespmem:s19+$0x5000] =	vst v0;
	s19 =	smov.u32 s18;
	s18 =	sadd.s32 $0x40, s18  }
.Ltmp0:
0x1b: {  	(pc) =	sbr.rel @p0 .LBB2_2-.Ltmp0, $2  }
0x1c: {  	_ =	sdelay $0x2  }
0x1d: {  	s19 =	sshra.s32 s19, $0x2  }
0x1e: {  	[tilespmem:s19+$0x5000] =	vst v0  }
0x1f: {  	_ =	swait.ge [sflag:s8], $0x5000  }
0x20: {  	[sflag:s8] =	ssyncset.done $0x0  }
0x21: {  	s18 =	simm.s32 $0x0;
	[sflag:s8] =	ssyncadd.s32 $0xFFFFB000  }
.LBB2_4:
0x22: {  	s19 =	sshra.s32 s18, $0x2  }
0x23: {  	v5 =	vld [tilespmem:s19+$0x0];
	_ =	sdelay $0x4  }
0x24: {  	(xrf1) =	vsort.ascd.msk.u32 $0xffff, v5, v5;
	_ =	sdelay $0xd  }
0x25: {  	v5, _, _ =	vpop (xrf1)  }
0x26: {  	v6 =	vperm.xlane v5, v2  }
0x27: {  	v7 =	vperm.xlane v5, v1  }
0x28: {  	vm2 =	vne.s32 v5, v6  }
0x29: {  	vm3 =	vne.s32 v5, v7;
	vm2 =	vmor vm2, vm1  }
0x2a: {  	vm3 =	vmor vm3, vm0;
	_ =	sdelay $0x4  }
0x2b: {  	[tilespmem:v5+s9+$0x0] =	vst.idx.add.f32.msk vm2, v3  }
0x2c: {  	[tilespmem:v5+s9+$0x0] =	vst.idx.add.f32.msk vm3, v4  }
0x2d: {  	v5 =	vld [tilespmem:s19+$0x10];
	_ =	sdelay $0x4  }
0x2e: {  	(xrf1) =	vsort.ascd.msk.u32 $0xffff, v5, v5;
	_ =	sdelay $0xd  }
0x2f: {  	v5, _, _ =	vpop (xrf1)  }
0x30: {  	v6 =	vperm.xlane v5, v2  }
0x31: {  	v7 =	vperm.xlane v5, v1  }
0x32: {  	vm2 =	vne.s32 v5, v6  }
0x33: {  	vm3 =	vne.s32 v5, v7;
	vm2 =	vmor vm2, vm1  }
0x34: {  	vm3 =	vmor vm3, vm0;
	_ =	sdelay $0x4  }
0x35: {  	[tilespmem:v5+s9+$0x0] =	vst.idx.add.f32.msk vm2, v3  }
0x36: {  	[tilespmem:v5+s9+$0x0] =	vst.idx.add.f32.msk vm3, v4  }
0x37: {  	v5 =	vld [tilespmem:s19+$0x20];
	_ =	sdelay $0x4  }
0x38: {  	(xrf1) =	vsort.ascd.msk.u32 $0xffff, v5, v5;
	_ =	sdelay $0xd  }
0x39: {  	v5, _, _ =	vpop (xrf1)  }
0x3a: {  	v6 =	vperm.xlane v5, v2  }
0x3b: {  	v7 =	vperm.xlane v5, v1  }
0x3c: {  	vm2 =	vne.s32 v5, v6  }
0x3d: {  	vm3 =	vne.s32 v5, v7;
	vm2 =	vmor vm2, vm1  }
0x3e: {  	vm3 =	vmor vm3, vm0;
	_ =	sdelay $0x4  }
0x3f: {  	[tilespmem:v5+s9+$0x0] =	vst.idx.add.f32.msk vm2, v3  }
0x40: {  	[tilespmem:v5+s9+$0x0] =	vst.idx.add.f32.msk vm3, v4  }
0x41: {  	v5 =	vld [tilespmem:s19+$0x30];
	_ =	sdelay $0x4  }
0x42: {  	(xrf1) =	vsort.ascd.msk.u32 $0xffff, v5, v5;
	_ =	sdelay $0xd  }
0x43: {  	v5, _, _ =	vpop (xrf1)  }
0x44: {  	v6 =	vperm.xlane v5, v2  }
0x45: {  	v7 =	vperm.xlane v5, v1  }
0x46: {  	vm2 =	vne.s32 v5, v6  }
0x47: {  	vm3 =	vne.s32 v5, v7;
	vm2 =	vmor vm2, vm1  }
0x48: {  	vm3 =	vmor vm3, vm0;
	_ =	sdelay $0x4  }
0x49: {  	[tilespmem:v5+s9+$0x0] =	vst.idx.add.f32.msk vm2, v3  }
0x4a: {  	[tilespmem:v5+s9+$0x0] =	vst.idx.add.f32.msk vm3, v4  }
0x4b: {  	v5 =	vld [tilespmem:s19+$0x40];
	_ =	sdelay $0x4  }
0x4c: {  	(xrf1) =	vsort.ascd.msk.u32 $0xffff, v5, v5;
	_ =	sdelay $0xd  }
0x4d: {  	v5, _, _ =	vpop (xrf1)  }
0x4e: {  	v6 =	vperm.xlane v5, v2  }
0x4f: {  	v7 =	vperm.xlane v5, v1  }
0x50: {  	vm2 =	vne.s32 v5, v6  }
0x51: {  	vm3 =	vne.s32 v5, v7;
	vm2 =	vmor vm2, vm1  }
0x52: {  	vm3 =	vmor vm3, vm0;
	_ =	sdelay $0x4  }
0x53: {  	[tilespmem:v5+s9+$0x0] =	vst.idx.add.f32.msk vm2, v3  }
0x54: {  	[tilespmem:v5+s9+$0x0] =	vst.idx.add.f32.msk vm3, v4  }
0x55: {  	v5 =	vld [tilespmem:s19+$0x50];
	_ =	sdelay $0x4  }
0x56: {  	(xrf1) =	vsort.ascd.msk.u32 $0xffff, v5, v5;
	_ =	sdelay $0xd  }
0x57: {  	v5, _, _ =	vpop (xrf1)  }
0x58: {  	v6 =	vperm.xlane v5, v2  }
0x59: {  	v7 =	vperm.xlane v5, v1  }
0x5a: {  	vm2 =	vne.s32 v5, v6  }
0x5b: {  	vm3 =	vne.s32 v5, v7;
	vm2 =	vmor vm2, vm1  }
0x5c: {  	vm3 =	vmor vm3, vm0;
	_ =	sdelay $0x4  }
0x5d: {  	[tilespmem:v5+s9+$0x0] =	vst.idx.add.f32.msk vm2, v3  }
0x5e: {  	[tilespmem:v5+s9+$0x0] =	vst.idx.add.f32.msk vm3, v4  }
0x5f: {  	v5 =	vld [tilespmem:s19+$0x60];
	_ =	sdelay $0x4  }
0x60: {  	(xrf1) =	vsort.ascd.msk.u32 $0xffff, v5, v5;
	_ =	sdelay $0xd  }
0x61: {  	v5, _, _ =	vpop (xrf1)  }
0x62: {  	v6 =	vperm.xlane v5, v2  }
0x63: {  	v7 =	vperm.xlane v5, v1  }
0x64: {  	vm2 =	vne.s32 v5, v6  }
0x65: {  	vm3 =	vne.s32 v5, v7;
	vm2 =	vmor vm2, vm1  }
0x66: {  	vm3 =	vmor vm3, vm0;
	_ =	sdelay $0x4  }
0x67: {  	[tilespmem:v5+s9+$0x0] =	vst.idx.add.f32.msk vm2, v3  }
0x68: {  	[tilespmem:v5+s9+$0x0] =	vst.idx.add.f32.msk vm3, v4  }
0x69: {  	v5 =	vld [tilespmem:s19+$0x70];
	_ =	sdelay $0x4  }
0x6a: {  	(xrf1) =	vsort.ascd.msk.u32 $0xffff, v5, v5;
	_ =	sdelay $0xd  }
0x6b: {  	v5, _, _ =	vpop (xrf1)  }
0x6c: {  	v6 =	vperm.xlane v5, v2  }
0x6d: {  	v7 =	vperm.xlane v5, v1  }
0x6e: {  	vm2 =	vne.s32 v5, v6  }
0x6f: {  	vm3 =	vne.s32 v5, v7;
	vm2 =	vmor vm2, vm1  }
0x70: {  	vm3 =	vmor vm3, vm0  }
0x71: {  	p0 =	sne.s32 s18, $0x13C00  }
.Ltmp1:
0x72: {  	_ = 	snop;
	(pc) =	sbr.rel @p0 .LBB2_4-.Ltmp1, $3  }
0x73: {  	_ =	sdelay $0x1  }
0x74: {  	[tilespmem:v5+s9+$0x0] =	vst.idx.add.f32.msk vm2, v3  }
0x75: {  	s18 =	sadd.s32 $0x400, s18;
	[tilespmem:v5+s9+$0x0] =	vst.idx.add.f32.msk vm3, v4  }
0x76: {  	s19 =	simm.s32 $0x5000  }
0x77: {  	[spmem:s4] =	stream.strided.scatter [tilespmem:s19], [sflag:$0x2], $0x2800, s11, s10, $0x38;
	[tilespmem:$0xE800] =	vst v63  }
0x78: {  	_ =	swait.ge [sflag:s12], $0x2800  }
0x79: {  	[sflag:s12] =	ssyncset.done $0x0  }
0x7a: {  	[sflag:s12] =	ssyncadd.s32 $0xFFFFD800  }
0x7b: {  	[bflag:$0x0] =	sbarrier.arrive $0xFFFF  }
0x7c: {  	[tilespmem:s15], [sflag:$0x2] =	stream.strided.gather [spmem:s5], $0x2800, s14, s13, $0x38;
	[tilespmem:$0xE800] =	vst v63  }
0x7d: {  	s18 =	simm.s32 $0x0;
	_ =	swait.ge [sflag:s12], $0x2800  }
0x7e: {  	s20 =	sand.u32 $0x70, s18;
	s21 =	sand.u32 $0x1C00, s18;
	[sflag:s12] =	ssyncset.done $0x0  }
0x7f: {  	s20 =	sor.u32 s20, s21;
	[sflag:s12] =	ssyncadd.s32 $0xFFFFD800  }
0x80: {  	v5 =	vld [tilespmem:s20+$0x7880]  }
0x81: {  	v6 =	vld [tilespmem:s20+$0x7800];
	_ =	sdelay $0x1  }
0x82: {  	v7 =	vld [tilespmem:s20+$0x7900];
	_ =	sdelay $0x1  }
0x83: {  	v8 =	vld [tilespmem:s20+$0x7980]  }
0x84: {  	v5 =	vadd.f32 v5, v6  }
0x85: {  	v6 =	vld [tilespmem:s20+$0x7A00]  }
0x86: {  	v5 =	vadd.f32 v7, v5  }
0x87: {  	v7 =	vld [tilespmem:s20+$0x7A80]  }
0x88: {  	v5 =	vadd.f32 v8, v5  }
0x89: {  	v60 =	vld [tilespmem:s20+$0x7B00]  }
0x8a: {  	v5 =	vadd.f32 v6, v5  }
0x8b: {  	v6 =	vld [tilespmem:s20+$0x7B80]  }
0x8c: {  	v5 =	vadd.f32 v7, v5  }
0x8d: {  	v7 =	vld [tilespmem:s20+$0x8C00]  }
0x8e: {  	v5 =	vadd.f32 v60, v5  }
0x8f: {  	v61 =	vld [tilespmem:s20+$0x8C80]  }
0x90: {  	v5 =	vadd.f32 v6, v5  }
0x91: {  	v6 =	vld [tilespmem:s20+$0x8D00]  }
0x92: {  	v5 =	vadd.f32 v7, v5  }
0x93: {  	v7 =	vld [tilespmem:s20+$0x8D80]  }
0x94: {  	v5 =	vadd.f32 v61, v5  }
0x95: {  	v62 =	vld [tilespmem:s20+$0x8E00]  }
0x96: {  	v5 =	vadd.f32 v6, v5  }
0x97: {  	v6 =	vld [tilespmem:s20+$0x8E80]  }
0x98: {  	v5 =	vadd.f32 v7, v5  }
0x99: {  	v7 =	vld [tilespmem:s20+$0x8F00]  }
0x9a: {  	v5 =	vadd.f32 v62, v5  }
0x9b: {  	v63 =	vld [tilespmem:s20+$0x8F80]  }
0x9c: {  	v5 =	vadd.f32 v6, v5;
	_ =	sdelay $0x1  }
0x9d: {  	v5 =	vadd.f32 v7, v5;
	_ =	sdelay $0x1  }
0x9e: {  	s31 =	simm.s32 $0x10;
	s21 =	simm.s32 $0x80;
	v5 =	vadd.f32 v63, v5  }
0x9f: {  	s22 =	sand.u32 $0x1C00, s21;
	s20 =	sand.u32 $0x70, s31  }
0xa0: {  	s20 =	sor.u32 s20, s22;
	s22 =	simm.s32 $0x20;
	[tilespmem:s19+$0x0] =	vst v5  }
.LBB2_6:
0xa1: {  	p0 =	sne.s32 s22, $0x270;
	v5 =	vld [tilespmem:s20+$0x7880]  }
0xa2: {  	v6 =	vld [tilespmem:s20+$0x7800];
	_ =	sdelay $0x1  }
0xa3: {  	v7 =	vld [tilespmem:s20+$0x7900];
	_ =	sdelay $0x1  }
0xa4: {  	v8 =	vld [tilespmem:s20+$0x7980]  }
0xa5: {  	v5 =	vadd.f32 v5, v6  }
0xa6: {  	v6 =	vld [tilespmem:s20+$0x7A00]  }
0xa7: {  	v5 =	vadd.f32 v7, v5  }
0xa8: {  	v7 =	vld [tilespmem:s20+$0x7A80]  }
0xa9: {  	v5 =	vadd.f32 v8, v5  }
0xaa: {  	v8 =	vld [tilespmem:s20+$0x7B00]  }
0xab: {  	v5 =	vadd.f32 v6, v5  }
0xac: {  	v6 =	vld [tilespmem:s20+$0x7B80]  }
0xad: {  	v5 =	vadd.f32 v7, v5  }
0xae: {  	v7 =	vld [tilespmem:s20+$0x8C00]  }
0xaf: {  	v5 =	vadd.f32 v8, v5  }
0xb0: {  	v8 =	vld [tilespmem:s20+$0x8C80]  }
0xb1: {  	v5 =	vadd.f32 v6, v5  }
0xb2: {  	v6 =	vld [tilespmem:s20+$0x8D00]  }
0xb3: {  	v5 =	vadd.f32 v7, v5  }
0xb4: {  	v7 =	vld [tilespmem:s20+$0x8D80]  }
0xb5: {  	v5 =	vadd.f32 v8, v5  }
0xb6: {  	v8 =	vld [tilespmem:s20+$0x8E00]  }
0xb7: {  	v5 =	vadd.f32 v6, v5  }
0xb8: {  	v6 =	vld [tilespmem:s20+$0x8E80]  }
0xb9: {  	v5 =	vadd.f32 v7, v5  }
0xba: {  	v7 =	vld [tilespmem:s20+$0x8F00]  }
0xbb: {  	v5 =	vadd.f32 v8, v5  }
0xbc: {  	v8 =	vld [tilespmem:s20+$0x8F80]  }
0xbd: {  	v5 =	vadd.f32 v6, v5;
	_ =	sdelay $0x1  }
.Ltmp2:
0xbe: {  	v5 =	vadd.f32 v7, v5;
	(pc) =	sbr.rel @p0 .LBB2_6-.Ltmp2, $4  }
0xbf: {  	_ = 	snop  }
0xc0: {  	s21 =	sadd.s32 $0x80, s21;
	v5 =	vadd.f32 v8, v5  }
0xc1: {  	s19 =	sadd.s32 $0x10, s19;
	s23 =	sand.u32 $0x1C00, s21;
	s20 =	sand.u32 $0x70, s22  }
0xc2: {  	s22 =	sadd.s32 $0x10, s22;
	s20 =	sor.u32 s20, s23;
	[tilespmem:s19+$0x0] =	vst v5  }
0xc3: {  	v5 =	vld [tilespmem:s20+$0x7880]  }
0xc4: {  	v6 =	vld [tilespmem:s20+$0x7800];
	_ =	sdelay $0x1  }
0xc5: {  	v7 =	vld [tilespmem:s20+$0x7900];
	_ =	sdelay $0x1  }
0xc6: {  	v8 =	vld [tilespmem:s20+$0x7980]  }
0xc7: {  	v5 =	vadd.f32 v5, v6  }
0xc8: {  	v6 =	vld [tilespmem:s20+$0x7A00]  }
0xc9: {  	v5 =	vadd.f32 v7, v5  }
0xca: {  	v7 =	vld [tilespmem:s20+$0x7A80]  }
0xcb: {  	v5 =	vadd.f32 v8, v5  }
0xcc: {  	v60 =	vld [tilespmem:s20+$0x7B00]  }
0xcd: {  	v5 =	vadd.f32 v6, v5  }
0xce: {  	v6 =	vld [tilespmem:s20+$0x7B80]  }
0xcf: {  	v5 =	vadd.f32 v7, v5  }
0xd0: {  	v7 =	vld [tilespmem:s20+$0x8C00]  }
0xd1: {  	v5 =	vadd.f32 v60, v5  }
0xd2: {  	v61 =	vld [tilespmem:s20+$0x8C80]  }
0xd3: {  	v5 =	vadd.f32 v6, v5  }
0xd4: {  	v6 =	vld [tilespmem:s20+$0x8D00]  }
0xd5: {  	v5 =	vadd.f32 v7, v5  }
0xd6: {  	v7 =	vld [tilespmem:s20+$0x8D80]  }
0xd7: {  	v5 =	vadd.f32 v61, v5  }
0xd8: {  	v62 =	vld [tilespmem:s20+$0x8E00]  }
0xd9: {  	v5 =	vadd.f32 v6, v5  }
0xda: {  	v6 =	vld [tilespmem:s20+$0x8E80]  }
0xdb: {  	v5 =	vadd.f32 v7, v5  }
0xdc: {  	v7 =	vld [tilespmem:s20+$0x8F00]  }
0xdd: {  	v5 =	vadd.f32 v62, v5  }
0xde: {  	v63 =	vld [tilespmem:s20+$0x8F80]  }
0xdf: {  	v5 =	vadd.f32 v6, v5;
	_ =	sdelay $0x1  }
0xe0: {  	v5 =	vadd.f32 v7, v5;
	_ =	sdelay $0x1  }
0xe1: {  	v5 =	vadd.f32 v63, v5  }
0xe2: {  	s19 =	sadd.s32 $0x10, s19  }
0xe3: {  	[tilespmem:s19+$0x0] =	vst v5;
	s19 =	simm.s32 $0x5020  }
.LBB2_8:
0xe4: {  	v5 =	vld [tilespmem:s19+$0xFFFFFFE0];
	_ =	sdelay $0x4  }
0xe5: {  	v5 =	vadd.f32 $0.0e+00, v5;
	_ =	sdelay $0x1  }
0xe6: {  	v6 =	vbroadcast v5, $0x0;
	_ =	sdelay $0x1  }
0xe7: {  	[tilespmem:$0xA000] =	vst v6  }
0xe8: {  	[tilespmem:$0xA010] =	vst v6  }
0xe9: {  	[tilespmem:$0xA020] =	vst v6  }
0xea: {  	[tilespmem:$0xA030] =	vst v6  }
0xeb: {  	[tilespmem:$0xA040] =	vst v6  }
0xec: {  	[tilespmem:$0xA050] =	vst v6  }
0xed: {  	v7 =	vbroadcast v5, $0x1;
	[tilespmem:$0xA060] =	vst v6  }
0xee: {  	[tilespmem:$0xA070] =	vst v6  }
0xef: {  	[tilespmem:$0xA080] =	vst v7  }
0xf0: {  	[tilespmem:$0xA090] =	vst v7  }
0xf1: {  	[tilespmem:$0xA0A0] =	vst v7  }
0xf2: {  	[tilespmem:$0xA0B0] =	vst v7  }
0xf3: {  	[tilespmem:$0xA0C0] =	vst v7  }
0xf4: {  	[tilespmem:$0xA0D0] =	vst v7  }
0xf5: {  	[tilespmem:$0xA0E0] =	vst v7;
	v6 =	vbroadcast v5, $0x2  }
0xf6: {  	[tilespmem:$0xA0F0] =	vst v7  }
0xf7: {  	[tilespmem:$0xA100] =	vst v6  }
0xf8: {  	[tilespmem:$0xA110] =	vst v6  }
0xf9: {  	[tilespmem:$0xA120] =	vst v6  }
0xfa: {  	[tilespmem:$0xA130] =	vst v6  }
0xfb: {  	[tilespmem:$0xA140] =	vst v6  }
0xfc: {  	[tilespmem:$0xA150] =	vst v6  }
0xfd: {  	v7 =	vbroadcast v5, $0x3;
	[tilespmem:$0xA160] =	vst v6  }
0xfe: {  	[tilespmem:$0xA170] =	vst v6  }
0xff: {  	[tilespmem:$0xA180] =	vst v7  }
0x100: {  	[tilespmem:$0xA190] =	vst v7  }
0x101: {  	[tilespmem:$0xA1A0] =	vst v7  }
0x102: {  	[tilespmem:$0xA1B0] =	vst v7  }
0x103: {  	[tilespmem:$0xA1C0] =	vst v7  }
0x104: {  	[tilespmem:$0xA1D0] =	vst v7  }
0x105: {  	[tilespmem:$0xA1E0] =	vst v7;
	v6 =	vbroadcast v5, $0x4  }
0x106: {  	[tilespmem:$0xA1F0] =	vst v7  }
0x107: {  	[tilespmem:$0xA200] =	vst v6  }
0x108: {  	[tilespmem:$0xA210] =	vst v6  }
0x109: {  	[tilespmem:$0xA220] =	vst v6  }
0x10a: {  	[tilespmem:$0xA230] =	vst v6  }
0x10b: {  	[tilespmem:$0xA240] =	vst v6  }
0x10c: {  	[tilespmem:$0xA250] =	vst v6  }
0x10d: {  	v7 =	vbroadcast v5, $0x5;
	[tilespmem:$0xA260] =	vst v6  }
0x10e: {  	[tilespmem:$0xA270] =	vst v6  }
0x10f: {  	[tilespmem:$0xA280] =	vst v7  }
0x110: {  	[tilespmem:$0xA290] =	vst v7  }
0x111: {  	[tilespmem:$0xA2A0] =	vst v7  }
0x112: {  	[tilespmem:$0xA2B0] =	vst v7  }
0x113: {  	[tilespmem:$0xA2C0] =	vst v7  }
0x114: {  	[tilespmem:$0xA2D0] =	vst v7  }
0x115: {  	[tilespmem:$0xA2E0] =	vst v7;
	v6 =	vbroadcast v5, $0x6  }
0x116: {  	[tilespmem:$0xA2F0] =	vst v7  }
0x117: {  	[tilespmem:$0xA300] =	vst v6  }
0x118: {  	[tilespmem:$0xA310] =	vst v6  }
0x119: {  	[tilespmem:$0xA320] =	vst v6  }
0x11a: {  	[tilespmem:$0xA330] =	vst v6  }
0x11b: {  	[tilespmem:$0xA340] =	vst v6  }
0x11c: {  	[tilespmem:$0xA350] =	vst v6  }
0x11d: {  	v7 =	vbroadcast v5, $0x7;
	[tilespmem:$0xA360] =	vst v6  }
0x11e: {  	[tilespmem:$0xA370] =	vst v6  }
0x11f: {  	[tilespmem:$0xA380] =	vst v7  }
0x120: {  	[tilespmem:$0xA390] =	vst v7  }
0x121: {  	[tilespmem:$0xA3A0] =	vst v7  }
0x122: {  	[tilespmem:$0xA3B0] =	vst v7  }
0x123: {  	[tilespmem:$0xA3C0] =	vst v7  }
0x124: {  	[tilespmem:$0xA3D0] =	vst v7  }
0x125: {  	[tilespmem:$0xA3E0] =	vst v7;
	v6 =	vbroadcast v5, $0x8  }
0x126: {  	[tilespmem:$0xA3F0] =	vst v7  }
0x127: {  	[tilespmem:$0xA400] =	vst v6  }
0x128: {  	[tilespmem:$0xA410] =	vst v6  }
0x129: {  	[tilespmem:$0xA420] =	vst v6  }
0x12a: {  	[tilespmem:$0xA430] =	vst v6  }
0x12b: {  	[tilespmem:$0xA440] =	vst v6  }
0x12c: {  	[tilespmem:$0xA450] =	vst v6  }
0x12d: {  	v7 =	vbroadcast v5, $0x9;
	[tilespmem:$0xA460] =	vst v6  }
0x12e: {  	[tilespmem:$0xA470] =	vst v6  }
0x12f: {  	[tilespmem:$0xA480] =	vst v7  }
0x130: {  	[tilespmem:$0xA490] =	vst v7  }
0x131: {  	[tilespmem:$0xA4A0] =	vst v7  }
0x132: {  	[tilespmem:$0xA4B0] =	vst v7  }
0x133: {  	[tilespmem:$0xA4C0] =	vst v7  }
0x134: {  	[tilespmem:$0xA4D0] =	vst v7  }
0x135: {  	[tilespmem:$0xA4E0] =	vst v7;
	v6 =	vbroadcast v5, $0xA  }
0x136: {  	[tilespmem:$0xA4F0] =	vst v7  }
0x137: {  	[tilespmem:$0xA500] =	vst v6  }
0x138: {  	[tilespmem:$0xA510] =	vst v6  }
0x139: {  	[tilespmem:$0xA520] =	vst v6  }
0x13a: {  	[tilespmem:$0xA530] =	vst v6  }
0x13b: {  	[tilespmem:$0xA540] =	vst v6  }
0x13c: {  	[tilespmem:$0xA550] =	vst v6  }
0x13d: {  	v7 =	vbroadcast v5, $0xB;
	[tilespmem:$0xA560] =	vst v6  }
0x13e: {  	[tilespmem:$0xA570] =	vst v6  }
0x13f: {  	[tilespmem:$0xA580] =	vst v7  }
0x140: {  	[tilespmem:$0xA590] =	vst v7  }
0x141: {  	[tilespmem:$0xA5A0] =	vst v7  }
0x142: {  	[tilespmem:$0xA5B0] =	vst v7  }
0x143: {  	[tilespmem:$0xA5C0] =	vst v7  }
0x144: {  	[tilespmem:$0xA5D0] =	vst v7  }
0x145: {  	[tilespmem:$0xA5E0] =	vst v7;
	v6 =	vbroadcast v5, $0xC  }
0x146: {  	[tilespmem:$0xA5F0] =	vst v7  }
0x147: {  	[tilespmem:$0xA600] =	vst v6  }
0x148: {  	[tilespmem:$0xA610] =	vst v6  }
0x149: {  	[tilespmem:$0xA620] =	vst v6  }
0x14a: {  	[tilespmem:$0xA630] =	vst v6  }
0x14b: {  	[tilespmem:$0xA640] =	vst v6  }
0x14c: {  	[tilespmem:$0xA650] =	vst v6  }
0x14d: {  	v7 =	vbroadcast v5, $0xD;
	[tilespmem:$0xA660] =	vst v6  }
0x14e: {  	[tilespmem:$0xA670] =	vst v6  }
0x14f: {  	[tilespmem:$0xA680] =	vst v7  }
0x150: {  	[tilespmem:$0xA690] =	vst v7  }
0x151: {  	[tilespmem:$0xA6A0] =	vst v7  }
0x152: {  	[tilespmem:$0xA6B0] =	vst v7  }
0x153: {  	[tilespmem:$0xA6C0] =	vst v7  }
0x154: {  	[tilespmem:$0xA6D0] =	vst v7  }
0x155: {  	[tilespmem:$0xA6E0] =	vst v7;
	v6 =	vbroadcast v5, $0xE  }
0x156: {  	[tilespmem:$0xA6F0] =	vst v7  }
0x157: {  	[tilespmem:$0xA700] =	vst v6  }
0x158: {  	[tilespmem:$0xA710] =	vst v6  }
0x159: {  	[tilespmem:$0xA720] =	vst v6  }
0x15a: {  	[tilespmem:$0xA730] =	vst v6  }
0x15b: {  	[tilespmem:$0xA740] =	vst v6  }
0x15c: {  	[tilespmem:$0xA750] =	vst v6  }
0x15d: {  	v5 =	vbroadcast v5, $0xF;
	[tilespmem:$0xA760] =	vst v6  }
0x15e: {  	[tilespmem:$0xA770] =	vst v6  }
0x15f: {  	[tilespmem:$0xA780] =	vst v5  }
0x160: {  	[tilespmem:$0xA790] =	vst v5  }
0x161: {  	[tilespmem:$0xA7A0] =	vst v5  }
0x162: {  	[tilespmem:$0xA7B0] =	vst v5  }
0x163: {  	[tilespmem:$0xA7C0] =	vst v5  }
0x164: {  	[tilespmem:$0xA7D0] =	vst v5  }
0x165: {  	[tilespmem:$0xA7E0] =	vst v5  }
0x166: {  	[tilespmem:$0xA7F0] =	vst v5  }
0x167: {  	v5 =	vld [tilespmem:s19+$0xFFFFFFF0];
	_ =	sdelay $0x4  }
0x168: {  	v5 =	vadd.f32 $0.0e+00, v5;
	_ =	sdelay $0x1  }
0x169: {  	v6 =	vbroadcast v5, $0x0;
	_ =	sdelay $0x1  }
0x16a: {  	[tilespmem:$0xA800] =	vst v6  }
0x16b: {  	[tilespmem:$0xA810] =	vst v6  }
0x16c: {  	[tilespmem:$0xA820] =	vst v6  }
0x16d: {  	[tilespmem:$0xA830] =	vst v6  }
0x16e: {  	[tilespmem:$0xA840] =	vst v6  }
0x16f: {  	[tilespmem:$0xA850] =	vst v6  }
0x170: {  	v7 =	vbroadcast v5, $0x1;
	[tilespmem:$0xA860] =	vst v6  }
0x171: {  	[tilespmem:$0xA870] =	vst v6  }
0x172: {  	[tilespmem:$0xA880] =	vst v7  }
0x173: {  	[tilespmem:$0xA890] =	vst v7  }
0x174: {  	[tilespmem:$0xA8A0] =	vst v7  }
0x175: {  	[tilespmem:$0xA8B0] =	vst v7  }
0x176: {  	[tilespmem:$0xA8C0] =	vst v7  }
0x177: {  	[tilespmem:$0xA8D0] =	vst v7  }
0x178: {  	[tilespmem:$0xA8E0] =	vst v7;
	v6 =	vbroadcast v5, $0x2  }
0x179: {  	[tilespmem:$0xA8F0] =	vst v7  }
0x17a: {  	[tilespmem:$0xA900] =	vst v6  }
0x17b: {  	[tilespmem:$0xA910] =	vst v6  }
0x17c: {  	[tilespmem:$0xA920] =	vst v6  }
0x17d: {  	[tilespmem:$0xA930] =	vst v6  }
0x17e: {  	[tilespmem:$0xA940] =	vst v6  }
0x17f: {  	[tilespmem:$0xA950] =	vst v6  }
0x180: {  	v7 =	vbroadcast v5, $0x3;
	[tilespmem:$0xA960] =	vst v6  }
0x181: {  	[tilespmem:$0xA970] =	vst v6  }
0x182: {  	[tilespmem:$0xA980] =	vst v7  }
0x183: {  	[tilespmem:$0xA990] =	vst v7  }
0x184: {  	[tilespmem:$0xA9A0] =	vst v7  }
0x185: {  	[tilespmem:$0xA9B0] =	vst v7  }
0x186: {  	[tilespmem:$0xA9C0] =	vst v7  }
0x187: {  	[tilespmem:$0xA9D0] =	vst v7  }
0x188: {  	[tilespmem:$0xA9E0] =	vst v7;
	v6 =	vbroadcast v5, $0x4  }
0x189: {  	[tilespmem:$0xA9F0] =	vst v7  }
0x18a: {  	[tilespmem:$0xAA00] =	vst v6  }
0x18b: {  	[tilespmem:$0xAA10] =	vst v6  }
0x18c: {  	[tilespmem:$0xAA20] =	vst v6  }
0x18d: {  	[tilespmem:$0xAA30] =	vst v6  }
0x18e: {  	[tilespmem:$0xAA40] =	vst v6  }
0x18f: {  	[tilespmem:$0xAA50] =	vst v6  }
0x190: {  	v7 =	vbroadcast v5, $0x5;
	[tilespmem:$0xAA60] =	vst v6  }
0x191: {  	[tilespmem:$0xAA70] =	vst v6  }
0x192: {  	[tilespmem:$0xAA80] =	vst v7  }
0x193: {  	[tilespmem:$0xAA90] =	vst v7  }
0x194: {  	[tilespmem:$0xAAA0] =	vst v7  }
0x195: {  	[tilespmem:$0xAAB0] =	vst v7  }
0x196: {  	[tilespmem:$0xAAC0] =	vst v7  }
0x197: {  	[tilespmem:$0xAAD0] =	vst v7  }
0x198: {  	[tilespmem:$0xAAE0] =	vst v7;
	v6 =	vbroadcast v5, $0x6  }
0x199: {  	[tilespmem:$0xAAF0] =	vst v7  }
0x19a: {  	[tilespmem:$0xAB00] =	vst v6  }
0x19b: {  	[tilespmem:$0xAB10] =	vst v6  }
0x19c: {  	[tilespmem:$0xAB20] =	vst v6  }
0x19d: {  	[tilespmem:$0xAB30] =	vst v6  }
0x19e: {  	[tilespmem:$0xAB40] =	vst v6  }
0x19f: {  	[tilespmem:$0xAB50] =	vst v6  }
0x1a0: {  	v7 =	vbroadcast v5, $0x7;
	[tilespmem:$0xAB60] =	vst v6  }
0x1a1: {  	[tilespmem:$0xAB70] =	vst v6  }
0x1a2: {  	[tilespmem:$0xAB80] =	vst v7  }
0x1a3: {  	[tilespmem:$0xAB90] =	vst v7  }
0x1a4: {  	[tilespmem:$0xABA0] =	vst v7  }
0x1a5: {  	[tilespmem:$0xABB0] =	vst v7  }
0x1a6: {  	[tilespmem:$0xABC0] =	vst v7  }
0x1a7: {  	[tilespmem:$0xABD0] =	vst v7  }
0x1a8: {  	[tilespmem:$0xABE0] =	vst v7;
	v6 =	vbroadcast v5, $0x8  }
0x1a9: {  	[tilespmem:$0xABF0] =	vst v7  }
0x1aa: {  	[tilespmem:$0xAC00] =	vst v6  }
0x1ab: {  	[tilespmem:$0xAC10] =	vst v6  }
0x1ac: {  	[tilespmem:$0xAC20] =	vst v6  }
0x1ad: {  	[tilespmem:$0xAC30] =	vst v6  }
0x1ae: {  	[tilespmem:$0xAC40] =	vst v6  }
0x1af: {  	[tilespmem:$0xAC50] =	vst v6  }
0x1b0: {  	v7 =	vbroadcast v5, $0x9;
	[tilespmem:$0xAC60] =	vst v6  }
0x1b1: {  	[tilespmem:$0xAC70] =	vst v6  }
0x1b2: {  	[tilespmem:$0xAC80] =	vst v7  }
0x1b3: {  	[tilespmem:$0xAC90] =	vst v7  }
0x1b4: {  	[tilespmem:$0xACA0] =	vst v7  }
0x1b5: {  	[tilespmem:$0xACB0] =	vst v7  }
0x1b6: {  	[tilespmem:$0xACC0] =	vst v7  }
0x1b7: {  	[tilespmem:$0xACD0] =	vst v7  }
0x1b8: {  	[tilespmem:$0xACE0] =	vst v7;
	v6 =	vbroadcast v5, $0xA  }
0x1b9: {  	[tilespmem:$0xACF0] =	vst v7  }
0x1ba: {  	[tilespmem:$0xAD00] =	vst v6  }
0x1bb: {  	[tilespmem:$0xAD10] =	vst v6  }
0x1bc: {  	[tilespmem:$0xAD20] =	vst v6  }
0x1bd: {  	[tilespmem:$0xAD30] =	vst v6  }
0x1be: {  	[tilespmem:$0xAD40] =	vst v6  }
0x1bf: {  	[tilespmem:$0xAD50] =	vst v6  }
0x1c0: {  	v7 =	vbroadcast v5, $0xB;
	[tilespmem:$0xAD60] =	vst v6  }
0x1c1: {  	[tilespmem:$0xAD70] =	vst v6  }
0x1c2: {  	[tilespmem:$0xAD80] =	vst v7  }
0x1c3: {  	[tilespmem:$0xAD90] =	vst v7  }
0x1c4: {  	[tilespmem:$0xADA0] =	vst v7  }
0x1c5: {  	[tilespmem:$0xADB0] =	vst v7  }
0x1c6: {  	[tilespmem:$0xADC0] =	vst v7  }
0x1c7: {  	[tilespmem:$0xADD0] =	vst v7  }
0x1c8: {  	[tilespmem:$0xADE0] =	vst v7;
	v6 =	vbroadcast v5, $0xC  }
0x1c9: {  	[tilespmem:$0xADF0] =	vst v7  }
0x1ca: {  	[tilespmem:$0xAE00] =	vst v6  }
0x1cb: {  	[tilespmem:$0xAE10] =	vst v6  }
0x1cc: {  	[tilespmem:$0xAE20] =	vst v6  }
0x1cd: {  	[tilespmem:$0xAE30] =	vst v6  }
0x1ce: {  	[tilespmem:$0xAE40] =	vst v6  }
0x1cf: {  	[tilespmem:$0xAE50] =	vst v6  }
0x1d0: {  	v7 =	vbroadcast v5, $0xD;
	[tilespmem:$0xAE60] =	vst v6  }
0x1d1: {  	[tilespmem:$0xAE70] =	vst v6  }
0x1d2: {  	[tilespmem:$0xAE80] =	vst v7  }
0x1d3: {  	[tilespmem:$0xAE90] =	vst v7  }
0x1d4: {  	[tilespmem:$0xAEA0] =	vst v7  }
0x1d5: {  	[tilespmem:$0xAEB0] =	vst v7  }
0x1d6: {  	[tilespmem:$0xAEC0] =	vst v7  }
0x1d7: {  	[tilespmem:$0xAED0] =	vst v7  }
0x1d8: {  	[tilespmem:$0xAEE0] =	vst v7;
	v6 =	vbroadcast v5, $0xE  }
0x1d9: {  	[tilespmem:$0xAEF0] =	vst v7  }
0x1da: {  	[tilespmem:$0xAF00] =	vst v6  }
0x1db: {  	[tilespmem:$0xAF10] =	vst v6  }
0x1dc: {  	[tilespmem:$0xAF20] =	vst v6  }
0x1dd: {  	[tilespmem:$0xAF30] =	vst v6  }
0x1de: {  	[tilespmem:$0xAF40] =	vst v6  }
0x1df: {  	[tilespmem:$0xAF50] =	vst v6  }
0x1e0: {  	v5 =	vbroadcast v5, $0xF;
	[tilespmem:$0xAF60] =	vst v6  }
0x1e1: {  	[tilespmem:$0xAF70] =	vst v6  }
0x1e2: {  	[tilespmem:$0xAF80] =	vst v5  }
0x1e3: {  	[tilespmem:$0xAF90] =	vst v5  }
0x1e4: {  	[tilespmem:$0xAFA0] =	vst v5  }
0x1e5: {  	[tilespmem:$0xAFB0] =	vst v5  }
0x1e6: {  	[tilespmem:$0xAFC0] =	vst v5  }
0x1e7: {  	[tilespmem:$0xAFD0] =	vst v5  }
0x1e8: {  	[tilespmem:$0xAFE0] =	vst v5  }
0x1e9: {  	[tilespmem:$0xAFF0] =	vst v5  }
0x1ea: {  	v5 =	vld [tilespmem:s19+$0x0];
	_ =	sdelay $0x4  }
0x1eb: {  	v5 =	vadd.f32 $0.0e+00, v5;
	_ =	sdelay $0x1  }
0x1ec: {  	v6 =	vbroadcast v5, $0x0;
	_ =	sdelay $0x1  }
0x1ed: {  	[tilespmem:$0xB000] =	vst v6  }
0x1ee: {  	[tilespmem:$0xB010] =	vst v6  }
0x1ef: {  	[tilespmem:$0xB020] =	vst v6  }
0x1f0: {  	[tilespmem:$0xB030] =	vst v6  }
0x1f1: {  	[tilespmem:$0xB040] =	vst v6  }
0x1f2: {  	[tilespmem:$0xB050] =	vst v6  }
0x1f3: {  	v7 =	vbroadcast v5, $0x1;
	[tilespmem:$0xB060] =	vst v6  }
0x1f4: {  	[tilespmem:$0xB070] =	vst v6  }
0x1f5: {  	[tilespmem:$0xB080] =	vst v7  }
0x1f6: {  	[tilespmem:$0xB090] =	vst v7  }
0x1f7: {  	[tilespmem:$0xB0A0] =	vst v7  }
0x1f8: {  	[tilespmem:$0xB0B0] =	vst v7  }
0x1f9: {  	[tilespmem:$0xB0C0] =	vst v7  }
0x1fa: {  	[tilespmem:$0xB0D0] =	vst v7  }
0x1fb: {  	[tilespmem:$0xB0E0] =	vst v7;
	v6 =	vbroadcast v5, $0x2  }
0x1fc: {  	[tilespmem:$0xB0F0] =	vst v7  }
0x1fd: {  	[tilespmem:$0xB100] =	vst v6  }
0x1fe: {  	[tilespmem:$0xB110] =	vst v6  }
0x1ff: {  	[tilespmem:$0xB120] =	vst v6  }
0x200: {  	[tilespmem:$0xB130] =	vst v6  }
0x201: {  	[tilespmem:$0xB140] =	vst v6  }
0x202: {  	[tilespmem:$0xB150] =	vst v6  }
0x203: {  	v7 =	vbroadcast v5, $0x3;
	[tilespmem:$0xB160] =	vst v6  }
0x204: {  	[tilespmem:$0xB170] =	vst v6  }
0x205: {  	[tilespmem:$0xB180] =	vst v7  }
0x206: {  	[tilespmem:$0xB190] =	vst v7  }
0x207: {  	[tilespmem:$0xB1A0] =	vst v7  }
0x208: {  	[tilespmem:$0xB1B0] =	vst v7  }
0x209: {  	[tilespmem:$0xB1C0] =	vst v7  }
0x20a: {  	[tilespmem:$0xB1D0] =	vst v7  }
0x20b: {  	[tilespmem:$0xB1E0] =	vst v7;
	v6 =	vbroadcast v5, $0x4  }
0x20c: {  	[tilespmem:$0xB1F0] =	vst v7  }
0x20d: {  	[tilespmem:$0xB200] =	vst v6  }
0x20e: {  	[tilespmem:$0xB210] =	vst v6  }
0x20f: {  	[tilespmem:$0xB220] =	vst v6  }
0x210: {  	[tilespmem:$0xB230] =	vst v6  }
0x211: {  	[tilespmem:$0xB240] =	vst v6  }
0x212: {  	[tilespmem:$0xB250] =	vst v6  }
0x213: {  	v7 =	vbroadcast v5, $0x5;
	[tilespmem:$0xB260] =	vst v6  }
0x214: {  	[tilespmem:$0xB270] =	vst v6  }
0x215: {  	[tilespmem:$0xB280] =	vst v7  }
0x216: {  	[tilespmem:$0xB290] =	vst v7  }
0x217: {  	[tilespmem:$0xB2A0] =	vst v7  }
0x218: {  	[tilespmem:$0xB2B0] =	vst v7  }
0x219: {  	[tilespmem:$0xB2C0] =	vst v7  }
0x21a: {  	[tilespmem:$0xB2D0] =	vst v7  }
0x21b: {  	[tilespmem:$0xB2E0] =	vst v7;
	v6 =	vbroadcast v5, $0x6  }
0x21c: {  	[tilespmem:$0xB2F0] =	vst v7  }
0x21d: {  	[tilespmem:$0xB300] =	vst v6  }
0x21e: {  	[tilespmem:$0xB310] =	vst v6  }
0x21f: {  	[tilespmem:$0xB320] =	vst v6  }
0x220: {  	[tilespmem:$0xB330] =	vst v6  }
0x221: {  	[tilespmem:$0xB340] =	vst v6  }
0x222: {  	[tilespmem:$0xB350] =	vst v6  }
0x223: {  	v7 =	vbroadcast v5, $0x7;
	[tilespmem:$0xB360] =	vst v6  }
0x224: {  	[tilespmem:$0xB370] =	vst v6  }
0x225: {  	[tilespmem:$0xB380] =	vst v7  }
0x226: {  	[tilespmem:$0xB390] =	vst v7  }
0x227: {  	[tilespmem:$0xB3A0] =	vst v7  }
0x228: {  	[tilespmem:$0xB3B0] =	vst v7  }
0x229: {  	[tilespmem:$0xB3C0] =	vst v7  }
0x22a: {  	[tilespmem:$0xB3D0] =	vst v7  }
0x22b: {  	[tilespmem:$0xB3E0] =	vst v7;
	v6 =	vbroadcast v5, $0x8  }
0x22c: {  	[tilespmem:$0xB3F0] =	vst v7  }
0x22d: {  	[tilespmem:$0xB400] =	vst v6  }
0x22e: {  	[tilespmem:$0xB410] =	vst v6  }
0x22f: {  	[tilespmem:$0xB420] =	vst v6  }
0x230: {  	[tilespmem:$0xB430] =	vst v6  }
0x231: {  	[tilespmem:$0xB440] =	vst v6  }
0x232: {  	[tilespmem:$0xB450] =	vst v6  }
0x233: {  	v7 =	vbroadcast v5, $0x9;
	[tilespmem:$0xB460] =	vst v6  }
0x234: {  	[tilespmem:$0xB470] =	vst v6  }
0x235: {  	[tilespmem:$0xB480] =	vst v7  }
0x236: {  	[tilespmem:$0xB490] =	vst v7  }
0x237: {  	[tilespmem:$0xB4A0] =	vst v7  }
0x238: {  	[tilespmem:$0xB4B0] =	vst v7  }
0x239: {  	[tilespmem:$0xB4C0] =	vst v7  }
0x23a: {  	[tilespmem:$0xB4D0] =	vst v7  }
0x23b: {  	[tilespmem:$0xB4E0] =	vst v7;
	v6 =	vbroadcast v5, $0xA  }
0x23c: {  	[tilespmem:$0xB4F0] =	vst v7  }
0x23d: {  	[tilespmem:$0xB500] =	vst v6  }
0x23e: {  	[tilespmem:$0xB510] =	vst v6  }
0x23f: {  	[tilespmem:$0xB520] =	vst v6  }
0x240: {  	[tilespmem:$0xB530] =	vst v6  }
0x241: {  	[tilespmem:$0xB540] =	vst v6  }
0x242: {  	[tilespmem:$0xB550] =	vst v6  }
0x243: {  	v7 =	vbroadcast v5, $0xB;
	[tilespmem:$0xB560] =	vst v6  }
0x244: {  	[tilespmem:$0xB570] =	vst v6  }
0x245: {  	[tilespmem:$0xB580] =	vst v7  }
0x246: {  	[tilespmem:$0xB590] =	vst v7  }
0x247: {  	[tilespmem:$0xB5A0] =	vst v7  }
0x248: {  	[tilespmem:$0xB5B0] =	vst v7  }
0x249: {  	[tilespmem:$0xB5C0] =	vst v7  }
0x24a: {  	[tilespmem:$0xB5D0] =	vst v7  }
0x24b: {  	[tilespmem:$0xB5E0] =	vst v7;
	v6 =	vbroadcast v5, $0xC  }
0x24c: {  	[tilespmem:$0xB5F0] =	vst v7  }
0x24d: {  	[tilespmem:$0xB600] =	vst v6  }
0x24e: {  	[tilespmem:$0xB610] =	vst v6  }
0x24f: {  	[tilespmem:$0xB620] =	vst v6  }
0x250: {  	[tilespmem:$0xB630] =	vst v6  }
0x251: {  	[tilespmem:$0xB640] =	vst v6  }
0x252: {  	[tilespmem:$0xB650] =	vst v6  }
0x253: {  	v7 =	vbroadcast v5, $0xD;
	[tilespmem:$0xB660] =	vst v6  }
0x254: {  	[tilespmem:$0xB670] =	vst v6  }
0x255: {  	[tilespmem:$0xB680] =	vst v7  }
0x256: {  	[tilespmem:$0xB690] =	vst v7  }
0x257: {  	[tilespmem:$0xB6A0] =	vst v7  }
0x258: {  	[tilespmem:$0xB6B0] =	vst v7  }
0x259: {  	[tilespmem:$0xB6C0] =	vst v7  }
0x25a: {  	[tilespmem:$0xB6D0] =	vst v7  }
0x25b: {  	[tilespmem:$0xB6E0] =	vst v7;
	v6 =	vbroadcast v5, $0xE  }
0x25c: {  	[tilespmem:$0xB6F0] =	vst v7  }
0x25d: {  	[tilespmem:$0xB700] =	vst v6  }
0x25e: {  	[tilespmem:$0xB710] =	vst v6  }
0x25f: {  	[tilespmem:$0xB720] =	vst v6  }
0x260: {  	[tilespmem:$0xB730] =	vst v6  }
0x261: {  	[tilespmem:$0xB740] =	vst v6  }
0x262: {  	[tilespmem:$0xB750] =	vst v6  }
0x263: {  	v5 =	vbroadcast v5, $0xF;
	[tilespmem:$0xB760] =	vst v6  }
0x264: {  	[tilespmem:$0xB770] =	vst v6  }
0x265: {  	[tilespmem:$0xB780] =	vst v5  }
0x266: {  	[tilespmem:$0xB790] =	vst v5  }
0x267: {  	[tilespmem:$0xB7A0] =	vst v5  }
0x268: {  	[tilespmem:$0xB7B0] =	vst v5  }
0x269: {  	[tilespmem:$0xB7C0] =	vst v5  }
0x26a: {  	[tilespmem:$0xB7D0] =	vst v5  }
0x26b: {  	[tilespmem:$0xB7E0] =	vst v5  }
0x26c: {  	[tilespmem:$0xB7F0] =	vst v5  }
0x26d: {  	v5 =	vld [tilespmem:s19+$0x10];
	_ =	sdelay $0x4  }
0x26e: {  	v5 =	vadd.f32 $0.0e+00, v5;
	_ =	sdelay $0x1  }
0x26f: {  	v6 =	vbroadcast v5, $0x0;
	_ =	sdelay $0x1  }
0x270: {  	[tilespmem:$0xB800] =	vst v6  }
0x271: {  	[tilespmem:$0xB810] =	vst v6  }
0x272: {  	[tilespmem:$0xB820] =	vst v6  }
0x273: {  	[tilespmem:$0xB830] =	vst v6  }
0x274: {  	[tilespmem:$0xB840] =	vst v6  }
0x275: {  	[tilespmem:$0xB850] =	vst v6  }
0x276: {  	v7 =	vbroadcast v5, $0x1;
	[tilespmem:$0xB860] =	vst v6  }
0x277: {  	[tilespmem:$0xB870] =	vst v6  }
0x278: {  	[tilespmem:$0xB880] =	vst v7  }
0x279: {  	[tilespmem:$0xB890] =	vst v7  }
0x27a: {  	[tilespmem:$0xB8A0] =	vst v7  }
0x27b: {  	[tilespmem:$0xB8B0] =	vst v7  }
0x27c: {  	[tilespmem:$0xB8C0] =	vst v7  }
0x27d: {  	[tilespmem:$0xB8D0] =	vst v7  }
0x27e: {  	[tilespmem:$0xB8E0] =	vst v7;
	v6 =	vbroadcast v5, $0x2  }
0x27f: {  	[tilespmem:$0xB8F0] =	vst v7  }
0x280: {  	[tilespmem:$0xB900] =	vst v6  }
0x281: {  	[tilespmem:$0xB910] =	vst v6  }
0x282: {  	[tilespmem:$0xB920] =	vst v6  }
0x283: {  	[tilespmem:$0xB930] =	vst v6  }
0x284: {  	[tilespmem:$0xB940] =	vst v6  }
0x285: {  	[tilespmem:$0xB950] =	vst v6  }
0x286: {  	v7 =	vbroadcast v5, $0x3;
	[tilespmem:$0xB960] =	vst v6  }
0x287: {  	[tilespmem:$0xB970] =	vst v6  }
0x288: {  	[tilespmem:$0xB980] =	vst v7  }
0x289: {  	[tilespmem:$0xB990] =	vst v7  }
0x28a: {  	[tilespmem:$0xB9A0] =	vst v7  }
0x28b: {  	[tilespmem:$0xB9B0] =	vst v7  }
0x28c: {  	[tilespmem:$0xB9C0] =	vst v7  }
0x28d: {  	[tilespmem:$0xB9D0] =	vst v7  }
0x28e: {  	[tilespmem:$0xB9E0] =	vst v7;
	v6 =	vbroadcast v5, $0x4  }
0x28f: {  	[tilespmem:$0xB9F0] =	vst v7  }
0x290: {  	[tilespmem:$0xBA00] =	vst v6  }
0x291: {  	[tilespmem:$0xBA10] =	vst v6  }
0x292: {  	[tilespmem:$0xBA20] =	vst v6  }
0x293: {  	[tilespmem:$0xBA30] =	vst v6  }
0x294: {  	[tilespmem:$0xBA40] =	vst v6  }
0x295: {  	[tilespmem:$0xBA50] =	vst v6  }
0x296: {  	v7 =	vbroadcast v5, $0x5;
	[tilespmem:$0xBA60] =	vst v6  }
0x297: {  	[tilespmem:$0xBA70] =	vst v6  }
0x298: {  	[tilespmem:$0xBA80] =	vst v7  }
0x299: {  	[tilespmem:$0xBA90] =	vst v7  }
0x29a: {  	[tilespmem:$0xBAA0] =	vst v7  }
0x29b: {  	[tilespmem:$0xBAB0] =	vst v7  }
0x29c: {  	[tilespmem:$0xBAC0] =	vst v7  }
0x29d: {  	[tilespmem:$0xBAD0] =	vst v7  }
0x29e: {  	[tilespmem:$0xBAE0] =	vst v7;
	v6 =	vbroadcast v5, $0x6  }
0x29f: {  	[tilespmem:$0xBAF0] =	vst v7  }
0x2a0: {  	[tilespmem:$0xBB00] =	vst v6  }
0x2a1: {  	[tilespmem:$0xBB10] =	vst v6  }
0x2a2: {  	[tilespmem:$0xBB20] =	vst v6  }
0x2a3: {  	[tilespmem:$0xBB30] =	vst v6  }
0x2a4: {  	[tilespmem:$0xBB40] =	vst v6  }
0x2a5: {  	[tilespmem:$0xBB50] =	vst v6  }
0x2a6: {  	v7 =	vbroadcast v5, $0x7;
	[tilespmem:$0xBB60] =	vst v6  }
0x2a7: {  	[tilespmem:$0xBB70] =	vst v6  }
0x2a8: {  	[tilespmem:$0xBB80] =	vst v7  }
0x2a9: {  	[tilespmem:$0xBB90] =	vst v7  }
0x2aa: {  	[tilespmem:$0xBBA0] =	vst v7  }
0x2ab: {  	[tilespmem:$0xBBB0] =	vst v7  }
0x2ac: {  	[tilespmem:$0xBBC0] =	vst v7  }
0x2ad: {  	[tilespmem:$0xBBD0] =	vst v7  }
0x2ae: {  	[tilespmem:$0xBBE0] =	vst v7;
	v6 =	vbroadcast v5, $0x8  }
0x2af: {  	[tilespmem:$0xBBF0] =	vst v7  }
0x2b0: {  	[tilespmem:$0xBC00] =	vst v6  }
0x2b1: {  	[tilespmem:$0xBC10] =	vst v6  }
0x2b2: {  	[tilespmem:$0xBC20] =	vst v6  }
0x2b3: {  	[tilespmem:$0xBC30] =	vst v6  }
0x2b4: {  	[tilespmem:$0xBC40] =	vst v6  }
0x2b5: {  	[tilespmem:$0xBC50] =	vst v6  }
0x2b6: {  	v7 =	vbroadcast v5, $0x9;
	[tilespmem:$0xBC60] =	vst v6  }
0x2b7: {  	[tilespmem:$0xBC70] =	vst v6  }
0x2b8: {  	[tilespmem:$0xBC80] =	vst v7  }
0x2b9: {  	[tilespmem:$0xBC90] =	vst v7  }
0x2ba: {  	[tilespmem:$0xBCA0] =	vst v7  }
0x2bb: {  	[tilespmem:$0xBCB0] =	vst v7  }
0x2bc: {  	[tilespmem:$0xBCC0] =	vst v7  }
0x2bd: {  	[tilespmem:$0xBCD0] =	vst v7  }
0x2be: {  	[tilespmem:$0xBCE0] =	vst v7;
	v6 =	vbroadcast v5, $0xA  }
0x2bf: {  	[tilespmem:$0xBCF0] =	vst v7  }
0x2c0: {  	[tilespmem:$0xBD00] =	vst v6  }
0x2c1: {  	[tilespmem:$0xBD10] =	vst v6  }
0x2c2: {  	[tilespmem:$0xBD20] =	vst v6  }
0x2c3: {  	[tilespmem:$0xBD30] =	vst v6  }
0x2c4: {  	[tilespmem:$0xBD40] =	vst v6  }
0x2c5: {  	[tilespmem:$0xBD50] =	vst v6  }
0x2c6: {  	v7 =	vbroadcast v5, $0xB;
	[tilespmem:$0xBD60] =	vst v6  }
0x2c7: {  	[tilespmem:$0xBD70] =	vst v6  }
0x2c8: {  	[tilespmem:$0xBD80] =	vst v7  }
0x2c9: {  	[tilespmem:$0xBD90] =	vst v7  }
0x2ca: {  	[tilespmem:$0xBDA0] =	vst v7  }
0x2cb: {  	[tilespmem:$0xBDB0] =	vst v7  }
0x2cc: {  	[tilespmem:$0xBDC0] =	vst v7  }
0x2cd: {  	[tilespmem:$0xBDD0] =	vst v7  }
0x2ce: {  	[tilespmem:$0xBDE0] =	vst v7;
	v6 =	vbroadcast v5, $0xC  }
0x2cf: {  	[tilespmem:$0xBDF0] =	vst v7  }
0x2d0: {  	[tilespmem:$0xBE00] =	vst v6  }
0x2d1: {  	[tilespmem:$0xBE10] =	vst v6  }
0x2d2: {  	[tilespmem:$0xBE20] =	vst v6  }
0x2d3: {  	[tilespmem:$0xBE30] =	vst v6  }
0x2d4: {  	[tilespmem:$0xBE40] =	vst v6  }
0x2d5: {  	[tilespmem:$0xBE50] =	vst v6  }
0x2d6: {  	v7 =	vbroadcast v5, $0xD;
	[tilespmem:$0xBE60] =	vst v6  }
0x2d7: {  	[tilespmem:$0xBE70] =	vst v6  }
0x2d8: {  	[tilespmem:$0xBE80] =	vst v7  }
0x2d9: {  	[tilespmem:$0xBE90] =	vst v7  }
0x2da: {  	[tilespmem:$0xBEA0] =	vst v7  }
0x2db: {  	[tilespmem:$0xBEB0] =	vst v7  }
0x2dc: {  	[tilespmem:$0xBEC0] =	vst v7  }
0x2dd: {  	[tilespmem:$0xBED0] =	vst v7  }
0x2de: {  	[tilespmem:$0xBEE0] =	vst v7;
	v6 =	vbroadcast v5, $0xE  }
0x2df: {  	[tilespmem:$0xBEF0] =	vst v7  }
0x2e0: {  	[tilespmem:$0xBF00] =	vst v6  }
0x2e1: {  	[tilespmem:$0xBF10] =	vst v6  }
0x2e2: {  	[tilespmem:$0xBF20] =	vst v6  }
0x2e3: {  	[tilespmem:$0xBF30] =	vst v6  }
0x2e4: {  	[tilespmem:$0xBF40] =	vst v6  }
0x2e5: {  	[tilespmem:$0xBF50] =	vst v6  }
0x2e6: {  	v5 =	vbroadcast v5, $0xF;
	[tilespmem:$0xBF60] =	vst v6  }
0x2e7: {  	[tilespmem:$0xBF70] =	vst v6  }
0x2e8: {  	[tilespmem:$0xBF80] =	vst v5  }
0x2e9: {  	[tilespmem:$0xBF90] =	vst v5  }
0x2ea: {  	[tilespmem:$0xBFA0] =	vst v5  }
0x2eb: {  	[tilespmem:$0xBFB0] =	vst v5  }
0x2ec: {  	[tilespmem:$0xBFC0] =	vst v5  }
0x2ed: {  	[tilespmem:$0xBFD0] =	vst v5  }
0x2ee: {  	p0 =	sne.s32 s18, $0x2400;
	[tilespmem:$0xBFE0] =	vst v5  }
.Ltmp3:
0x2ef: {  	s20 =	sadd.s32 s18, s7;
	[tilespmem:$0xBFF0] =	vst v5;
	(pc) =	sbr.rel @p0 .LBB2_8-.Ltmp3, $4  }
0x2f0: {  	[hbm4b:s20+s2] =	stream.linear.scatter [tilespmem:s16], [sflag:$0x2], $0x2000, $0x38;
	[tilespmem:$0xE800] =	vst v63  }
0x2f1: {  	_ =	swait.ge [sflag:s12], $0x2000  }
0x2f2: {  	[sflag:s12] =	ssyncset.done $0x0  }
0x2f3: {  	s18 =	sadd.s32 $0x400, s18;
	s19 =	sadd.s32 $0x40, s19;
	[sflag:s12] =	ssyncadd.s32 $0xFFFFE000  }
0x2f4: {  	s17 =	sadd.s32 $0x1, s17  }
0x2f5: {  	p0 =	sne.s32 s17, s6  }
.Ltmp4:
0x2f6: {  	_ = 	snop;
	(pc) =	sbr.rel @p0 .LBB2_1-.Ltmp4, $1  }
0x2f7: {  	_ =	sdelay $0x3  }
0x2f8: {  	_ =	sfence.sel $0x180000  }
0x2f9: {  	[bflag:$0x0] =	sbarrier.arrive $0xFFFF  }
0x2fa: {  	p0 =	sne.s32 s0, $0x0;
	_ =	strace $0x90000047  }
0x2fb: {  	s0 =	sadd.s32 @!p0 $0x100000, s1;
	[bflag:$0x2] =	sbarrier.arrive $0xFFFF  }
0x2fc: {  	[sflag:s0] =	ssyncadd.tile.s32 @!p0 $0x1;
	_ =	shalt  }
.Lfunc_end2:
_tile_overlayer_lowered:
.L_overlay_start_2:
0x2fd: {  	(tag) =	ssettag $0x2  }
0x2fe: {  	s0 =	rddreg [dreg:$0x0];
	s2 =	stileid.u32  }
0x2ff: {  	s1 =	rddreg [dreg:$0x1];
	p0 =	sne.s32 s2, $0x0  }
0x300: {  	s3 =	rddreg [dreg:$0x2];
	[bflag:$0x3] =	sbarrier.arrive $0xFFFF;
	s2 =	simm.s32 @!p0 $0x1C02  }
0x301: {  	[timem:s3], [sflag:s2] =	dma.local @!p0 [hbm:s0], s1  }
0x302: {  	s0 =	simm.s32 @!p0 $0x2  }
0x303: {  	_ =	swait.ge @!p0 [sflag:s0], s1  }
0x304: {  	s1 =	ssub.s32 @!p0 $0x0, s1;
	[sflag:s0] =	ssyncset.done @!p0 $0x0  }
0x305: {  	[sflag:s0] =	ssyncadd.s32 @!p0 s1  }
0x306: {  	[bflag:$0x3] =	sbarrier.arrive $0xFFFF  }
0x307: {  	_ =	shalt  }

</sc_bundles>
